<compile_context>
chip_gen: v7x
topology: tpu7x:2x2x1
jax: 0.10.2.dev20260603
libtpu: 0.0.44.dev20260713+nightly
codegen_flags: <defaults>
</compile_context>

<pallas_src>
import jax
import jax.numpy as jnp
from jax.experimental import pallas as pl
from jax.experimental.pallas import tpu as pltpu
from jax.experimental.pallas import tpu_sc as plsc

_T = 0.01
_B = 8
_H = 16
_S = 4096
_D = 128
_SUB = 32
_QH = 4

_B_TC = 7
_B_SC = _B - _B_TC
_RH = 4
_SC_CHUNK = 256
_LANES = 16


def _reduce_body(x_ref, out_ref):
    i = pl.program_id(0) + pl.program_id(1) * pl.num_programs(0)

    def body(j, carry):
        smin, smax, lmin, lmax = carry
        x = x_ref[0, j // (_S // _SUB), pl.ds((j % (_S // _SUB)) * _SUB, _SUB), :]
        mask = jnp.abs(x) > _T
        smin = jnp.minimum(smin, jnp.where(mask, jnp.inf, x))
        smax = jnp.maximum(smax, jnp.where(mask, -jnp.inf, x))
        lmin = jnp.minimum(lmin, jnp.where(mask, x, jnp.inf))
        lmax = jnp.maximum(lmax, jnp.where(mask, x, -jnp.inf))
        return smin, smax, lmin, lmax

    init = (
        jnp.full((_SUB, _D), jnp.inf, jnp.float32),
        jnp.full((_SUB, _D), -jnp.inf, jnp.float32),
        jnp.full((_SUB, _D), jnp.inf, jnp.float32),
        jnp.full((_SUB, _D), -jnp.inf, jnp.float32),
    )
    smin, smax, lmin, lmax = jax.lax.fori_loop(
        0, _RH * _S // _SUB, body, init, unroll=16
    )

    s_min = jnp.min(smin)
    s_max = jnp.max(smax)
    l_min = jnp.min(lmin)
    l_max = jnp.max(lmax)

    @pl.when(i == 0)
    def _init():
        out_ref[0] = s_min
        out_ref[1] = s_max
        out_ref[2] = l_min
        out_ref[3] = l_max

    @pl.when(i > 0)
    def _acc():
        out_ref[0] = jnp.minimum(out_ref[0], s_min)
        out_ref[1] = jnp.maximum(out_ref[1], s_max)
        out_ref[2] = jnp.minimum(out_ref[2], l_min)
        out_ref[3] = jnp.maximum(out_ref[3], l_max)


def _tc_reduce(kv_cache):
    grid = (_B_TC, _H // _RH)
    blk = pl.BlockSpec(
        (1, _RH, _S, _D), lambda b, h: (b, h, 0, 0)
    )
    return pl.pallas_call(
        _reduce_body,
        grid=grid,
        in_specs=[blk],
        out_specs=pl.BlockSpec(memory_space=pltpu.SMEM),
        out_shape=jax.ShapeDtypeStruct((4,), jnp.float32),
        compiler_params=pltpu.CompilerParams(
            dimension_semantics=("arbitrary", "arbitrary"),
        ),
    )(kv_cache)


def _sc_reduce(kv_cache):
    mesh = plsc.VectorSubcoreMesh(
        core_axis_name="c", subcore_axis_name="s"
    )
    n_subcores = 32
    out_type = jax.ShapeDtypeStruct((n_subcores, 4, _LANES), jnp.float32)

    @pl.kernel(
        out_type=out_type,
        mesh=mesh,
        scratch_types=[
            pltpu.VMEM((4, _LANES), jnp.float32),
            pltpu.SemaphoreType.DMA,
        ],
    )
    def sc_kernel(x_hbm, o_hbm, acc, sem):
        acc[pl.ds(0, 1), :] = jnp.full((1, _LANES), jnp.inf, jnp.float32)
        acc[pl.ds(1, 1), :] = jnp.full((1, _LANES), -jnp.inf, jnp.float32)
        acc[pl.ds(2, 1), :] = jnp.full((1, _LANES), jnp.inf, jnp.float32)
        acc[pl.ds(3, 1), :] = jnp.full((1, _LANES), -jnp.inf, jnp.float32)

        def body(x_vmem):
            x2 = x_vmem.at[0, 0]

            @pl.loop(0, _SC_CHUNK, step=4)
            def _(r):
                smin = acc[pl.ds(0, 1), :]
                smax = acc[pl.ds(1, 1), :]
                lmin = acc[pl.ds(2, 1), :]
                lmax = acc[pl.ds(3, 1), :]
                for rr in range(4):
                  for j in range(_D // _LANES):
                    x = x2[pl.ds(r + rr, 1), pl.ds(j * _LANES, _LANES)]
                    mask = jnp.abs(x) > _T
                    smin = jnp.minimum(
                        smin, jnp.where(mask, jnp.inf, x)
                    )
                    smax = jnp.maximum(
                        smax, jnp.where(mask, -jnp.inf, x)
                    )
                    lmin = jnp.minimum(
                        lmin, jnp.where(mask, x, jnp.inf)
                    )
                    lmax = jnp.maximum(
                        lmax, jnp.where(mask, x, -jnp.inf)
                    )
                acc[pl.ds(0, 1), :] = smin
                acc[pl.ds(1, 1), :] = smax
                acc[pl.ds(2, 1), :] = lmin
                acc[pl.ds(3, 1), :] = lmax

        pltpu.emit_pipeline(
            body,
            grid=(_B_SC, _H, _S // _SC_CHUNK),
            in_specs=[
                pl.BlockSpec(
                    (1, 1, _SC_CHUNK, _D),
                    index_map=lambda b, h, s: (_B_TC + b, h, s, 0),
                )
            ],
            out_specs=[],
            core_axis_name=("c", "s"),
            dimension_semantics=(
                pltpu.PARALLEL,
                pltpu.PARALLEL,
                pltpu.PARALLEL,
            ),
        )(x_hbm)

        row = jax.lax.axis_index("c") * 16 + jax.lax.axis_index("s")
        pltpu.async_copy(acc, o_hbm.at[row], sem).wait()

    return sc_kernel(kv_cache)



_NBUF = 8


def _quant_body_manual(s_ref, x_hbm, o_hbm, ibuf, obuf, isem, osem):
    s_min = s_ref[0]
    s_max = s_ref[1]
    l_min = s_ref[2]
    l_max = s_ref[3]
    s_rng = s_max - s_min
    l_rng = l_max - l_min
    inv_s = jnp.where(s_rng != 0, 15.0 / s_rng, 0.0)
    mul_s = jnp.where(s_rng != 0, s_rng / 15.0, 0.0)
    inv_l = jnp.where(l_rng != 0, 255.0 / l_rng, 0.0)
    mul_l = jnp.where(l_rng != 0, l_rng / 255.0, 0.0)

    n_chunks = _B * _H

    def in_copy(i):
        b = i // _H
        h = i % _H
        slot = jax.lax.rem(i, _NBUF)
        return pltpu.make_async_copy(
            x_hbm.at[b, h], ibuf.at[slot], isem.at[slot]
        )

    def out_copy(i):
        b = i // _H
        h = i % _H
        slot = jax.lax.rem(i, _NBUF)
        return pltpu.make_async_copy(
            obuf.at[slot], o_hbm.at[b, h], osem.at[slot]
        )

    for i in range(_NBUF):
        in_copy(i).start()

    def step(i, _):
        slot = jax.lax.rem(i, _NBUF)
        in_copy(i).wait()

        @pl.when(i >= _NBUF)
        def _():
            out_copy(i - _NBUF).wait()

        def body(j, _2):
            x = ibuf[slot, pl.ds(j * _SUB, _SUB), :]
            mask = jnp.abs(x) > _T
            m = jnp.where(mask, l_min, s_min)
            inv = jnp.where(mask, inv_l, inv_s)
            mul = jnp.where(mask, mul_l, mul_s)
            obuf[slot, pl.ds(j * _SUB, _SUB), :] = (
                jnp.round((x - m) * inv) * mul + m
            )
            return 0

        jax.lax.fori_loop(0, _S // _SUB, body, 0, unroll=8)
        out_copy(i).start()

        @pl.when(i + _NBUF < n_chunks)
        def _():
            in_copy(i + _NBUF).start()

        return 0

    jax.lax.fori_loop(0, n_chunks, step, 0)
    for i in range(_NBUF):
        out_copy(n_chunks - _NBUF + i).wait()


def _quant_body(s_ref, x_ref, o_ref):
    s_min = s_ref[0]
    s_max = s_ref[1]
    l_min = s_ref[2]
    l_max = s_ref[3]
    s_rng = s_max - s_min
    l_rng = l_max - l_min
    inv_s = jnp.where(s_rng != 0, 15.0 / s_rng, 0.0)
    mul_s = jnp.where(s_rng != 0, s_rng / 15.0, 0.0)
    inv_l = jnp.where(l_rng != 0, 255.0 / l_rng, 0.0)
    mul_l = jnp.where(l_rng != 0, l_rng / 255.0, 0.0)

    def body(j, _):
        h = j // (_S // _SUB)
        r = j % (_S // _SUB)
        x = x_ref[0, h, pl.ds(r * _SUB, _SUB), :]
        mask = jnp.abs(x) > _T
        m = jnp.where(mask, l_min, s_min)
        inv = jnp.where(mask, inv_l, inv_s)
        mul = jnp.where(mask, mul_l, mul_s)
        o_ref[0, h, pl.ds(r * _SUB, _SUB), :] = (
            jnp.round((x - m) * inv) * mul + m
        )
        return 0

    jax.lax.fori_loop(0, _QH * _S // _SUB, body, 0, unroll=8)


def kernel(kv_cache):
    tc_scalars = _tc_reduce(kv_cache)
    sc_partials = _sc_reduce(kv_cache)

    s_min = jnp.minimum(tc_scalars[0], jnp.min(sc_partials[:, 0, :]))
    s_max = jnp.maximum(tc_scalars[1], jnp.max(sc_partials[:, 1, :]))
    l_min = jnp.minimum(tc_scalars[2], jnp.min(sc_partials[:, 2, :]))
    l_max = jnp.maximum(tc_scalars[3], jnp.max(sc_partials[:, 3, :]))
    scalars = jnp.stack([s_min, s_max, l_min, l_max])

    out = pl.pallas_call(
        _quant_body_manual,
        in_specs=[
            pl.BlockSpec(memory_space=pltpu.SMEM),
            pl.BlockSpec(memory_space=pl.ANY),
        ],
        out_specs=pl.BlockSpec(memory_space=pl.ANY),
        out_shape=jax.ShapeDtypeStruct((_B, _H, _S, _D), jnp.float32),
        scratch_shapes=[
            pltpu.VMEM((_NBUF, _S, _D), jnp.float32),
            pltpu.VMEM((_NBUF, _S, _D), jnp.float32),
            pltpu.SemaphoreType.DMA((_NBUF,)),
            pltpu.SemaphoreType.DMA((_NBUF,)),
        ],
    )(scalars, kv_cache)

    return out

# --- scband reference (transcript-rebuilt; emitter-appended) ---
"""Pipeline reference for scband-adaptive-precision-kvcache-88562225643883 (READ-ONLY COPY).

The authoritative reference and input builder live on the scoring server;
editing this copy changes nothing except your own understanding.
"""

import jax, jax.numpy as jnp
import numpy as np

THRESHOLD = 0.01

def setup_inputs(seed: int = 0) -> dict:
    key = jax.random.key(seed)
    kv_cache = jax.random.normal(key, (8, 16, 4096, 128), dtype=jnp.float32)
    return {"kv_cache": kv_cache}

def reference(kv_cache):
    # mask: True where |x| > threshold ('large' values)
    mask = jnp.abs(kv_cache) > THRESHOLD
    # min/max over the small subset (~mask) and large subset (mask),
    # emulating boolean-mask indexing with where + inf sentinels.
    small_min = jnp.min(jnp.where(mask, jnp.inf, kv_cache))
    small_max = jnp.max(jnp.where(mask, -jnp.inf, kv_cache))
    large_min = jnp.min(jnp.where(mask, kv_cache, jnp.inf))
    large_max = jnp.max(jnp.where(mask, kv_cache, -jnp.inf))

    small_range = small_max - small_min
    large_range = large_max - large_min
    safe_small = jnp.where(small_range != 0, small_range, 1.0)
    safe_large = jnp.where(large_range != 0, large_range, 1.0)

    # 4-bit style quantize-dequantize for small values (scale 15)
    q_small = jnp.round((kv_cache - small_min) / safe_small * 15.0)
    deq_small = q_small / 15.0 * safe_small + small_min
    # 8-bit style quantize-dequantize for large values (scale 255)
    q_large = jnp.round((kv_cache - large_min) / safe_large * 255.0)
    deq_large = q_large / 255.0 * safe_large + large_min

    # only apply quantization if max != min (torch guard)
    small_branch = jnp.where(small_range != 0, deq_small, kv_cache)
    large_branch = jnp.where(large_range != 0, deq_large, kv_cache)

    compressed = jnp.where(mask, large_branch, small_branch)
    return compressed

if __name__ == "__main__":
    import jax
    _d = setup_inputs()
    print(jax.jit(kernel)(*tuple(_d.values())))

</pallas_src>

<mosaic_0001>
#map = affine_map<(d0, d1) -> (0, 0, 0, 0)>
#map1 = affine_map<(d0, d1) -> (0, 0, 0)>
module attributes {stable_mosaic.version = 14 : i64} {
  func.func @sc_kernel(%arg0: i32, %arg1: i32, %arg2: memref<8x16x4096x128xf32, #tpu.memory_space<hbm>>, %arg3: memref<32x4x16xf32, #tpu.memory_space<hbm>>, %arg4: memref<4x16xf32, #tpu.memory_space<vmem>>, %arg5: memref<!tpu.dma_semaphore, #tpu.memory_space<semaphore_mem>>) attributes {dimension_semantics = [#tpu.dimension_semantics<core_parallel>, #tpu.dimension_semantics<subcore_parallel>], iteration_bounds = array<i64: 2, 16>, scalar_prefetch = 0 : i64, scratch_operands = 2 : i64, tpu.core_type = #tpu.core_type<sc_vector_subcore>, window_params = [{transform_indices = #map}, {transform_indices = #map1}]} {
    %broadcast_in_dim3A = arith.constant 0x7F800000 : f32
    %broadcast_in_dim3A_0 = vector.broadcast %broadcast_in_dim3A : f32 to vector<1x16xf32>
    %swap3A = arith.constant 0 : index
    %swap3A_1 = arith.constant 0 : index
    %swap3A_2 = tpu.vector_load %arg4[%swap3A, %swap3A_1] {strides = array<i32>} : memref<4x16xf32, #tpu.memory_space<vmem>>, vector<1x16xf32>,
    %swap3A_3 = vector.shape_cast %swap3A_2 : vector<1x16xf32> to vector<1x16xf32>
    %swap3A_4 = vector.shape_cast %broadcast_in_dim3A_0 : vector<1x16xf32> to vector<1x16xf32>
    tpu.vector_store %arg4[%swap3A, %swap3A_1], %swap3A_4 {strides = array<i32>} : memref<4x16xf32, #tpu.memory_space<vmem>>, vector<1x16xf32>,
    %broadcast_in_dim3A_5 = arith.constant 0xFF800000 : f32
    %broadcast_in_dim3A_6 = vector.broadcast %broadcast_in_dim3A_5 : f32 to vector<1x16xf32>
    %swap3A_7 = arith.constant 1 : index
    %swap3A_8 = arith.constant 0 : index
    %swap3A_9 = tpu.vector_load %arg4[%swap3A_7, %swap3A_8] {strides = array<i32>} : memref<4x16xf32, #tpu.memory_space<vmem>>, vector<1x16xf32>,
    %swap3A_10 = vector.shape_cast %swap3A_9 : vector<1x16xf32> to vector<1x16xf32>
    %swap3A_11 = vector.shape_cast %broadcast_in_dim3A_6 : vector<1x16xf32> to vector<1x16xf32>
    tpu.vector_store %arg4[%swap3A_7, %swap3A_8], %swap3A_11 {strides = array<i32>} : memref<4x16xf32, #tpu.memory_space<vmem>>, vector<1x16xf32>,
    %broadcast_in_dim3A_12 = arith.constant 0x7F800000 : f32
    %broadcast_in_dim3A_13 = vector.broadcast %broadcast_in_dim3A_12 : f32 to vector<1x16xf32>
    %swap3A_14 = arith.constant 2 : index
    %swap3A_15 = arith.constant 0 : index
    %swap3A_16 = tpu.vector_load %arg4[%swap3A_14, %swap3A_15] {strides = array<i32>} : memref<4x16xf32, #tpu.memory_space<vmem>>, vector<1x16xf32>,
    %swap3A_17 = vector.shape_cast %swap3A_16 : vector<1x16xf32> to vector<1x16xf32>
    %swap3A_18 = vector.shape_cast %broadcast_in_dim3A_13 : vector<1x16xf32> to vector<1x16xf32>
    tpu.vector_store %arg4[%swap3A_14, %swap3A_15], %swap3A_18 {strides = array<i32>} : memref<4x16xf32, #tpu.memory_space<vmem>>, vector<1x16xf32>,
    %broadcast_in_dim3A_19 = arith.constant 0xFF800000 : f32
    %broadcast_in_dim3A_20 = vector.broadcast %broadcast_in_dim3A_19 : f32 to vector<1x16xf32>
    %swap3A_21 = arith.constant 3 : index
    %swap3A_22 = arith.constant 0 : index
    %swap3A_23 = tpu.vector_load %arg4[%swap3A_21, %swap3A_22] {strides = array<i32>} : memref<4x16xf32, #tpu.memory_space<vmem>>, vector<1x16xf32>,
    %swap3A_24 = vector.shape_cast %swap3A_23 : vector<1x16xf32> to vector<1x16xf32>
    %swap3A_25 = vector.shape_cast %broadcast_in_dim3A_20 : vector<1x16xf32> to vector<1x16xf32>
    tpu.vector_store %arg4[%swap3A_21, %swap3A_22], %swap3A_25 {strides = array<i32>} : memref<4x16xf32, #tpu.memory_space<vmem>>, vector<1x16xf32>,
    %mul3A = arith.constant 1 : i32
    %mul3A_26 = arith.muli %arg1, %mul3A : i32
    %add3A = arith.constant 0 : i32
    %add3A_27 = arith.addi %add3A, %mul3A_26 : i32
    %mul3A_28 = arith.constant 16 : i32
    %mul3A_29 = arith.muli %arg0, %mul3A_28 : i32
    %add3A_30 = arith.addi %add3A_27, %mul3A_29 : i32
    %lt3A = arith.constant 16 : i32
    %lt3A_31 = arith.cmpi slt, %add3A_30, %lt3A : i32
    %jit3A = arith.constant 1 : i32
    %jit3A_32 = arith.constant 0 : i32
    %select_n3A = arith.select %lt3A_31, %jit3A, %jit3A_32 : i32
    %lt3A_33 = arith.constant 16 : i32
    %lt3A_34 = arith.cmpi slt, %add3A_30, %lt3A_33 : i32
    %mul3A_35 = arith.muli %add3A_30, %select_n3A : i32
    %mul3A_36 = arith.constant 0 : i32
    %mul3A_37 = arith.muli %add3A_30, %mul3A_36 : i32
    %add3A_38 = arith.constant 16 : i32
    %add3A_39 = arith.addi %mul3A_37, %add3A_38 : i32
    %select_n3A_40 = arith.select %lt3A_34, %mul3A_35, %add3A_39 : i32
    %mul3A_41 = arith.constant 1 : i32
    %mul3A_42 = arith.muli %mul3A_41, %select_n3A : i32
    %mul3A_43 = arith.constant 16 : i32
    %mul3A_44 = arith.muli %mul3A_42, %mul3A_43 : i32
    "tpu.region"() ({
      %run_scoped3A = memref.alloca() : memref<2x1x1x256x128xf32, #tpu.memory_space<vmem>>
      %run_scoped3A_62 = tpu.sem_alloc : memref<2x!tpu.dma_semaphore, #tpu.memory_space<semaphore_mem>>
      %gt3A = arith.constant 0 : i32
      %gt3A_63 = arith.cmpi sgt, %mul3A_44, %gt3A : i32
      %convert_element_type3A = arith.extui %gt3A_63 : i1 to i32
      %cond3A = arith.constant 0 : i32
      %cond3A_64 = arith.cmpi ne, %convert_element_type3A, %cond3A : i32
      scf.if %cond3A_64 {
        %mul3A_65 = arith.constant 1 : i32
        %mul3A_66 = arith.muli %mul3A_65, %select_n3A : i32
        %mul3A_67 = arith.constant 16 : i32
        %mul3A_68 = arith.muli %mul3A_66, %mul3A_67 : i32
        %sub3A = arith.constant 1 : i32
        %sub3A_69 = arith.subi %mul3A_68, %sub3A : i32
        %eq3A = arith.constant 0 : i32
        %eq3A_70 = arith.cmpi eq, %sub3A_69, %eq3A : i32
        %add3A_71 = arith.constant 0 : i32
        %add3A_72 = arith.addi %add3A_71, %select_n3A_40 : i32
        %select_n3A_73 = arith.constant true
        %select_n3A_74 = arith.constant 0 : i32
        %select_n3A_75 = arith.constant -1 : i32
        %select_n3A_76 = arith.select %select_n3A_73, %select_n3A_75, %select_n3A_74 : i32
        %eq3A_77 = arith.constant -1 : i32
        %eq3A_78 = arith.cmpi eq, %select_n3A_76, %eq3A_77 : i32
        %select_n3A_79 = arith.constant 15 : i32
        %select_n3A_80 = arith.select %eq3A_78, %select_n3A_79, %select_n3A_76 : i32
        %select_n3A_81 = arith.constant 0 : i32
        %select_n3A_82 = arith.constant -1 : i32
        %select_n3A_83 = arith.select %eq3A_78, %select_n3A_82, %select_n3A_81 : i32
        %eq3A_84 = arith.constant -1 : i32
        %eq3A_85 = arith.cmpi eq, %select_n3A_83, %eq3A_84 : i32
        %sub3A_86 = arith.constant 1 : i32
        %sub3A_87 = arith.subi %select_n3A, %sub3A_86 : i32
        %select_n3A_88 = arith.select %eq3A_85, %sub3A_87, %select_n3A_83 : i32
        %select_n3A_89 = arith.constant 0 : i32
        %select_n3A_90 = arith.constant -1 : i32
        %select_n3A_91 = arith.select %eq3A_85, %select_n3A_90, %select_n3A_89 : i32
        %eq3A_92 = arith.constant -1 : i32
        %eq3A_93 = arith.cmpi eq, %select_n3A_91, %eq3A_92 : i32
        %select_n3A_94 = arith.constant 0 : i32
        %select_n3A_95 = arith.select %eq3A_93, %select_n3A_94, %select_n3A_91 : i32
        %add3A_96 = arith.addi %select_n3A_88, %select_n3A_40 : i32
        %add3A_97 = arith.constant 0 : i32
        %add3A_98 = arith.addi %select_n3A_80, %add3A_97 : i32
        %select_n3A_99 = arith.constant true
        %select_n3A_100 = arith.constant 0 : i32
        %select_n3A_101 = arith.constant 1 : i32
        %select_n3A_102 = arith.select %select_n3A_99, %select_n3A_101, %select_n3A_100 : i32
        %eq3A_103 = arith.constant 16 : i32
        %eq3A_104 = arith.cmpi eq, %select_n3A_102, %eq3A_103 : i32
        %select_n3A_105 = arith.constant 0 : i32
        %select_n3A_106 = arith.select %eq3A_104, %select_n3A_105, %select_n3A_102 : i32
        %select_n3A_107 = arith.constant 0 : i32
        %select_n3A_108 = arith.constant 1 : i32
        %select_n3A_109 = arith.select %eq3A_104, %select_n3A_108, %select_n3A_107 : i32
        %eq3A_110 = arith.cmpi eq, %select_n3A_109, %select_n3A : i32
        %select_n3A_111 = arith.constant 0 : i32
        %select_n3A_112 = arith.select %eq3A_110, %select_n3A_111, %select_n3A_109 : i32
        %select_n3A_113 = arith.constant 0 : i32
        %select_n3A_114 = arith.constant 1 : i32
        %select_n3A_115 = arith.select %eq3A_110, %select_n3A_114, %select_n3A_113 : i32
        %eq3A_116 = arith.constant 1 : i32
        %eq3A_117 = arith.cmpi eq, %select_n3A_115, %eq3A_116 : i32
        %select_n3A_118 = arith.constant 0 : i32
        %select_n3A_119 = arith.select %eq3A_117, %select_n3A_118, %select_n3A_115 : i32
        %add3A_120 = arith.addi %select_n3A_112, %select_n3A_40 : i32
        %add3A_121 = arith.constant 0 : i32
        %add3A_122 = arith.addi %select_n3A_106, %add3A_121 : i32
        %add3A_123 = arith.constant 1 : i32
        %add3A_124 = arith.addi %select_n3A_106, %add3A_123 : i32
        %select_n3A_125 = arith.constant true
        %select_n3A_126 = arith.select %select_n3A_125, %add3A_124, %select_n3A_106 : i32
        %eq3A_127 = arith.constant 16 : i32
        %eq3A_128 = arith.cmpi eq, %select_n3A_126, %eq3A_127 : i32
        %select_n3A_129 = arith.constant 0 : i32
        %select_n3A_130 = arith.select %eq3A_128, %select_n3A_129, %select_n3A_126 : i32
        %add3A_131 = arith.constant 1 : i32
        %add3A_132 = arith.addi %select_n3A_112, %add3A_131 : i32
        %select_n3A_133 = arith.select %eq3A_128, %add3A_132, %select_n3A_112 : i32
        %eq3A_134 = arith.cmpi eq, %select_n3A_133, %select_n3A : i32
        %select_n3A_135 = arith.constant 0 : i32
        %select_n3A_136 = arith.select %eq3A_134, %select_n3A_135, %select_n3A_133 : i32
        %select_n3A_137 = arith.constant 0 : i32
        %select_n3A_138 = arith.constant 1 : i32
        %select_n3A_139 = arith.select %eq3A_134, %select_n3A_138, %select_n3A_137 : i32
        %eq3A_140 = arith.constant 1 : i32
        %eq3A_141 = arith.cmpi eq, %select_n3A_139, %eq3A_140 : i32
        %select_n3A_142 = arith.constant 0 : i32
        %select_n3A_143 = arith.select %eq3A_141, %select_n3A_142, %select_n3A_139 : i32
        %add3A_144 = arith.addi %select_n3A_136, %select_n3A_40 : i32
        %add3A_145 = arith.constant 0 : i32
        %add3A_146 = arith.addi %select_n3A_130, %add3A_145 : i32
        "tpu.trace_start"() <{level = 10 : i32, message = "ep_initialize_0"}> : () -> ()
        %rem3A = arith.constant 0 : i32
        %rem3A_147 = arith.constant 2 : i32
        %rem3A_148 = arith.remui %rem3A, %rem3A_147 : i32
        %mul3A_149 = arith.constant 1 : i32
        %mul3A_150 = arith.muli %mul3A_149, %add3A_72 : i32
        %dma_start3A_151 = arith.constant 0 : i32
        %dma_start3A_152 = arith.constant 0 : i32
        %dma_start3A_153 = arith.constant 0 : i32
        %dma_start3A_154 = arith.constant 0 : i32
        %dma_start3A_155 = tpu.memref_slice %run_scoped3A[%rem3A_148, %dma_start3A_151, %dma_start3A_152, %dma_start3A_153, %dma_start3A_154] : memref<2x1x1x256x128xf32, #tpu.memory_space<vmem>> -> memref<1x1x1x256x128xf32, #tpu.memory_space<vmem>>
        %dma_start3A_156 = tpu.memref_squeeze %dma_start3A_155 : memref<1x1x1x256x128xf32, #tpu.memory_space<vmem>> -> memref<1x1x256x128xf32, #tpu.memory_space<vmem>>
        %dma_start3A_157 = arith.constant 7 : i32
        %dma_start3A_158 = arith.constant 0 : i32
        %dma_start3A_159 = arith.constant 0 : i32
        %dma_start3A_160 = tpu.memref_slice %arg2[%dma_start3A_157, %mul3A_150, %dma_start3A_158, %dma_start3A_159] : memref<8x16x4096x128xf32, #tpu.memory_space<hbm>> -> memref<1x1x256x128xf32, #tpu.memory_space<hbm>>
        %dma_start3A_161 = tpu.memref_slice %run_scoped3A_62[%rem3A_148] : memref<2x!tpu.dma_semaphore, #tpu.memory_space<semaphore_mem>> -> memref<1x!tpu.dma_semaphore, #tpu.memory_space<semaphore_mem>>
        %dma_start3A_162 = tpu.memref_squeeze %dma_start3A_161 : memref<1x!tpu.dma_semaphore, #tpu.memory_space<semaphore_mem>> -> memref<!tpu.dma_semaphore, #tpu.memory_space<semaphore_mem>>
        %dma_start3A_163 = arith.constant 0 : i32
        %dma_start3A_164 = arith.constant 0 : i32
        %dma_start3A_165 = arith.constant 0 : i32
        %dma_start3A_166 = arith.constant 0 : i32
        %dma_start3A_167 = tpu.memref_slice %run_scoped3A[%rem3A_148, %dma_start3A_163, %dma_start3A_164, %dma_start3A_165, %dma_start3A_166] : memref<2x1x1x256x128xf32, #tpu.memory_space<vmem>> -> memref<1x1x1x256x128xf32, #tpu.memory_space<vmem>>
        %dma_start3A_168 = tpu.memref_squeeze %dma_start3A_167 : memref<1x1x1x256x128xf32, #tpu.memory_space<vmem>> -> memref<1x1x256x128xf32, #tpu.memory_space<vmem>>
        %dma_start3A_169 = arith.constant 7 : i32
        %dma_start3A_170 = arith.constant 0 : i32
        %dma_start3A_171 = arith.constant 0 : i32
        %dma_start3A_172 = tpu.memref_slice %arg2[%dma_start3A_169, %mul3A_150, %dma_start3A_170, %dma_start3A_171] : memref<8x16x4096x128xf32, #tpu.memory_space<hbm>> -> memref<1x1x256x128xf32, #tpu.memory_space<hbm>>
        tpu.enqueue_dma source(%dma_start3A_172 : memref<1x1x256x128xf32, #tpu.memory_space<hbm>>) target(%dma_start3A_168 : memref<1x1x256x128xf32, #tpu.memory_space<vmem>>) target_semaphore(%dma_start3A_162 : memref<!tpu.dma_semaphore, #tpu.memory_space<semaphore_mem>>)
        %add3A_173 = arith.constant 0 : i32
        %add3A_174 = arith.constant 1 : i32
        %add3A_175 = arith.addi %add3A_173, %add3A_174 : i32
        %select_n3A_176 = arith.constant true
        %select_n3A_177 = arith.constant 0 : i32
        %select_n3A_178 = arith.select %select_n3A_176, %add3A_175, %select_n3A_177 : i32
        %while3A = arith.constant 0 : i32
        %while3A_179 = arith.constant 0 : i32
        %while3A_180 = arith.constant 0 : i32
        %while3A_181 = arith.constant 0 : i32
        %while3A_182 = arith.constant 0 : i32
        "tpu.trace_stop"() : () -> ()
        %while3A_183 = arith.subi %mul3A_44, %while3A : i32
        %while3A_184 = arith.addi %while3A, %while3A_183 : i32
        %while3A_185 = arith.constant 1 : i32
        %while3A_186 = arith.divsi %while3A_183, %while3A_185 : i32
        %while3A_187 = arith.muli %while3A_186, %while3A_185 : i32
        %while3A_188 = arith.addi %while3A, %while3A_187 : i32
        %while3A_189 = arith.constant 1 : i32
        %while3A_190:5 = scf.for %while3A_307 = %while3A to %while3A_188 step %while3A_189 iter_args(%while3A_308 = %select_n3A_178, %while3A_309 = %while3A_179, %while3A_310 = %while3A_180, %while3A_311 = %while3A_181, %while3A_312 = %while3A_182) -> (i32, i32, i32, i32, i32)  : i32 {
          %mul3A_313 = arith.constant 1 : i32
          %mul3A_314 = arith.muli %mul3A_313, %select_n3A : i32
          %mul3A_315 = arith.constant 16 : i32
          %mul3A_316 = arith.muli %mul3A_314, %mul3A_315 : i32
          %eq3A_317 = arith.constant 0 : i32
          %eq3A_318 = arith.cmpi eq, %while3A_307, %eq3A_317 : i32
          %sub3A_319 = arith.constant 1 : i32
          %sub3A_320 = arith.subi %mul3A_316, %sub3A_319 : i32
          %eq3A_321 = arith.cmpi eq, %while3A_307, %sub3A_320 : i32
          %add3A_322 = arith.addi %while3A_311, %select_n3A_40 : i32
          %add3A_323 = arith.constant 0 : i32
          %add3A_324 = arith.addi %while3A_312, %add3A_323 : i32
          %sub3A_325 = arith.constant 1 : i32
          %sub3A_326 = arith.subi %while3A_312, %sub3A_325 : i32
          %select_n3A_327 = arith.constant true
          %select_n3A_328 = arith.select %select_n3A_327, %sub3A_326, %while3A_312 : i32
          %eq3A_329 = arith.constant -1 : i32
          %eq3A_330 = arith.cmpi eq, %select_n3A_328, %eq3A_329 : i32
          %select_n3A_331 = arith.constant 15 : i32
          %select_n3A_332 = arith.select %eq3A_330, %select_n3A_331, %select_n3A_328 : i32
          %sub3A_333 = arith.constant 1 : i32
          %sub3A_334 = arith.subi %while3A_311, %sub3A_333 : i32
          %select_n3A_335 = arith.select %eq3A_330, %sub3A_334, %while3A_311 : i32
          %eq3A_336 = arith.constant -1 : i32
          %eq3A_337 = arith.cmpi eq, %select_n3A_335, %eq3A_336 : i32
          %sub3A_338 = arith.constant 1 : i32
          %sub3A_339 = arith.subi %select_n3A, %sub3A_338 : i32
          %select_n3A_340 = arith.select %eq3A_337, %sub3A_339, %select_n3A_335 : i32
          %select_n3A_341 = arith.constant 0 : i32
          %select_n3A_342 = arith.constant -1 : i32
          %select_n3A_343 = arith.select %eq3A_337, %select_n3A_342, %select_n3A_341 : i32
          %eq3A_344 = arith.constant -1 : i32
          %eq3A_345 = arith.cmpi eq, %select_n3A_343, %eq3A_344 : i32
          %select_n3A_346 = arith.constant 0 : i32
          %select_n3A_347 = arith.select %eq3A_345, %select_n3A_346, %select_n3A_343 : i32
          %add3A_348 = arith.addi %select_n3A_340, %select_n3A_40 : i32
          %add3A_349 = arith.constant 0 : i32
          %add3A_350 = arith.addi %select_n3A_332, %add3A_349 : i32
          %add3A_351 = arith.constant 1 : i32
          %add3A_352 = arith.addi %while3A_312, %add3A_351 : i32
          %select_n3A_353 = arith.constant true
          %select_n3A_354 = arith.select %select_n3A_353, %add3A_352, %while3A_312 : i32
          %eq3A_355 = arith.constant 16 : i32
          %eq3A_356 = arith.cmpi eq, %select_n3A_354, %eq3A_355 : i32
          %select_n3A_357 = arith.constant 0 : i32
          %select_n3A_358 = arith.select %eq3A_356, %select_n3A_357, %select_n3A_354 : i32
          %add3A_359 = arith.constant 1 : i32
          %add3A_360 = arith.addi %while3A_311, %add3A_359 : i32
          %select_n3A_361 = arith.select %eq3A_356, %add3A_360, %while3A_311 : i32
          %eq3A_362 = arith.cmpi eq, %select_n3A_361, %select_n3A : i32
          %select_n3A_363 = arith.constant 0 : i32
          %select_n3A_364 = arith.select %eq3A_362, %select_n3A_363, %select_n3A_361 : i32
          %select_n3A_365 = arith.constant 0 : i32
          %select_n3A_366 = arith.constant 1 : i32
          %select_n3A_367 = arith.select %eq3A_362, %select_n3A_366, %select_n3A_365 : i32
          %eq3A_368 = arith.constant 1 : i32
          %eq3A_369 = arith.cmpi eq, %select_n3A_367, %eq3A_368 : i32
          %select_n3A_370 = arith.constant 0 : i32
          %select_n3A_371 = arith.select %eq3A_369, %select_n3A_370, %select_n3A_367 : i32
          %add3A_372 = arith.addi %select_n3A_364, %select_n3A_40 : i32
          %add3A_373 = arith.constant 0 : i32
          %add3A_374 = arith.addi %select_n3A_358, %add3A_373 : i32
          %add3A_375 = arith.constant 1 : i32
          %add3A_376 = arith.addi %select_n3A_358, %add3A_375 : i32
          %select_n3A_377 = arith.constant true
          %select_n3A_378 = arith.select %select_n3A_377, %add3A_376, %select_n3A_358 : i32
          %eq3A_379 = arith.constant 16 : i32
          %eq3A_380 = arith.cmpi eq, %select_n3A_378, %eq3A_379 : i32
          %select_n3A_381 = arith.constant 0 : i32
          %select_n3A_382 = arith.select %eq3A_380, %select_n3A_381, %select_n3A_378 : i32
          %add3A_383 = arith.constant 1 : i32
          %add3A_384 = arith.addi %select_n3A_364, %add3A_383 : i32
          %select_n3A_385 = arith.select %eq3A_380, %add3A_384, %select_n3A_364 : i32
          %eq3A_386 = arith.cmpi eq, %select_n3A_385, %select_n3A : i32
          %select_n3A_387 = arith.constant 0 : i32
          %select_n3A_388 = arith.select %eq3A_386, %select_n3A_387, %select_n3A_385 : i32
          %select_n3A_389 = arith.constant 0 : i32
          %select_n3A_390 = arith.constant 1 : i32
          %select_n3A_391 = arith.select %eq3A_386, %select_n3A_390, %select_n3A_389 : i32
          %eq3A_392 = arith.constant 1 : i32
          %eq3A_393 = arith.cmpi eq, %select_n3A_391, %eq3A_392 : i32
          %select_n3A_394 = arith.constant 0 : i32
          %select_n3A_395 = arith.select %eq3A_393, %select_n3A_394, %select_n3A_391 : i32
          %add3A_396 = arith.addi %select_n3A_388, %select_n3A_40 : i32
          %add3A_397 = arith.constant 0 : i32
          %add3A_398 = arith.addi %select_n3A_382, %add3A_397 : i32
          %ne3A = arith.cmpi ne, %add3A_322, %add3A_372 : i32
          %ne3A_399 = arith.cmpi ne, %add3A_324, %add3A_374 : i32
          %or3A = arith.constant false
          %or3A_400 = arith.ori %or3A, %ne3A : i1
          %or3A_401 = arith.ori %or3A_400, %ne3A_399 : i1
          %or3A_402 = arith.constant false
          %or3A_403 = arith.ori %or3A_401, %or3A_402 : i1
          %sub3A_404 = arith.constant 2 : i32
          %sub3A_405 = arith.subi %mul3A_316, %sub3A_404 : i32
          %add3A_406 = arith.constant 1 : i32
          %add3A_407 = arith.addi %sub3A_405, %add3A_406 : i32
          %ge3A = arith.cmpi sge, %while3A_307, %add3A_407 : i32
          %not3A = arith.constant true
          %not3A_408 = arith.xori %ge3A, %not3A : i1
          %and3A = arith.andi %or3A_403, %not3A_408 : i1
          %convert_element_type3A_409 = arith.extui %and3A : i1 to i32
          %cond3A_410 = arith.constant 0 : i32
          %cond3A_411 = arith.cmpi ne, %convert_element_type3A_409, %cond3A_410 : i32
          scf.if %cond3A_411 {
            "tpu.trace_start"() <{level = 10 : i32, message = "ep_copy_in"}> : () -> ()
            %rem3A_497 = arith.constant 2 : i32
            %rem3A_498 = arith.remui %while3A_308, %rem3A_497 : i32
            %mul3A_499 = arith.constant 1 : i32
            %mul3A_500 = arith.muli %mul3A_499, %add3A_372 : i32
            %mul3A_501 = arith.constant 256 : i32
            %mul3A_502 = arith.muli %mul3A_501, %add3A_374 : i32
            %dma_start3A_503 = arith.constant 0 : i32
            %dma_start3A_504 = arith.constant 0 : i32
            %dma_start3A_505 = arith.constant 0 : i32
            %dma_start3A_506 = arith.constant 0 : i32
            %dma_start3A_507 = tpu.memref_slice %run_scoped3A[%rem3A_498, %dma_start3A_503, %dma_start3A_504, %dma_start3A_505, %dma_start3A_506] : memref<2x1x1x256x128xf32, #tpu.memory_space<vmem>> -> memref<1x1x1x256x128xf32, #tpu.memory_space<vmem>>
            %dma_start3A_508 = tpu.memref_squeeze %dma_start3A_507 : memref<1x1x1x256x128xf32, #tpu.memory_space<vmem>> -> memref<1x1x256x128xf32, #tpu.memory_space<vmem>>
            %dma_start3A_509 = arith.constant 7 : i32
            %dma_start3A_510 = arith.constant 0 : i32
            %dma_start3A_511 = tpu.memref_slice %arg2[%dma_start3A_509, %mul3A_500, %mul3A_502, %dma_start3A_510] : memref<8x16x4096x128xf32, #tpu.memory_space<hbm>> -> memref<1x1x256x128xf32, #tpu.memory_space<hbm>>
            %dma_start3A_512 = tpu.memref_slice %run_scoped3A_62[%rem3A_498] : memref<2x!tpu.dma_semaphore, #tpu.memory_space<semaphore_mem>> -> memref<1x!tpu.dma_semaphore, #tpu.memory_space<semaphore_mem>>
            %dma_start3A_513 = tpu.memref_squeeze %dma_start3A_512 : memref<1x!tpu.dma_semaphore, #tpu.memory_space<semaphore_mem>> -> memref<!tpu.dma_semaphore, #tpu.memory_space<semaphore_mem>>
            %dma_start3A_514 = arith.constant 0 : i32
            %dma_start3A_515 = arith.constant 0 : i32
            %dma_start3A_516 = arith.constant 0 : i32
            %dma_start3A_517 = arith.constant 0 : i32
            %dma_start3A_518 = tpu.memref_slice %run_scoped3A[%rem3A_498, %dma_start3A_514, %dma_start3A_515, %dma_start3A_516, %dma_start3A_517] : memref<2x1x1x256x128xf32, #tpu.memory_space<vmem>> -> memref<1x1x1x256x128xf32, #tpu.memory_space<vmem>>
            %dma_start3A_519 = tpu.memref_squeeze %dma_start3A_518 : memref<1x1x1x256x128xf32, #tpu.memory_space<vmem>> -> memref<1x1x256x128xf32, #tpu.memory_space<vmem>>
            %dma_start3A_520 = arith.constant 7 : i32
            %dma_start3A_521 = arith.constant 0 : i32
            %dma_start3A_522 = tpu.memref_slice %arg2[%dma_start3A_520, %mul3A_500, %mul3A_502, %dma_start3A_521] : memref<8x16x4096x128xf32, #tpu.memory_space<hbm>> -> memref<1x1x256x128xf32, #tpu.memory_space<hbm>>
            tpu.enqueue_dma source(%dma_start3A_522 : memref<1x1x256x128xf32, #tpu.memory_space<hbm>>) target(%dma_start3A_519 : memref<1x1x256x128xf32, #tpu.memory_space<vmem>>) target_semaphore(%dma_start3A_513 : memref<!tpu.dma_semaphore, #tpu.memory_space<semaphore_mem>>)
            "tpu.trace_stop"() : () -> ()
          } else {
          }
          %and3A_412 = arith.constant true
          %and3A_413 = arith.andi %and3A, %and3A_412 : i1
          %add3A_414 = arith.constant 1 : i32
          %add3A_415 = arith.addi %while3A_308, %add3A_414 : i32
          %select_n3A_416 = arith.select %and3A_413, %add3A_415, %while3A_308 : i32
          %ne3A_417 = arith.cmpi ne, %add3A_322, %add3A_348 : i32
          %ne3A_418 = arith.cmpi ne, %add3A_324, %add3A_350 : i32
          %or3A_419 = arith.constant false
          %or3A_420 = arith.ori %or3A_419, %ne3A_417 : i1
          %or3A_421 = arith.ori %or3A_420, %ne3A_418 : i1
          %or3A_422 = arith.constant false
          %or3A_423 = arith.ori %or3A_421, %or3A_422 : i1
          %or3A_424 = arith.ori %or3A_423, %eq3A_318 : i1
          %convert_element_type3A_425 = arith.extui %or3A_424 : i1 to i32
          %cond3A_426 = arith.constant 0 : i32
          %cond3A_427 = arith.cmpi ne, %convert_element_type3A_425, %cond3A_426 : i32
          scf.if %cond3A_427 {
            "tpu.trace_start"() <{level = 10 : i32, message = "ep_wait_in"}> : () -> ()
            %mul3A_497 = arith.constant 1 : i32
            %mul3A_498 = arith.muli %mul3A_497, %add3A_322 : i32
            %mul3A_499 = arith.constant 256 : i32
            %mul3A_500 = arith.muli %mul3A_499, %add3A_324 : i32
            %rem3A_501 = arith.constant 2 : i32
            %rem3A_502 = arith.remui %while3A_309, %rem3A_501 : i32
            %dma_wait3A_503 = arith.constant 0 : i32
            %dma_wait3A_504 = arith.constant 0 : i32
            %dma_wait3A_505 = arith.constant 0 : i32
            %dma_wait3A_506 = arith.constant 0 : i32
            %dma_wait3A_507 = tpu.memref_slice %run_scoped3A[%rem3A_502, %dma_wait3A_503, %dma_wait3A_504, %dma_wait3A_505, %dma_wait3A_506] : memref<2x1x1x256x128xf32, #tpu.memory_space<vmem>> -> memref<1x1x1x256x128xf32, #tpu.memory_space<vmem>>
            %dma_wait3A_508 = tpu.memref_squeeze %dma_wait3A_507 : memref<1x1x1x256x128xf32, #tpu.memory_space<vmem>> -> memref<1x1x256x128xf32, #tpu.memory_space<vmem>>
            %dma_wait3A_509 = arith.constant 7 : i32
            %dma_wait3A_510 = arith.constant 0 : i32
            %dma_wait3A_511 = tpu.memref_slice %arg2[%dma_wait3A_509, %mul3A_498, %mul3A_500, %dma_wait3A_510] : memref<8x16x4096x128xf32, #tpu.memory_space<hbm>> -> memref<1x1x256x128xf32, #tpu.memory_space<hbm>>
            %dma_wait3A_512 = tpu.memref_slice %run_scoped3A_62[%rem3A_502] : memref<2x!tpu.dma_semaphore, #tpu.memory_space<semaphore_mem>> -> memref<1x!tpu.dma_semaphore, #tpu.memory_space<semaphore_mem>>
            %dma_wait3A_513 = tpu.memref_squeeze %dma_wait3A_512 : memref<1x!tpu.dma_semaphore, #tpu.memory_space<semaphore_mem>> -> memref<!tpu.dma_semaphore, #tpu.memory_space<semaphore_mem>>
            %dma_wait3A_514 = arith.constant 0 : i32
            %dma_wait3A_515 = arith.constant 0 : i32
            %dma_wait3A_516 = arith.constant 0 : i32
            %dma_wait3A_517 = arith.constant 0 : i32
            %dma_wait3A_518 = tpu.memref_slice %run_scoped3A[%rem3A_502, %dma_wait3A_514, %dma_wait3A_515, %dma_wait3A_516, %dma_wait3A_517] : memref<2x1x1x256x128xf32, #tpu.memory_space<vmem>> -> memref<1x1x1x256x128xf32, #tpu.memory_space<vmem>>
            %dma_wait3A_519 = tpu.memref_squeeze %dma_wait3A_518 : memref<1x1x1x256x128xf32, #tpu.memory_space<vmem>> -> memref<1x1x256x128xf32, #tpu.memory_space<vmem>>
            %dma_wait3A_520 = arith.constant 7 : i32
            %dma_wait3A_521 = arith.constant 0 : i32
            %dma_wait3A_522 = tpu.memref_slice %arg2[%dma_wait3A_520, %mul3A_498, %mul3A_500, %dma_wait3A_521] : memref<8x16x4096x128xf32, #tpu.memory_space<hbm>> -> memref<1x1x256x128xf32, #tpu.memory_space<hbm>>
            tpu.wait_dma2 semaphore(%dma_wait3A_513 : memref<!tpu.dma_semaphore, #tpu.memory_space<semaphore_mem>>) src(%dma_wait3A_522 : memref<1x1x256x128xf32, #tpu.memory_space<hbm>>) dst(%dma_wait3A_519 : memref<1x1x256x128xf32, #tpu.memory_space<vmem>>)
            "tpu.trace_stop"() : () -> ()
          } else {
          }
          %rem3A_428 = arith.constant 2 : i32
          %rem3A_429 = arith.remui %while3A_309, %rem3A_428 : i32
          "tpu.trace_start"() <{level = 10 : i32, message = "ep_run_kernel"}> : () -> ()
          %scan3A = arith.constant 0 : i32
          %scan3A_430 = arith.constant 0 : i32
          %scan3A_431 = arith.constant 0 : i32
          %scan3A_432 = arith.constant 64 : i32
          %scan3A_433 = arith.addi %scan3A_431, %scan3A_432 : i32
          %scan3A_434 = arith.constant 1 : i32
          scf.for %scan3A_497 = %scan3A_431 to %scan3A_433 step %scan3A_434  : i32 {
            %mul3A_498 = arith.constant 4 : i32
            %mul3A_499 = arith.muli %scan3A_497, %mul3A_498 : i32
            %add3A_500 = arith.constant 0 : i32
            %add3A_501 = arith.addi %add3A_500, %mul3A_499 : i32
            %get3A = arith.constant 0 : index
            %get3A_502 = arith.constant 0 : index
            %get3A_503 = tpu.vector_load %arg4[%get3A, %get3A_502] {strides = array<i32>} : memref<4x16xf32, #tpu.memory_space<vmem>>, vector<1x16xf32>,
            %get3A_504 = vector.shape_cast %get3A_503 : vector<1x16xf32> to vector<1x16xf32>
            %get3A_505 = arith.constant 1 : index
            %get3A_506 = arith.constant 0 : index
            %get3A_507 = tpu.vector_load %arg4[%get3A_505, %get3A_506] {strides = array<i32>} : memref<4x16xf32, #tpu.memory_space<vmem>>, vector<1x16xf32>,
            %get3A_508 = vector.shape_cast %get3A_507 : vector<1x16xf32> to vector<1x16xf32>
            %get3A_509 = arith.constant 2 : index
            %get3A_510 = arith.constant 0 : index
            %get3A_511 = tpu.vector_load %arg4[%get3A_509, %get3A_510] {strides = array<i32>} : memref<4x16xf32, #tpu.memory_space<vmem>>, vector<1x16xf32>,
            %get3A_512 = vector.shape_cast %get3A_511 : vector<1x16xf32> to vector<1x16xf32>
            %get3A_513 = arith.constant 3 : index
            %get3A_514 = arith.constant 0 : index
            %get3A_515 = tpu.vector_load %arg4[%get3A_513, %get3A_514] {strides = array<i32>} : memref<4x16xf32, #tpu.memory_space<vmem>>, vector<1x16xf32>,
            %get3A_516 = vector.shape_cast %get3A_515 : vector<1x16xf32> to vector<1x16xf32>
            %add3A_517 = arith.constant 0 : i32
            %add3A_518 = arith.addi %add3A_501, %add3A_517 : i32
            %get3A_519 = arith.constant 0 : i32
            %get3A_520 = arith.constant 0 : i32
            %get3A_521 = arith.constant 0 : i32
            %get3A_522 = arith.constant 0 : i32
            %get3A_523 = tpu.memref_slice %run_scoped3A[%rem3A_429, %get3A_519, %get3A_520, %get3A_521, %get3A_522] : memref<2x1x1x256x128xf32, #tpu.memory_space<vmem>> -> memref<1x1x1x256x128xf32, #tpu.memory_space<vmem>>
            %get3A_524 = tpu.memref_squeeze %get3A_523 : memref<1x1x1x256x128xf32, #tpu.memory_space<vmem>> -> memref<1x1x256x128xf32, #tpu.memory_space<vmem>>
            %get3A_525 = arith.constant 0 : i32
            %get3A_526 = arith.constant 0 : i32
            %get3A_527 = tpu.memref_slice %get3A_524[%scan3A, %scan3A_430, %get3A_525, %get3A_526] : memref<1x1x256x128xf32, #tpu.memory_space<vmem>> -> memref<1x1x256x128xf32, #tpu.memory_space<vmem>>
            %get3A_528 = tpu.memref_squeeze %get3A_527 : memref<1x1x256x128xf32, #tpu.memory_space<vmem>> -> memref<256x128xf32, #tpu.memory_space<vmem>>
            %get3A_529 = arith.index_cast %add3A_518 : i32 to index
            %get3A_530 = arith.constant 0 : index
            %get3A_531 = tpu.vector_load %get3A_528[%get3A_529, %get3A_530] {strides = array<i32>} : memref<256x128xf32, #tpu.memory_space<vmem>>, vector<1x16xf32>,
            %get3A_532 = vector.shape_cast %get3A_531 : vector<1x16xf32> to vector<1x16xf32>
            %abs3A = math.absf %get3A_532 : vector<1x16xf32>
            %gt3A_533 = arith.constant 0.00999999977 : f32
            %gt3A_534 = vector.broadcast %gt3A_533 : f32 to vector<1x16xf32>
            %gt3A_535 = arith.cmpf ogt, %abs3A, %gt3A_534 : vector<1x16xf32>
            %jit3A_536 = arith.constant 0x7F800000 : f32
            %broadcast_in_dim3A_537 = vector.broadcast %jit3A_536 : f32 to vector<1x16xf32>
            %select_n3A_538 = arith.select %gt3A_535, %broadcast_in_dim3A_537, %get3A_532 : vector<1x16xi1>, vector<1x16xf32>
            %min3A = arith.minimumf %get3A_504, %select_n3A_538 : vector<1x16xf32>
            %jit3A_539 = arith.constant 0xFF800000 : f32
            %broadcast_in_dim3A_540 = vector.broadcast %jit3A_539 : f32 to vector<1x16xf32>
            %select_n3A_541 = arith.select %gt3A_535, %broadcast_in_dim3A_540, %get3A_532 : vector<1x16xi1>, vector<1x16xf32>
            %max3A = arith.maximumf %get3A_508, %select_n3A_541 : vector<1x16xf32>
            %jit3A_542 = arith.constant 0x7F800000 : f32
            %broadcast_in_dim3A_543 = vector.broadcast %jit3A_542 : f32 to vector<1x16xf32>
            %select_n3A_544 = arith.select %gt3A_535, %get3A_532, %broadcast_in_dim3A_543 : vector<1x16xi1>, vector<1x16xf32>
            %min3A_545 = arith.minimumf %get3A_512, %select_n3A_544 : vector<1x16xf32>
            %jit3A_546 = arith.constant 0xFF800000 : f32
            %broadcast_in_dim3A_547 = vector.broadcast %jit3A_546 : f32 to vector<1x16xf32>
            %select_n3A_548 = arith.select %gt3A_535, %get3A_532, %broadcast_in_dim3A_547 : vector<1x16xi1>, vector<1x16xf32>
            %max3A_549 = arith.maximumf %get3A_516, %select_n3A_548 : vector<1x16xf32>
            %add3A_550 = arith.constant 0 : i32
            %add3A_551 = arith.addi %add3A_501, %add3A_550 : i32
            %get3A_552 = arith.constant 0 : i32
            %get3A_553 = arith.constant 0 : i32
            %get3A_554 = arith.constant 0 : i32
            %get3A_555 = arith.constant 0 : i32
            %get3A_556 = tpu.memref_slice %run_scoped3A[%rem3A_429, %get3A_552, %get3A_553, %get3A_554, %get3A_555] : memref<2x1x1x256x128xf32, #tpu.memory_space<vmem>> -> memref<1x1x1x256x128xf32, #tpu.memory_space<vmem>>
            %get3A_557 = tpu.memref_squeeze %get3A_556 : memref<1x1x1x256x128xf32, #tpu.memory_space<vmem>> -> memref<1x1x256x128xf32, #tpu.memory_space<vmem>>
            %get3A_558 = arith.constant 0 : i32
            %get3A_559 = arith.constant 0 : i32
            %get3A_560 = tpu.memref_slice %get3A_557[%scan3A, %scan3A_430, %get3A_558, %get3A_559] : memref<1x1x256x128xf32, #tpu.memory_space<vmem>> -> memref<1x1x256x128xf32, #tpu.memory_space<vmem>>
            %get3A_561 = tpu.memref_squeeze %get3A_560 : memref<1x1x256x128xf32, #tpu.memory_space<vmem>> -> memref<256x128xf32, #tpu.memory_space<vmem>>
            %get3A_562 = arith.index_cast %add3A_551 : i32 to index
            %get3A_563 = arith.constant 16 : index
            %get3A_564 = tpu.vector_load %get3A_561[%get3A_562, %get3A_563] {strides = array<i32>} : memref<256x128xf32, #tpu.memory_space<vmem>>, vector<1x16xf32>,
            %get3A_565 = vector.shape_cast %get3A_564 : vector<1x16xf32> to vector<1x16xf32>
            %abs3A_566 = math.absf %get3A_565 : vector<1x16xf32>
            %gt3A_567 = arith.constant 0.00999999977 : f32
            %gt3A_568 = vector.broadcast %gt3A_567 : f32 to vector<1x16xf32>
            %gt3A_569 = arith.cmpf ogt, %abs3A_566, %gt3A_568 : vector<1x16xf32>
            %jit3A_570 = arith.constant 0x7F800000 : f32
            %broadcast_in_dim3A_571 = vector.broadcast %jit3A_570 : f32 to vector<1x16xf32>
            %select_n3A_572 = arith.select %gt3A_569, %broadcast_in_dim3A_571, %get3A_565 : vector<1x16xi1>, vector<1x16xf32>
            %min3A_573 = arith.minimumf %min3A, %select_n3A_572 : vector<1x16xf32>
            %jit3A_574 = arith.constant 0xFF800000 : f32
            %broadcast_in_dim3A_575 = vector.broadcast %jit3A_574 : f32 to vector<1x16xf32>
            %select_n3A_576 = arith.select %gt3A_569, %broadcast_in_dim3A_575, %get3A_565 : vector<1x16xi1>, vector<1x16xf32>
            %max3A_577 = arith.maximumf %max3A, %select_n3A_576 : vector<1x16xf32>
            %jit3A_578 = arith.constant 0x7F800000 : f32
            %broadcast_in_dim3A_579 = vector.broadcast %jit3A_578 : f32 to vector<1x16xf32>
            %select_n3A_580 = arith.select %gt3A_569, %get3A_565, %broadcast_in_dim3A_579 : vector<1x16xi1>, vector<1x16xf32>
            %min3A_581 = arith.minimumf %min3A_545, %select_n3A_580 : vector<1x16xf32>
            %jit3A_582 = arith.constant 0xFF800000 : f32
            %broadcast_in_dim3A_583 = vector.broadcast %jit3A_582 : f32 to vector<1x16xf32>
            %select_n3A_584 = arith.select %gt3A_569, %get3A_565, %broadcast_in_dim3A_583 : vector<1x16xi1>, vector<1x16xf32>
            %max3A_585 = arith.maximumf %max3A_549, %select_n3A_584 : vector<1x16xf32>
            %add3A_586 = arith.constant 0 : i32
            %add3A_587 = arith.addi %add3A_501, %add3A_586 : i32
            %get3A_588 = arith.constant 0 : i32
            %get3A_589 = arith.constant 0 : i32
            %get3A_590 = arith.constant 0 : i32
            %get3A_591 = arith.constant 0 : i32
            %get3A_592 = tpu.memref_slice %run_scoped3A[%rem3A_429, %get3A_588, %get3A_589, %get3A_590, %get3A_591] : memref<2x1x1x256x128xf32, #tpu.memory_space<vmem>> -> memref<1x1x1x256x128xf32, #tpu.memory_space<vmem>>
            %get3A_593 = tpu.memref_squeeze %get3A_592 : memref<1x1x1x256x128xf32, #tpu.memory_space<vmem>> -> memref<1x1x256x128xf32, #tpu.memory_space<vmem>>
            %get3A_594 = arith.constant 0 : i32
            %get3A_595 = arith.constant 0 : i32
            %get3A_596 = tpu.memref_slice %get3A_593[%scan3A, %scan3A_430, %get3A_594, %get3A_595] : memref<1x1x256x128xf32, #tpu.memory_space<vmem>> -> memref<1x1x256x128xf32, #tpu.memory_space<vmem>>
            %get3A_597 = tpu.memref_squeeze %get3A_596 : memref<1x1x256x128xf32, #tpu.memory_space<vmem>> -> memref<256x128xf32, #tpu.memory_space<vmem>>
            %get3A_598 = arith.index_cast %add3A_587 : i32 to index
            %get3A_599 = arith.constant 32 : index
            %get3A_600 = tpu.vector_load %get3A_597[%get3A_598, %get3A_599] {strides = array<i32>} : memref<256x128xf32, #tpu.memory_space<vmem>>, vector<1x16xf32>,
            %get3A_601 = vector.shape_cast %get3A_600 : vector<1x16xf32> to vector<1x16xf32>
            %abs3A_602 = math.absf %get3A_601 : vector<1x16xf32>
            %gt3A_603 = arith.constant 0.00999999977 : f32
            %gt3A_604 = vector.broadcast %gt3A_603 : f32 to vector<1x16xf32>
            %gt3A_605 = arith.cmpf ogt, %abs3A_602, %gt3A_604 : vector<1x16xf32>
            %jit3A_606 = arith.constant 0x7F800000 : f32
            %broadcast_in_dim3A_607 = vector.broadcast %jit3A_606 : f32 to vector<1x16xf32>
            %select_n3A_608 = arith.select %gt3A_605, %broadcast_in_dim3A_607, %get3A_601 : vector<1x16xi1>, vector<1x16xf32>
            %min3A_609 = arith.minimumf %min3A_573, %select_n3A_608 : vector<1x16xf32>
            %jit3A_610 = arith.constant 0xFF800000 : f32
            %broadcast_in_dim3A_611 = vector.broadcast %jit3A_610 : f32 to vector<1x16xf32>
            %select_n3A_612 = arith.select %gt3A_605, %broadcast_in_dim3A_611, %get3A_601 : vector<1x16xi1>, vector<1x16xf32>
            %max3A_613 = arith.maximumf %max3A_577, %select_n3A_612 : vector<1x16xf32>
            %jit3A_614 = arith.constant 0x7F800000 : f32
            %broadcast_in_dim3A_615 = vector.broadcast %jit3A_614 : f32 to vector<1x16xf32>
            %select_n3A_616 = arith.select %gt3A_605, %get3A_601, %broadcast_in_dim3A_615 : vector<1x16xi1>, vector<1x16xf32>
            %min3A_617 = arith.minimumf %min3A_581, %select_n3A_616 : vector<1x16xf32>
            %jit3A_618 = arith.constant 0xFF800000 : f32
            %broadcast_in_dim3A_619 = vector.broadcast %jit3A_618 : f32 to vector<1x16xf32>
            %select_n3A_620 = arith.select %gt3A_605, %get3A_601, %broadcast_in_dim3A_619 : vector<1x16xi1>, vector<1x16xf32>
            %max3A_621 = arith.maximumf %max3A_585, %select_n3A_620 : vector<1x16xf32>
            %add3A_622 = arith.constant 0 : i32
            %add3A_623 = arith.addi %add3A_501, %add3A_622 : i32
            %get3A_624 = arith.constant 0 : i32
            %get3A_625 = arith.constant 0 : i32
            %get3A_626 = arith.constant 0 : i32
            %get3A_627 = arith.constant 0 : i32
            %get3A_628 = tpu.memref_slice %run_scoped3A[%rem3A_429, %get3A_624, %get3A_625, %get3A_626, %get3A_627] : memref<2x1x1x256x128xf32, #tpu.memory_space<vmem>> -> memref<1x1x1x256x128xf32, #tpu.memory_space<vmem>>
            %get3A_629 = tpu.memref_squeeze %get3A_628 : memref<1x1x1x256x128xf32, #tpu.memory_space<vmem>> -> memref<1x1x256x128xf32, #tpu.memory_space<vmem>>
            %get3A_630 = arith.constant 0 : i32
            %get3A_631 = arith.constant 0 : i32
            %get3A_632 = tpu.memref_slice %get3A_629[%scan3A, %scan3A_430, %get3A_630, %get3A_631] : memref<1x1x256x128xf32, #tpu.memory_space<vmem>> -> memref<1x1x256x128xf32, #tpu.memory_space<vmem>>
            %get3A_633 = tpu.memref_squeeze %get3A_632 : memref<1x1x256x128xf32, #tpu.memory_space<vmem>> -> memref<256x128xf32, #tpu.memory_space<vmem>>
            %get3A_634 = arith.index_cast %add3A_623 : i32 to index
            %get3A_635 = arith.constant 48 : index
            %get3A_636 = tpu.vector_load %get3A_633[%get3A_634, %get3A_635] {strides = array<i32>} : memref<256x128xf32, #tpu.memory_space<vmem>>, vector<1x16xf32>,
            %get3A_637 = vector.shape_cast %get3A_636 : vector<1x16xf32> to vector<1x16xf32>
            %abs3A_638 = math.absf %get3A_637 : vector<1x16xf32>
            %gt3A_639 = arith.constant 0.00999999977 : f32
            %gt3A_640 = vector.broadcast %gt3A_639 : f32 to vector<1x16xf32>
            %gt3A_641 = arith.cmpf ogt, %abs3A_638, %gt3A_640 : vector<1x16xf32>
            %jit3A_642 = arith.constant 0x7F800000 : f32
            %broadcast_in_dim3A_643 = vector.broadcast %jit3A_642 : f32 to vector<1x16xf32>
            %select_n3A_644 = arith.select %gt3A_641, %broadcast_in_dim3A_643, %get3A_637 : vector<1x16xi1>, vector<1x16xf32>
            %min3A_645 = arith.minimumf %min3A_609, %select_n3A_644 : vector<1x16xf32>
            %jit3A_646 = arith.constant 0xFF800000 : f32
            %broadcast_in_dim3A_647 = vector.broadcast %jit3A_646 : f32 to vector<1x16xf32>
            %select_n3A_648 = arith.select %gt3A_641, %broadcast_in_dim3A_647, %get3A_637 : vector<1x16xi1>, vector<1x16xf32>
            %max3A_649 = arith.maximumf %max3A_613, %select_n3A_648 : vector<1x16xf32>
            %jit3A_650 = arith.constant 0x7F800000 : f32
            %broadcast_in_dim3A_651 = vector.broadcast %jit3A_650 : f32 to vector<1x16xf32>
            %select_n3A_652 = arith.select %gt3A_641, %get3A_637, %broadcast_in_dim3A_651 : vector<1x16xi1>, vector<1x16xf32>
            %min3A_653 = arith.minimumf %min3A_617, %select_n3A_652 : vector<1x16xf32>
            %jit3A_654 = arith.constant 0xFF800000 : f32
            %broadcast_in_dim3A_655 = vector.broadcast %jit3A_654 : f32 to vector<1x16xf32>
            %select_n3A_656 = arith.select %gt3A_641, %get3A_637, %broadcast_in_dim3A_655 : vector<1x16xi1>, vector<1x16xf32>
            %max3A_657 = arith.maximumf %max3A_621, %select_n3A_656 : vector<1x16xf32>
            %add3A_658 = arith.constant 0 : i32
            %add3A_659 = arith.addi %add3A_501, %add3A_658 : i32
            %get3A_660 = arith.constant 0 : i32
            %get3A_661 = arith.constant 0 : i32
            %get3A_662 = arith.constant 0 : i32
            %get3A_663 = arith.constant 0 : i32
            %get3A_664 = tpu.memref_slice %run_scoped3A[%rem3A_429, %get3A_660, %get3A_661, %get3A_662, %get3A_663] : memref<2x1x1x256x128xf32, #tpu.memory_space<vmem>> -> memref<1x1x1x256x128xf32, #tpu.memory_space<vmem>>
            %get3A_665 = tpu.memref_squeeze %get3A_664 : memref<1x1x1x256x128xf32, #tpu.memory_space<vmem>> -> memref<1x1x256x128xf32, #tpu.memory_space<vmem>>
            %get3A_666 = arith.constant 0 : i32
            %get3A_667 = arith.constant 0 : i32
            %get3A_668 = tpu.memref_slice %get3A_665[%scan3A, %scan3A_430, %get3A_666, %get3A_667] : memref<1x1x256x128xf32, #tpu.memory_space<vmem>> -> memref<1x1x256x128xf32, #tpu.memory_space<vmem>>
            %get3A_669 = tpu.memref_squeeze %get3A_668 : memref<1x1x256x128xf32, #tpu.memory_space<vmem>> -> memref<256x128xf32, #tpu.memory_space<vmem>>
            %get3A_670 = arith.index_cast %add3A_659 : i32 to index
            %get3A_671 = arith.constant 64 : index
            %get3A_672 = tpu.vector_load %get3A_669[%get3A_670, %get3A_671] {strides = array<i32>} : memref<256x128xf32, #tpu.memory_space<vmem>>, vector<1x16xf32>,
            %get3A_673 = vector.shape_cast %get3A_672 : vector<1x16xf32> to vector<1x16xf32>
            %abs3A_674 = math.absf %get3A_673 : vector<1x16xf32>
            %gt3A_675 = arith.constant 0.00999999977 : f32
            %gt3A_676 = vector.broadcast %gt3A_675 : f32 to vector<1x16xf32>
            %gt3A_677 = arith.cmpf ogt, %abs3A_674, %gt3A_676 : vector<1x16xf32>
            %jit3A_678 = arith.constant 0x7F800000 : f32
            %broadcast_in_dim3A_679 = vector.broadcast %jit3A_678 : f32 to vector<1x16xf32>
            %select_n3A_680 = arith.select %gt3A_677, %broadcast_in_dim3A_679, %get3A_673 : vector<1x16xi1>, vector<1x16xf32>
            %min3A_681 = arith.minimumf %min3A_645, %select_n3A_680 : vector<1x16xf32>
            %jit3A_682 = arith.constant 0xFF800000 : f32
            %broadcast_in_dim3A_683 = vector.broadcast %jit3A_682 : f32 to vector<1x16xf32>
            %select_n3A_684 = arith.select %gt3A_677, %broadcast_in_dim3A_683, %get3A_673 : vector<1x16xi1>, vector<1x16xf32>
            %max3A_685 = arith.maximumf %max3A_649, %select_n3A_684 : vector<1x16xf32>
            %jit3A_686 = arith.constant 0x7F800000 : f32
            %broadcast_in_dim3A_687 = vector.broadcast %jit3A_686 : f32 to vector<1x16xf32>
            %select_n3A_688 = arith.select %gt3A_677, %get3A_673, %broadcast_in_dim3A_687 : vector<1x16xi1>, vector<1x16xf32>
            %min3A_689 = arith.minimumf %min3A_653, %select_n3A_688 : vector<1x16xf32>
            %jit3A_690 = arith.constant 0xFF800000 : f32
            %broadcast_in_dim3A_691 = vector.broadcast %jit3A_690 : f32 to vector<1x16xf32>
            %select_n3A_692 = arith.select %gt3A_677, %get3A_673, %broadcast_in_dim3A_691 : vector<1x16xi1>, vector<1x16xf32>
            %max3A_693 = arith.maximumf %max3A_657, %select_n3A_692 : vector<1x16xf32>
            %add3A_694 = arith.constant 0 : i32
            %add3A_695 = arith.addi %add3A_501, %add3A_694 : i32
            %get3A_696 = arith.constant 0 : i32
            %get3A_697 = arith.constant 0 : i32
            %get3A_698 = arith.constant 0 : i32
            %get3A_699 = arith.constant 0 : i32
            %get3A_700 = tpu.memref_slice %run_scoped3A[%rem3A_429, %get3A_696, %get3A_697, %get3A_698, %get3A_699] : memref<2x1x1x256x128xf32, #tpu.memory_space<vmem>> -> memref<1x1x1x256x128xf32, #tpu.memory_space<vmem>>
            %get3A_701 = tpu.memref_squeeze %get3A_700 : memref<1x1x1x256x128xf32, #tpu.memory_space<vmem>> -> memref<1x1x256x128xf32, #tpu.memory_space<vmem>>
            %get3A_702 = arith.constant 0 : i32
            %get3A_703 = arith.constant 0 : i32
            %get3A_704 = tpu.memref_slice %get3A_701[%scan3A, %scan3A_430, %get3A_702, %get3A_703] : memref<1x1x256x128xf32, #tpu.memory_space<vmem>> -> memref<1x1x256x128xf32, #tpu.memory_space<vmem>>
            %get3A_705 = tpu.memref_squeeze %get3A_704 : memref<1x1x256x128xf32, #tpu.memory_space<vmem>> -> memref<256x128xf32, #tpu.memory_space<vmem>>
            %get3A_706 = arith.index_cast %add3A_695 : i32 to index
            %get3A_707 = arith.constant 80 : index
            %get3A_708 = tpu.vector_load %get3A_705[%get3A_706, %get3A_707] {strides = array<i32>} : memref<256x128xf32, #tpu.memory_space<vmem>>, vector<1x16xf32>,
            %get3A_709 = vector.shape_cast %get3A_708 : vector<1x16xf32> to vector<1x16xf32>
            %abs3A_710 = math.absf %get3A_709 : vector<1x16xf32>
            %gt3A_711 = arith.constant 0.00999999977 : f32
            %gt3A_712 = vector.broadcast %gt3A_711 : f32 to vector<1x16xf32>
            %gt3A_713 = arith.cmpf ogt, %abs3A_710, %gt3A_712 : vector<1x16xf32>
            %jit3A_714 = arith.constant 0x7F800000 : f32
            %broadcast_in_dim3A_715 = vector.broadcast %jit3A_714 : f32 to vector<1x16xf32>
            %select_n3A_716 = arith.select %gt3A_713, %broadcast_in_dim3A_715, %get3A_709 : vector<1x16xi1>, vector<1x16xf32>
            %min3A_717 = arith.minimumf %min3A_681, %select_n3A_716 : vector<1x16xf32>
            %jit3A_718 = arith.constant 0xFF800000 : f32
            %broadcast_in_dim3A_719 = vector.broadcast %jit3A_718 : f32 to vector<1x16xf32>
            %select_n3A_720 = arith.select %gt3A_713, %broadcast_in_dim3A_719, %get3A_709 : vector<1x16xi1>, vector<1x16xf32>
            %max3A_721 = arith.maximumf %max3A_685, %select_n3A_720 : vector<1x16xf32>
            %jit3A_722 = arith.constant 0x7F800000 : f32
            %broadcast_in_dim3A_723 = vector.broadcast %jit3A_722 : f32 to vector<1x16xf32>
            %select_n3A_724 = arith.select %gt3A_713, %get3A_709, %broadcast_in_dim3A_723 : vector<1x16xi1>, vector<1x16xf32>
            %min3A_725 = arith.minimumf %min3A_689, %select_n3A_724 : vector<1x16xf32>
            %jit3A_726 = arith.constant 0xFF800000 : f32
            %broadcast_in_dim3A_727 = vector.broadcast %jit3A_726 : f32 to vector<1x16xf32>
            %select_n3A_728 = arith.select %gt3A_713, %get3A_709, %broadcast_in_dim3A_727 : vector<1x16xi1>, vector<1x16xf32>
            %max3A_729 = arith.maximumf %max3A_693, %select_n3A_728 : vector<1x16xf32>
            %add3A_730 = arith.constant 0 : i32
            %add3A_731 = arith.addi %add3A_501, %add3A_730 : i32
            %get3A_732 = arith.constant 0 : i32
            %get3A_733 = arith.constant 0 : i32
            %get3A_734 = arith.constant 0 : i32
            %get3A_735 = arith.constant 0 : i32
            %get3A_736 = tpu.memref_slice %run_scoped3A[%rem3A_429, %get3A_732, %get3A_733, %get3A_734, %get3A_735] : memref<2x1x1x256x128xf32, #tpu.memory_space<vmem>> -> memref<1x1x1x256x128xf32, #tpu.memory_space<vmem>>
            %get3A_737 = tpu.memref_squeeze %get3A_736 : memref<1x1x1x256x128xf32, #tpu.memory_space<vmem>> -> memref<1x1x256x128xf32, #tpu.memory_space<vmem>>
            %get3A_738 = arith.constant 0 : i32
            %get3A_739 = arith.constant 0 : i32
            %get3A_740 = tpu.memref_slice %get3A_737[%scan3A, %scan3A_430, %get3A_738, %get3A_739] : memref<1x1x256x128xf32, #tpu.memory_space<vmem>> -> memref<1x1x256x128xf32, #tpu.memory_space<vmem>>
            %get3A_741 = tpu.memref_squeeze %get3A_740 : memref<1x1x256x128xf32, #tpu.memory_space<vmem>> -> memref<256x128xf32, #tpu.memory_space<vmem>>
            %get3A_742 = arith.index_cast %add3A_731 : i32 to index
            %get3A_743 = arith.constant 96 : index
            %get3A_744 = tpu.vector_load %get3A_741[%get3A_742, %get3A_743] {strides = array<i32>} : memref<256x128xf32, #tpu.memory_space<vmem>>, vector<1x16xf32>,
            %get3A_745 = vector.shape_cast %get3A_744 : vector<1x16xf32> to vector<1x16xf32>
            %abs3A_746 = math.absf %get3A_745 : vector<1x16xf32>
            %gt3A_747 = arith.constant 0.00999999977 : f32
            %gt3A_748 = vector.broadcast %gt3A_747 : f32 to vector<1x16xf32>
            %gt3A_749 = arith.cmpf ogt, %abs3A_746, %gt3A_748 : vector<1x16xf32>
            %jit3A_750 = arith.constant 0x7F800000 : f32
            %broadcast_in_dim3A_751 = vector.broadcast %jit3A_750 : f32 to vector<1x16xf32>
            %select_n3A_752 = arith.select %gt3A_749, %broadcast_in_dim3A_751, %get3A_745 : vector<1x16xi1>, vector<1x16xf32>
            %min3A_753 = arith.minimumf %min3A_717, %select_n3A_752 : vector<1x16xf32>
            %jit3A_754 = arith.constant 0xFF800000 : f32
            %broadcast_in_dim3A_755 = vector.broadcast %jit3A_754 : f32 to vector<1x16xf32>
            %select_n3A_756 = arith.select %gt3A_749, %broadcast_in_dim3A_755, %get3A_745 : vector<1x16xi1>, vector<1x16xf32>
            %max3A_757 = arith.maximumf %max3A_721, %select_n3A_756 : vector<1x16xf32>
            %jit3A_758 = arith.constant 0x7F800000 : f32
            %broadcast_in_dim3A_759 = vector.broadcast %jit3A_758 : f32 to vector<1x16xf32>
            %select_n3A_760 = arith.select %gt3A_749, %get3A_745, %broadcast_in_dim3A_759 : vector<1x16xi1>, vector<1x16xf32>
            %min3A_761 = arith.minimumf %min3A_725, %select_n3A_760 : vector<1x16xf32>
            %jit3A_762 = arith.constant 0xFF800000 : f32
            %broadcast_in_dim3A_763 = vector.broadcast %jit3A_762 : f32 to vector<1x16xf32>
            %select_n3A_764 = arith.select %gt3A_749, %get3A_745, %broadcast_in_dim3A_763 : vector<1x16xi1>, vector<1x16xf32>
            %max3A_765 = arith.maximumf %max3A_729, %select_n3A_764 : vector<1x16xf32>
            %add3A_766 = arith.constant 0 : i32
            %add3A_767 = arith.addi %add3A_501, %add3A_766 : i32
            %get3A_768 = arith.constant 0 : i32
            %get3A_769 = arith.constant 0 : i32
            %get3A_770 = arith.constant 0 : i32
            %get3A_771 = arith.constant 0 : i32
            %get3A_772 = tpu.memref_slice %run_scoped3A[%rem3A_429, %get3A_768, %get3A_769, %get3A_770, %get3A_771] : memref<2x1x1x256x128xf32, #tpu.memory_space<vmem>> -> memref<1x1x1x256x128xf32, #tpu.memory_space<vmem>>
            %get3A_773 = tpu.memref_squeeze %get3A_772 : memref<1x1x1x256x128xf32, #tpu.memory_space<vmem>> -> memref<1x1x256x128xf32, #tpu.memory_space<vmem>>
            %get3A_774 = arith.constant 0 : i32
            %get3A_775 = arith.constant 0 : i32
            %get3A_776 = tpu.memref_slice %get3A_773[%scan3A, %scan3A_430, %get3A_774, %get3A_775] : memref<1x1x256x128xf32, #tpu.memory_space<vmem>> -> memref<1x1x256x128xf32, #tpu.memory_space<vmem>>
            %get3A_777 = tpu.memref_squeeze %get3A_776 : memref<1x1x256x128xf32, #tpu.memory_space<vmem>> -> memref<256x128xf32, #tpu.memory_space<vmem>>
            %get3A_778 = arith.index_cast %add3A_767 : i32 to index
            %get3A_779 = arith.constant 112 : index
            %get3A_780 = tpu.vector_load %get3A_777[%get3A_778, %get3A_779] {strides = array<i32>} : memref<256x128xf32, #tpu.memory_space<vmem>>, vector<1x16xf32>,
            %get3A_781 = vector.shape_cast %get3A_780 : vector<1x16xf32> to vector<1x16xf32>
            %abs3A_782 = math.absf %get3A_781 : vector<1x16xf32>
            %gt3A_783 = arith.constant 0.00999999977 : f32
            %gt3A_784 = vector.broadcast %gt3A_783 : f32 to vector<1x16xf32>
            %gt3A_785 = arith.cmpf ogt, %abs3A_782, %gt3A_784 : vector<1x16xf32>
            %jit3A_786 = arith.constant 0x7F800000 : f32
            %broadcast_in_dim3A_787 = vector.broadcast %jit3A_786 : f32 to vector<1x16xf32>
            %select_n3A_788 = arith.select %gt3A_785, %broadcast_in_dim3A_787, %get3A_781 : vector<1x16xi1>, vector<1x16xf32>
            %min3A_789 = arith.minimumf %min3A_753, %select_n3A_788 : vector<1x16xf32>
            %jit3A_790 = arith.constant 0xFF800000 : f32
            %broadcast_in_dim3A_791 = vector.broadcast %jit3A_790 : f32 to vector<1x16xf32>
            %select_n3A_792 = arith.select %gt3A_785, %broadcast_in_dim3A_791, %get3A_781 : vector<1x16xi1>, vector<1x16xf32>
            %max3A_793 = arith.maximumf %max3A_757, %select_n3A_792 : vector<1x16xf32>
            %jit3A_794 = arith.constant 0x7F800000 : f32
            %broadcast_in_dim3A_795 = vector.broadcast %jit3A_794 : f32 to vector<1x16xf32>
            %select_n3A_796 = arith.select %gt3A_785, %get3A_781, %broadcast_in_dim3A_795 : vector<1x16xi1>, vector<1x16xf32>
            %min3A_797 = arith.minimumf %min3A_761, %select_n3A_796 : vector<1x16xf32>
            %jit3A_798 = arith.constant 0xFF800000 : f32
            %broadcast_in_dim3A_799 = vector.broadcast %jit3A_798 : f32 to vector<1x16xf32>
            %select_n3A_800 = arith.select %gt3A_785, %get3A_781, %broadcast_in_dim3A_799 : vector<1x16xi1>, vector<1x16xf32>
            %max3A_801 = arith.maximumf %max3A_765, %select_n3A_800 : vector<1x16xf32>
            %add3A_802 = arith.constant 1 : i32
            %add3A_803 = arith.addi %add3A_501, %add3A_802 : i32
            %get3A_804 = arith.constant 0 : i32
            %get3A_805 = arith.constant 0 : i32
            %get3A_806 = arith.constant 0 : i32
            %get3A_807 = arith.constant 0 : i32
            %get3A_808 = tpu.memref_slice %run_scoped3A[%rem3A_429, %get3A_804, %get3A_805, %get3A_806, %get3A_807] : memref<2x1x1x256x128xf32, #tpu.memory_space<vmem>> -> memref<1x1x1x256x128xf32, #tpu.memory_space<vmem>>
            %get3A_809 = tpu.memref_squeeze %get3A_808 : memref<1x1x1x256x128xf32, #tpu.memory_space<vmem>> -> memref<1x1x256x128xf32, #tpu.memory_space<vmem>>
            %get3A_810 = arith.constant 0 : i32
            %get3A_811 = arith.constant 0 : i32
            %get3A_812 = tpu.memref_slice %get3A_809[%scan3A, %scan3A_430, %get3A_810, %get3A_811] : memref<1x1x256x128xf32, #tpu.memory_space<vmem>> -> memref<1x1x256x128xf32, #tpu.memory_space<vmem>>
            %get3A_813 = tpu.memref_squeeze %get3A_812 : memref<1x1x256x128xf32, #tpu.memory_space<vmem>> -> memref<256x128xf32, #tpu.memory_space<vmem>>
            %get3A_814 = arith.index_cast %add3A_803 : i32 to index
            %get3A_815 = arith.constant 0 : index
            %get3A_816 = tpu.vector_load %get3A_813[%get3A_814, %get3A_815] {strides = array<i32>} : memref<256x128xf32, #tpu.memory_space<vmem>>, vector<1x16xf32>,
            %get3A_817 = vector.shape_cast %get3A_816 : vector<1x16xf32> to vector<1x16xf32>
            %abs3A_818 = math.absf %get3A_817 : vector<1x16xf32>
            %gt3A_819 = arith.constant 0.00999999977 : f32
            %gt3A_820 = vector.broadcast %gt3A_819 : f32 to vector<1x16xf32>
            %gt3A_821 = arith.cmpf ogt, %abs3A_818, %gt3A_820 : vector<1x16xf32>
            %jit3A_822 = arith.constant 0x7F800000 : f32
            %broadcast_in_dim3A_823 = vector.broadcast %jit3A_822 : f32 to vector<1x16xf32>
            %select_n3A_824 = arith.select %gt3A_821, %broadcast_in_dim3A_823, %get3A_817 : vector<1x16xi1>, vector<1x16xf32>
            %min3A_825 = arith.minimumf %min3A_789, %select_n3A_824 : vector<1x16xf32>
            %jit3A_826 = arith.constant 0xFF800000 : f32
            %broadcast_in_dim3A_827 = vector.broadcast %jit3A_826 : f32 to vector<1x16xf32>
            %select_n3A_828 = arith.select %gt3A_821, %broadcast_in_dim3A_827, %get3A_817 : vector<1x16xi1>, vector<1x16xf32>
            %max3A_829 = arith.maximumf %max3A_793, %select_n3A_828 : vector<1x16xf32>
            %jit3A_830 = arith.constant 0x7F800000 : f32
            %broadcast_in_dim3A_831 = vector.broadcast %jit3A_830 : f32 to vector<1x16xf32>
            %select_n3A_832 = arith.select %gt3A_821, %get3A_817, %broadcast_in_dim3A_831 : vector<1x16xi1>, vector<1x16xf32>
            %min3A_833 = arith.minimumf %min3A_797, %select_n3A_832 : vector<1x16xf32>
            %jit3A_834 = arith.constant 0xFF800000 : f32
            %broadcast_in_dim3A_835 = vector.broadcast %jit3A_834 : f32 to vector<1x16xf32>
            %select_n3A_836 = arith.select %gt3A_821, %get3A_817, %broadcast_in_dim3A_835 : vector<1x16xi1>, vector<1x16xf32>
            %max3A_837 = arith.maximumf %max3A_801, %select_n3A_836 : vector<1x16xf32>
            %add3A_838 = arith.constant 1 : i32
            %add3A_839 = arith.addi %add3A_501, %add3A_838 : i32
            %get3A_840 = arith.constant 0 : i32
            %get3A_841 = arith.constant 0 : i32
            %get3A_842 = arith.constant 0 : i32
            %get3A_843 = arith.constant 0 : i32
            %get3A_844 = tpu.memref_slice %run_scoped3A[%rem3A_429, %get3A_840, %get3A_841, %get3A_842, %get3A_843] : memref<2x1x1x256x128xf32, #tpu.memory_space<vmem>> -> memref<1x1x1x256x128xf32, #tpu.memory_space<vmem>>
            %get3A_845 = tpu.memref_squeeze %get3A_844 : memref<1x1x1x256x128xf32, #tpu.memory_space<vmem>> -> memref<1x1x256x128xf32, #tpu.memory_space<vmem>>
            %get3A_846 = arith.constant 0 : i32
            %get3A_847 = arith.constant 0 : i32
            %get3A_848 = tpu.memref_slice %get3A_845[%scan3A, %scan3A_430, %get3A_846, %get3A_847] : memref<1x1x256x128xf32, #tpu.memory_space<vmem>> -> memref<1x1x256x128xf32, #tpu.memory_space<vmem>>
            %get3A_849 = tpu.memref_squeeze %get3A_848 : memref<1x1x256x128xf32, #tpu.memory_space<vmem>> -> memref<256x128xf32, #tpu.memory_space<vmem>>
            %get3A_850 = arith.index_cast %add3A_839 : i32 to index
            %get3A_851 = arith.constant 16 : index
            %get3A_852 = tpu.vector_load %get3A_849[%get3A_850, %get3A_851] {strides = array<i32>} : memref<256x128xf32, #tpu.memory_space<vmem>>, vector<1x16xf32>,
            %get3A_853 = vector.shape_cast %get3A_852 : vector<1x16xf32> to vector<1x16xf32>
            %abs3A_854 = math.absf %get3A_853 : vector<1x16xf32>
            %gt3A_855 = arith.constant 0.00999999977 : f32
            %gt3A_856 = vector.broadcast %gt3A_855 : f32 to vector<1x16xf32>
            %gt3A_857 = arith.cmpf ogt, %abs3A_854, %gt3A_856 : vector<1x16xf32>
            %jit3A_858 = arith.constant 0x7F800000 : f32
            %broadcast_in_dim3A_859 = vector.broadcast %jit3A_858 : f32 to vector<1x16xf32>
            %select_n3A_860 = arith.select %gt3A_857, %broadcast_in_dim3A_859, %get3A_853 : vector<1x16xi1>, vector<1x16xf32>
            %min3A_861 = arith.minimumf %min3A_825, %select_n3A_860 : vector<1x16xf32>
            %jit3A_862 = arith.constant 0xFF800000 : f32
            %broadcast_in_dim3A_863 = vector.broadcast %jit3A_862 : f32 to vector<1x16xf32>
            %select_n3A_864 = arith.select %gt3A_857, %broadcast_in_dim3A_863, %get3A_853 : vector<1x16xi1>, vector<1x16xf32>
            %max3A_865 = arith.maximumf %max3A_829, %select_n3A_864 : vector<1x16xf32>
            %jit3A_866 = arith.constant 0x7F800000 : f32
            %broadcast_in_dim3A_867 = vector.broadcast %jit3A_866 : f32 to vector<1x16xf32>
            %select_n3A_868 = arith.select %gt3A_857, %get3A_853, %broadcast_in_dim3A_867 : vector<1x16xi1>, vector<1x16xf32>
            %min3A_869 = arith.minimumf %min3A_833, %select_n3A_868 : vector<1x16xf32>
            %jit3A_870 = arith.constant 0xFF800000 : f32
            %broadcast_in_dim3A_871 = vector.broadcast %jit3A_870 : f32 to vector<1x16xf32>
            %select_n3A_872 = arith.select %gt3A_857, %get3A_853, %broadcast_in_dim3A_871 : vector<1x16xi1>, vector<1x16xf32>
            %max3A_873 = arith.maximumf %max3A_837, %select_n3A_872 : vector<1x16xf32>
            %add3A_874 = arith.constant 1 : i32
            %add3A_875 = arith.addi %add3A_501, %add3A_874 : i32
            %get3A_876 = arith.constant 0 : i32
            %get3A_877 = arith.constant 0 : i32
            %get3A_878 = arith.constant 0 : i32
            %get3A_879 = arith.constant 0 : i32
            %get3A_880 = tpu.memref_slice %run_scoped3A[%rem3A_429, %get3A_876, %get3A_877, %get3A_878, %get3A_879] : memref<2x1x1x256x128xf32, #tpu.memory_space<vmem>> -> memref<1x1x1x256x128xf32, #tpu.memory_space<vmem>>
            %get3A_881 = tpu.memref_squeeze %get3A_880 : memref<1x1x1x256x128xf32, #tpu.memory_space<vmem>> -> memref<1x1x256x128xf32, #tpu.memory_space<vmem>>
            %get3A_882 = arith.constant 0 : i32
            %get3A_883 = arith.constant 0 : i32
            %get3A_884 = tpu.memref_slice %get3A_881[%scan3A, %scan3A_430, %get3A_882, %get3A_883] : memref<1x1x256x128xf32, #tpu.memory_space<vmem>> -> memref<1x1x256x128xf32, #tpu.memory_space<vmem>>
            %get3A_885 = tpu.memref_squeeze %get3A_884 : memref<1x1x256x128xf32, #tpu.memory_space<vmem>> -> memref<256x128xf32, #tpu.memory_space<vmem>>
            %get3A_886 = arith.index_cast %add3A_875 : i32 to index
            %get3A_887 = arith.constant 32 : index
            %get3A_888 = tpu.vector_load %get3A_885[%get3A_886, %get3A_887] {strides = array<i32>} : memref<256x128xf32, #tpu.memory_space<vmem>>, vector<1x16xf32>,
            %get3A_889 = vector.shape_cast %get3A_888 : vector<1x16xf32> to vector<1x16xf32>
            %abs3A_890 = math.absf %get3A_889 : vector<1x16xf32>
            %gt3A_891 = arith.constant 0.00999999977 : f32
            %gt3A_892 = vector.broadcast %gt3A_891 : f32 to vector<1x16xf32>
            %gt3A_893 = arith.cmpf ogt, %abs3A_890, %gt3A_892 : vector<1x16xf32>
            %jit3A_894 = arith.constant 0x7F800000 : f32
            %broadcast_in_dim3A_895 = vector.broadcast %jit3A_894 : f32 to vector<1x16xf32>
            %select_n3A_896 = arith.select %gt3A_893, %broadcast_in_dim3A_895, %get3A_889 : vector<1x16xi1>, vector<1x16xf32>
            %min3A_897 = arith.minimumf %min3A_861, %select_n3A_896 : vector<1x16xf32>
            %jit3A_898 = arith.constant 0xFF800000 : f32
            %broadcast_in_dim3A_899 = vector.broadcast %jit3A_898 : f32 to vector<1x16xf32>
            %select_n3A_900 = arith.select %gt3A_893, %broadcast_in_dim3A_899, %get3A_889 : vector<1x16xi1>, vector<1x16xf32>
            %max3A_901 = arith.maximumf %max3A_865, %select_n3A_900 : vector<1x16xf32>
            %jit3A_902 = arith.constant 0x7F800000 : f32
            %broadcast_in_dim3A_903 = vector.broadcast %jit3A_902 : f32 to vector<1x16xf32>
            %select_n3A_904 = arith.select %gt3A_893, %get3A_889, %broadcast_in_dim3A_903 : vector<1x16xi1>, vector<1x16xf32>
            %min3A_905 = arith.minimumf %min3A_869, %select_n3A_904 : vector<1x16xf32>
            %jit3A_906 = arith.constant 0xFF800000 : f32
            %broadcast_in_dim3A_907 = vector.broadcast %jit3A_906 : f32 to vector<1x16xf32>
            %select_n3A_908 = arith.select %gt3A_893, %get3A_889, %broadcast_in_dim3A_907 : vector<1x16xi1>, vector<1x16xf32>
            %max3A_909 = arith.maximumf %max3A_873, %select_n3A_908 : vector<1x16xf32>
            %add3A_910 = arith.constant 1 : i32
            %add3A_911 = arith.addi %add3A_501, %add3A_910 : i32
            %get3A_912 = arith.constant 0 : i32
            %get3A_913 = arith.constant 0 : i32
            %get3A_914 = arith.constant 0 : i32
            %get3A_915 = arith.constant 0 : i32
            %get3A_916 = tpu.memref_slice %run_scoped3A[%rem3A_429, %get3A_912, %get3A_913, %get3A_914, %get3A_915] : memref<2x1x1x256x128xf32, #tpu.memory_space<vmem>> -> memref<1x1x1x256x128xf32, #tpu.memory_space<vmem>>
            %get3A_917 = tpu.memref_squeeze %get3A_916 : memref<1x1x1x256x128xf32, #tpu.memory_space<vmem>> -> memref<1x1x256x128xf32, #tpu.memory_space<vmem>>
            %get3A_918 = arith.constant 0 : i32
            %get3A_919 = arith.constant 0 : i32
            %get3A_920 = tpu.memref_slice %get3A_917[%scan3A, %scan3A_430, %get3A_918, %get3A_919] : memref<1x1x256x128xf32, #tpu.memory_space<vmem>> -> memref<1x1x256x128xf32, #tpu.memory_space<vmem>>
            %get3A_921 = tpu.memref_squeeze %get3A_920 : memref<1x1x256x128xf32, #tpu.memory_space<vmem>> -> memref<256x128xf32, #tpu.memory_space<vmem>>
            %get3A_922 = arith.index_cast %add3A_911 : i32 to index
            %get3A_923 = arith.constant 48 : index
            %get3A_924 = tpu.vector_load %get3A_921[%get3A_922, %get3A_923] {strides = array<i32>} : memref<256x128xf32, #tpu.memory_space<vmem>>, vector<1x16xf32>,
            %get3A_925 = vector.shape_cast %get3A_924 : vector<1x16xf32> to vector<1x16xf32>
            %abs3A_926 = math.absf %get3A_925 : vector<1x16xf32>
            %gt3A_927 = arith.constant 0.00999999977 : f32
            %gt3A_928 = vector.broadcast %gt3A_927 : f32 to vector<1x16xf32>
            %gt3A_929 = arith.cmpf ogt, %abs3A_926, %gt3A_928 : vector<1x16xf32>
            %jit3A_930 = arith.constant 0x7F800000 : f32
            %broadcast_in_dim3A_931 = vector.broadcast %jit3A_930 : f32 to vector<1x16xf32>
            %select_n3A_932 = arith.select %gt3A_929, %broadcast_in_dim3A_931, %get3A_925 : vector<1x16xi1>, vector<1x16xf32>
            %min3A_933 = arith.minimumf %min3A_897, %select_n3A_932 : vector<1x16xf32>
            %jit3A_934 = arith.constant 0xFF800000 : f32
            %broadcast_in_dim3A_935 = vector.broadcast %jit3A_934 : f32 to vector<1x16xf32>
            %select_n3A_936 = arith.select %gt3A_929, %broadcast_in_dim3A_935, %get3A_925 : vector<1x16xi1>, vector<1x16xf32>
            %max3A_937 = arith.maximumf %max3A_901, %select_n3A_936 : vector<1x16xf32>
            %jit3A_938 = arith.constant 0x7F800000 : f32
            %broadcast_in_dim3A_939 = vector.broadcast %jit3A_938 : f32 to vector<1x16xf32>
            %select_n3A_940 = arith.select %gt3A_929, %get3A_925, %broadcast_in_dim3A_939 : vector<1x16xi1>, vector<1x16xf32>
            %min3A_941 = arith.minimumf %min3A_905, %select_n3A_940 : vector<1x16xf32>
            %jit3A_942 = arith.constant 0xFF800000 : f32
            %broadcast_in_dim3A_943 = vector.broadcast %jit3A_942 : f32 to vector<1x16xf32>
            %select_n3A_944 = arith.select %gt3A_929, %get3A_925, %broadcast_in_dim3A_943 : vector<1x16xi1>, vector<1x16xf32>
            %max3A_945 = arith.maximumf %max3A_909, %select_n3A_944 : vector<1x16xf32>
            %add3A_946 = arith.constant 1 : i32
            %add3A_947 = arith.addi %add3A_501, %add3A_946 : i32
            %get3A_948 = arith.constant 0 : i32
            %get3A_949 = arith.constant 0 : i32
            %get3A_950 = arith.constant 0 : i32
            %get3A_951 = arith.constant 0 : i32
            %get3A_952 = tpu.memref_slice %run_scoped3A[%rem3A_429, %get3A_948, %get3A_949, %get3A_950, %get3A_951] : memref<2x1x1x256x128xf32, #tpu.memory_space<vmem>> -> memref<1x1x1x256x128xf32, #tpu.memory_space<vmem>>
            %get3A_953 = tpu.memref_squeeze %get3A_952 : memref<1x1x1x256x128xf32, #tpu.memory_space<vmem>> -> memref<1x1x256x128xf32, #tpu.memory_space<vmem>>
            %get3A_954 = arith.constant 0 : i32
            %get3A_955 = arith.constant 0 : i32
            %get3A_956 = tpu.memref_slice %get3A_953[%scan3A, %scan3A_430, %get3A_954, %get3A_955] : memref<1x1x256x128xf32, #tpu.memory_space<vmem>> -> memref<1x1x256x128xf32, #tpu.memory_space<vmem>>
            %get3A_957 = tpu.memref_squeeze %get3A_956 : memref<1x1x256x128xf32, #tpu.memory_space<vmem>> -> memref<256x128xf32, #tpu.memory_space<vmem>>
            %get3A_958 = arith.index_cast %add3A_947 : i32 to index
            %get3A_959 = arith.constant 64 : index
            %get3A_960 = tpu.vector_load %get3A_957[%get3A_958, %get3A_959] {strides = array<i32>} : memref<256x128xf32, #tpu.memory_space<vmem>>, vector<1x16xf32>,
            %get3A_961 = vector.shape_cast %get3A_960 : vector<1x16xf32> to vector<1x16xf32>
            %abs3A_962 = math.absf %get3A_961 : vector<1x16xf32>
            %gt3A_963 = arith.constant 0.00999999977 : f32
            %gt3A_964 = vector.broadcast %gt3A_963 : f32 to vector<1x16xf32>
            %gt3A_965 = arith.cmpf ogt, %abs3A_962, %gt3A_964 : vector<1x16xf32>
            %jit3A_966 = arith.constant 0x7F800000 : f32
            %broadcast_in_dim3A_967 = vector.broadcast %jit3A_966 : f32 to vector<1x16xf32>
            %select_n3A_968 = arith.select %gt3A_965, %broadcast_in_dim3A_967, %get3A_961 : vector<1x16xi1>, vector<1x16xf32>
            %min3A_969 = arith.minimumf %min3A_933, %select_n3A_968 : vector<1x16xf32>
            %jit3A_970 = arith.constant 0xFF800000 : f32
            %broadcast_in_dim3A_971 = vector.broadcast %jit3A_970 : f32 to vector<1x16xf32>
            %select_n3A_972 = arith.select %gt3A_965, %broadcast_in_dim3A_971, %get3A_961 : vector<1x16xi1>, vector<1x16xf32>
            %max3A_973 = arith.maximumf %max3A_937, %select_n3A_972 : vector<1x16xf32>
            %jit3A_974 = arith.constant 0x7F800000 : f32
            %broadcast_in_dim3A_975 = vector.broadcast %jit3A_974 : f32 to vector<1x16xf32>
            %select_n3A_976 = arith.select %gt3A_965, %get3A_961, %broadcast_in_dim3A_975 : vector<1x16xi1>, vector<1x16xf32>
            %min3A_977 = arith.minimumf %min3A_941, %select_n3A_976 : vector<1x16xf32>
            %jit3A_978 = arith.constant 0xFF800000 : f32
            %broadcast_in_dim3A_979 = vector.broadcast %jit3A_978 : f32 to vector<1x16xf32>
            %select_n3A_980 = arith.select %gt3A_965, %get3A_961, %broadcast_in_dim3A_979 : vector<1x16xi1>, vector<1x16xf32>
            %max3A_981 = arith.maximumf %max3A_945, %select_n3A_980 : vector<1x16xf32>
            %add3A_982 = arith.constant 1 : i32
            %add3A_983 = arith.addi %add3A_501, %add3A_982 : i32
            %get3A_984 = arith.constant 0 : i32
            %get3A_985 = arith.constant 0 : i32
            %get3A_986 = arith.constant 0 : i32
            %get3A_987 = arith.constant 0 : i32
            %get3A_988 = tpu.memref_slice %run_scoped3A[%rem3A_429, %get3A_984, %get3A_985, %get3A_986, %get3A_987] : memref<2x1x1x256x128xf32, #tpu.memory_space<vmem>> -> memref<1x1x1x256x128xf32, #tpu.memory_space<vmem>>
            %get3A_989 = tpu.memref_squeeze %get3A_988 : memref<1x1x1x256x128xf32, #tpu.memory_space<vmem>> -> memref<1x1x256x128xf32, #tpu.memory_space<vmem>>
            %get3A_990 = arith.constant 0 : i32
            %get3A_991 = arith.constant 0 : i32
            %get3A_992 = tpu.memref_slice %get3A_989[%scan3A, %scan3A_430, %get3A_990, %get3A_991] : memref<1x1x256x128xf32, #tpu.memory_space<vmem>> -> memref<1x1x256x128xf32, #tpu.memory_space<vmem>>
            %get3A_993 = tpu.memref_squeeze %get3A_992 : memref<1x1x256x128xf32, #tpu.memory_space<vmem>> -> memref<256x128xf32, #tpu.memory_space<vmem>>
            %get3A_994 = arith.index_cast %add3A_983 : i32 to index
            %get3A_995 = arith.constant 80 : index
            %get3A_996 = tpu.vector_load %get3A_993[%get3A_994, %get3A_995] {strides = array<i32>} : memref<256x128xf32, #tpu.memory_space<vmem>>, vector<1x16xf32>,
            %get3A_997 = vector.shape_cast %get3A_996 : vector<1x16xf32> to vector<1x16xf32>
            %abs3A_998 = math.absf %get3A_997 : vector<1x16xf32>
            %gt3A_999 = arith.constant 0.00999999977 : f32
            %gt3A_1000 = vector.broadcast %gt3A_999 : f32 to vector<1x16xf32>
            %gt3A_1001 = arith.cmpf ogt, %abs3A_998, %gt3A_1000 : vector<1x16xf32>
            %jit3A_1002 = arith.constant 0x7F800000 : f32
            %broadcast_in_dim3A_1003 = vector.broadcast %jit3A_1002 : f32 to vector<1x16xf32>
            %select_n3A_1004 = arith.select %gt3A_1001, %broadcast_in_dim3A_1003, %get3A_997 : vector<1x16xi1>, vector<1x16xf32>
            %min3A_1005 = arith.minimumf %min3A_969, %select_n3A_1004 : vector<1x16xf32>
            %jit3A_1006 = arith.constant 0xFF800000 : f32
            %broadcast_in_dim3A_1007 = vector.broadcast %jit3A_1006 : f32 to vector<1x16xf32>
            %select_n3A_1008 = arith.select %gt3A_1001, %broadcast_in_dim3A_1007, %get3A_997 : vector<1x16xi1>, vector<1x16xf32>
            %max3A_1009 = arith.maximumf %max3A_973, %select_n3A_1008 : vector<1x16xf32>
            %jit3A_1010 = arith.constant 0x7F800000 : f32
            %broadcast_in_dim3A_1011 = vector.broadcast %jit3A_1010 : f32 to vector<1x16xf32>
            %select_n3A_1012 = arith.select %gt3A_1001, %get3A_997, %broadcast_in_dim3A_1011 : vector<1x16xi1>, vector<1x16xf32>
            %min3A_1013 = arith.minimumf %min3A_977, %select_n3A_1012 : vector<1x16xf32>
            %jit3A_1014 = arith.constant 0xFF800000 : f32
            %broadcast_in_dim3A_1015 = vector.broadcast %jit3A_1014 : f32 to vector<1x16xf32>
            %select_n3A_1016 = arith.select %gt3A_1001, %get3A_997, %broadcast_in_dim3A_1015 : vector<1x16xi1>, vector<1x16xf32>
            %max3A_1017 = arith.maximumf %max3A_981, %select_n3A_1016 : vector<1x16xf32>
            %add3A_1018 = arith.constant 1 : i32
            %add3A_1019 = arith.addi %add3A_501, %add3A_1018 : i32
            %get3A_1020 = arith.constant 0 : i32
            %get3A_1021 = arith.constant 0 : i32
            %get3A_1022 = arith.constant 0 : i32
            %get3A_1023 = arith.constant 0 : i32
            %get3A_1024 = tpu.memref_slice %run_scoped3A[%rem3A_429, %get3A_1020, %get3A_1021, %get3A_1022, %get3A_1023] : memref<2x1x1x256x128xf32, #tpu.memory_space<vmem>> -> memref<1x1x1x256x128xf32, #tpu.memory_space<vmem>>
            %get3A_1025 = tpu.memref_squeeze %get3A_1024 : memref<1x1x1x256x128xf32, #tpu.memory_space<vmem>> -> memref<1x1x256x128xf32, #tpu.memory_space<vmem>>
            %get3A_1026 = arith.constant 0 : i32
            %get3A_1027 = arith.constant 0 : i32
            %get3A_1028 = tpu.memref_slice %get3A_1025[%scan3A, %scan3A_430, %get3A_1026, %get3A_1027] : memref<1x1x256x128xf32, #tpu.memory_space<vmem>> -> memref<1x1x256x128xf32, #tpu.memory_space<vmem>>
            %get3A_1029 = tpu.memref_squeeze %get3A_1028 : memref<1x1x256x128xf32, #tpu.memory_space<vmem>> -> memref<256x128xf32, #tpu.memory_space<vmem>>
            %get3A_1030 = arith.index_cast %add3A_1019 : i32 to index
            %get3A_1031 = arith.constant 96 : index
            %get3A_1032 = tpu.vector_load %get3A_1029[%get3A_1030, %get3A_1031] {strides = array<i32>} : memref<256x128xf32, #tpu.memory_space<vmem>>, vector<1x16xf32>,
            %get3A_1033 = vector.shape_cast %get3A_1032 : vector<1x16xf32> to vector<1x16xf32>
            %abs3A_1034 = math.absf %get3A_1033 : vector<1x16xf32>
            %gt3A_1035 = arith.constant 0.00999999977 : f32
            %gt3A_1036 = vector.broadcast %gt3A_1035 : f32 to vector<1x16xf32>
            %gt3A_1037 = arith.cmpf ogt, %abs3A_1034, %gt3A_1036 : vector<1x16xf32>
            %jit3A_1038 = arith.constant 0x7F800000 : f32
            %broadcast_in_dim3A_1039 = vector.broadcast %jit3A_1038 : f32 to vector<1x16xf32>
            %select_n3A_1040 = arith.select %gt3A_1037, %broadcast_in_dim3A_1039, %get3A_1033 : vector<1x16xi1>, vector<1x16xf32>
            %min3A_1041 = arith.minimumf %min3A_1005, %select_n3A_1040 : vector<1x16xf32>
            %jit3A_1042 = arith.constant 0xFF800000 : f32
            %broadcast_in_dim3A_1043 = vector.broadcast %jit3A_1042 : f32 to vector<1x16xf32>
            %select_n3A_1044 = arith.select %gt3A_1037, %broadcast_in_dim3A_1043, %get3A_1033 : vector<1x16xi1>, vector<1x16xf32>
            %max3A_1045 = arith.maximumf %max3A_1009, %select_n3A_1044 : vector<1x16xf32>
            %jit3A_1046 = arith.constant 0x7F800000 : f32
            %broadcast_in_dim3A_1047 = vector.broadcast %jit3A_1046 : f32 to vector<1x16xf32>
            %select_n3A_1048 = arith.select %gt3A_1037, %get3A_1033, %broadcast_in_dim3A_1047 : vector<1x16xi1>, vector<1x16xf32>
            %min3A_1049 = arith.minimumf %min3A_1013, %select_n3A_1048 : vector<1x16xf32>
            %jit3A_1050 = arith.constant 0xFF800000 : f32
            %broadcast_in_dim3A_1051 = vector.broadcast %jit3A_1050 : f32 to vector<1x16xf32>
            %select_n3A_1052 = arith.select %gt3A_1037, %get3A_1033, %broadcast_in_dim3A_1051 : vector<1x16xi1>, vector<1x16xf32>
            %max3A_1053 = arith.maximumf %max3A_1017, %select_n3A_1052 : vector<1x16xf32>
            %add3A_1054 = arith.constant 1 : i32
            %add3A_1055 = arith.addi %add3A_501, %add3A_1054 : i32
            %get3A_1056 = arith.constant 0 : i32
            %get3A_1057 = arith.constant 0 : i32
            %get3A_1058 = arith.constant 0 : i32
            %get3A_1059 = arith.constant 0 : i32
            %get3A_1060 = tpu.memref_slice %run_scoped3A[%rem3A_429, %get3A_1056, %get3A_1057, %get3A_1058, %get3A_1059] : memref<2x1x1x256x128xf32, #tpu.memory_space<vmem>> -> memref<1x1x1x256x128xf32, #tpu.memory_space<vmem>>
            %get3A_1061 = tpu.memref_squeeze %get3A_1060 : memref<1x1x1x256x128xf32, #tpu.memory_space<vmem>> -> memref<1x1x256x128xf32, #tpu.memory_space<vmem>>
            %get3A_1062 = arith.constant 0 : i32
            %get3A_1063 = arith.constant 0 : i32
            %get3A_1064 = tpu.memref_slice %get3A_1061[%scan3A, %scan3A_430, %get3A_1062, %get3A_1063] : memref<1x1x256x128xf32, #tpu.memory_space<vmem>> -> memref<1x1x256x128xf32, #tpu.memory_space<vmem>>
            %get3A_1065 = tpu.memref_squeeze %get3A_1064 : memref<1x1x256x128xf32, #tpu.memory_space<vmem>> -> memref<256x128xf32, #tpu.memory_space<vmem>>
            %get3A_1066 = arith.index_cast %add3A_1055 : i32 to index
            %get3A_1067 = arith.constant 112 : index
            %get3A_1068 = tpu.vector_load %get3A_1065[%get3A_1066, %get3A_1067] {strides = array<i32>} : memref<256x128xf32, #tpu.memory_space<vmem>>, vector<1x16xf32>,
            %get3A_1069 = vector.shape_cast %get3A_1068 : vector<1x16xf32> to vector<1x16xf32>
            %abs3A_1070 = math.absf %get3A_1069 : vector<1x16xf32>
            %gt3A_1071 = arith.constant 0.00999999977 : f32
            %gt3A_1072 = vector.broadcast %gt3A_1071 : f32 to vector<1x16xf32>
            %gt3A_1073 = arith.cmpf ogt, %abs3A_1070, %gt3A_1072 : vector<1x16xf32>
            %jit3A_1074 = arith.constant 0x7F800000 : f32
            %broadcast_in_dim3A_1075 = vector.broadcast %jit3A_1074 : f32 to vector<1x16xf32>
            %select_n3A_1076 = arith.select %gt3A_1073, %broadcast_in_dim3A_1075, %get3A_1069 : vector<1x16xi1>, vector<1x16xf32>
            %min3A_1077 = arith.minimumf %min3A_1041, %select_n3A_1076 : vector<1x16xf32>
            %jit3A_1078 = arith.constant 0xFF800000 : f32
            %broadcast_in_dim3A_1079 = vector.broadcast %jit3A_1078 : f32 to vector<1x16xf32>
            %select_n3A_1080 = arith.select %gt3A_1073, %broadcast_in_dim3A_1079, %get3A_1069 : vector<1x16xi1>, vector<1x16xf32>
            %max3A_1081 = arith.maximumf %max3A_1045, %select_n3A_1080 : vector<1x16xf32>
            %jit3A_1082 = arith.constant 0x7F800000 : f32
            %broadcast_in_dim3A_1083 = vector.broadcast %jit3A_1082 : f32 to vector<1x16xf32>
            %select_n3A_1084 = arith.select %gt3A_1073, %get3A_1069, %broadcast_in_dim3A_1083 : vector<1x16xi1>, vector<1x16xf32>
            %min3A_1085 = arith.minimumf %min3A_1049, %select_n3A_1084 : vector<1x16xf32>
            %jit3A_1086 = arith.constant 0xFF800000 : f32
            %broadcast_in_dim3A_1087 = vector.broadcast %jit3A_1086 : f32 to vector<1x16xf32>
            %select_n3A_1088 = arith.select %gt3A_1073, %get3A_1069, %broadcast_in_dim3A_1087 : vector<1x16xi1>, vector<1x16xf32>
            %max3A_1089 = arith.maximumf %max3A_1053, %select_n3A_1088 : vector<1x16xf32>
            %add3A_1090 = arith.constant 2 : i32
            %add3A_1091 = arith.addi %add3A_501, %add3A_1090 : i32
            %get3A_1092 = arith.constant 0 : i32
            %get3A_1093 = arith.constant 0 : i32
            %get3A_1094 = arith.constant 0 : i32
            %get3A_1095 = arith.constant 0 : i32
            %get3A_1096 = tpu.memref_slice %run_scoped3A[%rem3A_429, %get3A_1092, %get3A_1093, %get3A_1094, %get3A_1095] : memref<2x1x1x256x128xf32, #tpu.memory_space<vmem>> -> memref<1x1x1x256x128xf32, #tpu.memory_space<vmem>>
            %get3A_1097 = tpu.memref_squeeze %get3A_1096 : memref<1x1x1x256x128xf32, #tpu.memory_space<vmem>> -> memref<1x1x256x128xf32, #tpu.memory_space<vmem>>
            %get3A_1098 = arith.constant 0 : i32
            %get3A_1099 = arith.constant 0 : i32
            %get3A_1100 = tpu.memref_slice %get3A_1097[%scan3A, %scan3A_430, %get3A_1098, %get3A_1099] : memref<1x1x256x128xf32, #tpu.memory_space<vmem>> -> memref<1x1x256x128xf32, #tpu.memory_space<vmem>>
            %get3A_1101 = tpu.memref_squeeze %get3A_1100 : memref<1x1x256x128xf32, #tpu.memory_space<vmem>> -> memref<256x128xf32, #tpu.memory_space<vmem>>
            %get3A_1102 = arith.index_cast %add3A_1091 : i32 to index
            %get3A_1103 = arith.constant 0 : index
            %get3A_1104 = tpu.vector_load %get3A_1101[%get3A_1102, %get3A_1103] {strides = array<i32>} : memref<256x128xf32, #tpu.memory_space<vmem>>, vector<1x16xf32>,
            %get3A_1105 = vector.shape_cast %get3A_1104 : vector<1x16xf32> to vector<1x16xf32>
            %abs3A_1106 = math.absf %get3A_1105 : vector<1x16xf32>
            %gt3A_1107 = arith.constant 0.00999999977 : f32
            %gt3A_1108 = vector.broadcast %gt3A_1107 : f32 to vector<1x16xf32>
            %gt3A_1109 = arith.cmpf ogt, %abs3A_1106, %gt3A_1108 : vector<1x16xf32>
            %jit3A_1110 = arith.constant 0x7F800000 : f32
            %broadcast_in_dim3A_1111 = vector.broadcast %jit3A_1110 : f32 to vector<1x16xf32>
            %select_n3A_1112 = arith.select %gt3A_1109, %broadcast_in_dim3A_1111, %get3A_1105 : vector<1x16xi1>, vector<1x16xf32>
            %min3A_1113 = arith.minimumf %min3A_1077, %select_n3A_1112 : vector<1x16xf32>
            %jit3A_1114 = arith.constant 0xFF800000 : f32
            %broadcast_in_dim3A_1115 = vector.broadcast %jit3A_1114 : f32 to vector<1x16xf32>
            %select_n3A_1116 = arith.select %gt3A_1109, %broadcast_in_dim3A_1115, %get3A_1105 : vector<1x16xi1>, vector<1x16xf32>
            %max3A_1117 = arith.maximumf %max3A_1081, %select_n3A_1116 : vector<1x16xf32>
            %jit3A_1118 = arith.constant 0x7F800000 : f32
            %broadcast_in_dim3A_1119 = vector.broadcast %jit3A_1118 : f32 to vector<1x16xf32>
            %select_n3A_1120 = arith.select %gt3A_1109, %get3A_1105, %broadcast_in_dim3A_1119 : vector<1x16xi1>, vector<1x16xf32>
            %min3A_1121 = arith.minimumf %min3A_1085, %select_n3A_1120 : vector<1x16xf32>
            %jit3A_1122 = arith.constant 0xFF800000 : f32
            %broadcast_in_dim3A_1123 = vector.broadcast %jit3A_1122 : f32 to vector<1x16xf32>
            %select_n3A_1124 = arith.select %gt3A_1109, %get3A_1105, %broadcast_in_dim3A_1123 : vector<1x16xi1>, vector<1x16xf32>
            %max3A_1125 = arith.maximumf %max3A_1089, %select_n3A_1124 : vector<1x16xf32>
            %add3A_1126 = arith.constant 2 : i32
            %add3A_1127 = arith.addi %add3A_501, %add3A_1126 : i32
            %get3A_1128 = arith.constant 0 : i32
            %get3A_1129 = arith.constant 0 : i32
            %get3A_1130 = arith.constant 0 : i32
            %get3A_1131 = arith.constant 0 : i32
            %get3A_1132 = tpu.memref_slice %run_scoped3A[%rem3A_429, %get3A_1128, %get3A_1129, %get3A_1130, %get3A_1131] : memref<2x1x1x256x128xf32, #tpu.memory_space<vmem>> -> memref<1x1x1x256x128xf32, #tpu.memory_space<vmem>>
            %get3A_1133 = tpu.memref_squeeze %get3A_1132 : memref<1x1x1x256x128xf32, #tpu.memory_space<vmem>> -> memref<1x1x256x128xf32, #tpu.memory_space<vmem>>
            %get3A_1134 = arith.constant 0 : i32
            %get3A_1135 = arith.constant 0 : i32
            %get3A_1136 = tpu.memref_slice %get3A_1133[%scan3A, %scan3A_430, %get3A_1134, %get3A_1135] : memref<1x1x256x128xf32, #tpu.memory_space<vmem>> -> memref<1x1x256x128xf32, #tpu.memory_space<vmem>>
            %get3A_1137 = tpu.memref_squeeze %get3A_1136 : memref<1x1x256x128xf32, #tpu.memory_space<vmem>> -> memref<256x128xf32, #tpu.memory_space<vmem>>
            %get3A_1138 = arith.index_cast %add3A_1127 : i32 to index
            %get3A_1139 = arith.constant 16 : index
            %get3A_1140 = tpu.vector_load %get3A_1137[%get3A_1138, %get3A_1139] {strides = array<i32>} : memref<256x128xf32, #tpu.memory_space<vmem>>, vector<1x16xf32>,
            %get3A_1141 = vector.shape_cast %get3A_1140 : vector<1x16xf32> to vector<1x16xf32>
            %abs3A_1142 = math.absf %get3A_1141 : vector<1x16xf32>
            %gt3A_1143 = arith.constant 0.00999999977 : f32
            %gt3A_1144 = vector.broadcast %gt3A_1143 : f32 to vector<1x16xf32>
            %gt3A_1145 = arith.cmpf ogt, %abs3A_1142, %gt3A_1144 : vector<1x16xf32>
            %jit3A_1146 = arith.constant 0x7F800000 : f32
            %broadcast_in_dim3A_1147 = vector.broadcast %jit3A_1146 : f32 to vector<1x16xf32>
            %select_n3A_1148 = arith.select %gt3A_1145, %broadcast_in_dim3A_1147, %get3A_1141 : vector<1x16xi1>, vector<1x16xf32>
            %min3A_1149 = arith.minimumf %min3A_1113, %select_n3A_1148 : vector<1x16xf32>
            %jit3A_1150 = arith.constant 0xFF800000 : f32
            %broadcast_in_dim3A_1151 = vector.broadcast %jit3A_1150 : f32 to vector<1x16xf32>
            %select_n3A_1152 = arith.select %gt3A_1145, %broadcast_in_dim3A_1151, %get3A_1141 : vector<1x16xi1>, vector<1x16xf32>
            %max3A_1153 = arith.maximumf %max3A_1117, %select_n3A_1152 : vector<1x16xf32>
            %jit3A_1154 = arith.constant 0x7F800000 : f32
            %broadcast_in_dim3A_1155 = vector.broadcast %jit3A_1154 : f32 to vector<1x16xf32>
            %select_n3A_1156 = arith.select %gt3A_1145, %get3A_1141, %broadcast_in_dim3A_1155 : vector<1x16xi1>, vector<1x16xf32>
            %min3A_1157 = arith.minimumf %min3A_1121, %select_n3A_1156 : vector<1x16xf32>
            %jit3A_1158 = arith.constant 0xFF800000 : f32
            %broadcast_in_dim3A_1159 = vector.broadcast %jit3A_1158 : f32 to vector<1x16xf32>
            %select_n3A_1160 = arith.select %gt3A_1145, %get3A_1141, %broadcast_in_dim3A_1159 : vector<1x16xi1>, vector<1x16xf32>
            %max3A_1161 = arith.maximumf %max3A_1125, %select_n3A_1160 : vector<1x16xf32>
            %add3A_1162 = arith.constant 2 : i32
            %add3A_1163 = arith.addi %add3A_501, %add3A_1162 : i32
            %get3A_1164 = arith.constant 0 : i32
            %get3A_1165 = arith.constant 0 : i32
            %get3A_1166 = arith.constant 0 : i32
            %get3A_1167 = arith.constant 0 : i32
            %get3A_1168 = tpu.memref_slice %run_scoped3A[%rem3A_429, %get3A_1164, %get3A_1165, %get3A_1166, %get3A_1167] : memref<2x1x1x256x128xf32, #tpu.memory_space<vmem>> -> memref<1x1x1x256x128xf32, #tpu.memory_space<vmem>>
            %get3A_1169 = tpu.memref_squeeze %get3A_1168 : memref<1x1x1x256x128xf32, #tpu.memory_space<vmem>> -> memref<1x1x256x128xf32, #tpu.memory_space<vmem>>
            %get3A_1170 = arith.constant 0 : i32
            %get3A_1171 = arith.constant 0 : i32
            %get3A_1172 = tpu.memref_slice %get3A_1169[%scan3A, %scan3A_430, %get3A_1170, %get3A_1171] : memref<1x1x256x128xf32, #tpu.memory_space<vmem>> -> memref<1x1x256x128xf32, #tpu.memory_space<vmem>>
            %get3A_1173 = tpu.memref_squeeze %get3A_1172 : memref<1x1x256x128xf32, #tpu.memory_space<vmem>> -> memref<256x128xf32, #tpu.memory_space<vmem>>
            %get3A_1174 = arith.index_cast %add3A_1163 : i32 to index
            %get3A_1175 = arith.constant 32 : index
            %get3A_1176 = tpu.vector_load %get3A_1173[%get3A_1174, %get3A_1175] {strides = array<i32>} : memref<256x128xf32, #tpu.memory_space<vmem>>, vector<1x16xf32>,
            %get3A_1177 = vector.shape_cast %get3A_1176 : vector<1x16xf32> to vector<1x16xf32>
            %abs3A_1178 = math.absf %get3A_1177 : vector<1x16xf32>
            %gt3A_1179 = arith.constant 0.00999999977 : f32
            %gt3A_1180 = vector.broadcast %gt3A_1179 : f32 to vector<1x16xf32>
            %gt3A_1181 = arith.cmpf ogt, %abs3A_1178, %gt3A_1180 : vector<1x16xf32>
            %jit3A_1182 = arith.constant 0x7F800000 : f32
            %broadcast_in_dim3A_1183 = vector.broadcast %jit3A_1182 : f32 to vector<1x16xf32>
            %select_n3A_1184 = arith.select %gt3A_1181, %broadcast_in_dim3A_1183, %get3A_1177 : vector<1x16xi1>, vector<1x16xf32>
            %min3A_1185 = arith.minimumf %min3A_1149, %select_n3A_1184 : vector<1x16xf32>
            %jit3A_1186 = arith.constant 0xFF800000 : f32
            %broadcast_in_dim3A_1187 = vector.broadcast %jit3A_1186 : f32 to vector<1x16xf32>
            %select_n3A_1188 = arith.select %gt3A_1181, %broadcast_in_dim3A_1187, %get3A_1177 : vector<1x16xi1>, vector<1x16xf32>
            %max3A_1189 = arith.maximumf %max3A_1153, %select_n3A_1188 : vector<1x16xf32>
            %jit3A_1190 = arith.constant 0x7F800000 : f32
            %broadcast_in_dim3A_1191 = vector.broadcast %jit3A_1190 : f32 to vector<1x16xf32>
            %select_n3A_1192 = arith.select %gt3A_1181, %get3A_1177, %broadcast_in_dim3A_1191 : vector<1x16xi1>, vector<1x16xf32>
            %min3A_1193 = arith.minimumf %min3A_1157, %select_n3A_1192 : vector<1x16xf32>
            %jit3A_1194 = arith.constant 0xFF800000 : f32
            %broadcast_in_dim3A_1195 = vector.broadcast %jit3A_1194 : f32 to vector<1x16xf32>
            %select_n3A_1196 = arith.select %gt3A_1181, %get3A_1177, %broadcast_in_dim3A_1195 : vector<1x16xi1>, vector<1x16xf32>
            %max3A_1197 = arith.maximumf %max3A_1161, %select_n3A_1196 : vector<1x16xf32>
            %add3A_1198 = arith.constant 2 : i32
            %add3A_1199 = arith.addi %add3A_501, %add3A_1198 : i32
            %get3A_1200 = arith.constant 0 : i32
            %get3A_1201 = arith.constant 0 : i32
            %get3A_1202 = arith.constant 0 : i32
            %get3A_1203 = arith.constant 0 : i32
            %get3A_1204 = tpu.memref_slice %run_scoped3A[%rem3A_429, %get3A_1200, %get3A_1201, %get3A_1202, %get3A_1203] : memref<2x1x1x256x128xf32, #tpu.memory_space<vmem>> -> memref<1x1x1x256x128xf32, #tpu.memory_space<vmem>>
            %get3A_1205 = tpu.memref_squeeze %get3A_1204 : memref<1x1x1x256x128xf32, #tpu.memory_space<vmem>> -> memref<1x1x256x128xf32, #tpu.memory_space<vmem>>
            %get3A_1206 = arith.constant 0 : i32
            %get3A_1207 = arith.constant 0 : i32
            %get3A_1208 = tpu.memref_slice %get3A_1205[%scan3A, %scan3A_430, %get3A_1206, %get3A_1207] : memref<1x1x256x128xf32, #tpu.memory_space<vmem>> -> memref<1x1x256x128xf32, #tpu.memory_space<vmem>>
            %get3A_1209 = tpu.memref_squeeze %get3A_1208 : memref<1x1x256x128xf32, #tpu.memory_space<vmem>> -> memref<256x128xf32, #tpu.memory_space<vmem>>
            %get3A_1210 = arith.index_cast %add3A_1199 : i32 to index
            %get3A_1211 = arith.constant 48 : index
            %get3A_1212 = tpu.vector_load %get3A_1209[%get3A_1210, %get3A_1211] {strides = array<i32>} : memref<256x128xf32, #tpu.memory_space<vmem>>, vector<1x16xf32>,
            %get3A_1213 = vector.shape_cast %get3A_1212 : vector<1x16xf32> to vector<1x16xf32>
            %abs3A_1214 = math.absf %get3A_1213 : vector<1x16xf32>
            %gt3A_1215 = arith.constant 0.00999999977 : f32
            %gt3A_1216 = vector.broadcast %gt3A_1215 : f32 to vector<1x16xf32>
            %gt3A_1217 = arith.cmpf ogt, %abs3A_1214, %gt3A_1216 : vector<1x16xf32>
            %jit3A_1218 = arith.constant 0x7F800000 : f32
            %broadcast_in_dim3A_1219 = vector.broadcast %jit3A_1218 : f32 to vector<1x16xf32>
            %select_n3A_1220 = arith.select %gt3A_1217, %broadcast_in_dim3A_1219, %get3A_1213 : vector<1x16xi1>, vector<1x16xf32>
            %min3A_1221 = arith.minimumf %min3A_1185, %select_n3A_1220 : vector<1x16xf32>
            %jit3A_1222 = arith.constant 0xFF800000 : f32
            %broadcast_in_dim3A_1223 = vector.broadcast %jit3A_1222 : f32 to vector<1x16xf32>
            %select_n3A_1224 = arith.select %gt3A_1217, %broadcast_in_dim3A_1223, %get3A_1213 : vector<1x16xi1>, vector<1x16xf32>
            %max3A_1225 = arith.maximumf %max3A_1189, %select_n3A_1224 : vector<1x16xf32>
            %jit3A_1226 = arith.constant 0x7F800000 : f32
            %broadcast_in_dim3A_1227 = vector.broadcast %jit3A_1226 : f32 to vector<1x16xf32>
            %select_n3A_1228 = arith.select %gt3A_1217, %get3A_1213, %broadcast_in_dim3A_1227 : vector<1x16xi1>, vector<1x16xf32>
            %min3A_1229 = arith.minimumf %min3A_1193, %select_n3A_1228 : vector<1x16xf32>
            %jit3A_1230 = arith.constant 0xFF800000 : f32
            %broadcast_in_dim3A_1231 = vector.broadcast %jit3A_1230 : f32 to vector<1x16xf32>
            %select_n3A_1232 = arith.select %gt3A_1217, %get3A_1213, %broadcast_in_dim3A_1231 : vector<1x16xi1>, vector<1x16xf32>
            %max3A_1233 = arith.maximumf %max3A_1197, %select_n3A_1232 : vector<1x16xf32>
            %add3A_1234 = arith.constant 2 : i32
            %add3A_1235 = arith.addi %add3A_501, %add3A_1234 : i32
            %get3A_1236 = arith.constant 0 : i32
            %get3A_1237 = arith.constant 0 : i32
            %get3A_1238 = arith.constant 0 : i32
            %get3A_1239 = arith.constant 0 : i32
            %get3A_1240 = tpu.memref_slice %run_scoped3A[%rem3A_429, %get3A_1236, %get3A_1237, %get3A_1238, %get3A_1239] : memref<2x1x1x256x128xf32, #tpu.memory_space<vmem>> -> memref<1x1x1x256x128xf32, #tpu.memory_space<vmem>>
            %get3A_1241 = tpu.memref_squeeze %get3A_1240 : memref<1x1x1x256x128xf32, #tpu.memory_space<vmem>> -> memref<1x1x256x128xf32, #tpu.memory_space<vmem>>
            %get3A_1242 = arith.constant 0 : i32
            %get3A_1243 = arith.constant 0 : i32
            %get3A_1244 = tpu.memref_slice %get3A_1241[%scan3A, %scan3A_430, %get3A_1242, %get3A_1243] : memref<1x1x256x128xf32, #tpu.memory_space<vmem>> -> memref<1x1x256x128xf32, #tpu.memory_space<vmem>>
            %get3A_1245 = tpu.memref_squeeze %get3A_1244 : memref<1x1x256x128xf32, #tpu.memory_space<vmem>> -> memref<256x128xf32, #tpu.memory_space<vmem>>
            %get3A_1246 = arith.index_cast %add3A_1235 : i32 to index
            %get3A_1247 = arith.constant 64 : index
            %get3A_1248 = tpu.vector_load %get3A_1245[%get3A_1246, %get3A_1247] {strides = array<i32>} : memref<256x128xf32, #tpu.memory_space<vmem>>, vector<1x16xf32>,
            %get3A_1249 = vector.shape_cast %get3A_1248 : vector<1x16xf32> to vector<1x16xf32>
            %abs3A_1250 = math.absf %get3A_1249 : vector<1x16xf32>
            %gt3A_1251 = arith.constant 0.00999999977 : f32
            %gt3A_1252 = vector.broadcast %gt3A_1251 : f32 to vector<1x16xf32>
            %gt3A_1253 = arith.cmpf ogt, %abs3A_1250, %gt3A_1252 : vector<1x16xf32>
            %jit3A_1254 = arith.constant 0x7F800000 : f32
            %broadcast_in_dim3A_1255 = vector.broadcast %jit3A_1254 : f32 to vector<1x16xf32>
            %select_n3A_1256 = arith.select %gt3A_1253, %broadcast_in_dim3A_1255, %get3A_1249 : vector<1x16xi1>, vector<1x16xf32>
            %min3A_1257 = arith.minimumf %min3A_1221, %select_n3A_1256 : vector<1x16xf32>
            %jit3A_1258 = arith.constant 0xFF800000 : f32
            %broadcast_in_dim3A_1259 = vector.broadcast %jit3A_1258 : f32 to vector<1x16xf32>
            %select_n3A_1260 = arith.select %gt3A_1253, %broadcast_in_dim3A_1259, %get3A_1249 : vector<1x16xi1>, vector<1x16xf32>
            %max3A_1261 = arith.maximumf %max3A_1225, %select_n3A_1260 : vector<1x16xf32>
            %jit3A_1262 = arith.constant 0x7F800000 : f32
            %broadcast_in_dim3A_1263 = vector.broadcast %jit3A_1262 : f32 to vector<1x16xf32>
            %select_n3A_1264 = arith.select %gt3A_1253, %get3A_1249, %broadcast_in_dim3A_1263 : vector<1x16xi1>, vector<1x16xf32>
            %min3A_1265 = arith.minimumf %min3A_1229, %select_n3A_1264 : vector<1x16xf32>
            %jit3A_1266 = arith.constant 0xFF800000 : f32
            %broadcast_in_dim3A_1267 = vector.broadcast %jit3A_1266 : f32 to vector<1x16xf32>
            %select_n3A_1268 = arith.select %gt3A_1253, %get3A_1249, %broadcast_in_dim3A_1267 : vector<1x16xi1>, vector<1x16xf32>
            %max3A_1269 = arith.maximumf %max3A_1233, %select_n3A_1268 : vector<1x16xf32>
            %add3A_1270 = arith.constant 2 : i32
            %add3A_1271 = arith.addi %add3A_501, %add3A_1270 : i32
            %get3A_1272 = arith.constant 0 : i32
            %get3A_1273 = arith.constant 0 : i32
            %get3A_1274 = arith.constant 0 : i32
            %get3A_1275 = arith.constant 0 : i32
            %get3A_1276 = tpu.memref_slice %run_scoped3A[%rem3A_429, %get3A_1272, %get3A_1273, %get3A_1274, %get3A_1275] : memref<2x1x1x256x128xf32, #tpu.memory_space<vmem>> -> memref<1x1x1x256x128xf32, #tpu.memory_space<vmem>>
            %get3A_1277 = tpu.memref_squeeze %get3A_1276 : memref<1x1x1x256x128xf32, #tpu.memory_space<vmem>> -> memref<1x1x256x128xf32, #tpu.memory_space<vmem>>
            %get3A_1278 = arith.constant 0 : i32
            %get3A_1279 = arith.constant 0 : i32
            %get3A_1280 = tpu.memref_slice %get3A_1277[%scan3A, %scan3A_430, %get3A_1278, %get3A_1279] : memref<1x1x256x128xf32, #tpu.memory_space<vmem>> -> memref<1x1x256x128xf32, #tpu.memory_space<vmem>>
            %get3A_1281 = tpu.memref_squeeze %get3A_1280 : memref<1x1x256x128xf32, #tpu.memory_space<vmem>> -> memref<256x128xf32, #tpu.memory_space<vmem>>
            %get3A_1282 = arith.index_cast %add3A_1271 : i32 to index
            %get3A_1283 = arith.constant 80 : index
            %get3A_1284 = tpu.vector_load %get3A_1281[%get3A_1282, %get3A_1283] {strides = array<i32>} : memref<256x128xf32, #tpu.memory_space<vmem>>, vector<1x16xf32>,
            %get3A_1285 = vector.shape_cast %get3A_1284 : vector<1x16xf32> to vector<1x16xf32>
            %abs3A_1286 = math.absf %get3A_1285 : vector<1x16xf32>
            %gt3A_1287 = arith.constant 0.00999999977 : f32
            %gt3A_1288 = vector.broadcast %gt3A_1287 : f32 to vector<1x16xf32>
            %gt3A_1289 = arith.cmpf ogt, %abs3A_1286, %gt3A_1288 : vector<1x16xf32>
            %jit3A_1290 = arith.constant 0x7F800000 : f32
            %broadcast_in_dim3A_1291 = vector.broadcast %jit3A_1290 : f32 to vector<1x16xf32>
            %select_n3A_1292 = arith.select %gt3A_1289, %broadcast_in_dim3A_1291, %get3A_1285 : vector<1x16xi1>, vector<1x16xf32>
            %min3A_1293 = arith.minimumf %min3A_1257, %select_n3A_1292 : vector<1x16xf32>
            %jit3A_1294 = arith.constant 0xFF800000 : f32
            %broadcast_in_dim3A_1295 = vector.broadcast %jit3A_1294 : f32 to vector<1x16xf32>
            %select_n3A_1296 = arith.select %gt3A_1289, %broadcast_in_dim3A_1295, %get3A_1285 : vector<1x16xi1>, vector<1x16xf32>
            %max3A_1297 = arith.maximumf %max3A_1261, %select_n3A_1296 : vector<1x16xf32>
            %jit3A_1298 = arith.constant 0x7F800000 : f32
            %broadcast_in_dim3A_1299 = vector.broadcast %jit3A_1298 : f32 to vector<1x16xf32>
            %select_n3A_1300 = arith.select %gt3A_1289, %get3A_1285, %broadcast_in_dim3A_1299 : vector<1x16xi1>, vector<1x16xf32>
            %min3A_1301 = arith.minimumf %min3A_1265, %select_n3A_1300 : vector<1x16xf32>
            %jit3A_1302 = arith.constant 0xFF800000 : f32
            %broadcast_in_dim3A_1303 = vector.broadcast %jit3A_1302 : f32 to vector<1x16xf32>
            %select_n3A_1304 = arith.select %gt3A_1289, %get3A_1285, %broadcast_in_dim3A_1303 : vector<1x16xi1>, vector<1x16xf32>
            %max3A_1305 = arith.maximumf %max3A_1269, %select_n3A_1304 : vector<1x16xf32>
            %add3A_1306 = arith.constant 2 : i32
            %add3A_1307 = arith.addi %add3A_501, %add3A_1306 : i32
            %get3A_1308 = arith.constant 0 : i32
            %get3A_1309 = arith.constant 0 : i32
            %get3A_1310 = arith.constant 0 : i32
            %get3A_1311 = arith.constant 0 : i32
            %get3A_1312 = tpu.memref_slice %run_scoped3A[%rem3A_429, %get3A_1308, %get3A_1309, %get3A_1310, %get3A_1311] : memref<2x1x1x256x128xf32, #tpu.memory_space<vmem>> -> memref<1x1x1x256x128xf32, #tpu.memory_space<vmem>>
            %get3A_1313 = tpu.memref_squeeze %get3A_1312 : memref<1x1x1x256x128xf32, #tpu.memory_space<vmem>> -> memref<1x1x256x128xf32, #tpu.memory_space<vmem>>
            %get3A_1314 = arith.constant 0 : i32
            %get3A_1315 = arith.constant 0 : i32
            %get3A_1316 = tpu.memref_slice %get3A_1313[%scan3A, %scan3A_430, %get3A_1314, %get3A_1315] : memref<1x1x256x128xf32, #tpu.memory_space<vmem>> -> memref<1x1x256x128xf32, #tpu.memory_space<vmem>>
            %get3A_1317 = tpu.memref_squeeze %get3A_1316 : memref<1x1x256x128xf32, #tpu.memory_space<vmem>> -> memref<256x128xf32, #tpu.memory_space<vmem>>
            %get3A_1318 = arith.index_cast %add3A_1307 : i32 to index
            %get3A_1319 = arith.constant 96 : index
            %get3A_1320 = tpu.vector_load %get3A_1317[%get3A_1318, %get3A_1319] {strides = array<i32>} : memref<256x128xf32, #tpu.memory_space<vmem>>, vector<1x16xf32>,
            %get3A_1321 = vector.shape_cast %get3A_1320 : vector<1x16xf32> to vector<1x16xf32>
            %abs3A_1322 = math.absf %get3A_1321 : vector<1x16xf32>
            %gt3A_1323 = arith.constant 0.00999999977 : f32
            %gt3A_1324 = vector.broadcast %gt3A_1323 : f32 to vector<1x16xf32>
            %gt3A_1325 = arith.cmpf ogt, %abs3A_1322, %gt3A_1324 : vector<1x16xf32>
            %jit3A_1326 = arith.constant 0x7F800000 : f32
            %broadcast_in_dim3A_1327 = vector.broadcast %jit3A_1326 : f32 to vector<1x16xf32>
            %select_n3A_1328 = arith.select %gt3A_1325, %broadcast_in_dim3A_1327, %get3A_1321 : vector<1x16xi1>, vector<1x16xf32>
            %min3A_1329 = arith.minimumf %min3A_1293, %select_n3A_1328 : vector<1x16xf32>
            %jit3A_1330 = arith.constant 0xFF800000 : f32
            %broadcast_in_dim3A_1331 = vector.broadcast %jit3A_1330 : f32 to vector<1x16xf32>
            %select_n3A_1332 = arith.select %gt3A_1325, %broadcast_in_dim3A_1331, %get3A_1321 : vector<1x16xi1>, vector<1x16xf32>
            %max3A_1333 = arith.maximumf %max3A_1297, %select_n3A_1332 : vector<1x16xf32>
            %jit3A_1334 = arith.constant 0x7F800000 : f32
            %broadcast_in_dim3A_1335 = vector.broadcast %jit3A_1334 : f32 to vector<1x16xf32>
            %select_n3A_1336 = arith.select %gt3A_1325, %get3A_1321, %broadcast_in_dim3A_1335 : vector<1x16xi1>, vector<1x16xf32>
            %min3A_1337 = arith.minimumf %min3A_1301, %select_n3A_1336 : vector<1x16xf32>
            %jit3A_1338 = arith.constant 0xFF800000 : f32
            %broadcast_in_dim3A_1339 = vector.broadcast %jit3A_1338 : f32 to vector<1x16xf32>
            %select_n3A_1340 = arith.select %gt3A_1325, %get3A_1321, %broadcast_in_dim3A_1339 : vector<1x16xi1>, vector<1x16xf32>
            %max3A_1341 = arith.maximumf %max3A_1305, %select_n3A_1340 : vector<1x16xf32>
            %add3A_1342 = arith.constant 2 : i32
            %add3A_1343 = arith.addi %add3A_501, %add3A_1342 : i32
            %get3A_1344 = arith.constant 0 : i32
            %get3A_1345 = arith.constant 0 : i32
            %get3A_1346 = arith.constant 0 : i32
            %get3A_1347 = arith.constant 0 : i32
            %get3A_1348 = tpu.memref_slice %run_scoped3A[%rem3A_429, %get3A_1344, %get3A_1345, %get3A_1346, %get3A_1347] : memref<2x1x1x256x128xf32, #tpu.memory_space<vmem>> -> memref<1x1x1x256x128xf32, #tpu.memory_space<vmem>>
            %get3A_1349 = tpu.memref_squeeze %get3A_1348 : memref<1x1x1x256x128xf32, #tpu.memory_space<vmem>> -> memref<1x1x256x128xf32, #tpu.memory_space<vmem>>
            %get3A_1350 = arith.constant 0 : i32
            %get3A_1351 = arith.constant 0 : i32
            %get3A_1352 = tpu.memref_slice %get3A_1349[%scan3A, %scan3A_430, %get3A_1350, %get3A_1351] : memref<1x1x256x128xf32, #tpu.memory_space<vmem>> -> memref<1x1x256x128xf32, #tpu.memory_space<vmem>>
            %get3A_1353 = tpu.memref_squeeze %get3A_1352 : memref<1x1x256x128xf32, #tpu.memory_space<vmem>> -> memref<256x128xf32, #tpu.memory_space<vmem>>
            %get3A_1354 = arith.index_cast %add3A_1343 : i32 to index
            %get3A_1355 = arith.constant 112 : index
            %get3A_1356 = tpu.vector_load %get3A_1353[%get3A_1354, %get3A_1355] {strides = array<i32>} : memref<256x128xf32, #tpu.memory_space<vmem>>, vector<1x16xf32>,
            %get3A_1357 = vector.shape_cast %get3A_1356 : vector<1x16xf32> to vector<1x16xf32>
            %abs3A_1358 = math.absf %get3A_1357 : vector<1x16xf32>
            %gt3A_1359 = arith.constant 0.00999999977 : f32
            %gt3A_1360 = vector.broadcast %gt3A_1359 : f32 to vector<1x16xf32>
            %gt3A_1361 = arith.cmpf ogt, %abs3A_1358, %gt3A_1360 : vector<1x16xf32>
            %jit3A_1362 = arith.constant 0x7F800000 : f32
            %broadcast_in_dim3A_1363 = vector.broadcast %jit3A_1362 : f32 to vector<1x16xf32>
            %select_n3A_1364 = arith.select %gt3A_1361, %broadcast_in_dim3A_1363, %get3A_1357 : vector<1x16xi1>, vector<1x16xf32>
            %min3A_1365 = arith.minimumf %min3A_1329, %select_n3A_1364 : vector<1x16xf32>
            %jit3A_1366 = arith.constant 0xFF800000 : f32
            %broadcast_in_dim3A_1367 = vector.broadcast %jit3A_1366 : f32 to vector<1x16xf32>
            %select_n3A_1368 = arith.select %gt3A_1361, %broadcast_in_dim3A_1367, %get3A_1357 : vector<1x16xi1>, vector<1x16xf32>
            %max3A_1369 = arith.maximumf %max3A_1333, %select_n3A_1368 : vector<1x16xf32>
            %jit3A_1370 = arith.constant 0x7F800000 : f32
            %broadcast_in_dim3A_1371 = vector.broadcast %jit3A_1370 : f32 to vector<1x16xf32>
            %select_n3A_1372 = arith.select %gt3A_1361, %get3A_1357, %broadcast_in_dim3A_1371 : vector<1x16xi1>, vector<1x16xf32>
            %min3A_1373 = arith.minimumf %min3A_1337, %select_n3A_1372 : vector<1x16xf32>
            %jit3A_1374 = arith.constant 0xFF800000 : f32
            %broadcast_in_dim3A_1375 = vector.broadcast %jit3A_1374 : f32 to vector<1x16xf32>
            %select_n3A_1376 = arith.select %gt3A_1361, %get3A_1357, %broadcast_in_dim3A_1375 : vector<1x16xi1>, vector<1x16xf32>
            %max3A_1377 = arith.maximumf %max3A_1341, %select_n3A_1376 : vector<1x16xf32>
            %add3A_1378 = arith.constant 3 : i32
            %add3A_1379 = arith.addi %add3A_501, %add3A_1378 : i32
            %get3A_1380 = arith.constant 0 : i32
            %get3A_1381 = arith.constant 0 : i32
            %get3A_1382 = arith.constant 0 : i32
            %get3A_1383 = arith.constant 0 : i32
            %get3A_1384 = tpu.memref_slice %run_scoped3A[%rem3A_429, %get3A_1380, %get3A_1381, %get3A_1382, %get3A_1383] : memref<2x1x1x256x128xf32, #tpu.memory_space<vmem>> -> memref<1x1x1x256x128xf32, #tpu.memory_space<vmem>>
            %get3A_1385 = tpu.memref_squeeze %get3A_1384 : memref<1x1x1x256x128xf32, #tpu.memory_space<vmem>> -> memref<1x1x256x128xf32, #tpu.memory_space<vmem>>
            %get3A_1386 = arith.constant 0 : i32
            %get3A_1387 = arith.constant 0 : i32
            %get3A_1388 = tpu.memref_slice %get3A_1385[%scan3A, %scan3A_430, %get3A_1386, %get3A_1387] : memref<1x1x256x128xf32, #tpu.memory_space<vmem>> -> memref<1x1x256x128xf32, #tpu.memory_space<vmem>>
            %get3A_1389 = tpu.memref_squeeze %get3A_1388 : memref<1x1x256x128xf32, #tpu.memory_space<vmem>> -> memref<256x128xf32, #tpu.memory_space<vmem>>
            %get3A_1390 = arith.index_cast %add3A_1379 : i32 to index
            %get3A_1391 = arith.constant 0 : index
            %get3A_1392 = tpu.vector_load %get3A_1389[%get3A_1390, %get3A_1391] {strides = array<i32>} : memref<256x128xf32, #tpu.memory_space<vmem>>, vector<1x16xf32>,
            %get3A_1393 = vector.shape_cast %get3A_1392 : vector<1x16xf32> to vector<1x16xf32>
            %abs3A_1394 = math.absf %get3A_1393 : vector<1x16xf32>
            %gt3A_1395 = arith.constant 0.00999999977 : f32
            %gt3A_1396 = vector.broadcast %gt3A_1395 : f32 to vector<1x16xf32>
            %gt3A_1397 = arith.cmpf ogt, %abs3A_1394, %gt3A_1396 : vector<1x16xf32>
            %jit3A_1398 = arith.constant 0x7F800000 : f32
            %broadcast_in_dim3A_1399 = vector.broadcast %jit3A_1398 : f32 to vector<1x16xf32>
            %select_n3A_1400 = arith.select %gt3A_1397, %broadcast_in_dim3A_1399, %get3A_1393 : vector<1x16xi1>, vector<1x16xf32>
            %min3A_1401 = arith.minimumf %min3A_1365, %select_n3A_1400 : vector<1x16xf32>
            %jit3A_1402 = arith.constant 0xFF800000 : f32
            %broadcast_in_dim3A_1403 = vector.broadcast %jit3A_1402 : f32 to vector<1x16xf32>
            %select_n3A_1404 = arith.select %gt3A_1397, %broadcast_in_dim3A_1403, %get3A_1393 : vector<1x16xi1>, vector<1x16xf32>
            %max3A_1405 = arith.maximumf %max3A_1369, %select_n3A_1404 : vector<1x16xf32>
            %jit3A_1406 = arith.constant 0x7F800000 : f32
            %broadcast_in_dim3A_1407 = vector.broadcast %jit3A_1406 : f32 to vector<1x16xf32>
            %select_n3A_1408 = arith.select %gt3A_1397, %get3A_1393, %broadcast_in_dim3A_1407 : vector<1x16xi1>, vector<1x16xf32>
            %min3A_1409 = arith.minimumf %min3A_1373, %select_n3A_1408 : vector<1x16xf32>
            %jit3A_1410 = arith.constant 0xFF800000 : f32
            %broadcast_in_dim3A_1411 = vector.broadcast %jit3A_1410 : f32 to vector<1x16xf32>
            %select_n3A_1412 = arith.select %gt3A_1397, %get3A_1393, %broadcast_in_dim3A_1411 : vector<1x16xi1>, vector<1x16xf32>
            %max3A_1413 = arith.maximumf %max3A_1377, %select_n3A_1412 : vector<1x16xf32>
            %add3A_1414 = arith.constant 3 : i32
            %add3A_1415 = arith.addi %add3A_501, %add3A_1414 : i32
            %get3A_1416 = arith.constant 0 : i32
            %get3A_1417 = arith.constant 0 : i32
            %get3A_1418 = arith.constant 0 : i32
            %get3A_1419 = arith.constant 0 : i32
            %get3A_1420 = tpu.memref_slice %run_scoped3A[%rem3A_429, %get3A_1416, %get3A_1417, %get3A_1418, %get3A_1419] : memref<2x1x1x256x128xf32, #tpu.memory_space<vmem>> -> memref<1x1x1x256x128xf32, #tpu.memory_space<vmem>>
            %get3A_1421 = tpu.memref_squeeze %get3A_1420 : memref<1x1x1x256x128xf32, #tpu.memory_space<vmem>> -> memref<1x1x256x128xf32, #tpu.memory_space<vmem>>
            %get3A_1422 = arith.constant 0 : i32
            %get3A_1423 = arith.constant 0 : i32
            %get3A_1424 = tpu.memref_slice %get3A_1421[%scan3A, %scan3A_430, %get3A_1422, %get3A_1423] : memref<1x1x256x128xf32, #tpu.memory_space<vmem>> -> memref<1x1x256x128xf32, #tpu.memory_space<vmem>>
            %get3A_1425 = tpu.memref_squeeze %get3A_1424 : memref<1x1x256x128xf32, #tpu.memory_space<vmem>> -> memref<256x128xf32, #tpu.memory_space<vmem>>
            %get3A_1426 = arith.index_cast %add3A_1415 : i32 to index
            %get3A_1427 = arith.constant 16 : index
            %get3A_1428 = tpu.vector_load %get3A_1425[%get3A_1426, %get3A_1427] {strides = array<i32>} : memref<256x128xf32, #tpu.memory_space<vmem>>, vector<1x16xf32>,
            %get3A_1429 = vector.shape_cast %get3A_1428 : vector<1x16xf32> to vector<1x16xf32>
            %abs3A_1430 = math.absf %get3A_1429 : vector<1x16xf32>
            %gt3A_1431 = arith.constant 0.00999999977 : f32
            %gt3A_1432 = vector.broadcast %gt3A_1431 : f32 to vector<1x16xf32>
            %gt3A_1433 = arith.cmpf ogt, %abs3A_1430, %gt3A_1432 : vector<1x16xf32>
            %jit3A_1434 = arith.constant 0x7F800000 : f32
            %broadcast_in_dim3A_1435 = vector.broadcast %jit3A_1434 : f32 to vector<1x16xf32>
            %select_n3A_1436 = arith.select %gt3A_1433, %broadcast_in_dim3A_1435, %get3A_1429 : vector<1x16xi1>, vector<1x16xf32>
            %min3A_1437 = arith.minimumf %min3A_1401, %select_n3A_1436 : vector<1x16xf32>
            %jit3A_1438 = arith.constant 0xFF800000 : f32
            %broadcast_in_dim3A_1439 = vector.broadcast %jit3A_1438 : f32 to vector<1x16xf32>
            %select_n3A_1440 = arith.select %gt3A_1433, %broadcast_in_dim3A_1439, %get3A_1429 : vector<1x16xi1>, vector<1x16xf32>
            %max3A_1441 = arith.maximumf %max3A_1405, %select_n3A_1440 : vector<1x16xf32>
            %jit3A_1442 = arith.constant 0x7F800000 : f32
            %broadcast_in_dim3A_1443 = vector.broadcast %jit3A_1442 : f32 to vector<1x16xf32>
            %select_n3A_1444 = arith.select %gt3A_1433, %get3A_1429, %broadcast_in_dim3A_1443 : vector<1x16xi1>, vector<1x16xf32>
            %min3A_1445 = arith.minimumf %min3A_1409, %select_n3A_1444 : vector<1x16xf32>
            %jit3A_1446 = arith.constant 0xFF800000 : f32
            %broadcast_in_dim3A_1447 = vector.broadcast %jit3A_1446 : f32 to vector<1x16xf32>
            %select_n3A_1448 = arith.select %gt3A_1433, %get3A_1429, %broadcast_in_dim3A_1447 : vector<1x16xi1>, vector<1x16xf32>
            %max3A_1449 = arith.maximumf %max3A_1413, %select_n3A_1448 : vector<1x16xf32>
            %add3A_1450 = arith.constant 3 : i32
            %add3A_1451 = arith.addi %add3A_501, %add3A_1450 : i32
            %get3A_1452 = arith.constant 0 : i32
            %get3A_1453 = arith.constant 0 : i32
            %get3A_1454 = arith.constant 0 : i32
            %get3A_1455 = arith.constant 0 : i32
            %get3A_1456 = tpu.memref_slice %run_scoped3A[%rem3A_429, %get3A_1452, %get3A_1453, %get3A_1454, %get3A_1455] : memref<2x1x1x256x128xf32, #tpu.memory_space<vmem>> -> memref<1x1x1x256x128xf32, #tpu.memory_space<vmem>>
            %get3A_1457 = tpu.memref_squeeze %get3A_1456 : memref<1x1x1x256x128xf32, #tpu.memory_space<vmem>> -> memref<1x1x256x128xf32, #tpu.memory_space<vmem>>
            %get3A_1458 = arith.constant 0 : i32
            %get3A_1459 = arith.constant 0 : i32
            %get3A_1460 = tpu.memref_slice %get3A_1457[%scan3A, %scan3A_430, %get3A_1458, %get3A_1459] : memref<1x1x256x128xf32, #tpu.memory_space<vmem>> -> memref<1x1x256x128xf32, #tpu.memory_space<vmem>>
            %get3A_1461 = tpu.memref_squeeze %get3A_1460 : memref<1x1x256x128xf32, #tpu.memory_space<vmem>> -> memref<256x128xf32, #tpu.memory_space<vmem>>
            %get3A_1462 = arith.index_cast %add3A_1451 : i32 to index
            %get3A_1463 = arith.constant 32 : index
            %get3A_1464 = tpu.vector_load %get3A_1461[%get3A_1462, %get3A_1463] {strides = array<i32>} : memref<256x128xf32, #tpu.memory_space<vmem>>, vector<1x16xf32>,
            %get3A_1465 = vector.shape_cast %get3A_1464 : vector<1x16xf32> to vector<1x16xf32>
            %abs3A_1466 = math.absf %get3A_1465 : vector<1x16xf32>
            %gt3A_1467 = arith.constant 0.00999999977 : f32
            %gt3A_1468 = vector.broadcast %gt3A_1467 : f32 to vector<1x16xf32>
            %gt3A_1469 = arith.cmpf ogt, %abs3A_1466, %gt3A_1468 : vector<1x16xf32>
            %jit3A_1470 = arith.constant 0x7F800000 : f32
            %broadcast_in_dim3A_1471 = vector.broadcast %jit3A_1470 : f32 to vector<1x16xf32>
            %select_n3A_1472 = arith.select %gt3A_1469, %broadcast_in_dim3A_1471, %get3A_1465 : vector<1x16xi1>, vector<1x16xf32>
            %min3A_1473 = arith.minimumf %min3A_1437, %select_n3A_1472 : vector<1x16xf32>
            %jit3A_1474 = arith.constant 0xFF800000 : f32
            %broadcast_in_dim3A_1475 = vector.broadcast %jit3A_1474 : f32 to vector<1x16xf32>
            %select_n3A_1476 = arith.select %gt3A_1469, %broadcast_in_dim3A_1475, %get3A_1465 : vector<1x16xi1>, vector<1x16xf32>
            %max3A_1477 = arith.maximumf %max3A_1441, %select_n3A_1476 : vector<1x16xf32>
            %jit3A_1478 = arith.constant 0x7F800000 : f32
            %broadcast_in_dim3A_1479 = vector.broadcast %jit3A_1478 : f32 to vector<1x16xf32>
            %select_n3A_1480 = arith.select %gt3A_1469, %get3A_1465, %broadcast_in_dim3A_1479 : vector<1x16xi1>, vector<1x16xf32>
            %min3A_1481 = arith.minimumf %min3A_1445, %select_n3A_1480 : vector<1x16xf32>
            %jit3A_1482 = arith.constant 0xFF800000 : f32
            %broadcast_in_dim3A_1483 = vector.broadcast %jit3A_1482 : f32 to vector<1x16xf32>
            %select_n3A_1484 = arith.select %gt3A_1469, %get3A_1465, %broadcast_in_dim3A_1483 : vector<1x16xi1>, vector<1x16xf32>
            %max3A_1485 = arith.maximumf %max3A_1449, %select_n3A_1484 : vector<1x16xf32>
            %add3A_1486 = arith.constant 3 : i32
            %add3A_1487 = arith.addi %add3A_501, %add3A_1486 : i32
            %get3A_1488 = arith.constant 0 : i32
            %get3A_1489 = arith.constant 0 : i32
            %get3A_1490 = arith.constant 0 : i32
            %get3A_1491 = arith.constant 0 : i32
            %get3A_1492 = tpu.memref_slice %run_scoped3A[%rem3A_429, %get3A_1488, %get3A_1489, %get3A_1490, %get3A_1491] : memref<2x1x1x256x128xf32, #tpu.memory_space<vmem>> -> memref<1x1x1x256x128xf32, #tpu.memory_space<vmem>>
            %get3A_1493 = tpu.memref_squeeze %get3A_1492 : memref<1x1x1x256x128xf32, #tpu.memory_space<vmem>> -> memref<1x1x256x128xf32, #tpu.memory_space<vmem>>
            %get3A_1494 = arith.constant 0 : i32
            %get3A_1495 = arith.constant 0 : i32
            %get3A_1496 = tpu.memref_slice %get3A_1493[%scan3A, %scan3A_430, %get3A_1494, %get3A_1495] : memref<1x1x256x128xf32, #tpu.memory_space<vmem>> -> memref<1x1x256x128xf32, #tpu.memory_space<vmem>>
            %get3A_1497 = tpu.memref_squeeze %get3A_1496 : memref<1x1x256x128xf32, #tpu.memory_space<vmem>> -> memref<256x128xf32, #tpu.memory_space<vmem>>
            %get3A_1498 = arith.index_cast %add3A_1487 : i32 to index
            %get3A_1499 = arith.constant 48 : index
            %get3A_1500 = tpu.vector_load %get3A_1497[%get3A_1498, %get3A_1499] {strides = array<i32>} : memref<256x128xf32, #tpu.memory_space<vmem>>, vector<1x16xf32>,
            %get3A_1501 = vector.shape_cast %get3A_1500 : vector<1x16xf32> to vector<1x16xf32>
            %abs3A_1502 = math.absf %get3A_1501 : vector<1x16xf32>
            %gt3A_1503 = arith.constant 0.00999999977 : f32
            %gt3A_1504 = vector.broadcast %gt3A_1503 : f32 to vector<1x16xf32>
            %gt3A_1505 = arith.cmpf ogt, %abs3A_1502, %gt3A_1504 : vector<1x16xf32>
            %jit3A_1506 = arith.constant 0x7F800000 : f32
            %broadcast_in_dim3A_1507 = vector.broadcast %jit3A_1506 : f32 to vector<1x16xf32>
            %select_n3A_1508 = arith.select %gt3A_1505, %broadcast_in_dim3A_1507, %get3A_1501 : vector<1x16xi1>, vector<1x16xf32>
            %min3A_1509 = arith.minimumf %min3A_1473, %select_n3A_1508 : vector<1x16xf32>
            %jit3A_1510 = arith.constant 0xFF800000 : f32
            %broadcast_in_dim3A_1511 = vector.broadcast %jit3A_1510 : f32 to vector<1x16xf32>
            %select_n3A_1512 = arith.select %gt3A_1505, %broadcast_in_dim3A_1511, %get3A_1501 : vector<1x16xi1>, vector<1x16xf32>
            %max3A_1513 = arith.maximumf %max3A_1477, %select_n3A_1512 : vector<1x16xf32>
            %jit3A_1514 = arith.constant 0x7F800000 : f32
            %broadcast_in_dim3A_1515 = vector.broadcast %jit3A_1514 : f32 to vector<1x16xf32>
            %select_n3A_1516 = arith.select %gt3A_1505, %get3A_1501, %broadcast_in_dim3A_1515 : vector<1x16xi1>, vector<1x16xf32>
            %min3A_1517 = arith.minimumf %min3A_1481, %select_n3A_1516 : vector<1x16xf32>
            %jit3A_1518 = arith.constant 0xFF800000 : f32
            %broadcast_in_dim3A_1519 = vector.broadcast %jit3A_1518 : f32 to vector<1x16xf32>
            %select_n3A_1520 = arith.select %gt3A_1505, %get3A_1501, %broadcast_in_dim3A_1519 : vector<1x16xi1>, vector<1x16xf32>
            %max3A_1521 = arith.maximumf %max3A_1485, %select_n3A_1520 : vector<1x16xf32>
            %add3A_1522 = arith.constant 3 : i32
            %add3A_1523 = arith.addi %add3A_501, %add3A_1522 : i32
            %get3A_1524 = arith.constant 0 : i32
            %get3A_1525 = arith.constant 0 : i32
            %get3A_1526 = arith.constant 0 : i32
            %get3A_1527 = arith.constant 0 : i32
            %get3A_1528 = tpu.memref_slice %run_scoped3A[%rem3A_429, %get3A_1524, %get3A_1525, %get3A_1526, %get3A_1527] : memref<2x1x1x256x128xf32, #tpu.memory_space<vmem>> -> memref<1x1x1x256x128xf32, #tpu.memory_space<vmem>>
            %get3A_1529 = tpu.memref_squeeze %get3A_1528 : memref<1x1x1x256x128xf32, #tpu.memory_space<vmem>> -> memref<1x1x256x128xf32, #tpu.memory_space<vmem>>
            %get3A_1530 = arith.constant 0 : i32
            %get3A_1531 = arith.constant 0 : i32
            %get3A_1532 = tpu.memref_slice %get3A_1529[%scan3A, %scan3A_430, %get3A_1530, %get3A_1531] : memref<1x1x256x128xf32, #tpu.memory_space<vmem>> -> memref<1x1x256x128xf32, #tpu.memory_space<vmem>>
            %get3A_1533 = tpu.memref_squeeze %get3A_1532 : memref<1x1x256x128xf32, #tpu.memory_space<vmem>> -> memref<256x128xf32, #tpu.memory_space<vmem>>
            %get3A_1534 = arith.index_cast %add3A_1523 : i32 to index
            %get3A_1535 = arith.constant 64 : index
            %get3A_1536 = tpu.vector_load %get3A_1533[%get3A_1534, %get3A_1535] {strides = array<i32>} : memref<256x128xf32, #tpu.memory_space<vmem>>, vector<1x16xf32>,
            %get3A_1537 = vector.shape_cast %get3A_1536 : vector<1x16xf32> to vector<1x16xf32>
            %abs3A_1538 = math.absf %get3A_1537 : vector<1x16xf32>
            %gt3A_1539 = arith.constant 0.00999999977 : f32
            %gt3A_1540 = vector.broadcast %gt3A_1539 : f32 to vector<1x16xf32>
            %gt3A_1541 = arith.cmpf ogt, %abs3A_1538, %gt3A_1540 : vector<1x16xf32>
            %jit3A_1542 = arith.constant 0x7F800000 : f32
            %broadcast_in_dim3A_1543 = vector.broadcast %jit3A_1542 : f32 to vector<1x16xf32>
            %select_n3A_1544 = arith.select %gt3A_1541, %broadcast_in_dim3A_1543, %get3A_1537 : vector<1x16xi1>, vector<1x16xf32>
            %min3A_1545 = arith.minimumf %min3A_1509, %select_n3A_1544 : vector<1x16xf32>
            %jit3A_1546 = arith.constant 0xFF800000 : f32
            %broadcast_in_dim3A_1547 = vector.broadcast %jit3A_1546 : f32 to vector<1x16xf32>
            %select_n3A_1548 = arith.select %gt3A_1541, %broadcast_in_dim3A_1547, %get3A_1537 : vector<1x16xi1>, vector<1x16xf32>
            %max3A_1549 = arith.maximumf %max3A_1513, %select_n3A_1548 : vector<1x16xf32>
            %jit3A_1550 = arith.constant 0x7F800000 : f32
            %broadcast_in_dim3A_1551 = vector.broadcast %jit3A_1550 : f32 to vector<1x16xf32>
            %select_n3A_1552 = arith.select %gt3A_1541, %get3A_1537, %broadcast_in_dim3A_1551 : vector<1x16xi1>, vector<1x16xf32>
            %min3A_1553 = arith.minimumf %min3A_1517, %select_n3A_1552 : vector<1x16xf32>
            %jit3A_1554 = arith.constant 0xFF800000 : f32
            %broadcast_in_dim3A_1555 = vector.broadcast %jit3A_1554 : f32 to vector<1x16xf32>
            %select_n3A_1556 = arith.select %gt3A_1541, %get3A_1537, %broadcast_in_dim3A_1555 : vector<1x16xi1>, vector<1x16xf32>
            %max3A_1557 = arith.maximumf %max3A_1521, %select_n3A_1556 : vector<1x16xf32>
            %add3A_1558 = arith.constant 3 : i32
            %add3A_1559 = arith.addi %add3A_501, %add3A_1558 : i32
            %get3A_1560 = arith.constant 0 : i32
            %get3A_1561 = arith.constant 0 : i32
            %get3A_1562 = arith.constant 0 : i32
            %get3A_1563 = arith.constant 0 : i32
            %get3A_1564 = tpu.memref_slice %run_scoped3A[%rem3A_429, %get3A_1560, %get3A_1561, %get3A_1562, %get3A_1563] : memref<2x1x1x256x128xf32, #tpu.memory_space<vmem>> -> memref<1x1x1x256x128xf32, #tpu.memory_space<vmem>>
            %get3A_1565 = tpu.memref_squeeze %get3A_1564 : memref<1x1x1x256x128xf32, #tpu.memory_space<vmem>> -> memref<1x1x256x128xf32, #tpu.memory_space<vmem>>
            %get3A_1566 = arith.constant 0 : i32
            %get3A_1567 = arith.constant 0 : i32
            %get3A_1568 = tpu.memref_slice %get3A_1565[%scan3A, %scan3A_430, %get3A_1566, %get3A_1567] : memref<1x1x256x128xf32, #tpu.memory_space<vmem>> -> memref<1x1x256x128xf32, #tpu.memory_space<vmem>>
            %get3A_1569 = tpu.memref_squeeze %get3A_1568 : memref<1x1x256x128xf32, #tpu.memory_space<vmem>> -> memref<256x128xf32, #tpu.memory_space<vmem>>
            %get3A_1570 = arith.index_cast %add3A_1559 : i32 to index
            %get3A_1571 = arith.constant 80 : index
            %get3A_1572 = tpu.vector_load %get3A_1569[%get3A_1570, %get3A_1571] {strides = array<i32>} : memref<256x128xf32, #tpu.memory_space<vmem>>, vector<1x16xf32>,
            %get3A_1573 = vector.shape_cast %get3A_1572 : vector<1x16xf32> to vector<1x16xf32>
            %abs3A_1574 = math.absf %get3A_1573 : vector<1x16xf32>
            %gt3A_1575 = arith.constant 0.00999999977 : f32
            %gt3A_1576 = vector.broadcast %gt3A_1575 : f32 to vector<1x16xf32>
            %gt3A_1577 = arith.cmpf ogt, %abs3A_1574, %gt3A_1576 : vector<1x16xf32>
            %jit3A_1578 = arith.constant 0x7F800000 : f32
            %broadcast_in_dim3A_1579 = vector.broadcast %jit3A_1578 : f32 to vector<1x16xf32>
            %select_n3A_1580 = arith.select %gt3A_1577, %broadcast_in_dim3A_1579, %get3A_1573 : vector<1x16xi1>, vector<1x16xf32>
            %min3A_1581 = arith.minimumf %min3A_1545, %select_n3A_1580 : vector<1x16xf32>
            %jit3A_1582 = arith.constant 0xFF800000 : f32
            %broadcast_in_dim3A_1583 = vector.broadcast %jit3A_1582 : f32 to vector<1x16xf32>
            %select_n3A_1584 = arith.select %gt3A_1577, %broadcast_in_dim3A_1583, %get3A_1573 : vector<1x16xi1>, vector<1x16xf32>
            %max3A_1585 = arith.maximumf %max3A_1549, %select_n3A_1584 : vector<1x16xf32>
            %jit3A_1586 = arith.constant 0x7F800000 : f32
            %broadcast_in_dim3A_1587 = vector.broadcast %jit3A_1586 : f32 to vector<1x16xf32>
            %select_n3A_1588 = arith.select %gt3A_1577, %get3A_1573, %broadcast_in_dim3A_1587 : vector<1x16xi1>, vector<1x16xf32>
            %min3A_1589 = arith.minimumf %min3A_1553, %select_n3A_1588 : vector<1x16xf32>
            %jit3A_1590 = arith.constant 0xFF800000 : f32
            %broadcast_in_dim3A_1591 = vector.broadcast %jit3A_1590 : f32 to vector<1x16xf32>
            %select_n3A_1592 = arith.select %gt3A_1577, %get3A_1573, %broadcast_in_dim3A_1591 : vector<1x16xi1>, vector<1x16xf32>
            %max3A_1593 = arith.maximumf %max3A_1557, %select_n3A_1592 : vector<1x16xf32>
            %add3A_1594 = arith.constant 3 : i32
            %add3A_1595 = arith.addi %add3A_501, %add3A_1594 : i32
            %get3A_1596 = arith.constant 0 : i32
            %get3A_1597 = arith.constant 0 : i32
            %get3A_1598 = arith.constant 0 : i32
            %get3A_1599 = arith.constant 0 : i32
            %get3A_1600 = tpu.memref_slice %run_scoped3A[%rem3A_429, %get3A_1596, %get3A_1597, %get3A_1598, %get3A_1599] : memref<2x1x1x256x128xf32, #tpu.memory_space<vmem>> -> memref<1x1x1x256x128xf32, #tpu.memory_space<vmem>>
            %get3A_1601 = tpu.memref_squeeze %get3A_1600 : memref<1x1x1x256x128xf32, #tpu.memory_space<vmem>> -> memref<1x1x256x128xf32, #tpu.memory_space<vmem>>
            %get3A_1602 = arith.constant 0 : i32
            %get3A_1603 = arith.constant 0 : i32
            %get3A_1604 = tpu.memref_slice %get3A_1601[%scan3A, %scan3A_430, %get3A_1602, %get3A_1603] : memref<1x1x256x128xf32, #tpu.memory_space<vmem>> -> memref<1x1x256x128xf32, #tpu.memory_space<vmem>>
            %get3A_1605 = tpu.memref_squeeze %get3A_1604 : memref<1x1x256x128xf32, #tpu.memory_space<vmem>> -> memref<256x128xf32, #tpu.memory_space<vmem>>
            %get3A_1606 = arith.index_cast %add3A_1595 : i32 to index
            %get3A_1607 = arith.constant 96 : index
            %get3A_1608 = tpu.vector_load %get3A_1605[%get3A_1606, %get3A_1607] {strides = array<i32>} : memref<256x128xf32, #tpu.memory_space<vmem>>, vector<1x16xf32>,
            %get3A_1609 = vector.shape_cast %get3A_1608 : vector<1x16xf32> to vector<1x16xf32>
            %abs3A_1610 = math.absf %get3A_1609 : vector<1x16xf32>
            %gt3A_1611 = arith.constant 0.00999999977 : f32
            %gt3A_1612 = vector.broadcast %gt3A_1611 : f32 to vector<1x16xf32>
            %gt3A_1613 = arith.cmpf ogt, %abs3A_1610, %gt3A_1612 : vector<1x16xf32>
            %jit3A_1614 = arith.constant 0x7F800000 : f32
            %broadcast_in_dim3A_1615 = vector.broadcast %jit3A_1614 : f32 to vector<1x16xf32>
            %select_n3A_1616 = arith.select %gt3A_1613, %broadcast_in_dim3A_1615, %get3A_1609 : vector<1x16xi1>, vector<1x16xf32>
            %min3A_1617 = arith.minimumf %min3A_1581, %select_n3A_1616 : vector<1x16xf32>
            %jit3A_1618 = arith.constant 0xFF800000 : f32
            %broadcast_in_dim3A_1619 = vector.broadcast %jit3A_1618 : f32 to vector<1x16xf32>
            %select_n3A_1620 = arith.select %gt3A_1613, %broadcast_in_dim3A_1619, %get3A_1609 : vector<1x16xi1>, vector<1x16xf32>
            %max3A_1621 = arith.maximumf %max3A_1585, %select_n3A_1620 : vector<1x16xf32>
            %jit3A_1622 = arith.constant 0x7F800000 : f32
            %broadcast_in_dim3A_1623 = vector.broadcast %jit3A_1622 : f32 to vector<1x16xf32>
            %select_n3A_1624 = arith.select %gt3A_1613, %get3A_1609, %broadcast_in_dim3A_1623 : vector<1x16xi1>, vector<1x16xf32>
            %min3A_1625 = arith.minimumf %min3A_1589, %select_n3A_1624 : vector<1x16xf32>
            %jit3A_1626 = arith.constant 0xFF800000 : f32
            %broadcast_in_dim3A_1627 = vector.broadcast %jit3A_1626 : f32 to vector<1x16xf32>
            %select_n3A_1628 = arith.select %gt3A_1613, %get3A_1609, %broadcast_in_dim3A_1627 : vector<1x16xi1>, vector<1x16xf32>
            %max3A_1629 = arith.maximumf %max3A_1593, %select_n3A_1628 : vector<1x16xf32>
            %add3A_1630 = arith.constant 3 : i32
            %add3A_1631 = arith.addi %add3A_501, %add3A_1630 : i32
            %get3A_1632 = arith.constant 0 : i32
            %get3A_1633 = arith.constant 0 : i32
            %get3A_1634 = arith.constant 0 : i32
            %get3A_1635 = arith.constant 0 : i32
            %get3A_1636 = tpu.memref_slice %run_scoped3A[%rem3A_429, %get3A_1632, %get3A_1633, %get3A_1634, %get3A_1635] : memref<2x1x1x256x128xf32, #tpu.memory_space<vmem>> -> memref<1x1x1x256x128xf32, #tpu.memory_space<vmem>>
            %get3A_1637 = tpu.memref_squeeze %get3A_1636 : memref<1x1x1x256x128xf32, #tpu.memory_space<vmem>> -> memref<1x1x256x128xf32, #tpu.memory_space<vmem>>
            %get3A_1638 = arith.constant 0 : i32
            %get3A_1639 = arith.constant 0 : i32
            %get3A_1640 = tpu.memref_slice %get3A_1637[%scan3A, %scan3A_430, %get3A_1638, %get3A_1639] : memref<1x1x256x128xf32, #tpu.memory_space<vmem>> -> memref<1x1x256x128xf32, #tpu.memory_space<vmem>>
            %get3A_1641 = tpu.memref_squeeze %get3A_1640 : memref<1x1x256x128xf32, #tpu.memory_space<vmem>> -> memref<256x128xf32, #tpu.memory_space<vmem>>
            %get3A_1642 = arith.index_cast %add3A_1631 : i32 to index
            %get3A_1643 = arith.constant 112 : index
            %get3A_1644 = tpu.vector_load %get3A_1641[%get3A_1642, %get3A_1643] {strides = array<i32>} : memref<256x128xf32, #tpu.memory_space<vmem>>, vector<1x16xf32>,
            %get3A_1645 = vector.shape_cast %get3A_1644 : vector<1x16xf32> to vector<1x16xf32>
            %abs3A_1646 = math.absf %get3A_1645 : vector<1x16xf32>
            %gt3A_1647 = arith.constant 0.00999999977 : f32
            %gt3A_1648 = vector.broadcast %gt3A_1647 : f32 to vector<1x16xf32>
            %gt3A_1649 = arith.cmpf ogt, %abs3A_1646, %gt3A_1648 : vector<1x16xf32>
            %jit3A_1650 = arith.constant 0x7F800000 : f32
            %broadcast_in_dim3A_1651 = vector.broadcast %jit3A_1650 : f32 to vector<1x16xf32>
            %select_n3A_1652 = arith.select %gt3A_1649, %broadcast_in_dim3A_1651, %get3A_1645 : vector<1x16xi1>, vector<1x16xf32>
            %min3A_1653 = arith.minimumf %min3A_1617, %select_n3A_1652 : vector<1x16xf32>
            %jit3A_1654 = arith.constant 0xFF800000 : f32
            %broadcast_in_dim3A_1655 = vector.broadcast %jit3A_1654 : f32 to vector<1x16xf32>
            %select_n3A_1656 = arith.select %gt3A_1649, %broadcast_in_dim3A_1655, %get3A_1645 : vector<1x16xi1>, vector<1x16xf32>
            %max3A_1657 = arith.maximumf %max3A_1621, %select_n3A_1656 : vector<1x16xf32>
            %jit3A_1658 = arith.constant 0x7F800000 : f32
            %broadcast_in_dim3A_1659 = vector.broadcast %jit3A_1658 : f32 to vector<1x16xf32>
            %select_n3A_1660 = arith.select %gt3A_1649, %get3A_1645, %broadcast_in_dim3A_1659 : vector<1x16xi1>, vector<1x16xf32>
            %min3A_1661 = arith.minimumf %min3A_1625, %select_n3A_1660 : vector<1x16xf32>
            %jit3A_1662 = arith.constant 0xFF800000 : f32
            %broadcast_in_dim3A_1663 = vector.broadcast %jit3A_1662 : f32 to vector<1x16xf32>
            %select_n3A_1664 = arith.select %gt3A_1649, %get3A_1645, %broadcast_in_dim3A_1663 : vector<1x16xi1>, vector<1x16xf32>
            %max3A_1665 = arith.maximumf %max3A_1629, %select_n3A_1664 : vector<1x16xf32>
            %swap3A_1666 = arith.constant 0 : index
            %swap3A_1667 = arith.constant 0 : index
            %swap3A_1668 = tpu.vector_load %arg4[%swap3A_1666, %swap3A_1667] {strides = array<i32>} : memref<4x16xf32, #tpu.memory_space<vmem>>, vector<1x16xf32>,
            %swap3A_1669 = vector.shape_cast %swap3A_1668 : vector<1x16xf32> to vector<1x16xf32>
            %swap3A_1670 = vector.shape_cast %min3A_1653 : vector<1x16xf32> to vector<1x16xf32>
            tpu.vector_store %arg4[%swap3A_1666, %swap3A_1667], %swap3A_1670 {strides = array<i32>} : memref<4x16xf32, #tpu.memory_space<vmem>>, vector<1x16xf32>,
            %swap3A_1671 = arith.constant 1 : index
            %swap3A_1672 = arith.constant 0 : index
            %swap3A_1673 = tpu.vector_load %arg4[%swap3A_1671, %swap3A_1672] {strides = array<i32>} : memref<4x16xf32, #tpu.memory_space<vmem>>, vector<1x16xf32>,
            %swap3A_1674 = vector.shape_cast %swap3A_1673 : vector<1x16xf32> to vector<1x16xf32>
            %swap3A_1675 = vector.shape_cast %max3A_1657 : vector<1x16xf32> to vector<1x16xf32>
            tpu.vector_store %arg4[%swap3A_1671, %swap3A_1672], %swap3A_1675 {strides = array<i32>} : memref<4x16xf32, #tpu.memory_space<vmem>>, vector<1x16xf32>,
            %swap3A_1676 = arith.constant 2 : index
            %swap3A_1677 = arith.constant 0 : index
            %swap3A_1678 = tpu.vector_load %arg4[%swap3A_1676, %swap3A_1677] {strides = array<i32>} : memref<4x16xf32, #tpu.memory_space<vmem>>, vector<1x16xf32>,
            %swap3A_1679 = vector.shape_cast %swap3A_1678 : vector<1x16xf32> to vector<1x16xf32>
            %swap3A_1680 = vector.shape_cast %min3A_1661 : vector<1x16xf32> to vector<1x16xf32>
            tpu.vector_store %arg4[%swap3A_1676, %swap3A_1677], %swap3A_1680 {strides = array<i32>} : memref<4x16xf32, #tpu.memory_space<vmem>>, vector<1x16xf32>,
            %swap3A_1681 = arith.constant 3 : index
            %swap3A_1682 = arith.constant 0 : index
            %swap3A_1683 = tpu.vector_load %arg4[%swap3A_1681, %swap3A_1682] {strides = array<i32>} : memref<4x16xf32, #tpu.memory_space<vmem>>, vector<1x16xf32>,
            %swap3A_1684 = vector.shape_cast %swap3A_1683 : vector<1x16xf32> to vector<1x16xf32>
            %swap3A_1685 = vector.shape_cast %max3A_1665 : vector<1x16xf32> to vector<1x16xf32>
            tpu.vector_store %arg4[%swap3A_1681, %swap3A_1682], %swap3A_1685 {strides = array<i32>} : memref<4x16xf32, #tpu.memory_space<vmem>>, vector<1x16xf32>,
          }
          %scan3A_435 = arith.constant 64 : i32
          "tpu.trace_stop"() : () -> ()
          %ne3A_436 = arith.cmpi ne, %add3A_322, %add3A_372 : i32
          %ne3A_437 = arith.cmpi ne, %add3A_324, %add3A_374 : i32
          %or3A_438 = arith.constant false
          %or3A_439 = arith.ori %or3A_438, %ne3A_436 : i1
          %or3A_440 = arith.ori %or3A_439, %ne3A_437 : i1
          %or3A_441 = arith.constant false
          %or3A_442 = arith.ori %or3A_440, %or3A_441 : i1
          %or3A_443 = arith.ori %or3A_442, %eq3A_321 : i1
          %convert_element_type3A_444 = arith.extui %or3A_443 : i1 to i32
          %cond3A_445 = arith.constant 0 : i32
          %cond3A_446 = arith.cmpi ne, %convert_element_type3A_444, %cond3A_445 : i32
          scf.if %cond3A_446 {
          } else {
          }
          %and3A_447 = arith.constant false
          %and3A_448 = arith.andi %or3A_443, %and3A_447 : i1
          %ne3A_449 = arith.cmpi ne, %add3A_322, %add3A_348 : i32
          %ne3A_450 = arith.cmpi ne, %add3A_324, %add3A_350 : i32
          %or3A_451 = arith.constant false
          %or3A_452 = arith.ori %or3A_451, %ne3A_449 : i1
          %or3A_453 = arith.ori %or3A_452, %ne3A_450 : i1
          %or3A_454 = arith.constant false
          %or3A_455 = arith.ori %or3A_453, %or3A_454 : i1
          %not3A_456 = arith.constant true
          %not3A_457 = arith.xori %eq3A_318, %not3A_456 : i1
          %and3A_458 = arith.andi %or3A_455, %not3A_457 : i1
          %convert_element_type3A_459 = arith.extui %and3A_458 : i1 to i32
          %cond3A_460 = arith.constant 0 : i32
          %cond3A_461 = arith.cmpi ne, %convert_element_type3A_459, %cond3A_460 : i32
          scf.if %cond3A_461 {
          } else {
          }
          %and3A_462 = arith.constant false
          %and3A_463 = arith.andi %and3A_458, %and3A_462 : i1
          %ne3A_464 = arith.cmpi ne, %add3A_322, %add3A_372 : i32
          %ne3A_465 = arith.cmpi ne, %add3A_324, %add3A_374 : i32
          %or3A_466 = arith.constant false
          %or3A_467 = arith.ori %or3A_466, %ne3A_464 : i1
          %or3A_468 = arith.ori %or3A_467, %ne3A_465 : i1
          %or3A_469 = arith.constant false
          %or3A_470 = arith.ori %or3A_468, %or3A_469 : i1
          %or3A_471 = arith.ori %or3A_470, %eq3A_321 : i1
          %add3A_472 = arith.constant 1 : i32
          %add3A_473 = arith.addi %while3A_309, %add3A_472 : i32
          %select_n3A_474 = arith.select %or3A_471, %add3A_473, %while3A_309 : i32
          %add3A_475 = arith.constant 1 : i32
          %add3A_476 = arith.addi %while3A_312, %add3A_475 : i32
          %select_n3A_477 = arith.constant true
          %select_n3A_478 = arith.select %select_n3A_477, %add3A_476, %while3A_312 : i32
          %eq3A_479 = arith.constant 16 : i32
          %eq3A_480 = arith.cmpi eq, %select_n3A_478, %eq3A_479 : i32
          %select_n3A_481 = arith.constant 0 : i32
          %select_n3A_482 = arith.select %eq3A_480, %select_n3A_481, %select_n3A_478 : i32
          %add3A_483 = arith.constant 1 : i32
          %add3A_484 = arith.addi %while3A_311, %add3A_483 : i32
          %select_n3A_485 = arith.select %eq3A_480, %add3A_484, %while3A_311 : i32
          %eq3A_486 = arith.cmpi eq, %select_n3A_485, %select_n3A : i32
          %select_n3A_487 = arith.constant 0 : i32
          %select_n3A_488 = arith.select %eq3A_486, %select_n3A_487, %select_n3A_485 : i32
          %select_n3A_489 = arith.constant 0 : i32
          %select_n3A_490 = arith.constant 1 : i32
          %select_n3A_491 = arith.select %eq3A_486, %select_n3A_490, %select_n3A_489 : i32
          %eq3A_492 = arith.constant 1 : i32
          %eq3A_493 = arith.cmpi eq, %select_n3A_491, %eq3A_492 : i32
          %select_n3A_494 = arith.constant 0 : i32
          %select_n3A_495 = arith.select %eq3A_493, %select_n3A_494, %select_n3A_491 : i32
          %while3A_496 = arith.constant 0 : i32
          scf.yield %select_n3A_416, %select_n3A_474, %while3A_496, %select_n3A_488, %select_n3A_482 : i32, i32, i32, i32, i32
        }
        %while3A_191 = arith.constant 1 : i32
        %while3A_192:5 = scf.for %while3A_307 = %while3A_188 to %while3A_184 step %while3A_191 iter_args(%while3A_308 = %while3A_190#0, %while3A_309 = %while3A_190#1, %while3A_310 = %while3A_190#2, %while3A_311 = %while3A_190#3, %while3A_312 = %while3A_190#4) -> (i32, i32, i32, i32, i32)  : i32 {
          %mul3A_313 = arith.constant 1 : i32
          %mul3A_314 = arith.muli %mul3A_313, %select_n3A : i32
          %mul3A_315 = arith.constant 16 : i32
          %mul3A_316 = arith.muli %mul3A_314, %mul3A_315 : i32
          %eq3A_317 = arith.constant 0 : i32
          %eq3A_318 = arith.cmpi eq, %while3A_307, %eq3A_317 : i32
          %sub3A_319 = arith.constant 1 : i32
          %sub3A_320 = arith.subi %mul3A_316, %sub3A_319 : i32
          %eq3A_321 = arith.cmpi eq, %while3A_307, %sub3A_320 : i32
          %add3A_322 = arith.addi %while3A_311, %select_n3A_40 : i32
          %add3A_323 = arith.constant 0 : i32
          %add3A_324 = arith.addi %while3A_312, %add3A_323 : i32
          %sub3A_325 = arith.constant 1 : i32
          %sub3A_326 = arith.subi %while3A_312, %sub3A_325 : i32
          %select_n3A_327 = arith.constant true
          %select_n3A_328 = arith.select %select_n3A_327, %sub3A_326, %while3A_312 : i32
          %eq3A_329 = arith.constant -1 : i32
          %eq3A_330 = arith.cmpi eq, %select_n3A_328, %eq3A_329 : i32
          %select_n3A_331 = arith.constant 15 : i32
          %select_n3A_332 = arith.select %eq3A_330, %select_n3A_331, %select_n3A_328 : i32
          %sub3A_333 = arith.constant 1 : i32
          %sub3A_334 = arith.subi %while3A_311, %sub3A_333 : i32
          %select_n3A_335 = arith.select %eq3A_330, %sub3A_334, %while3A_311 : i32
          %eq3A_336 = arith.constant -1 : i32
          %eq3A_337 = arith.cmpi eq, %select_n3A_335, %eq3A_336 : i32
          %sub3A_338 = arith.constant 1 : i32
          %sub3A_339 = arith.subi %select_n3A, %sub3A_338 : i32
          %select_n3A_340 = arith.select %eq3A_337, %sub3A_339, %select_n3A_335 : i32
          %select_n3A_341 = arith.constant 0 : i32
          %select_n3A_342 = arith.constant -1 : i32
          %select_n3A_343 = arith.select %eq3A_337, %select_n3A_342, %select_n3A_341 : i32
          %eq3A_344 = arith.constant -1 : i32
          %eq3A_345 = arith.cmpi eq, %select_n3A_343, %eq3A_344 : i32
          %select_n3A_346 = arith.constant 0 : i32
          %select_n3A_347 = arith.select %eq3A_345, %select_n3A_346, %select_n3A_343 : i32
          %add3A_348 = arith.addi %select_n3A_340, %select_n3A_40 : i32
          %add3A_349 = arith.constant 0 : i32
          %add3A_350 = arith.addi %select_n3A_332, %add3A_349 : i32
          %add3A_351 = arith.constant 1 : i32
          %add3A_352 = arith.addi %while3A_312, %add3A_351 : i32
          %select_n3A_353 = arith.constant true
          %select_n3A_354 = arith.select %select_n3A_353, %add3A_352, %while3A_312 : i32
          %eq3A_355 = arith.constant 16 : i32
          %eq3A_356 = arith.cmpi eq, %select_n3A_354, %eq3A_355 : i32
          %select_n3A_357 = arith.constant 0 : i32
          %select_n3A_358 = arith.select %eq3A_356, %select_n3A_357, %select_n3A_354 : i32
          %add3A_359 = arith.constant 1 : i32
          %add3A_360 = arith.addi %while3A_311, %add3A_359 : i32
          %select_n3A_361 = arith.select %eq3A_356, %add3A_360, %while3A_311 : i32
          %eq3A_362 = arith.cmpi eq, %select_n3A_361, %select_n3A : i32
          %select_n3A_363 = arith.constant 0 : i32
          %select_n3A_364 = arith.select %eq3A_362, %select_n3A_363, %select_n3A_361 : i32
          %select_n3A_365 = arith.constant 0 : i32
          %select_n3A_366 = arith.constant 1 : i32
          %select_n3A_367 = arith.select %eq3A_362, %select_n3A_366, %select_n3A_365 : i32
          %eq3A_368 = arith.constant 1 : i32
          %eq3A_369 = arith.cmpi eq, %select_n3A_367, %eq3A_368 : i32
          %select_n3A_370 = arith.constant 0 : i32
          %select_n3A_371 = arith.select %eq3A_369, %select_n3A_370, %select_n3A_367 : i32
          %add3A_372 = arith.addi %select_n3A_364, %select_n3A_40 : i32
          %add3A_373 = arith.constant 0 : i32
          %add3A_374 = arith.addi %select_n3A_358, %add3A_373 : i32
          %add3A_375 = arith.constant 1 : i32
          %add3A_376 = arith.addi %select_n3A_358, %add3A_375 : i32
          %select_n3A_377 = arith.constant true
          %select_n3A_378 = arith.select %select_n3A_377, %add3A_376, %select_n3A_358 : i32
          %eq3A_379 = arith.constant 16 : i32
          %eq3A_380 = arith.cmpi eq, %select_n3A_378, %eq3A_379 : i32
          %select_n3A_381 = arith.constant 0 : i32
          %select_n3A_382 = arith.select %eq3A_380, %select_n3A_381, %select_n3A_378 : i32
          %add3A_383 = arith.constant 1 : i32
          %add3A_384 = arith.addi %select_n3A_364, %add3A_383 : i32
          %select_n3A_385 = arith.select %eq3A_380, %add3A_384, %select_n3A_364 : i32
          %eq3A_386 = arith.cmpi eq, %select_n3A_385, %select_n3A : i32
          %select_n3A_387 = arith.constant 0 : i32
          %select_n3A_388 = arith.select %eq3A_386, %select_n3A_387, %select_n3A_385 : i32
          %select_n3A_389 = arith.constant 0 : i32
          %select_n3A_390 = arith.constant 1 : i32
          %select_n3A_391 = arith.select %eq3A_386, %select_n3A_390, %select_n3A_389 : i32
          %eq3A_392 = arith.constant 1 : i32
          %eq3A_393 = arith.cmpi eq, %select_n3A_391, %eq3A_392 : i32
          %select_n3A_394 = arith.constant 0 : i32
          %select_n3A_395 = arith.select %eq3A_393, %select_n3A_394, %select_n3A_391 : i32
          %add3A_396 = arith.addi %select_n3A_388, %select_n3A_40 : i32
          %add3A_397 = arith.constant 0 : i32
          %add3A_398 = arith.addi %select_n3A_382, %add3A_397 : i32
          %ne3A = arith.cmpi ne, %add3A_322, %add3A_372 : i32
          %ne3A_399 = arith.cmpi ne, %add3A_324, %add3A_374 : i32
          %or3A = arith.constant false
          %or3A_400 = arith.ori %or3A, %ne3A : i1
          %or3A_401 = arith.ori %or3A_400, %ne3A_399 : i1
          %or3A_402 = arith.constant false
          %or3A_403 = arith.ori %or3A_401, %or3A_402 : i1
          %sub3A_404 = arith.constant 2 : i32
          %sub3A_405 = arith.subi %mul3A_316, %sub3A_404 : i32
          %add3A_406 = arith.constant 1 : i32
          %add3A_407 = arith.addi %sub3A_405, %add3A_406 : i32
          %ge3A = arith.cmpi sge, %while3A_307, %add3A_407 : i32
          %not3A = arith.constant true
          %not3A_408 = arith.xori %ge3A, %not3A : i1
          %and3A = arith.andi %or3A_403, %not3A_408 : i1
          %convert_element_type3A_409 = arith.extui %and3A : i1 to i32
          %cond3A_410 = arith.constant 0 : i32
          %cond3A_411 = arith.cmpi ne, %convert_element_type3A_409, %cond3A_410 : i32
          scf.if %cond3A_411 {
            "tpu.trace_start"() <{level = 10 : i32, message = "ep_copy_in"}> : () -> ()
            %rem3A_497 = arith.constant 2 : i32
            %rem3A_498 = arith.remui %while3A_308, %rem3A_497 : i32
            %mul3A_499 = arith.constant 1 : i32
            %mul3A_500 = arith.muli %mul3A_499, %add3A_372 : i32
            %mul3A_501 = arith.constant 256 : i32
            %mul3A_502 = arith.muli %mul3A_501, %add3A_374 : i32
            %dma_start3A_503 = arith.constant 0 : i32
            %dma_start3A_504 = arith.constant 0 : i32
            %dma_start3A_505 = arith.constant 0 : i32
            %dma_start3A_506 = arith.constant 0 : i32
            %dma_start3A_507 = tpu.memref_slice %run_scoped3A[%rem3A_498, %dma_start3A_503, %dma_start3A_504, %dma_start3A_505, %dma_start3A_506] : memref<2x1x1x256x128xf32, #tpu.memory_space<vmem>> -> memref<1x1x1x256x128xf32, #tpu.memory_space<vmem>>
            %dma_start3A_508 = tpu.memref_squeeze %dma_start3A_507 : memref<1x1x1x256x128xf32, #tpu.memory_space<vmem>> -> memref<1x1x256x128xf32, #tpu.memory_space<vmem>>
            %dma_start3A_509 = arith.constant 7 : i32
            %dma_start3A_510 = arith.constant 0 : i32
            %dma_start3A_511 = tpu.memref_slice %arg2[%dma_start3A_509, %mul3A_500, %mul3A_502, %dma_start3A_510] : memref<8x16x4096x128xf32, #tpu.memory_space<hbm>> -> memref<1x1x256x128xf32, #tpu.memory_space<hbm>>
            %dma_start3A_512 = tpu.memref_slice %run_scoped3A_62[%rem3A_498] : memref<2x!tpu.dma_semaphore, #tpu.memory_space<semaphore_mem>> -> memref<1x!tpu.dma_semaphore, #tpu.memory_space<semaphore_mem>>
            %dma_start3A_513 = tpu.memref_squeeze %dma_start3A_512 : memref<1x!tpu.dma_semaphore, #tpu.memory_space<semaphore_mem>> -> memref<!tpu.dma_semaphore, #tpu.memory_space<semaphore_mem>>
            %dma_start3A_514 = arith.constant 0 : i32
            %dma_start3A_515 = arith.constant 0 : i32
            %dma_start3A_516 = arith.constant 0 : i32
            %dma_start3A_517 = arith.constant 0 : i32
            %dma_start3A_518 = tpu.memref_slice %run_scoped3A[%rem3A_498, %dma_start3A_514, %dma_start3A_515, %dma_start3A_516, %dma_start3A_517] : memref<2x1x1x256x128xf32, #tpu.memory_space<vmem>> -> memref<1x1x1x256x128xf32, #tpu.memory_space<vmem>>
            %dma_start3A_519 = tpu.memref_squeeze %dma_start3A_518 : memref<1x1x1x256x128xf32, #tpu.memory_space<vmem>> -> memref<1x1x256x128xf32, #tpu.memory_space<vmem>>
            %dma_start3A_520 = arith.constant 7 : i32
            %dma_start3A_521 = arith.constant 0 : i32
            %dma_start3A_522 = tpu.memref_slice %arg2[%dma_start3A_520, %mul3A_500, %mul3A_502, %dma_start3A_521] : memref<8x16x4096x128xf32, #tpu.memory_space<hbm>> -> memref<1x1x256x128xf32, #tpu.memory_space<hbm>>
            tpu.enqueue_dma source(%dma_start3A_522 : memref<1x1x256x128xf32, #tpu.memory_space<hbm>>) target(%dma_start3A_519 : memref<1x1x256x128xf32, #tpu.memory_space<vmem>>) target_semaphore(%dma_start3A_513 : memref<!tpu.dma_semaphore, #tpu.memory_space<semaphore_mem>>)
            "tpu.trace_stop"() : () -> ()
          } else {
          }
          %and3A_412 = arith.constant true
          %and3A_413 = arith.andi %and3A, %and3A_412 : i1
          %add3A_414 = arith.constant 1 : i32
          %add3A_415 = arith.addi %while3A_308, %add3A_414 : i32
          %select_n3A_416 = arith.select %and3A_413, %add3A_415, %while3A_308 : i32
          %ne3A_417 = arith.cmpi ne, %add3A_322, %add3A_348 : i32
          %ne3A_418 = arith.cmpi ne, %add3A_324, %add3A_350 : i32
          %or3A_419 = arith.constant false
          %or3A_420 = arith.ori %or3A_419, %ne3A_417 : i1
          %or3A_421 = arith.ori %or3A_420, %ne3A_418 : i1
          %or3A_422 = arith.constant false
          %or3A_423 = arith.ori %or3A_421, %or3A_422 : i1
          %or3A_424 = arith.ori %or3A_423, %eq3A_318 : i1
          %convert_element_type3A_425 = arith.extui %or3A_424 : i1 to i32
          %cond3A_426 = arith.constant 0 : i32
          %cond3A_427 = arith.cmpi ne, %convert_element_type3A_425, %cond3A_426 : i32
          scf.if %cond3A_427 {
            "tpu.trace_start"() <{level = 10 : i32, message = "ep_wait_in"}> : () -> ()
            %mul3A_497 = arith.constant 1 : i32
            %mul3A_498 = arith.muli %mul3A_497, %add3A_322 : i32
            %mul3A_499 = arith.constant 256 : i32
            %mul3A_500 = arith.muli %mul3A_499, %add3A_324 : i32
            %rem3A_501 = arith.constant 2 : i32
            %rem3A_502 = arith.remui %while3A_309, %rem3A_501 : i32
            %dma_wait3A_503 = arith.constant 0 : i32
            %dma_wait3A_504 = arith.constant 0 : i32
            %dma_wait3A_505 = arith.constant 0 : i32
            %dma_wait3A_506 = arith.constant 0 : i32
            %dma_wait3A_507 = tpu.memref_slice %run_scoped3A[%rem3A_502, %dma_wait3A_503, %dma_wait3A_504, %dma_wait3A_505, %dma_wait3A_506] : memref<2x1x1x256x128xf32, #tpu.memory_space<vmem>> -> memref<1x1x1x256x128xf32, #tpu.memory_space<vmem>>
            %dma_wait3A_508 = tpu.memref_squeeze %dma_wait3A_507 : memref<1x1x1x256x128xf32, #tpu.memory_space<vmem>> -> memref<1x1x256x128xf32, #tpu.memory_space<vmem>>
            %dma_wait3A_509 = arith.constant 7 : i32
            %dma_wait3A_510 = arith.constant 0 : i32
            %dma_wait3A_511 = tpu.memref_slice %arg2[%dma_wait3A_509, %mul3A_498, %mul3A_500, %dma_wait3A_510] : memref<8x16x4096x128xf32, #tpu.memory_space<hbm>> -> memref<1x1x256x128xf32, #tpu.memory_space<hbm>>
            %dma_wait3A_512 = tpu.memref_slice %run_scoped3A_62[%rem3A_502] : memref<2x!tpu.dma_semaphore, #tpu.memory_space<semaphore_mem>> -> memref<1x!tpu.dma_semaphore, #tpu.memory_space<semaphore_mem>>
            %dma_wait3A_513 = tpu.memref_squeeze %dma_wait3A_512 : memref<1x!tpu.dma_semaphore, #tpu.memory_space<semaphore_mem>> -> memref<!tpu.dma_semaphore, #tpu.memory_space<semaphore_mem>>
            %dma_wait3A_514 = arith.constant 0 : i32
            %dma_wait3A_515 = arith.constant 0 : i32
            %dma_wait3A_516 = arith.constant 0 : i32
            %dma_wait3A_517 = arith.constant 0 : i32
            %dma_wait3A_518 = tpu.memref_slice %run_scoped3A[%rem3A_502, %dma_wait3A_514, %dma_wait3A_515, %dma_wait3A_516, %dma_wait3A_517] : memref<2x1x1x256x128xf32, #tpu.memory_space<vmem>> -> memref<1x1x1x256x128xf32, #tpu.memory_space<vmem>>
            %dma_wait3A_519 = tpu.memref_squeeze %dma_wait3A_518 : memref<1x1x1x256x128xf32, #tpu.memory_space<vmem>> -> memref<1x1x256x128xf32, #tpu.memory_space<vmem>>
            %dma_wait3A_520 = arith.constant 7 : i32
            %dma_wait3A_521 = arith.constant 0 : i32
            %dma_wait3A_522 = tpu.memref_slice %arg2[%dma_wait3A_520, %mul3A_498, %mul3A_500, %dma_wait3A_521] : memref<8x16x4096x128xf32, #tpu.memory_space<hbm>> -> memref<1x1x256x128xf32, #tpu.memory_space<hbm>>
            tpu.wait_dma2 semaphore(%dma_wait3A_513 : memref<!tpu.dma_semaphore, #tpu.memory_space<semaphore_mem>>) src(%dma_wait3A_522 : memref<1x1x256x128xf32, #tpu.memory_space<hbm>>) dst(%dma_wait3A_519 : memref<1x1x256x128xf32, #tpu.memory_space<vmem>>)
            "tpu.trace_stop"() : () -> ()
          } else {
          }
          %rem3A_428 = arith.constant 2 : i32
          %rem3A_429 = arith.remui %while3A_309, %rem3A_428 : i32
          "tpu.trace_start"() <{level = 10 : i32, message = "ep_run_kernel"}> : () -> ()
          %scan3A = arith.constant 0 : i32
          %scan3A_430 = arith.constant 0 : i32
          %scan3A_431 = arith.constant 0 : i32
          %scan3A_432 = arith.constant 64 : i32
          %scan3A_433 = arith.addi %scan3A_431, %scan3A_432 : i32
          %scan3A_434 = arith.constant 1 : i32
          scf.for %scan3A_497 = %scan3A_431 to %scan3A_433 step %scan3A_434  : i32 {
            %mul3A_498 = arith.constant 4 : i32
            %mul3A_499 = arith.muli %scan3A_497, %mul3A_498 : i32
            %add3A_500 = arith.constant 0 : i32
            %add3A_501 = arith.addi %add3A_500, %mul3A_499 : i32
            %get3A = arith.constant 0 : index
            %get3A_502 = arith.constant 0 : index
            %get3A_503 = tpu.vector_load %arg4[%get3A, %get3A_502] {strides = array<i32>} : memref<4x16xf32, #tpu.memory_space<vmem>>, vector<1x16xf32>,
            %get3A_504 = vector.shape_cast %get3A_503 : vector<1x16xf32> to vector<1x16xf32>
            %get3A_505 = arith.constant 1 : index
            %get3A_506 = arith.constant 0 : index
            %get3A_507 = tpu.vector_load %arg4[%get3A_505, %get3A_506] {strides = array<i32>} : memref<4x16xf32, #tpu.memory_space<vmem>>, vector<1x16xf32>,
            %get3A_508 = vector.shape_cast %get3A_507 : vector<1x16xf32> to vector<1x16xf32>
            %get3A_509 = arith.constant 2 : index
            %get3A_510 = arith.constant 0 : index
            %get3A_511 = tpu.vector_load %arg4[%get3A_509, %get3A_510] {strides = array<i32>} : memref<4x16xf32, #tpu.memory_space<vmem>>, vector<1x16xf32>,
            %get3A_512 = vector.shape_cast %get3A_511 : vector<1x16xf32> to vector<1x16xf32>
            %get3A_513 = arith.constant 3 : index
            %get3A_514 = arith.constant 0 : index
            %get3A_515 = tpu.vector_load %arg4[%get3A_513, %get3A_514] {strides = array<i32>} : memref<4x16xf32, #tpu.memory_space<vmem>>, vector<1x16xf32>,
            %get3A_516 = vector.shape_cast %get3A_515 : vector<1x16xf32> to vector<1x16xf32>
            %add3A_517 = arith.constant 0 : i32
            %add3A_518 = arith.addi %add3A_501, %add3A_517 : i32
            %get3A_519 = arith.constant 0 : i32
            %get3A_520 = arith.constant 0 : i32
            %get3A_521 = arith.constant 0 : i32
            %get3A_522 = arith.constant 0 : i32
            %get3A_523 = tpu.memref_slice %run_scoped3A[%rem3A_429, %get3A_519, %get3A_520, %get3A_521, %get3A_522] : memref<2x1x1x256x128xf32, #tpu.memory_space<vmem>> -> memref<1x1x1x256x128xf32, #tpu.memory_space<vmem>>
            %get3A_524 = tpu.memref_squeeze %get3A_523 : memref<1x1x1x256x128xf32, #tpu.memory_space<vmem>> -> memref<1x1x256x128xf32, #tpu.memory_space<vmem>>
            %get3A_525 = arith.constant 0 : i32
            %get3A_526 = arith.constant 0 : i32
            %get3A_527 = tpu.memref_slice %get3A_524[%scan3A, %scan3A_430, %get3A_525, %get3A_526] : memref<1x1x256x128xf32, #tpu.memory_space<vmem>> -> memref<1x1x256x128xf32, #tpu.memory_space<vmem>>
            %get3A_528 = tpu.memref_squeeze %get3A_527 : memref<1x1x256x128xf32, #tpu.memory_space<vmem>> -> memref<256x128xf32, #tpu.memory_space<vmem>>
            %get3A_529 = arith.index_cast %add3A_518 : i32 to index
            %get3A_530 = arith.constant 0 : index
            %get3A_531 = tpu.vector_load %get3A_528[%get3A_529, %get3A_530] {strides = array<i32>} : memref<256x128xf32, #tpu.memory_space<vmem>>, vector<1x16xf32>,
            %get3A_532 = vector.shape_cast %get3A_531 : vector<1x16xf32> to vector<1x16xf32>
            %abs3A = math.absf %get3A_532 : vector<1x16xf32>
            %gt3A_533 = arith.constant 0.00999999977 : f32
            %gt3A_534 = vector.broadcast %gt3A_533 : f32 to vector<1x16xf32>
            %gt3A_535 = arith.cmpf ogt, %abs3A, %gt3A_534 : vector<1x16xf32>
            %jit3A_536 = arith.constant 0x7F800000 : f32
            %broadcast_in_dim3A_537 = vector.broadcast %jit3A_536 : f32 to vector<1x16xf32>
            %select_n3A_538 = arith.select %gt3A_535, %broadcast_in_dim3A_537, %get3A_532 : vector<1x16xi1>, vector<1x16xf32>
            %min3A = arith.minimumf %get3A_504, %select_n3A_538 : vector<1x16xf32>
            %jit3A_539 = arith.constant 0xFF800000 : f32
            %broadcast_in_dim3A_540 = vector.broadcast %jit3A_539 : f32 to vector<1x16xf32>
            %select_n3A_541 = arith.select %gt3A_535, %broadcast_in_dim3A_540, %get3A_532 : vector<1x16xi1>, vector<1x16xf32>
            %max3A = arith.maximumf %get3A_508, %select_n3A_541 : vector<1x16xf32>
            %jit3A_542 = arith.constant 0x7F800000 : f32
            %broadcast_in_dim3A_543 = vector.broadcast %jit3A_542 : f32 to vector<1x16xf32>
            %select_n3A_544 = arith.select %gt3A_535, %get3A_532, %broadcast_in_dim3A_543 : vector<1x16xi1>, vector<1x16xf32>
            %min3A_545 = arith.minimumf %get3A_512, %select_n3A_544 : vector<1x16xf32>
            %jit3A_546 = arith.constant 0xFF800000 : f32
            %broadcast_in_dim3A_547 = vector.broadcast %jit3A_546 : f32 to vector<1x16xf32>
            %select_n3A_548 = arith.select %gt3A_535, %get3A_532, %broadcast_in_dim3A_547 : vector<1x16xi1>, vector<1x16xf32>
            %max3A_549 = arith.maximumf %get3A_516, %select_n3A_548 : vector<1x16xf32>
            %add3A_550 = arith.constant 0 : i32
            %add3A_551 = arith.addi %add3A_501, %add3A_550 : i32
            %get3A_552 = arith.constant 0 : i32
            %get3A_553 = arith.constant 0 : i32
            %get3A_554 = arith.constant 0 : i32
            %get3A_555 = arith.constant 0 : i32
            %get3A_556 = tpu.memref_slice %run_scoped3A[%rem3A_429, %get3A_552, %get3A_553, %get3A_554, %get3A_555] : memref<2x1x1x256x128xf32, #tpu.memory_space<vmem>> -> memref<1x1x1x256x128xf32, #tpu.memory_space<vmem>>
            %get3A_557 = tpu.memref_squeeze %get3A_556 : memref<1x1x1x256x128xf32, #tpu.memory_space<vmem>> -> memref<1x1x256x128xf32, #tpu.memory_space<vmem>>
            %get3A_558 = arith.constant 0 : i32
            %get3A_559 = arith.constant 0 : i32
            %get3A_560 = tpu.memref_slice %get3A_557[%scan3A, %scan3A_430, %get3A_558, %get3A_559] : memref<1x1x256x128xf32, #tpu.memory_space<vmem>> -> memref<1x1x256x128xf32, #tpu.memory_space<vmem>>
            %get3A_561 = tpu.memref_squeeze %get3A_560 : memref<1x1x256x128xf32, #tpu.memory_space<vmem>> -> memref<256x128xf32, #tpu.memory_space<vmem>>
            %get3A_562 = arith.index_cast %add3A_551 : i32 to index
            %get3A_563 = arith.constant 16 : index
            %get3A_564 = tpu.vector_load %get3A_561[%get3A_562, %get3A_563] {strides = array<i32>} : memref<256x128xf32, #tpu.memory_space<vmem>>, vector<1x16xf32>,
            %get3A_565 = vector.shape_cast %get3A_564 : vector<1x16xf32> to vector<1x16xf32>
            %abs3A_566 = math.absf %get3A_565 : vector<1x16xf32>
            %gt3A_567 = arith.constant 0.00999999977 : f32
            %gt3A_568 = vector.broadcast %gt3A_567 : f32 to vector<1x16xf32>
            %gt3A_569 = arith.cmpf ogt, %abs3A_566, %gt3A_568 : vector<1x16xf32>
            %jit3A_570 = arith.constant 0x7F800000 : f32
            %broadcast_in_dim3A_571 = vector.broadcast %jit3A_570 : f32 to vector<1x16xf32>
            %select_n3A_572 = arith.select %gt3A_569, %broadcast_in_dim3A_571, %get3A_565 : vector<1x16xi1>, vector<1x16xf32>
            %min3A_573 = arith.minimumf %min3A, %select_n3A_572 : vector<1x16xf32>
            %jit3A_574 = arith.constant 0xFF800000 : f32
            %broadcast_in_dim3A_575 = vector.broadcast %jit3A_574 : f32 to vector<1x16xf32>
            %select_n3A_576 = arith.select %gt3A_569, %broadcast_in_dim3A_575, %get3A_565 : vector<1x16xi1>, vector<1x16xf32>
            %max3A_577 = arith.maximumf %max3A, %select_n3A_576 : vector<1x16xf32>
            %jit3A_578 = arith.constant 0x7F800000 : f32
            %broadcast_in_dim3A_579 = vector.broadcast %jit3A_578 : f32 to vector<1x16xf32>
            %select_n3A_580 = arith.select %gt3A_569, %get3A_565, %broadcast_in_dim3A_579 : vector<1x16xi1>, vector<1x16xf32>
            %min3A_581 = arith.minimumf %min3A_545, %select_n3A_580 : vector<1x16xf32>
            %jit3A_582 = arith.constant 0xFF800000 : f32
            %broadcast_in_dim3A_583 = vector.broadcast %jit3A_582 : f32 to vector<1x16xf32>
            %select_n3A_584 = arith.select %gt3A_569, %get3A_565, %broadcast_in_dim3A_583 : vector<1x16xi1>, vector<1x16xf32>
            %max3A_585 = arith.maximumf %max3A_549, %select_n3A_584 : vector<1x16xf32>
            %add3A_586 = arith.constant 0 : i32
            %add3A_587 = arith.addi %add3A_501, %add3A_586 : i32
            %get3A_588 = arith.constant 0 : i32
            %get3A_589 = arith.constant 0 : i32
            %get3A_590 = arith.constant 0 : i32
            %get3A_591 = arith.constant 0 : i32
            %get3A_592 = tpu.memref_slice %run_scoped3A[%rem3A_429, %get3A_588, %get3A_589, %get3A_590, %get3A_591] : memref<2x1x1x256x128xf32, #tpu.memory_space<vmem>> -> memref<1x1x1x256x128xf32, #tpu.memory_space<vmem>>
            %get3A_593 = tpu.memref_squeeze %get3A_592 : memref<1x1x1x256x128xf32, #tpu.memory_space<vmem>> -> memref<1x1x256x128xf32, #tpu.memory_space<vmem>>
            %get3A_594 = arith.constant 0 : i32
            %get3A_595 = arith.constant 0 : i32
            %get3A_596 = tpu.memref_slice %get3A_593[%scan3A, %scan3A_430, %get3A_594, %get3A_595] : memref<1x1x256x128xf32, #tpu.memory_space<vmem>> -> memref<1x1x256x128xf32, #tpu.memory_space<vmem>>
            %get3A_597 = tpu.memref_squeeze %get3A_596 : memref<1x1x256x128xf32, #tpu.memory_space<vmem>> -> memref<256x128xf32, #tpu.memory_space<vmem>>
            %get3A_598 = arith.index_cast %add3A_587 : i32 to index
            %get3A_599 = arith.constant 32 : index
            %get3A_600 = tpu.vector_load %get3A_597[%get3A_598, %get3A_599] {strides = array<i32>} : memref<256x128xf32, #tpu.memory_space<vmem>>, vector<1x16xf32>,
            %get3A_601 = vector.shape_cast %get3A_600 : vector<1x16xf32> to vector<1x16xf32>
            %abs3A_602 = math.absf %get3A_601 : vector<1x16xf32>
            %gt3A_603 = arith.constant 0.00999999977 : f32
            %gt3A_604 = vector.broadcast %gt3A_603 : f32 to vector<1x16xf32>
            %gt3A_605 = arith.cmpf ogt, %abs3A_602, %gt3A_604 : vector<1x16xf32>
            %jit3A_606 = arith.constant 0x7F800000 : f32
            %broadcast_in_dim3A_607 = vector.broadcast %jit3A_606 : f32 to vector<1x16xf32>
            %select_n3A_608 = arith.select %gt3A_605, %broadcast_in_dim3A_607, %get3A_601 : vector<1x16xi1>, vector<1x16xf32>
            %min3A_609 = arith.minimumf %min3A_573, %select_n3A_608 : vector<1x16xf32>
            %jit3A_610 = arith.constant 0xFF800000 : f32
            %broadcast_in_dim3A_611 = vector.broadcast %jit3A_610 : f32 to vector<1x16xf32>
            %select_n3A_612 = arith.select %gt3A_605, %broadcast_in_dim3A_611, %get3A_601 : vector<1x16xi1>, vector<1x16xf32>
            %max3A_613 = arith.maximumf %max3A_577, %select_n3A_612 : vector<1x16xf32>
            %jit3A_614 = arith.constant 0x7F800000 : f32
            %broadcast_in_dim3A_615 = vector.broadcast %jit3A_614 : f32 to vector<1x16xf32>
            %select_n3A_616 = arith.select %gt3A_605, %get3A_601, %broadcast_in_dim3A_615 : vector<1x16xi1>, vector<1x16xf32>
            %min3A_617 = arith.minimumf %min3A_581, %select_n3A_616 : vector<1x16xf32>
            %jit3A_618 = arith.constant 0xFF800000 : f32
            %broadcast_in_dim3A_619 = vector.broadcast %jit3A_618 : f32 to vector<1x16xf32>
            %select_n3A_620 = arith.select %gt3A_605, %get3A_601, %broadcast_in_dim3A_619 : vector<1x16xi1>, vector<1x16xf32>
            %max3A_621 = arith.maximumf %max3A_585, %select_n3A_620 : vector<1x16xf32>
            %add3A_622 = arith.constant 0 : i32
            %add3A_623 = arith.addi %add3A_501, %add3A_622 : i32
            %get3A_624 = arith.constant 0 : i32
            %get3A_625 = arith.constant 0 : i32
            %get3A_626 = arith.constant 0 : i32
            %get3A_627 = arith.constant 0 : i32
            %get3A_628 = tpu.memref_slice %run_scoped3A[%rem3A_429, %get3A_624, %get3A_625, %get3A_626, %get3A_627] : memref<2x1x1x256x128xf32, #tpu.memory_space<vmem>> -> memref<1x1x1x256x128xf32, #tpu.memory_space<vmem>>
            %get3A_629 = tpu.memref_squeeze %get3A_628 : memref<1x1x1x256x128xf32, #tpu.memory_space<vmem>> -> memref<1x1x256x128xf32, #tpu.memory_space<vmem>>
            %get3A_630 = arith.constant 0 : i32
            %get3A_631 = arith.constant 0 : i32
            %get3A_632 = tpu.memref_slice %get3A_629[%scan3A, %scan3A_430, %get3A_630, %get3A_631] : memref<1x1x256x128xf32, #tpu.memory_space<vmem>> -> memref<1x1x256x128xf32, #tpu.memory_space<vmem>>
            %get3A_633 = tpu.memref_squeeze %get3A_632 : memref<1x1x256x128xf32, #tpu.memory_space<vmem>> -> memref<256x128xf32, #tpu.memory_space<vmem>>
            %get3A_634 = arith.index_cast %add3A_623 : i32 to index
            %get3A_635 = arith.constant 48 : index
            %get3A_636 = tpu.vector_load %get3A_633[%get3A_634, %get3A_635] {strides = array<i32>} : memref<256x128xf32, #tpu.memory_space<vmem>>, vector<1x16xf32>,
            %get3A_637 = vector.shape_cast %get3A_636 : vector<1x16xf32> to vector<1x16xf32>
            %abs3A_638 = math.absf %get3A_637 : vector<1x16xf32>
            %gt3A_639 = arith.constant 0.00999999977 : f32
            %gt3A_640 = vector.broadcast %gt3A_639 : f32 to vector<1x16xf32>
            %gt3A_641 = arith.cmpf ogt, %abs3A_638, %gt3A_640 : vector<1x16xf32>
            %jit3A_642 = arith.constant 0x7F800000 : f32
            %broadcast_in_dim3A_643 = vector.broadcast %jit3A_642 : f32 to vector<1x16xf32>
            %select_n3A_644 = arith.select %gt3A_641, %broadcast_in_dim3A_643, %get3A_637 : vector<1x16xi1>, vector<1x16xf32>
            %min3A_645 = arith.minimumf %min3A_609, %select_n3A_644 : vector<1x16xf32>
            %jit3A_646 = arith.constant 0xFF800000 : f32
            %broadcast_in_dim3A_647 = vector.broadcast %jit3A_646 : f32 to vector<1x16xf32>
            %select_n3A_648 = arith.select %gt3A_641, %broadcast_in_dim3A_647, %get3A_637 : vector<1x16xi1>, vector<1x16xf32>
            %max3A_649 = arith.maximumf %max3A_613, %select_n3A_648 : vector<1x16xf32>
            %jit3A_650 = arith.constant 0x7F800000 : f32
            %broadcast_in_dim3A_651 = vector.broadcast %jit3A_650 : f32 to vector<1x16xf32>
            %select_n3A_652 = arith.select %gt3A_641, %get3A_637, %broadcast_in_dim3A_651 : vector<1x16xi1>, vector<1x16xf32>
            %min3A_653 = arith.minimumf %min3A_617, %select_n3A_652 : vector<1x16xf32>
            %jit3A_654 = arith.constant 0xFF800000 : f32
            %broadcast_in_dim3A_655 = vector.broadcast %jit3A_654 : f32 to vector<1x16xf32>
            %select_n3A_656 = arith.select %gt3A_641, %get3A_637, %broadcast_in_dim3A_655 : vector<1x16xi1>, vector<1x16xf32>
            %max3A_657 = arith.maximumf %max3A_621, %select_n3A_656 : vector<1x16xf32>
            %add3A_658 = arith.constant 0 : i32
            %add3A_659 = arith.addi %add3A_501, %add3A_658 : i32
            %get3A_660 = arith.constant 0 : i32
            %get3A_661 = arith.constant 0 : i32
            %get3A_662 = arith.constant 0 : i32
            %get3A_663 = arith.constant 0 : i32
            %get3A_664 = tpu.memref_slice %run_scoped3A[%rem3A_429, %get3A_660, %get3A_661, %get3A_662, %get3A_663] : memref<2x1x1x256x128xf32, #tpu.memory_space<vmem>> -> memref<1x1x1x256x128xf32, #tpu.memory_space<vmem>>
            %get3A_665 = tpu.memref_squeeze %get3A_664 : memref<1x1x1x256x128xf32, #tpu.memory_space<vmem>> -> memref<1x1x256x128xf32, #tpu.memory_space<vmem>>
            %get3A_666 = arith.constant 0 : i32
            %get3A_667 = arith.constant 0 : i32
            %get3A_668 = tpu.memref_slice %get3A_665[%scan3A, %scan3A_430, %get3A_666, %get3A_667] : memref<1x1x256x128xf32, #tpu.memory_space<vmem>> -> memref<1x1x256x128xf32, #tpu.memory_space<vmem>>
            %get3A_669 = tpu.memref_squeeze %get3A_668 : memref<1x1x256x128xf32, #tpu.memory_space<vmem>> -> memref<256x128xf32, #tpu.memory_space<vmem>>
            %get3A_670 = arith.index_cast %add3A_659 : i32 to index
            %get3A_671 = arith.constant 64 : index
            %get3A_672 = tpu.vector_load %get3A_669[%get3A_670, %get3A_671] {strides = array<i32>} : memref<256x128xf32, #tpu.memory_space<vmem>>, vector<1x16xf32>,
            %get3A_673 = vector.shape_cast %get3A_672 : vector<1x16xf32> to vector<1x16xf32>
            %abs3A_674 = math.absf %get3A_673 : vector<1x16xf32>
            %gt3A_675 = arith.constant 0.00999999977 : f32
            %gt3A_676 = vector.broadcast %gt3A_675 : f32 to vector<1x16xf32>
            %gt3A_677 = arith.cmpf ogt, %abs3A_674, %gt3A_676 : vector<1x16xf32>
            %jit3A_678 = arith.constant 0x7F800000 : f32
            %broadcast_in_dim3A_679 = vector.broadcast %jit3A_678 : f32 to vector<1x16xf32>
            %select_n3A_680 = arith.select %gt3A_677, %broadcast_in_dim3A_679, %get3A_673 : vector<1x16xi1>, vector<1x16xf32>
            %min3A_681 = arith.minimumf %min3A_645, %select_n3A_680 : vector<1x16xf32>
            %jit3A_682 = arith.constant 0xFF800000 : f32
            %broadcast_in_dim3A_683 = vector.broadcast %jit3A_682 : f32 to vector<1x16xf32>
            %select_n3A_684 = arith.select %gt3A_677, %broadcast_in_dim3A_683, %get3A_673 : vector<1x16xi1>, vector<1x16xf32>
            %max3A_685 = arith.maximumf %max3A_649, %select_n3A_684 : vector<1x16xf32>
            %jit3A_686 = arith.constant 0x7F800000 : f32
            %broadcast_in_dim3A_687 = vector.broadcast %jit3A_686 : f32 to vector<1x16xf32>
            %select_n3A_688 = arith.select %gt3A_677, %get3A_673, %broadcast_in_dim3A_687 : vector<1x16xi1>, vector<1x16xf32>
            %min3A_689 = arith.minimumf %min3A_653, %select_n3A_688 : vector<1x16xf32>
            %jit3A_690 = arith.constant 0xFF800000 : f32
            %broadcast_in_dim3A_691 = vector.broadcast %jit3A_690 : f32 to vector<1x16xf32>
            %select_n3A_692 = arith.select %gt3A_677, %get3A_673, %broadcast_in_dim3A_691 : vector<1x16xi1>, vector<1x16xf32>
            %max3A_693 = arith.maximumf %max3A_657, %select_n3A_692 : vector<1x16xf32>
            %add3A_694 = arith.constant 0 : i32
            %add3A_695 = arith.addi %add3A_501, %add3A_694 : i32
            %get3A_696 = arith.constant 0 : i32
            %get3A_697 = arith.constant 0 : i32
            %get3A_698 = arith.constant 0 : i32
            %get3A_699 = arith.constant 0 : i32
            %get3A_700 = tpu.memref_slice %run_scoped3A[%rem3A_429, %get3A_696, %get3A_697, %get3A_698, %get3A_699] : memref<2x1x1x256x128xf32, #tpu.memory_space<vmem>> -> memref<1x1x1x256x128xf32, #tpu.memory_space<vmem>>
            %get3A_701 = tpu.memref_squeeze %get3A_700 : memref<1x1x1x256x128xf32, #tpu.memory_space<vmem>> -> memref<1x1x256x128xf32, #tpu.memory_space<vmem>>
            %get3A_702 = arith.constant 0 : i32
            %get3A_703 = arith.constant 0 : i32
            %get3A_704 = tpu.memref_slice %get3A_701[%scan3A, %scan3A_430, %get3A_702, %get3A_703] : memref<1x1x256x128xf32, #tpu.memory_space<vmem>> -> memref<1x1x256x128xf32, #tpu.memory_space<vmem>>
            %get3A_705 = tpu.memref_squeeze %get3A_704 : memref<1x1x256x128xf32, #tpu.memory_space<vmem>> -> memref<256x128xf32, #tpu.memory_space<vmem>>
            %get3A_706 = arith.index_cast %add3A_695 : i32 to index
            %get3A_707 = arith.constant 80 : index
            %get3A_708 = tpu.vector_load %get3A_705[%get3A_706, %get3A_707] {strides = array<i32>} : memref<256x128xf32, #tpu.memory_space<vmem>>, vector<1x16xf32>,
            %get3A_709 = vector.shape_cast %get3A_708 : vector<1x16xf32> to vector<1x16xf32>
            %abs3A_710 = math.absf %get3A_709 : vector<1x16xf32>
            %gt3A_711 = arith.constant 0.00999999977 : f32
            %gt3A_712 = vector.broadcast %gt3A_711 : f32 to vector<1x16xf32>
            %gt3A_713 = arith.cmpf ogt, %abs3A_710, %gt3A_712 : vector<1x16xf32>
            %jit3A_714 = arith.constant 0x7F800000 : f32
            %broadcast_in_dim3A_715 = vector.broadcast %jit3A_714 : f32 to vector<1x16xf32>
            %select_n3A_716 = arith.select %gt3A_713, %broadcast_in_dim3A_715, %get3A_709 : vector<1x16xi1>, vector<1x16xf32>
            %min3A_717 = arith.minimumf %min3A_681, %select_n3A_716 : vector<1x16xf32>
            %jit3A_718 = arith.constant 0xFF800000 : f32
            %broadcast_in_dim3A_719 = vector.broadcast %jit3A_718 : f32 to vector<1x16xf32>
            %select_n3A_720 = arith.select %gt3A_713, %broadcast_in_dim3A_719, %get3A_709 : vector<1x16xi1>, vector<1x16xf32>
            %max3A_721 = arith.maximumf %max3A_685, %select_n3A_720 : vector<1x16xf32>
            %jit3A_722 = arith.constant 0x7F800000 : f32
            %broadcast_in_dim3A_723 = vector.broadcast %jit3A_722 : f32 to vector<1x16xf32>
            %select_n3A_724 = arith.select %gt3A_713, %get3A_709, %broadcast_in_dim3A_723 : vector<1x16xi1>, vector<1x16xf32>
            %min3A_725 = arith.minimumf %min3A_689, %select_n3A_724 : vector<1x16xf32>
            %jit3A_726 = arith.constant 0xFF800000 : f32
            %broadcast_in_dim3A_727 = vector.broadcast %jit3A_726 : f32 to vector<1x16xf32>
            %select_n3A_728 = arith.select %gt3A_713, %get3A_709, %broadcast_in_dim3A_727 : vector<1x16xi1>, vector<1x16xf32>
            %max3A_729 = arith.maximumf %max3A_693, %select_n3A_728 : vector<1x16xf32>
            %add3A_730 = arith.constant 0 : i32
            %add3A_731 = arith.addi %add3A_501, %add3A_730 : i32
            %get3A_732 = arith.constant 0 : i32
            %get3A_733 = arith.constant 0 : i32
            %get3A_734 = arith.constant 0 : i32
            %get3A_735 = arith.constant 0 : i32
            %get3A_736 = tpu.memref_slice %run_scoped3A[%rem3A_429, %get3A_732, %get3A_733, %get3A_734, %get3A_735] : memref<2x1x1x256x128xf32, #tpu.memory_space<vmem>> -> memref<1x1x1x256x128xf32, #tpu.memory_space<vmem>>
            %get3A_737 = tpu.memref_squeeze %get3A_736 : memref<1x1x1x256x128xf32, #tpu.memory_space<vmem>> -> memref<1x1x256x128xf32, #tpu.memory_space<vmem>>
            %get3A_738 = arith.constant 0 : i32
            %get3A_739 = arith.constant 0 : i32
            %get3A_740 = tpu.memref_slice %get3A_737[%scan3A, %scan3A_430, %get3A_738, %get3A_739] : memref<1x1x256x128xf32, #tpu.memory_space<vmem>> -> memref<1x1x256x128xf32, #tpu.memory_space<vmem>>
            %get3A_741 = tpu.memref_squeeze %get3A_740 : memref<1x1x256x128xf32, #tpu.memory_space<vmem>> -> memref<256x128xf32, #tpu.memory_space<vmem>>
            %get3A_742 = arith.index_cast %add3A_731 : i32 to index
            %get3A_743 = arith.constant 96 : index
            %get3A_744 = tpu.vector_load %get3A_741[%get3A_742, %get3A_743] {strides = array<i32>} : memref<256x128xf32, #tpu.memory_space<vmem>>, vector<1x16xf32>,
            %get3A_745 = vector.shape_cast %get3A_744 : vector<1x16xf32> to vector<1x16xf32>
            %abs3A_746 = math.absf %get3A_745 : vector<1x16xf32>
            %gt3A_747 = arith.constant 0.00999999977 : f32
            %gt3A_748 = vector.broadcast %gt3A_747 : f32 to vector<1x16xf32>
            %gt3A_749 = arith.cmpf ogt, %abs3A_746, %gt3A_748 : vector<1x16xf32>
            %jit3A_750 = arith.constant 0x7F800000 : f32
            %broadcast_in_dim3A_751 = vector.broadcast %jit3A_750 : f32 to vector<1x16xf32>
            %select_n3A_752 = arith.select %gt3A_749, %broadcast_in_dim3A_751, %get3A_745 : vector<1x16xi1>, vector<1x16xf32>
            %min3A_753 = arith.minimumf %min3A_717, %select_n3A_752 : vector<1x16xf32>
            %jit3A_754 = arith.constant 0xFF800000 : f32
            %broadcast_in_dim3A_755 = vector.broadcast %jit3A_754 : f32 to vector<1x16xf32>
            %select_n3A_756 = arith.select %gt3A_749, %broadcast_in_dim3A_755, %get3A_745 : vector<1x16xi1>, vector<1x16xf32>
            %max3A_757 = arith.maximumf %max3A_721, %select_n3A_756 : vector<1x16xf32>
            %jit3A_758 = arith.constant 0x7F800000 : f32
            %broadcast_in_dim3A_759 = vector.broadcast %jit3A_758 : f32 to vector<1x16xf32>
            %select_n3A_760 = arith.select %gt3A_749, %get3A_745, %broadcast_in_dim3A_759 : vector<1x16xi1>, vector<1x16xf32>
            %min3A_761 = arith.minimumf %min3A_725, %select_n3A_760 : vector<1x16xf32>
            %jit3A_762 = arith.constant 0xFF800000 : f32
            %broadcast_in_dim3A_763 = vector.broadcast %jit3A_762 : f32 to vector<1x16xf32>
            %select_n3A_764 = arith.select %gt3A_749, %get3A_745, %broadcast_in_dim3A_763 : vector<1x16xi1>, vector<1x16xf32>
            %max3A_765 = arith.maximumf %max3A_729, %select_n3A_764 : vector<1x16xf32>
            %add3A_766 = arith.constant 0 : i32
            %add3A_767 = arith.addi %add3A_501, %add3A_766 : i32
            %get3A_768 = arith.constant 0 : i32
            %get3A_769 = arith.constant 0 : i32
            %get3A_770 = arith.constant 0 : i32
            %get3A_771 = arith.constant 0 : i32
            %get3A_772 = tpu.memref_slice %run_scoped3A[%rem3A_429, %get3A_768, %get3A_769, %get3A_770, %get3A_771] : memref<2x1x1x256x128xf32, #tpu.memory_space<vmem>> -> memref<1x1x1x256x128xf32, #tpu.memory_space<vmem>>
            %get3A_773 = tpu.memref_squeeze %get3A_772 : memref<1x1x1x256x128xf32, #tpu.memory_space<vmem>> -> memref<1x1x256x128xf32, #tpu.memory_space<vmem>>
            %get3A_774 = arith.constant 0 : i32
            %get3A_775 = arith.constant 0 : i32
            %get3A_776 = tpu.memref_slice %get3A_773[%scan3A, %scan3A_430, %get3A_774, %get3A_775] : memref<1x1x256x128xf32, #tpu.memory_space<vmem>> -> memref<1x1x256x128xf32, #tpu.memory_space<vmem>>
            %get3A_777 = tpu.memref_squeeze %get3A_776 : memref<1x1x256x128xf32, #tpu.memory_space<vmem>> -> memref<256x128xf32, #tpu.memory_space<vmem>>
            %get3A_778 = arith.index_cast %add3A_767 : i32 to index
            %get3A_779 = arith.constant 112 : index
            %get3A_780 = tpu.vector_load %get3A_777[%get3A_778, %get3A_779] {strides = array<i32>} : memref<256x128xf32, #tpu.memory_space<vmem>>, vector<1x16xf32>,
            %get3A_781 = vector.shape_cast %get3A_780 : vector<1x16xf32> to vector<1x16xf32>
            %abs3A_782 = math.absf %get3A_781 : vector<1x16xf32>
            %gt3A_783 = arith.constant 0.00999999977 : f32
            %gt3A_784 = vector.broadcast %gt3A_783 : f32 to vector<1x16xf32>
            %gt3A_785 = arith.cmpf ogt, %abs3A_782, %gt3A_784 : vector<1x16xf32>
            %jit3A_786 = arith.constant 0x7F800000 : f32
            %broadcast_in_dim3A_787 = vector.broadcast %jit3A_786 : f32 to vector<1x16xf32>
            %select_n3A_788 = arith.select %gt3A_785, %broadcast_in_dim3A_787, %get3A_781 : vector<1x16xi1>, vector<1x16xf32>
            %min3A_789 = arith.minimumf %min3A_753, %select_n3A_788 : vector<1x16xf32>
            %jit3A_790 = arith.constant 0xFF800000 : f32
            %broadcast_in_dim3A_791 = vector.broadcast %jit3A_790 : f32 to vector<1x16xf32>
            %select_n3A_792 = arith.select %gt3A_785, %broadcast_in_dim3A_791, %get3A_781 : vector<1x16xi1>, vector<1x16xf32>
            %max3A_793 = arith.maximumf %max3A_757, %select_n3A_792 : vector<1x16xf32>
            %jit3A_794 = arith.constant 0x7F800000 : f32
            %broadcast_in_dim3A_795 = vector.broadcast %jit3A_794 : f32 to vector<1x16xf32>
            %select_n3A_796 = arith.select %gt3A_785, %get3A_781, %broadcast_in_dim3A_795 : vector<1x16xi1>, vector<1x16xf32>
            %min3A_797 = arith.minimumf %min3A_761, %select_n3A_796 : vector<1x16xf32>
            %jit3A_798 = arith.constant 0xFF800000 : f32
            %broadcast_in_dim3A_799 = vector.broadcast %jit3A_798 : f32 to vector<1x16xf32>
            %select_n3A_800 = arith.select %gt3A_785, %get3A_781, %broadcast_in_dim3A_799 : vector<1x16xi1>, vector<1x16xf32>
            %max3A_801 = arith.maximumf %max3A_765, %select_n3A_800 : vector<1x16xf32>
            %add3A_802 = arith.constant 1 : i32
            %add3A_803 = arith.addi %add3A_501, %add3A_802 : i32
            %get3A_804 = arith.constant 0 : i32
            %get3A_805 = arith.constant 0 : i32
            %get3A_806 = arith.constant 0 : i32
            %get3A_807 = arith.constant 0 : i32
            %get3A_808 = tpu.memref_slice %run_scoped3A[%rem3A_429, %get3A_804, %get3A_805, %get3A_806, %get3A_807] : memref<2x1x1x256x128xf32, #tpu.memory_space<vmem>> -> memref<1x1x1x256x128xf32, #tpu.memory_space<vmem>>
            %get3A_809 = tpu.memref_squeeze %get3A_808 : memref<1x1x1x256x128xf32, #tpu.memory_space<vmem>> -> memref<1x1x256x128xf32, #tpu.memory_space<vmem>>
            %get3A_810 = arith.constant 0 : i32
            %get3A_811 = arith.constant 0 : i32
            %get3A_812 = tpu.memref_slice %get3A_809[%scan3A, %scan3A_430, %get3A_810, %get3A_811] : memref<1x1x256x128xf32, #tpu.memory_space<vmem>> -> memref<1x1x256x128xf32, #tpu.memory_space<vmem>>
            %get3A_813 = tpu.memref_squeeze %get3A_812 : memref<1x1x256x128xf32, #tpu.memory_space<vmem>> -> memref<256x128xf32, #tpu.memory_space<vmem>>
            %get3A_814 = arith.index_cast %add3A_803 : i32 to index
            %get3A_815 = arith.constant 0 : index
            %get3A_816 = tpu.vector_load %get3A_813[%get3A_814, %get3A_815] {strides = array<i32>} : memref<256x128xf32, #tpu.memory_space<vmem>>, vector<1x16xf32>,
            %get3A_817 = vector.shape_cast %get3A_816 : vector<1x16xf32> to vector<1x16xf32>
            %abs3A_818 = math.absf %get3A_817 : vector<1x16xf32>
            %gt3A_819 = arith.constant 0.00999999977 : f32
            %gt3A_820 = vector.broadcast %gt3A_819 : f32 to vector<1x16xf32>
            %gt3A_821 = arith.cmpf ogt, %abs3A_818, %gt3A_820 : vector<1x16xf32>
            %jit3A_822 = arith.constant 0x7F800000 : f32
            %broadcast_in_dim3A_823 = vector.broadcast %jit3A_822 : f32 to vector<1x16xf32>
            %select_n3A_824 = arith.select %gt3A_821, %broadcast_in_dim3A_823, %get3A_817 : vector<1x16xi1>, vector<1x16xf32>
            %min3A_825 = arith.minimumf %min3A_789, %select_n3A_824 : vector<1x16xf32>
            %jit3A_826 = arith.constant 0xFF800000 : f32
            %broadcast_in_dim3A_827 = vector.broadcast %jit3A_826 : f32 to vector<1x16xf32>
            %select_n3A_828 = arith.select %gt3A_821, %broadcast_in_dim3A_827, %get3A_817 : vector<1x16xi1>, vector<1x16xf32>
            %max3A_829 = arith.maximumf %max3A_793, %select_n3A_828 : vector<1x16xf32>
            %jit3A_830 = arith.constant 0x7F800000 : f32
            %broadcast_in_dim3A_831 = vector.broadcast %jit3A_830 : f32 to vector<1x16xf32>
            %select_n3A_832 = arith.select %gt3A_821, %get3A_817, %broadcast_in_dim3A_831 : vector<1x16xi1>, vector<1x16xf32>
            %min3A_833 = arith.minimumf %min3A_797, %select_n3A_832 : vector<1x16xf32>
            %jit3A_834 = arith.constant 0xFF800000 : f32
            %broadcast_in_dim3A_835 = vector.broadcast %jit3A_834 : f32 to vector<1x16xf32>
            %select_n3A_836 = arith.select %gt3A_821, %get3A_817, %broadcast_in_dim3A_835 : vector<1x16xi1>, vector<1x16xf32>
            %max3A_837 = arith.maximumf %max3A_801, %select_n3A_836 : vector<1x16xf32>
            %add3A_838 = arith.constant 1 : i32
            %add3A_839 = arith.addi %add3A_501, %add3A_838 : i32
            %get3A_840 = arith.constant 0 : i32
            %get3A_841 = arith.constant 0 : i32
            %get3A_842 = arith.constant 0 : i32
            %get3A_843 = arith.constant 0 : i32
            %get3A_844 = tpu.memref_slice %run_scoped3A[%rem3A_429, %get3A_840, %get3A_841, %get3A_842, %get3A_843] : memref<2x1x1x256x128xf32, #tpu.memory_space<vmem>> -> memref<1x1x1x256x128xf32, #tpu.memory_space<vmem>>
            %get3A_845 = tpu.memref_squeeze %get3A_844 : memref<1x1x1x256x128xf32, #tpu.memory_space<vmem>> -> memref<1x1x256x128xf32, #tpu.memory_space<vmem>>
            %get3A_846 = arith.constant 0 : i32
            %get3A_847 = arith.constant 0 : i32
            %get3A_848 = tpu.memref_slice %get3A_845[%scan3A, %scan3A_430, %get3A_846, %get3A_847] : memref<1x1x256x128xf32, #tpu.memory_space<vmem>> -> memref<1x1x256x128xf32, #tpu.memory_space<vmem>>
            %get3A_849 = tpu.memref_squeeze %get3A_848 : memref<1x1x256x128xf32, #tpu.memory_space<vmem>> -> memref<256x128xf32, #tpu.memory_space<vmem>>
            %get3A_850 = arith.index_cast %add3A_839 : i32 to index
            %get3A_851 = arith.constant 16 : index
            %get3A_852 = tpu.vector_load %get3A_849[%get3A_850, %get3A_851] {strides = array<i32>} : memref<256x128xf32, #tpu.memory_space<vmem>>, vector<1x16xf32>,
            %get3A_853 = vector.shape_cast %get3A_852 : vector<1x16xf32> to vector<1x16xf32>
            %abs3A_854 = math.absf %get3A_853 : vector<1x16xf32>
            %gt3A_855 = arith.constant 0.00999999977 : f32
            %gt3A_856 = vector.broadcast %gt3A_855 : f32 to vector<1x16xf32>
            %gt3A_857 = arith.cmpf ogt, %abs3A_854, %gt3A_856 : vector<1x16xf32>
            %jit3A_858 = arith.constant 0x7F800000 : f32
            %broadcast_in_dim3A_859 = vector.broadcast %jit3A_858 : f32 to vector<1x16xf32>
            %select_n3A_860 = arith.select %gt3A_857, %broadcast_in_dim3A_859, %get3A_853 : vector<1x16xi1>, vector<1x16xf32>
            %min3A_861 = arith.minimumf %min3A_825, %select_n3A_860 : vector<1x16xf32>
            %jit3A_862 = arith.constant 0xFF800000 : f32
            %broadcast_in_dim3A_863 = vector.broadcast %jit3A_862 : f32 to vector<1x16xf32>
            %select_n3A_864 = arith.select %gt3A_857, %broadcast_in_dim3A_863, %get3A_853 : vector<1x16xi1>, vector<1x16xf32>
            %max3A_865 = arith.maximumf %max3A_829, %select_n3A_864 : vector<1x16xf32>
            %jit3A_866 = arith.constant 0x7F800000 : f32
            %broadcast_in_dim3A_867 = vector.broadcast %jit3A_866 : f32 to vector<1x16xf32>
            %select_n3A_868 = arith.select %gt3A_857, %get3A_853, %broadcast_in_dim3A_867 : vector<1x16xi1>, vector<1x16xf32>
            %min3A_869 = arith.minimumf %min3A_833, %select_n3A_868 : vector<1x16xf32>
            %jit3A_870 = arith.constant 0xFF800000 : f32
            %broadcast_in_dim3A_871 = vector.broadcast %jit3A_870 : f32 to vector<1x16xf32>
            %select_n3A_872 = arith.select %gt3A_857, %get3A_853, %broadcast_in_dim3A_871 : vector<1x16xi1>, vector<1x16xf32>
            %max3A_873 = arith.maximumf %max3A_837, %select_n3A_872 : vector<1x16xf32>
            %add3A_874 = arith.constant 1 : i32
            %add3A_875 = arith.addi %add3A_501, %add3A_874 : i32
            %get3A_876 = arith.constant 0 : i32
            %get3A_877 = arith.constant 0 : i32
            %get3A_878 = arith.constant 0 : i32
            %get3A_879 = arith.constant 0 : i32
            %get3A_880 = tpu.memref_slice %run_scoped3A[%rem3A_429, %get3A_876, %get3A_877, %get3A_878, %get3A_879] : memref<2x1x1x256x128xf32, #tpu.memory_space<vmem>> -> memref<1x1x1x256x128xf32, #tpu.memory_space<vmem>>
            %get3A_881 = tpu.memref_squeeze %get3A_880 : memref<1x1x1x256x128xf32, #tpu.memory_space<vmem>> -> memref<1x1x256x128xf32, #tpu.memory_space<vmem>>
            %get3A_882 = arith.constant 0 : i32
            %get3A_883 = arith.constant 0 : i32
            %get3A_884 = tpu.memref_slice %get3A_881[%scan3A, %scan3A_430, %get3A_882, %get3A_883] : memref<1x1x256x128xf32, #tpu.memory_space<vmem>> -> memref<1x1x256x128xf32, #tpu.memory_space<vmem>>
            %get3A_885 = tpu.memref_squeeze %get3A_884 : memref<1x1x256x128xf32, #tpu.memory_space<vmem>> -> memref<256x128xf32, #tpu.memory_space<vmem>>
            %get3A_886 = arith.index_cast %add3A_875 : i32 to index
            %get3A_887 = arith.constant 32 : index
            %get3A_888 = tpu.vector_load %get3A_885[%get3A_886, %get3A_887] {strides = array<i32>} : memref<256x128xf32, #tpu.memory_space<vmem>>, vector<1x16xf32>,
            %get3A_889 = vector.shape_cast %get3A_888 : vector<1x16xf32> to vector<1x16xf32>
            %abs3A_890 = math.absf %get3A_889 : vector<1x16xf32>
            %gt3A_891 = arith.constant 0.00999999977 : f32
            %gt3A_892 = vector.broadcast %gt3A_891 : f32 to vector<1x16xf32>
            %gt3A_893 = arith.cmpf ogt, %abs3A_890, %gt3A_892 : vector<1x16xf32>
            %jit3A_894 = arith.constant 0x7F800000 : f32
            %broadcast_in_dim3A_895 = vector.broadcast %jit3A_894 : f32 to vector<1x16xf32>
            %select_n3A_896 = arith.select %gt3A_893, %broadcast_in_dim3A_895, %get3A_889 : vector<1x16xi1>, vector<1x16xf32>
            %min3A_897 = arith.minimumf %min3A_861, %select_n3A_896 : vector<1x16xf32>
            %jit3A_898 = arith.constant 0xFF800000 : f32
            %broadcast_in_dim3A_899 = vector.broadcast %jit3A_898 : f32 to vector<1x16xf32>
            %select_n3A_900 = arith.select %gt3A_893, %broadcast_in_dim3A_899, %get3A_889 : vector<1x16xi1>, vector<1x16xf32>
            %max3A_901 = arith.maximumf %max3A_865, %select_n3A_900 : vector<1x16xf32>
            %jit3A_902 = arith.constant 0x7F800000 : f32
            %broadcast_in_dim3A_903 = vector.broadcast %jit3A_902 : f32 to vector<1x16xf32>
            %select_n3A_904 = arith.select %gt3A_893, %get3A_889, %broadcast_in_dim3A_903 : vector<1x16xi1>, vector<1x16xf32>
            %min3A_905 = arith.minimumf %min3A_869, %select_n3A_904 : vector<1x16xf32>
            %jit3A_906 = arith.constant 0xFF800000 : f32
            %broadcast_in_dim3A_907 = vector.broadcast %jit3A_906 : f32 to vector<1x16xf32>
            %select_n3A_908 = arith.select %gt3A_893, %get3A_889, %broadcast_in_dim3A_907 : vector<1x16xi1>, vector<1x16xf32>
            %max3A_909 = arith.maximumf %max3A_873, %select_n3A_908 : vector<1x16xf32>
            %add3A_910 = arith.constant 1 : i32
            %add3A_911 = arith.addi %add3A_501, %add3A_910 : i32
            %get3A_912 = arith.constant 0 : i32
            %get3A_913 = arith.constant 0 : i32
            %get3A_914 = arith.constant 0 : i32
            %get3A_915 = arith.constant 0 : i32
            %get3A_916 = tpu.memref_slice %run_scoped3A[%rem3A_429, %get3A_912, %get3A_913, %get3A_914, %get3A_915] : memref<2x1x1x256x128xf32, #tpu.memory_space<vmem>> -> memref<1x1x1x256x128xf32, #tpu.memory_space<vmem>>
            %get3A_917 = tpu.memref_squeeze %get3A_916 : memref<1x1x1x256x128xf32, #tpu.memory_space<vmem>> -> memref<1x1x256x128xf32, #tpu.memory_space<vmem>>
            %get3A_918 = arith.constant 0 : i32
            %get3A_919 = arith.constant 0 : i32
            %get3A_920 = tpu.memref_slice %get3A_917[%scan3A, %scan3A_430, %get3A_918, %get3A_919] : memref<1x1x256x128xf32, #tpu.memory_space<vmem>> -> memref<1x1x256x128xf32, #tpu.memory_space<vmem>>
            %get3A_921 = tpu.memref_squeeze %get3A_920 : memref<1x1x256x128xf32, #tpu.memory_space<vmem>> -> memref<256x128xf32, #tpu.memory_space<vmem>>
            %get3A_922 = arith.index_cast %add3A_911 : i32 to index
            %get3A_923 = arith.constant 48 : index
            %get3A_924 = tpu.vector_load %get3A_921[%get3A_922, %get3A_923] {strides = array<i32>} : memref<256x128xf32, #tpu.memory_space<vmem>>, vector<1x16xf32>,
            %get3A_925 = vector.shape_cast %get3A_924 : vector<1x16xf32> to vector<1x16xf32>
            %abs3A_926 = math.absf %get3A_925 : vector<1x16xf32>
            %gt3A_927 = arith.constant 0.00999999977 : f32
            %gt3A_928 = vector.broadcast %gt3A_927 : f32 to vector<1x16xf32>
            %gt3A_929 = arith.cmpf ogt, %abs3A_926, %gt3A_928 : vector<1x16xf32>
            %jit3A_930 = arith.constant 0x7F800000 : f32
            %broadcast_in_dim3A_931 = vector.broadcast %jit3A_930 : f32 to vector<1x16xf32>
            %select_n3A_932 = arith.select %gt3A_929, %broadcast_in_dim3A_931, %get3A_925 : vector<1x16xi1>, vector<1x16xf32>
            %min3A_933 = arith.minimumf %min3A_897, %select_n3A_932 : vector<1x16xf32>
            %jit3A_934 = arith.constant 0xFF800000 : f32
            %broadcast_in_dim3A_935 = vector.broadcast %jit3A_934 : f32 to vector<1x16xf32>
            %select_n3A_936 = arith.select %gt3A_929, %broadcast_in_dim3A_935, %get3A_925 : vector<1x16xi1>, vector<1x16xf32>
            %max3A_937 = arith.maximumf %max3A_901, %select_n3A_936 : vector<1x16xf32>
            %jit3A_938 = arith.constant 0x7F800000 : f32
            %broadcast_in_dim3A_939 = vector.broadcast %jit3A_938 : f32 to vector<1x16xf32>
            %select_n3A_940 = arith.select %gt3A_929, %get3A_925, %broadcast_in_dim3A_939 : vector<1x16xi1>, vector<1x16xf32>
            %min3A_941 = arith.minimumf %min3A_905, %select_n3A_940 : vector<1x16xf32>
            %jit3A_942 = arith.constant 0xFF800000 : f32
            %broadcast_in_dim3A_943 = vector.broadcast %jit3A_942 : f32 to vector<1x16xf32>
            %select_n3A_944 = arith.select %gt3A_929, %get3A_925, %broadcast_in_dim3A_943 : vector<1x16xi1>, vector<1x16xf32>
            %max3A_945 = arith.maximumf %max3A_909, %select_n3A_944 : vector<1x16xf32>
            %add3A_946 = arith.constant 1 : i32
            %add3A_947 = arith.addi %add3A_501, %add3A_946 : i32
            %get3A_948 = arith.constant 0 : i32
            %get3A_949 = arith.constant 0 : i32
            %get3A_950 = arith.constant 0 : i32
            %get3A_951 = arith.constant 0 : i32
            %get3A_952 = tpu.memref_slice %run_scoped3A[%rem3A_429, %get3A_948, %get3A_949, %get3A_950, %get3A_951] : memref<2x1x1x256x128xf32, #tpu.memory_space<vmem>> -> memref<1x1x1x256x128xf32, #tpu.memory_space<vmem>>
            %get3A_953 = tpu.memref_squeeze %get3A_952 : memref<1x1x1x256x128xf32, #tpu.memory_space<vmem>> -> memref<1x1x256x128xf32, #tpu.memory_space<vmem>>
            %get3A_954 = arith.constant 0 : i32
            %get3A_955 = arith.constant 0 : i32
            %get3A_956 = tpu.memref_slice %get3A_953[%scan3A, %scan3A_430, %get3A_954, %get3A_955] : memref<1x1x256x128xf32, #tpu.memory_space<vmem>> -> memref<1x1x256x128xf32, #tpu.memory_space<vmem>>
            %get3A_957 = tpu.memref_squeeze %get3A_956 : memref<1x1x256x128xf32, #tpu.memory_space<vmem>> -> memref<256x128xf32, #tpu.memory_space<vmem>>
            %get3A_958 = arith.index_cast %add3A_947 : i32 to index
            %get3A_959 = arith.constant 64 : index
            %get3A_960 = tpu.vector_load %get3A_957[%get3A_958, %get3A_959] {strides = array<i32>} : memref<256x128xf32, #tpu.memory_space<vmem>>, vector<1x16xf32>,
            %get3A_961 = vector.shape_cast %get3A_960 : vector<1x16xf32> to vector<1x16xf32>
            %abs3A_962 = math.absf %get3A_961 : vector<1x16xf32>
            %gt3A_963 = arith.constant 0.00999999977 : f32
            %gt3A_964 = vector.broadcast %gt3A_963 : f32 to vector<1x16xf32>
            %gt3A_965 = arith.cmpf ogt, %abs3A_962, %gt3A_964 : vector<1x16xf32>
            %jit3A_966 = arith.constant 0x7F800000 : f32
            %broadcast_in_dim3A_967 = vector.broadcast %jit3A_966 : f32 to vector<1x16xf32>
            %select_n3A_968 = arith.select %gt3A_965, %broadcast_in_dim3A_967, %get3A_961 : vector<1x16xi1>, vector<1x16xf32>
            %min3A_969 = arith.minimumf %min3A_933, %select_n3A_968 : vector<1x16xf32>
            %jit3A_970 = arith.constant 0xFF800000 : f32
            %broadcast_in_dim3A_971 = vector.broadcast %jit3A_970 : f32 to vector<1x16xf32>
            %select_n3A_972 = arith.select %gt3A_965, %broadcast_in_dim3A_971, %get3A_961 : vector<1x16xi1>, vector<1x16xf32>
            %max3A_973 = arith.maximumf %max3A_937, %select_n3A_972 : vector<1x16xf32>
            %jit3A_974 = arith.constant 0x7F800000 : f32
            %broadcast_in_dim3A_975 = vector.broadcast %jit3A_974 : f32 to vector<1x16xf32>
            %select_n3A_976 = arith.select %gt3A_965, %get3A_961, %broadcast_in_dim3A_975 : vector<1x16xi1>, vector<1x16xf32>
            %min3A_977 = arith.minimumf %min3A_941, %select_n3A_976 : vector<1x16xf32>
            %jit3A_978 = arith.constant 0xFF800000 : f32
            %broadcast_in_dim3A_979 = vector.broadcast %jit3A_978 : f32 to vector<1x16xf32>
            %select_n3A_980 = arith.select %gt3A_965, %get3A_961, %broadcast_in_dim3A_979 : vector<1x16xi1>, vector<1x16xf32>
            %max3A_981 = arith.maximumf %max3A_945, %select_n3A_980 : vector<1x16xf32>
            %add3A_982 = arith.constant 1 : i32
            %add3A_983 = arith.addi %add3A_501, %add3A_982 : i32
            %get3A_984 = arith.constant 0 : i32
            %get3A_985 = arith.constant 0 : i32
            %get3A_986 = arith.constant 0 : i32
            %get3A_987 = arith.constant 0 : i32
            %get3A_988 = tpu.memref_slice %run_scoped3A[%rem3A_429, %get3A_984, %get3A_985, %get3A_986, %get3A_987] : memref<2x1x1x256x128xf32, #tpu.memory_space<vmem>> -> memref<1x1x1x256x128xf32, #tpu.memory_space<vmem>>
            %get3A_989 = tpu.memref_squeeze %get3A_988 : memref<1x1x1x256x128xf32, #tpu.memory_space<vmem>> -> memref<1x1x256x128xf32, #tpu.memory_space<vmem>>
            %get3A_990 = arith.constant 0 : i32
            %get3A_991 = arith.constant 0 : i32
            %get3A_992 = tpu.memref_slice %get3A_989[%scan3A, %scan3A_430, %get3A_990, %get3A_991] : memref<1x1x256x128xf32, #tpu.memory_space<vmem>> -> memref<1x1x256x128xf32, #tpu.memory_space<vmem>>
            %get3A_993 = tpu.memref_squeeze %get3A_992 : memref<1x1x256x128xf32, #tpu.memory_space<vmem>> -> memref<256x128xf32, #tpu.memory_space<vmem>>
            %get3A_994 = arith.index_cast %add3A_983 : i32 to index
            %get3A_995 = arith.constant 80 : index
            %get3A_996 = tpu.vector_load %get3A_993[%get3A_994, %get3A_995] {strides = array<i32>} : memref<256x128xf32, #tpu.memory_space<vmem>>, vector<1x16xf32>,
            %get3A_997 = vector.shape_cast %get3A_996 : vector<1x16xf32> to vector<1x16xf32>
            %abs3A_998 = math.absf %get3A_997 : vector<1x16xf32>
            %gt3A_999 = arith.constant 0.00999999977 : f32
            %gt3A_1000 = vector.broadcast %gt3A_999 : f32 to vector<1x16xf32>
            %gt3A_1001 = arith.cmpf ogt, %abs3A_998, %gt3A_1000 : vector<1x16xf32>
            %jit3A_1002 = arith.constant 0x7F800000 : f32
            %broadcast_in_dim3A_1003 = vector.broadcast %jit3A_1002 : f32 to vector<1x16xf32>
            %select_n3A_1004 = arith.select %gt3A_1001, %broadcast_in_dim3A_1003, %get3A_997 : vector<1x16xi1>, vector<1x16xf32>
            %min3A_1005 = arith.minimumf %min3A_969, %select_n3A_1004 : vector<1x16xf32>
            %jit3A_1006 = arith.constant 0xFF800000 : f32
            %broadcast_in_dim3A_1007 = vector.broadcast %jit3A_1006 : f32 to vector<1x16xf32>
            %select_n3A_1008 = arith.select %gt3A_1001, %broadcast_in_dim3A_1007, %get3A_997 : vector<1x16xi1>, vector<1x16xf32>
            %max3A_1009 = arith.maximumf %max3A_973, %select_n3A_1008 : vector<1x16xf32>
            %jit3A_1010 = arith.constant 0x7F800000 : f32
            %broadcast_in_dim3A_1011 = vector.broadcast %jit3A_1010 : f32 to vector<1x16xf32>
            %select_n3A_1012 = arith.select %gt3A_1001, %get3A_997, %broadcast_in_dim3A_1011 : vector<1x16xi1>, vector<1x16xf32>
            %min3A_1013 = arith.minimumf %min3A_977, %select_n3A_1012 : vector<1x16xf32>
            %jit3A_1014 = arith.constant 0xFF800000 : f32
            %broadcast_in_dim3A_1015 = vector.broadcast %jit3A_1014 : f32 to vector<1x16xf32>
            %select_n3A_1016 = arith.select %gt3A_1001, %get3A_997, %broadcast_in_dim3A_1015 : vector<1x16xi1>, vector<1x16xf32>
            %max3A_1017 = arith.maximumf %max3A_981, %select_n3A_1016 : vector<1x16xf32>
            %add3A_1018 = arith.constant 1 : i32
            %add3A_1019 = arith.addi %add3A_501, %add3A_1018 : i32
            %get3A_1020 = arith.constant 0 : i32
            %get3A_1021 = arith.constant 0 : i32
            %get3A_1022 = arith.constant 0 : i32
            %get3A_1023 = arith.constant 0 : i32
            %get3A_1024 = tpu.memref_slice %run_scoped3A[%rem3A_429, %get3A_1020, %get3A_1021, %get3A_1022, %get3A_1023] : memref<2x1x1x256x128xf32, #tpu.memory_space<vmem>> -> memref<1x1x1x256x128xf32, #tpu.memory_space<vmem>>
            %get3A_1025 = tpu.memref_squeeze %get3A_1024 : memref<1x1x1x256x128xf32, #tpu.memory_space<vmem>> -> memref<1x1x256x128xf32, #tpu.memory_space<vmem>>
            %get3A_1026 = arith.constant 0 : i32
            %get3A_1027 = arith.constant 0 : i32
            %get3A_1028 = tpu.memref_slice %get3A_1025[%scan3A, %scan3A_430, %get3A_1026, %get3A_1027] : memref<1x1x256x128xf32, #tpu.memory_space<vmem>> -> memref<1x1x256x128xf32, #tpu.memory_space<vmem>>
            %get3A_1029 = tpu.memref_squeeze %get3A_1028 : memref<1x1x256x128xf32, #tpu.memory_space<vmem>> -> memref<256x128xf32, #tpu.memory_space<vmem>>
            %get3A_1030 = arith.index_cast %add3A_1019 : i32 to index
            %get3A_1031 = arith.constant 96 : index
            %get3A_1032 = tpu.vector_load %get3A_1029[%get3A_1030, %get3A_1031] {strides = array<i32>} : memref<256x128xf32, #tpu.memory_space<vmem>>, vector<1x16xf32>,
            %get3A_1033 = vector.shape_cast %get3A_1032 : vector<1x16xf32> to vector<1x16xf32>
            %abs3A_1034 = math.absf %get3A_1033 : vector<1x16xf32>
            %gt3A_1035 = arith.constant 0.00999999977 : f32
            %gt3A_1036 = vector.broadcast %gt3A_1035 : f32 to vector<1x16xf32>
            %gt3A_1037 = arith.cmpf ogt, %abs3A_1034, %gt3A_1036 : vector<1x16xf32>
            %jit3A_1038 = arith.constant 0x7F800000 : f32
            %broadcast_in_dim3A_1039 = vector.broadcast %jit3A_1038 : f32 to vector<1x16xf32>
            %select_n3A_1040 = arith.select %gt3A_1037, %broadcast_in_dim3A_1039, %get3A_1033 : vector<1x16xi1>, vector<1x16xf32>
            %min3A_1041 = arith.minimumf %min3A_1005, %select_n3A_1040 : vector<1x16xf32>
            %jit3A_1042 = arith.constant 0xFF800000 : f32
            %broadcast_in_dim3A_1043 = vector.broadcast %jit3A_1042 : f32 to vector<1x16xf32>
            %select_n3A_1044 = arith.select %gt3A_1037, %broadcast_in_dim3A_1043, %get3A_1033 : vector<1x16xi1>, vector<1x16xf32>
            %max3A_1045 = arith.maximumf %max3A_1009, %select_n3A_1044 : vector<1x16xf32>
            %jit3A_1046 = arith.constant 0x7F800000 : f32
            %broadcast_in_dim3A_1047 = vector.broadcast %jit3A_1046 : f32 to vector<1x16xf32>
            %select_n3A_1048 = arith.select %gt3A_1037, %get3A_1033, %broadcast_in_dim3A_1047 : vector<1x16xi1>, vector<1x16xf32>
            %min3A_1049 = arith.minimumf %min3A_1013, %select_n3A_1048 : vector<1x16xf32>
            %jit3A_1050 = arith.constant 0xFF800000 : f32
            %broadcast_in_dim3A_1051 = vector.broadcast %jit3A_1050 : f32 to vector<1x16xf32>
            %select_n3A_1052 = arith.select %gt3A_1037, %get3A_1033, %broadcast_in_dim3A_1051 : vector<1x16xi1>, vector<1x16xf32>
            %max3A_1053 = arith.maximumf %max3A_1017, %select_n3A_1052 : vector<1x16xf32>
            %add3A_1054 = arith.constant 1 : i32
            %add3A_1055 = arith.addi %add3A_501, %add3A_1054 : i32
            %get3A_1056 = arith.constant 0 : i32
            %get3A_1057 = arith.constant 0 : i32
            %get3A_1058 = arith.constant 0 : i32
            %get3A_1059 = arith.constant 0 : i32
            %get3A_1060 = tpu.memref_slice %run_scoped3A[%rem3A_429, %get3A_1056, %get3A_1057, %get3A_1058, %get3A_1059] : memref<2x1x1x256x128xf32, #tpu.memory_space<vmem>> -> memref<1x1x1x256x128xf32, #tpu.memory_space<vmem>>
            %get3A_1061 = tpu.memref_squeeze %get3A_1060 : memref<1x1x1x256x128xf32, #tpu.memory_space<vmem>> -> memref<1x1x256x128xf32, #tpu.memory_space<vmem>>
            %get3A_1062 = arith.constant 0 : i32
            %get3A_1063 = arith.constant 0 : i32
            %get3A_1064 = tpu.memref_slice %get3A_1061[%scan3A, %scan3A_430, %get3A_1062, %get3A_1063] : memref<1x1x256x128xf32, #tpu.memory_space<vmem>> -> memref<1x1x256x128xf32, #tpu.memory_space<vmem>>
            %get3A_1065 = tpu.memref_squeeze %get3A_1064 : memref<1x1x256x128xf32, #tpu.memory_space<vmem>> -> memref<256x128xf32, #tpu.memory_space<vmem>>
            %get3A_1066 = arith.index_cast %add3A_1055 : i32 to index
            %get3A_1067 = arith.constant 112 : index
            %get3A_1068 = tpu.vector_load %get3A_1065[%get3A_1066, %get3A_1067] {strides = array<i32>} : memref<256x128xf32, #tpu.memory_space<vmem>>, vector<1x16xf32>,
            %get3A_1069 = vector.shape_cast %get3A_1068 : vector<1x16xf32> to vector<1x16xf32>
            %abs3A_1070 = math.absf %get3A_1069 : vector<1x16xf32>
            %gt3A_1071 = arith.constant 0.00999999977 : f32
            %gt3A_1072 = vector.broadcast %gt3A_1071 : f32 to vector<1x16xf32>
            %gt3A_1073 = arith.cmpf ogt, %abs3A_1070, %gt3A_1072 : vector<1x16xf32>
            %jit3A_1074 = arith.constant 0x7F800000 : f32
            %broadcast_in_dim3A_1075 = vector.broadcast %jit3A_1074 : f32 to vector<1x16xf32>
            %select_n3A_1076 = arith.select %gt3A_1073, %broadcast_in_dim3A_1075, %get3A_1069 : vector<1x16xi1>, vector<1x16xf32>
            %min3A_1077 = arith.minimumf %min3A_1041, %select_n3A_1076 : vector<1x16xf32>
            %jit3A_1078 = arith.constant 0xFF800000 : f32
            %broadcast_in_dim3A_1079 = vector.broadcast %jit3A_1078 : f32 to vector<1x16xf32>
            %select_n3A_1080 = arith.select %gt3A_1073, %broadcast_in_dim3A_1079, %get3A_1069 : vector<1x16xi1>, vector<1x16xf32>
            %max3A_1081 = arith.maximumf %max3A_1045, %select_n3A_1080 : vector<1x16xf32>
            %jit3A_1082 = arith.constant 0x7F800000 : f32
            %broadcast_in_dim3A_1083 = vector.broadcast %jit3A_1082 : f32 to vector<1x16xf32>
            %select_n3A_1084 = arith.select %gt3A_1073, %get3A_1069, %broadcast_in_dim3A_1083 : vector<1x16xi1>, vector<1x16xf32>
            %min3A_1085 = arith.minimumf %min3A_1049, %select_n3A_1084 : vector<1x16xf32>
            %jit3A_1086 = arith.constant 0xFF800000 : f32
            %broadcast_in_dim3A_1087 = vector.broadcast %jit3A_1086 : f32 to vector<1x16xf32>
            %select_n3A_1088 = arith.select %gt3A_1073, %get3A_1069, %broadcast_in_dim3A_1087 : vector<1x16xi1>, vector<1x16xf32>
            %max3A_1089 = arith.maximumf %max3A_1053, %select_n3A_1088 : vector<1x16xf32>
            %add3A_1090 = arith.constant 2 : i32
            %add3A_1091 = arith.addi %add3A_501, %add3A_1090 : i32
            %get3A_1092 = arith.constant 0 : i32
            %get3A_1093 = arith.constant 0 : i32
            %get3A_1094 = arith.constant 0 : i32
            %get3A_1095 = arith.constant 0 : i32
            %get3A_1096 = tpu.memref_slice %run_scoped3A[%rem3A_429, %get3A_1092, %get3A_1093, %get3A_1094, %get3A_1095] : memref<2x1x1x256x128xf32, #tpu.memory_space<vmem>> -> memref<1x1x1x256x128xf32, #tpu.memory_space<vmem>>
            %get3A_1097 = tpu.memref_squeeze %get3A_1096 : memref<1x1x1x256x128xf32, #tpu.memory_space<vmem>> -> memref<1x1x256x128xf32, #tpu.memory_space<vmem>>
            %get3A_1098 = arith.constant 0 : i32
            %get3A_1099 = arith.constant 0 : i32
            %get3A_1100 = tpu.memref_slice %get3A_1097[%scan3A, %scan3A_430, %get3A_1098, %get3A_1099] : memref<1x1x256x128xf32, #tpu.memory_space<vmem>> -> memref<1x1x256x128xf32, #tpu.memory_space<vmem>>
            %get3A_1101 = tpu.memref_squeeze %get3A_1100 : memref<1x1x256x128xf32, #tpu.memory_space<vmem>> -> memref<256x128xf32, #tpu.memory_space<vmem>>
            %get3A_1102 = arith.index_cast %add3A_1091 : i32 to index
            %get3A_1103 = arith.constant 0 : index
            %get3A_1104 = tpu.vector_load %get3A_1101[%get3A_1102, %get3A_1103] {strides = array<i32>} : memref<256x128xf32, #tpu.memory_space<vmem>>, vector<1x16xf32>,
            %get3A_1105 = vector.shape_cast %get3A_1104 : vector<1x16xf32> to vector<1x16xf32>
            %abs3A_1106 = math.absf %get3A_1105 : vector<1x16xf32>
            %gt3A_1107 = arith.constant 0.00999999977 : f32
            %gt3A_1108 = vector.broadcast %gt3A_1107 : f32 to vector<1x16xf32>
            %gt3A_1109 = arith.cmpf ogt, %abs3A_1106, %gt3A_1108 : vector<1x16xf32>
            %jit3A_1110 = arith.constant 0x7F800000 : f32
            %broadcast_in_dim3A_1111 = vector.broadcast %jit3A_1110 : f32 to vector<1x16xf32>
            %select_n3A_1112 = arith.select %gt3A_1109, %broadcast_in_dim3A_1111, %get3A_1105 : vector<1x16xi1>, vector<1x16xf32>
            %min3A_1113 = arith.minimumf %min3A_1077, %select_n3A_1112 : vector<1x16xf32>
            %jit3A_1114 = arith.constant 0xFF800000 : f32
            %broadcast_in_dim3A_1115 = vector.broadcast %jit3A_1114 : f32 to vector<1x16xf32>
            %select_n3A_1116 = arith.select %gt3A_1109, %broadcast_in_dim3A_1115, %get3A_1105 : vector<1x16xi1>, vector<1x16xf32>
            %max3A_1117 = arith.maximumf %max3A_1081, %select_n3A_1116 : vector<1x16xf32>
            %jit3A_1118 = arith.constant 0x7F800000 : f32
            %broadcast_in_dim3A_1119 = vector.broadcast %jit3A_1118 : f32 to vector<1x16xf32>
            %select_n3A_1120 = arith.select %gt3A_1109, %get3A_1105, %broadcast_in_dim3A_1119 : vector<1x16xi1>, vector<1x16xf32>
            %min3A_1121 = arith.minimumf %min3A_1085, %select_n3A_1120 : vector<1x16xf32>
            %jit3A_1122 = arith.constant 0xFF800000 : f32
            %broadcast_in_dim3A_1123 = vector.broadcast %jit3A_1122 : f32 to vector<1x16xf32>
            %select_n3A_1124 = arith.select %gt3A_1109, %get3A_1105, %broadcast_in_dim3A_1123 : vector<1x16xi1>, vector<1x16xf32>
            %max3A_1125 = arith.maximumf %max3A_1089, %select_n3A_1124 : vector<1x16xf32>
            %add3A_1126 = arith.constant 2 : i32
            %add3A_1127 = arith.addi %add3A_501, %add3A_1126 : i32
            %get3A_1128 = arith.constant 0 : i32
            %get3A_1129 = arith.constant 0 : i32
            %get3A_1130 = arith.constant 0 : i32
            %get3A_1131 = arith.constant 0 : i32
            %get3A_1132 = tpu.memref_slice %run_scoped3A[%rem3A_429, %get3A_1128, %get3A_1129, %get3A_1130, %get3A_1131] : memref<2x1x1x256x128xf32, #tpu.memory_space<vmem>> -> memref<1x1x1x256x128xf32, #tpu.memory_space<vmem>>
            %get3A_1133 = tpu.memref_squeeze %get3A_1132 : memref<1x1x1x256x128xf32, #tpu.memory_space<vmem>> -> memref<1x1x256x128xf32, #tpu.memory_space<vmem>>
            %get3A_1134 = arith.constant 0 : i32
            %get3A_1135 = arith.constant 0 : i32
            %get3A_1136 = tpu.memref_slice %get3A_1133[%scan3A, %scan3A_430, %get3A_1134, %get3A_1135] : memref<1x1x256x128xf32, #tpu.memory_space<vmem>> -> memref<1x1x256x128xf32, #tpu.memory_space<vmem>>
            %get3A_1137 = tpu.memref_squeeze %get3A_1136 : memref<1x1x256x128xf32, #tpu.memory_space<vmem>> -> memref<256x128xf32, #tpu.memory_space<vmem>>
            %get3A_1138 = arith.index_cast %add3A_1127 : i32 to index
            %get3A_1139 = arith.constant 16 : index
            %get3A_1140 = tpu.vector_load %get3A_1137[%get3A_1138, %get3A_1139] {strides = array<i32>} : memref<256x128xf32, #tpu.memory_space<vmem>>, vector<1x16xf32>,
            %get3A_1141 = vector.shape_cast %get3A_1140 : vector<1x16xf32> to vector<1x16xf32>
            %abs3A_1142 = math.absf %get3A_1141 : vector<1x16xf32>
            %gt3A_1143 = arith.constant 0.00999999977 : f32
            %gt3A_1144 = vector.broadcast %gt3A_1143 : f32 to vector<1x16xf32>
            %gt3A_1145 = arith.cmpf ogt, %abs3A_1142, %gt3A_1144 : vector<1x16xf32>
            %jit3A_1146 = arith.constant 0x7F800000 : f32
            %broadcast_in_dim3A_1147 = vector.broadcast %jit3A_1146 : f32 to vector<1x16xf32>
            %select_n3A_1148 = arith.select %gt3A_1145, %broadcast_in_dim3A_1147, %get3A_1141 : vector<1x16xi1>, vector<1x16xf32>
            %min3A_1149 = arith.minimumf %min3A_1113, %select_n3A_1148 : vector<1x16xf32>
            %jit3A_1150 = arith.constant 0xFF800000 : f32
            %broadcast_in_dim3A_1151 = vector.broadcast %jit3A_1150 : f32 to vector<1x16xf32>
            %select_n3A_1152 = arith.select %gt3A_1145, %broadcast_in_dim3A_1151, %get3A_1141 : vector<1x16xi1>, vector<1x16xf32>
            %max3A_1153 = arith.maximumf %max3A_1117, %select_n3A_1152 : vector<1x16xf32>
            %jit3A_1154 = arith.constant 0x7F800000 : f32
            %broadcast_in_dim3A_1155 = vector.broadcast %jit3A_1154 : f32 to vector<1x16xf32>
            %select_n3A_1156 = arith.select %gt3A_1145, %get3A_1141, %broadcast_in_dim3A_1155 : vector<1x16xi1>, vector<1x16xf32>
            %min3A_1157 = arith.minimumf %min3A_1121, %select_n3A_1156 : vector<1x16xf32>
            %jit3A_1158 = arith.constant 0xFF800000 : f32
            %broadcast_in_dim3A_1159 = vector.broadcast %jit3A_1158 : f32 to vector<1x16xf32>
            %select_n3A_1160 = arith.select %gt3A_1145, %get3A_1141, %broadcast_in_dim3A_1159 : vector<1x16xi1>, vector<1x16xf32>
            %max3A_1161 = arith.maximumf %max3A_1125, %select_n3A_1160 : vector<1x16xf32>
            %add3A_1162 = arith.constant 2 : i32
            %add3A_1163 = arith.addi %add3A_501, %add3A_1162 : i32
            %get3A_1164 = arith.constant 0 : i32
            %get3A_1165 = arith.constant 0 : i32
            %get3A_1166 = arith.constant 0 : i32
            %get3A_1167 = arith.constant 0 : i32
            %get3A_1168 = tpu.memref_slice %run_scoped3A[%rem3A_429, %get3A_1164, %get3A_1165, %get3A_1166, %get3A_1167] : memref<2x1x1x256x128xf32, #tpu.memory_space<vmem>> -> memref<1x1x1x256x128xf32, #tpu.memory_space<vmem>>
            %get3A_1169 = tpu.memref_squeeze %get3A_1168 : memref<1x1x1x256x128xf32, #tpu.memory_space<vmem>> -> memref<1x1x256x128xf32, #tpu.memory_space<vmem>>
            %get3A_1170 = arith.constant 0 : i32
            %get3A_1171 = arith.constant 0 : i32
            %get3A_1172 = tpu.memref_slice %get3A_1169[%scan3A, %scan3A_430, %get3A_1170, %get3A_1171] : memref<1x1x256x128xf32, #tpu.memory_space<vmem>> -> memref<1x1x256x128xf32, #tpu.memory_space<vmem>>
            %get3A_1173 = tpu.memref_squeeze %get3A_1172 : memref<1x1x256x128xf32, #tpu.memory_space<vmem>> -> memref<256x128xf32, #tpu.memory_space<vmem>>
            %get3A_1174 = arith.index_cast %add3A_1163 : i32 to index
            %get3A_1175 = arith.constant 32 : index
            %get3A_1176 = tpu.vector_load %get3A_1173[%get3A_1174, %get3A_1175] {strides = array<i32>} : memref<256x128xf32, #tpu.memory_space<vmem>>, vector<1x16xf32>,
            %get3A_1177 = vector.shape_cast %get3A_1176 : vector<1x16xf32> to vector<1x16xf32>
            %abs3A_1178 = math.absf %get3A_1177 : vector<1x16xf32>
            %gt3A_1179 = arith.constant 0.00999999977 : f32
            %gt3A_1180 = vector.broadcast %gt3A_1179 : f32 to vector<1x16xf32>
            %gt3A_1181 = arith.cmpf ogt, %abs3A_1178, %gt3A_1180 : vector<1x16xf32>
            %jit3A_1182 = arith.constant 0x7F800000 : f32
            %broadcast_in_dim3A_1183 = vector.broadcast %jit3A_1182 : f32 to vector<1x16xf32>
            %select_n3A_1184 = arith.select %gt3A_1181, %broadcast_in_dim3A_1183, %get3A_1177 : vector<1x16xi1>, vector<1x16xf32>
            %min3A_1185 = arith.minimumf %min3A_1149, %select_n3A_1184 : vector<1x16xf32>
            %jit3A_1186 = arith.constant 0xFF800000 : f32
            %broadcast_in_dim3A_1187 = vector.broadcast %jit3A_1186 : f32 to vector<1x16xf32>
            %select_n3A_1188 = arith.select %gt3A_1181, %broadcast_in_dim3A_1187, %get3A_1177 : vector<1x16xi1>, vector<1x16xf32>
            %max3A_1189 = arith.maximumf %max3A_1153, %select_n3A_1188 : vector<1x16xf32>
            %jit3A_1190 = arith.constant 0x7F800000 : f32
            %broadcast_in_dim3A_1191 = vector.broadcast %jit3A_1190 : f32 to vector<1x16xf32>
            %select_n3A_1192 = arith.select %gt3A_1181, %get3A_1177, %broadcast_in_dim3A_1191 : vector<1x16xi1>, vector<1x16xf32>
            %min3A_1193 = arith.minimumf %min3A_1157, %select_n3A_1192 : vector<1x16xf32>
            %jit3A_1194 = arith.constant 0xFF800000 : f32
            %broadcast_in_dim3A_1195 = vector.broadcast %jit3A_1194 : f32 to vector<1x16xf32>
            %select_n3A_1196 = arith.select %gt3A_1181, %get3A_1177, %broadcast_in_dim3A_1195 : vector<1x16xi1>, vector<1x16xf32>
            %max3A_1197 = arith.maximumf %max3A_1161, %select_n3A_1196 : vector<1x16xf32>
            %add3A_1198 = arith.constant 2 : i32
            %add3A_1199 = arith.addi %add3A_501, %add3A_1198 : i32
            %get3A_1200 = arith.constant 0 : i32
            %get3A_1201 = arith.constant 0 : i32
            %get3A_1202 = arith.constant 0 : i32
            %get3A_1203 = arith.constant 0 : i32
            %get3A_1204 = tpu.memref_slice %run_scoped3A[%rem3A_429, %get3A_1200, %get3A_1201, %get3A_1202, %get3A_1203] : memref<2x1x1x256x128xf32, #tpu.memory_space<vmem>> -> memref<1x1x1x256x128xf32, #tpu.memory_space<vmem>>
            %get3A_1205 = tpu.memref_squeeze %get3A_1204 : memref<1x1x1x256x128xf32, #tpu.memory_space<vmem>> -> memref<1x1x256x128xf32, #tpu.memory_space<vmem>>
            %get3A_1206 = arith.constant 0 : i32
            %get3A_1207 = arith.constant 0 : i32
            %get3A_1208 = tpu.memref_slice %get3A_1205[%scan3A, %scan3A_430, %get3A_1206, %get3A_1207] : memref<1x1x256x128xf32, #tpu.memory_space<vmem>> -> memref<1x1x256x128xf32, #tpu.memory_space<vmem>>
            %get3A_1209 = tpu.memref_squeeze %get3A_1208 : memref<1x1x256x128xf32, #tpu.memory_space<vmem>> -> memref<256x128xf32, #tpu.memory_space<vmem>>
            %get3A_1210 = arith.index_cast %add3A_1199 : i32 to index
            %get3A_1211 = arith.constant 48 : index
            %get3A_1212 = tpu.vector_load %get3A_1209[%get3A_1210, %get3A_1211] {strides = array<i32>} : memref<256x128xf32, #tpu.memory_space<vmem>>, vector<1x16xf32>,
            %get3A_1213 = vector.shape_cast %get3A_1212 : vector<1x16xf32> to vector<1x16xf32>
            %abs3A_1214 = math.absf %get3A_1213 : vector<1x16xf32>
            %gt3A_1215 = arith.constant 0.00999999977 : f32
            %gt3A_1216 = vector.broadcast %gt3A_1215 : f32 to vector<1x16xf32>
            %gt3A_1217 = arith.cmpf ogt, %abs3A_1214, %gt3A_1216 : vector<1x16xf32>
            %jit3A_1218 = arith.constant 0x7F800000 : f32
            %broadcast_in_dim3A_1219 = vector.broadcast %jit3A_1218 : f32 to vector<1x16xf32>
            %select_n3A_1220 = arith.select %gt3A_1217, %broadcast_in_dim3A_1219, %get3A_1213 : vector<1x16xi1>, vector<1x16xf32>
            %min3A_1221 = arith.minimumf %min3A_1185, %select_n3A_1220 : vector<1x16xf32>
            %jit3A_1222 = arith.constant 0xFF800000 : f32
            %broadcast_in_dim3A_1223 = vector.broadcast %jit3A_1222 : f32 to vector<1x16xf32>
            %select_n3A_1224 = arith.select %gt3A_1217, %broadcast_in_dim3A_1223, %get3A_1213 : vector<1x16xi1>, vector<1x16xf32>
            %max3A_1225 = arith.maximumf %max3A_1189, %select_n3A_1224 : vector<1x16xf32>
            %jit3A_1226 = arith.constant 0x7F800000 : f32
            %broadcast_in_dim3A_1227 = vector.broadcast %jit3A_1226 : f32 to vector<1x16xf32>
            %select_n3A_1228 = arith.select %gt3A_1217, %get3A_1213, %broadcast_in_dim3A_1227 : vector<1x16xi1>, vector<1x16xf32>
            %min3A_1229 = arith.minimumf %min3A_1193, %select_n3A_1228 : vector<1x16xf32>
            %jit3A_1230 = arith.constant 0xFF800000 : f32
            %broadcast_in_dim3A_1231 = vector.broadcast %jit3A_1230 : f32 to vector<1x16xf32>
            %select_n3A_1232 = arith.select %gt3A_1217, %get3A_1213, %broadcast_in_dim3A_1231 : vector<1x16xi1>, vector<1x16xf32>
            %max3A_1233 = arith.maximumf %max3A_1197, %select_n3A_1232 : vector<1x16xf32>
            %add3A_1234 = arith.constant 2 : i32
            %add3A_1235 = arith.addi %add3A_501, %add3A_1234 : i32
            %get3A_1236 = arith.constant 0 : i32
            %get3A_1237 = arith.constant 0 : i32
            %get3A_1238 = arith.constant 0 : i32
            %get3A_1239 = arith.constant 0 : i32
            %get3A_1240 = tpu.memref_slice %run_scoped3A[%rem3A_429, %get3A_1236, %get3A_1237, %get3A_1238, %get3A_1239] : memref<2x1x1x256x128xf32, #tpu.memory_space<vmem>> -> memref<1x1x1x256x128xf32, #tpu.memory_space<vmem>>
            %get3A_1241 = tpu.memref_squeeze %get3A_1240 : memref<1x1x1x256x128xf32, #tpu.memory_space<vmem>> -> memref<1x1x256x128xf32, #tpu.memory_space<vmem>>
            %get3A_1242 = arith.constant 0 : i32
            %get3A_1243 = arith.constant 0 : i32
            %get3A_1244 = tpu.memref_slice %get3A_1241[%scan3A, %scan3A_430, %get3A_1242, %get3A_1243] : memref<1x1x256x128xf32, #tpu.memory_space<vmem>> -> memref<1x1x256x128xf32, #tpu.memory_space<vmem>>
            %get3A_1245 = tpu.memref_squeeze %get3A_1244 : memref<1x1x256x128xf32, #tpu.memory_space<vmem>> -> memref<256x128xf32, #tpu.memory_space<vmem>>
            %get3A_1246 = arith.index_cast %add3A_1235 : i32 to index
            %get3A_1247 = arith.constant 64 : index
            %get3A_1248 = tpu.vector_load %get3A_1245[%get3A_1246, %get3A_1247] {strides = array<i32>} : memref<256x128xf32, #tpu.memory_space<vmem>>, vector<1x16xf32>,
            %get3A_1249 = vector.shape_cast %get3A_1248 : vector<1x16xf32> to vector<1x16xf32>
            %abs3A_1250 = math.absf %get3A_1249 : vector<1x16xf32>
            %gt3A_1251 = arith.constant 0.00999999977 : f32
            %gt3A_1252 = vector.broadcast %gt3A_1251 : f32 to vector<1x16xf32>
            %gt3A_1253 = arith.cmpf ogt, %abs3A_1250, %gt3A_1252 : vector<1x16xf32>
            %jit3A_1254 = arith.constant 0x7F800000 : f32
            %broadcast_in_dim3A_1255 = vector.broadcast %jit3A_1254 : f32 to vector<1x16xf32>
            %select_n3A_1256 = arith.select %gt3A_1253, %broadcast_in_dim3A_1255, %get3A_1249 : vector<1x16xi1>, vector<1x16xf32>
            %min3A_1257 = arith.minimumf %min3A_1221, %select_n3A_1256 : vector<1x16xf32>
            %jit3A_1258 = arith.constant 0xFF800000 : f32
            %broadcast_in_dim3A_1259 = vector.broadcast %jit3A_1258 : f32 to vector<1x16xf32>
            %select_n3A_1260 = arith.select %gt3A_1253, %broadcast_in_dim3A_1259, %get3A_1249 : vector<1x16xi1>, vector<1x16xf32>
            %max3A_1261 = arith.maximumf %max3A_1225, %select_n3A_1260 : vector<1x16xf32>
            %jit3A_1262 = arith.constant 0x7F800000 : f32
            %broadcast_in_dim3A_1263 = vector.broadcast %jit3A_1262 : f32 to vector<1x16xf32>
            %select_n3A_1264 = arith.select %gt3A_1253, %get3A_1249, %broadcast_in_dim3A_1263 : vector<1x16xi1>, vector<1x16xf32>
            %min3A_1265 = arith.minimumf %min3A_1229, %select_n3A_1264 : vector<1x16xf32>
            %jit3A_1266 = arith.constant 0xFF800000 : f32
            %broadcast_in_dim3A_1267 = vector.broadcast %jit3A_1266 : f32 to vector<1x16xf32>
            %select_n3A_1268 = arith.select %gt3A_1253, %get3A_1249, %broadcast_in_dim3A_1267 : vector<1x16xi1>, vector<1x16xf32>
            %max3A_1269 = arith.maximumf %max3A_1233, %select_n3A_1268 : vector<1x16xf32>
            %add3A_1270 = arith.constant 2 : i32
            %add3A_1271 = arith.addi %add3A_501, %add3A_1270 : i32
            %get3A_1272 = arith.constant 0 : i32
            %get3A_1273 = arith.constant 0 : i32
            %get3A_1274 = arith.constant 0 : i32
            %get3A_1275 = arith.constant 0 : i32
            %get3A_1276 = tpu.memref_slice %run_scoped3A[%rem3A_429, %get3A_1272, %get3A_1273, %get3A_1274, %get3A_1275] : memref<2x1x1x256x128xf32, #tpu.memory_space<vmem>> -> memref<1x1x1x256x128xf32, #tpu.memory_space<vmem>>
            %get3A_1277 = tpu.memref_squeeze %get3A_1276 : memref<1x1x1x256x128xf32, #tpu.memory_space<vmem>> -> memref<1x1x256x128xf32, #tpu.memory_space<vmem>>
            %get3A_1278 = arith.constant 0 : i32
            %get3A_1279 = arith.constant 0 : i32
            %get3A_1280 = tpu.memref_slice %get3A_1277[%scan3A, %scan3A_430, %get3A_1278, %get3A_1279] : memref<1x1x256x128xf32, #tpu.memory_space<vmem>> -> memref<1x1x256x128xf32, #tpu.memory_space<vmem>>
            %get3A_1281 = tpu.memref_squeeze %get3A_1280 : memref<1x1x256x128xf32, #tpu.memory_space<vmem>> -> memref<256x128xf32, #tpu.memory_space<vmem>>
            %get3A_1282 = arith.index_cast %add3A_1271 : i32 to index
            %get3A_1283 = arith.constant 80 : index
            %get3A_1284 = tpu.vector_load %get3A_1281[%get3A_1282, %get3A_1283] {strides = array<i32>} : memref<256x128xf32, #tpu.memory_space<vmem>>, vector<1x16xf32>,
            %get3A_1285 = vector.shape_cast %get3A_1284 : vector<1x16xf32> to vector<1x16xf32>
            %abs3A_1286 = math.absf %get3A_1285 : vector<1x16xf32>
            %gt3A_1287 = arith.constant 0.00999999977 : f32
            %gt3A_1288 = vector.broadcast %gt3A_1287 : f32 to vector<1x16xf32>
            %gt3A_1289 = arith.cmpf ogt, %abs3A_1286, %gt3A_1288 : vector<1x16xf32>
            %jit3A_1290 = arith.constant 0x7F800000 : f32
            %broadcast_in_dim3A_1291 = vector.broadcast %jit3A_1290 : f32 to vector<1x16xf32>
            %select_n3A_1292 = arith.select %gt3A_1289, %broadcast_in_dim3A_1291, %get3A_1285 : vector<1x16xi1>, vector<1x16xf32>
            %min3A_1293 = arith.minimumf %min3A_1257, %select_n3A_1292 : vector<1x16xf32>
            %jit3A_1294 = arith.constant 0xFF800000 : f32
            %broadcast_in_dim3A_1295 = vector.broadcast %jit3A_1294 : f32 to vector<1x16xf32>
            %select_n3A_1296 = arith.select %gt3A_1289, %broadcast_in_dim3A_1295, %get3A_1285 : vector<1x16xi1>, vector<1x16xf32>
            %max3A_1297 = arith.maximumf %max3A_1261, %select_n3A_1296 : vector<1x16xf32>
            %jit3A_1298 = arith.constant 0x7F800000 : f32
            %broadcast_in_dim3A_1299 = vector.broadcast %jit3A_1298 : f32 to vector<1x16xf32>
            %select_n3A_1300 = arith.select %gt3A_1289, %get3A_1285, %broadcast_in_dim3A_1299 : vector<1x16xi1>, vector<1x16xf32>
            %min3A_1301 = arith.minimumf %min3A_1265, %select_n3A_1300 : vector<1x16xf32>
            %jit3A_1302 = arith.constant 0xFF800000 : f32
            %broadcast_in_dim3A_1303 = vector.broadcast %jit3A_1302 : f32 to vector<1x16xf32>
            %select_n3A_1304 = arith.select %gt3A_1289, %get3A_1285, %broadcast_in_dim3A_1303 : vector<1x16xi1>, vector<1x16xf32>
            %max3A_1305 = arith.maximumf %max3A_1269, %select_n3A_1304 : vector<1x16xf32>
            %add3A_1306 = arith.constant 2 : i32
            %add3A_1307 = arith.addi %add3A_501, %add3A_1306 : i32
            %get3A_1308 = arith.constant 0 : i32
            %get3A_1309 = arith.constant 0 : i32
            %get3A_1310 = arith.constant 0 : i32
            %get3A_1311 = arith.constant 0 : i32
            %get3A_1312 = tpu.memref_slice %run_scoped3A[%rem3A_429, %get3A_1308, %get3A_1309, %get3A_1310, %get3A_1311] : memref<2x1x1x256x128xf32, #tpu.memory_space<vmem>> -> memref<1x1x1x256x128xf32, #tpu.memory_space<vmem>>
            %get3A_1313 = tpu.memref_squeeze %get3A_1312 : memref<1x1x1x256x128xf32, #tpu.memory_space<vmem>> -> memref<1x1x256x128xf32, #tpu.memory_space<vmem>>
            %get3A_1314 = arith.constant 0 : i32
            %get3A_1315 = arith.constant 0 : i32
            %get3A_1316 = tpu.memref_slice %get3A_1313[%scan3A, %scan3A_430, %get3A_1314, %get3A_1315] : memref<1x1x256x128xf32, #tpu.memory_space<vmem>> -> memref<1x1x256x128xf32, #tpu.memory_space<vmem>>
            %get3A_1317 = tpu.memref_squeeze %get3A_1316 : memref<1x1x256x128xf32, #tpu.memory_space<vmem>> -> memref<256x128xf32, #tpu.memory_space<vmem>>
            %get3A_1318 = arith.index_cast %add3A_1307 : i32 to index
            %get3A_1319 = arith.constant 96 : index
            %get3A_1320 = tpu.vector_load %get3A_1317[%get3A_1318, %get3A_1319] {strides = array<i32>} : memref<256x128xf32, #tpu.memory_space<vmem>>, vector<1x16xf32>,
            %get3A_1321 = vector.shape_cast %get3A_1320 : vector<1x16xf32> to vector<1x16xf32>
            %abs3A_1322 = math.absf %get3A_1321 : vector<1x16xf32>
            %gt3A_1323 = arith.constant 0.00999999977 : f32
            %gt3A_1324 = vector.broadcast %gt3A_1323 : f32 to vector<1x16xf32>
            %gt3A_1325 = arith.cmpf ogt, %abs3A_1322, %gt3A_1324 : vector<1x16xf32>
            %jit3A_1326 = arith.constant 0x7F800000 : f32
            %broadcast_in_dim3A_1327 = vector.broadcast %jit3A_1326 : f32 to vector<1x16xf32>
            %select_n3A_1328 = arith.select %gt3A_1325, %broadcast_in_dim3A_1327, %get3A_1321 : vector<1x16xi1>, vector<1x16xf32>
            %min3A_1329 = arith.minimumf %min3A_1293, %select_n3A_1328 : vector<1x16xf32>
            %jit3A_1330 = arith.constant 0xFF800000 : f32
            %broadcast_in_dim3A_1331 = vector.broadcast %jit3A_1330 : f32 to vector<1x16xf32>
            %select_n3A_1332 = arith.select %gt3A_1325, %broadcast_in_dim3A_1331, %get3A_1321 : vector<1x16xi1>, vector<1x16xf32>
            %max3A_1333 = arith.maximumf %max3A_1297, %select_n3A_1332 : vector<1x16xf32>
            %jit3A_1334 = arith.constant 0x7F800000 : f32
            %broadcast_in_dim3A_1335 = vector.broadcast %jit3A_1334 : f32 to vector<1x16xf32>
            %select_n3A_1336 = arith.select %gt3A_1325, %get3A_1321, %broadcast_in_dim3A_1335 : vector<1x16xi1>, vector<1x16xf32>
            %min3A_1337 = arith.minimumf %min3A_1301, %select_n3A_1336 : vector<1x16xf32>
            %jit3A_1338 = arith.constant 0xFF800000 : f32
            %broadcast_in_dim3A_1339 = vector.broadcast %jit3A_1338 : f32 to vector<1x16xf32>
            %select_n3A_1340 = arith.select %gt3A_1325, %get3A_1321, %broadcast_in_dim3A_1339 : vector<1x16xi1>, vector<1x16xf32>
            %max3A_1341 = arith.maximumf %max3A_1305, %select_n3A_1340 : vector<1x16xf32>
            %add3A_1342 = arith.constant 2 : i32
            %add3A_1343 = arith.addi %add3A_501, %add3A_1342 : i32
            %get3A_1344 = arith.constant 0 : i32
            %get3A_1345 = arith.constant 0 : i32
            %get3A_1346 = arith.constant 0 : i32
            %get3A_1347 = arith.constant 0 : i32
            %get3A_1348 = tpu.memref_slice %run_scoped3A[%rem3A_429, %get3A_1344, %get3A_1345, %get3A_1346, %get3A_1347] : memref<2x1x1x256x128xf32, #tpu.memory_space<vmem>> -> memref<1x1x1x256x128xf32, #tpu.memory_space<vmem>>
            %get3A_1349 = tpu.memref_squeeze %get3A_1348 : memref<1x1x1x256x128xf32, #tpu.memory_space<vmem>> -> memref<1x1x256x128xf32, #tpu.memory_space<vmem>>
            %get3A_1350 = arith.constant 0 : i32
            %get3A_1351 = arith.constant 0 : i32
            %get3A_1352 = tpu.memref_slice %get3A_1349[%scan3A, %scan3A_430, %get3A_1350, %get3A_1351] : memref<1x1x256x128xf32, #tpu.memory_space<vmem>> -> memref<1x1x256x128xf32, #tpu.memory_space<vmem>>
            %get3A_1353 = tpu.memref_squeeze %get3A_1352 : memref<1x1x256x128xf32, #tpu.memory_space<vmem>> -> memref<256x128xf32, #tpu.memory_space<vmem>>
            %get3A_1354 = arith.index_cast %add3A_1343 : i32 to index
            %get3A_1355 = arith.constant 112 : index
            %get3A_1356 = tpu.vector_load %get3A_1353[%get3A_1354, %get3A_1355] {strides = array<i32>} : memref<256x128xf32, #tpu.memory_space<vmem>>, vector<1x16xf32>,
            %get3A_1357 = vector.shape_cast %get3A_1356 : vector<1x16xf32> to vector<1x16xf32>
            %abs3A_1358 = math.absf %get3A_1357 : vector<1x16xf32>
            %gt3A_1359 = arith.constant 0.00999999977 : f32
            %gt3A_1360 = vector.broadcast %gt3A_1359 : f32 to vector<1x16xf32>
            %gt3A_1361 = arith.cmpf ogt, %abs3A_1358, %gt3A_1360 : vector<1x16xf32>
            %jit3A_1362 = arith.constant 0x7F800000 : f32
            %broadcast_in_dim3A_1363 = vector.broadcast %jit3A_1362 : f32 to vector<1x16xf32>
            %select_n3A_1364 = arith.select %gt3A_1361, %broadcast_in_dim3A_1363, %get3A_1357 : vector<1x16xi1>, vector<1x16xf32>
            %min3A_1365 = arith.minimumf %min3A_1329, %select_n3A_1364 : vector<1x16xf32>
            %jit3A_1366 = arith.constant 0xFF800000 : f32
            %broadcast_in_dim3A_1367 = vector.broadcast %jit3A_1366 : f32 to vector<1x16xf32>
            %select_n3A_1368 = arith.select %gt3A_1361, %broadcast_in_dim3A_1367, %get3A_1357 : vector<1x16xi1>, vector<1x16xf32>
            %max3A_1369 = arith.maximumf %max3A_1333, %select_n3A_1368 : vector<1x16xf32>
            %jit3A_1370 = arith.constant 0x7F800000 : f32
            %broadcast_in_dim3A_1371 = vector.broadcast %jit3A_1370 : f32 to vector<1x16xf32>
            %select_n3A_1372 = arith.select %gt3A_1361, %get3A_1357, %broadcast_in_dim3A_1371 : vector<1x16xi1>, vector<1x16xf32>
            %min3A_1373 = arith.minimumf %min3A_1337, %select_n3A_1372 : vector<1x16xf32>
            %jit3A_1374 = arith.constant 0xFF800000 : f32
            %broadcast_in_dim3A_1375 = vector.broadcast %jit3A_1374 : f32 to vector<1x16xf32>
            %select_n3A_1376 = arith.select %gt3A_1361, %get3A_1357, %broadcast_in_dim3A_1375 : vector<1x16xi1>, vector<1x16xf32>
            %max3A_1377 = arith.maximumf %max3A_1341, %select_n3A_1376 : vector<1x16xf32>
            %add3A_1378 = arith.constant 3 : i32
            %add3A_1379 = arith.addi %add3A_501, %add3A_1378 : i32
            %get3A_1380 = arith.constant 0 : i32
            %get3A_1381 = arith.constant 0 : i32
            %get3A_1382 = arith.constant 0 : i32
            %get3A_1383 = arith.constant 0 : i32
            %get3A_1384 = tpu.memref_slice %run_scoped3A[%rem3A_429, %get3A_1380, %get3A_1381, %get3A_1382, %get3A_1383] : memref<2x1x1x256x128xf32, #tpu.memory_space<vmem>> -> memref<1x1x1x256x128xf32, #tpu.memory_space<vmem>>
            %get3A_1385 = tpu.memref_squeeze %get3A_1384 : memref<1x1x1x256x128xf32, #tpu.memory_space<vmem>> -> memref<1x1x256x128xf32, #tpu.memory_space<vmem>>
            %get3A_1386 = arith.constant 0 : i32
            %get3A_1387 = arith.constant 0 : i32
            %get3A_1388 = tpu.memref_slice %get3A_1385[%scan3A, %scan3A_430, %get3A_1386, %get3A_1387] : memref<1x1x256x128xf32, #tpu.memory_space<vmem>> -> memref<1x1x256x128xf32, #tpu.memory_space<vmem>>
            %get3A_1389 = tpu.memref_squeeze %get3A_1388 : memref<1x1x256x128xf32, #tpu.memory_space<vmem>> -> memref<256x128xf32, #tpu.memory_space<vmem>>
            %get3A_1390 = arith.index_cast %add3A_1379 : i32 to index
            %get3A_1391 = arith.constant 0 : index
            %get3A_1392 = tpu.vector_load %get3A_1389[%get3A_1390, %get3A_1391] {strides = array<i32>} : memref<256x128xf32, #tpu.memory_space<vmem>>, vector<1x16xf32>,
            %get3A_1393 = vector.shape_cast %get3A_1392 : vector<1x16xf32> to vector<1x16xf32>
            %abs3A_1394 = math.absf %get3A_1393 : vector<1x16xf32>
            %gt3A_1395 = arith.constant 0.00999999977 : f32
            %gt3A_1396 = vector.broadcast %gt3A_1395 : f32 to vector<1x16xf32>
            %gt3A_1397 = arith.cmpf ogt, %abs3A_1394, %gt3A_1396 : vector<1x16xf32>
            %jit3A_1398 = arith.constant 0x7F800000 : f32
            %broadcast_in_dim3A_1399 = vector.broadcast %jit3A_1398 : f32 to vector<1x16xf32>
            %select_n3A_1400 = arith.select %gt3A_1397, %broadcast_in_dim3A_1399, %get3A_1393 : vector<1x16xi1>, vector<1x16xf32>
            %min3A_1401 = arith.minimumf %min3A_1365, %select_n3A_1400 : vector<1x16xf32>
            %jit3A_1402 = arith.constant 0xFF800000 : f32
            %broadcast_in_dim3A_1403 = vector.broadcast %jit3A_1402 : f32 to vector<1x16xf32>
            %select_n3A_1404 = arith.select %gt3A_1397, %broadcast_in_dim3A_1403, %get3A_1393 : vector<1x16xi1>, vector<1x16xf32>
            %max3A_1405 = arith.maximumf %max3A_1369, %select_n3A_1404 : vector<1x16xf32>
            %jit3A_1406 = arith.constant 0x7F800000 : f32
            %broadcast_in_dim3A_1407 = vector.broadcast %jit3A_1406 : f32 to vector<1x16xf32>
            %select_n3A_1408 = arith.select %gt3A_1397, %get3A_1393, %broadcast_in_dim3A_1407 : vector<1x16xi1>, vector<1x16xf32>
            %min3A_1409 = arith.minimumf %min3A_1373, %select_n3A_1408 : vector<1x16xf32>
            %jit3A_1410 = arith.constant 0xFF800000 : f32
            %broadcast_in_dim3A_1411 = vector.broadcast %jit3A_1410 : f32 to vector<1x16xf32>
            %select_n3A_1412 = arith.select %gt3A_1397, %get3A_1393, %broadcast_in_dim3A_1411 : vector<1x16xi1>, vector<1x16xf32>
            %max3A_1413 = arith.maximumf %max3A_1377, %select_n3A_1412 : vector<1x16xf32>
            %add3A_1414 = arith.constant 3 : i32
            %add3A_1415 = arith.addi %add3A_501, %add3A_1414 : i32
            %get3A_1416 = arith.constant 0 : i32
            %get3A_1417 = arith.constant 0 : i32
            %get3A_1418 = arith.constant 0 : i32
            %get3A_1419 = arith.constant 0 : i32
            %get3A_1420 = tpu.memref_slice %run_scoped3A[%rem3A_429, %get3A_1416, %get3A_1417, %get3A_1418, %get3A_1419] : memref<2x1x1x256x128xf32, #tpu.memory_space<vmem>> -> memref<1x1x1x256x128xf32, #tpu.memory_space<vmem>>
            %get3A_1421 = tpu.memref_squeeze %get3A_1420 : memref<1x1x1x256x128xf32, #tpu.memory_space<vmem>> -> memref<1x1x256x128xf32, #tpu.memory_space<vmem>>
            %get3A_1422 = arith.constant 0 : i32
            %get3A_1423 = arith.constant 0 : i32
            %get3A_1424 = tpu.memref_slice %get3A_1421[%scan3A, %scan3A_430, %get3A_1422, %get3A_1423] : memref<1x1x256x128xf32, #tpu.memory_space<vmem>> -> memref<1x1x256x128xf32, #tpu.memory_space<vmem>>
            %get3A_1425 = tpu.memref_squeeze %get3A_1424 : memref<1x1x256x128xf32, #tpu.memory_space<vmem>> -> memref<256x128xf32, #tpu.memory_space<vmem>>
            %get3A_1426 = arith.index_cast %add3A_1415 : i32 to index
            %get3A_1427 = arith.constant 16 : index
            %get3A_1428 = tpu.vector_load %get3A_1425[%get3A_1426, %get3A_1427] {strides = array<i32>} : memref<256x128xf32, #tpu.memory_space<vmem>>, vector<1x16xf32>,
            %get3A_1429 = vector.shape_cast %get3A_1428 : vector<1x16xf32> to vector<1x16xf32>
            %abs3A_1430 = math.absf %get3A_1429 : vector<1x16xf32>
            %gt3A_1431 = arith.constant 0.00999999977 : f32
            %gt3A_1432 = vector.broadcast %gt3A_1431 : f32 to vector<1x16xf32>
            %gt3A_1433 = arith.cmpf ogt, %abs3A_1430, %gt3A_1432 : vector<1x16xf32>
            %jit3A_1434 = arith.constant 0x7F800000 : f32
            %broadcast_in_dim3A_1435 = vector.broadcast %jit3A_1434 : f32 to vector<1x16xf32>
            %select_n3A_1436 = arith.select %gt3A_1433, %broadcast_in_dim3A_1435, %get3A_1429 : vector<1x16xi1>, vector<1x16xf32>
            %min3A_1437 = arith.minimumf %min3A_1401, %select_n3A_1436 : vector<1x16xf32>
            %jit3A_1438 = arith.constant 0xFF800000 : f32
            %broadcast_in_dim3A_1439 = vector.broadcast %jit3A_1438 : f32 to vector<1x16xf32>
            %select_n3A_1440 = arith.select %gt3A_1433, %broadcast_in_dim3A_1439, %get3A_1429 : vector<1x16xi1>, vector<1x16xf32>
            %max3A_1441 = arith.maximumf %max3A_1405, %select_n3A_1440 : vector<1x16xf32>
            %jit3A_1442 = arith.constant 0x7F800000 : f32
            %broadcast_in_dim3A_1443 = vector.broadcast %jit3A_1442 : f32 to vector<1x16xf32>
            %select_n3A_1444 = arith.select %gt3A_1433, %get3A_1429, %broadcast_in_dim3A_1443 : vector<1x16xi1>, vector<1x16xf32>
            %min3A_1445 = arith.minimumf %min3A_1409, %select_n3A_1444 : vector<1x16xf32>
            %jit3A_1446 = arith.constant 0xFF800000 : f32
            %broadcast_in_dim3A_1447 = vector.broadcast %jit3A_1446 : f32 to vector<1x16xf32>
            %select_n3A_1448 = arith.select %gt3A_1433, %get3A_1429, %broadcast_in_dim3A_1447 : vector<1x16xi1>, vector<1x16xf32>
            %max3A_1449 = arith.maximumf %max3A_1413, %select_n3A_1448 : vector<1x16xf32>
            %add3A_1450 = arith.constant 3 : i32
            %add3A_1451 = arith.addi %add3A_501, %add3A_1450 : i32
            %get3A_1452 = arith.constant 0 : i32
            %get3A_1453 = arith.constant 0 : i32
            %get3A_1454 = arith.constant 0 : i32
            %get3A_1455 = arith.constant 0 : i32
            %get3A_1456 = tpu.memref_slice %run_scoped3A[%rem3A_429, %get3A_1452, %get3A_1453, %get3A_1454, %get3A_1455] : memref<2x1x1x256x128xf32, #tpu.memory_space<vmem>> -> memref<1x1x1x256x128xf32, #tpu.memory_space<vmem>>
            %get3A_1457 = tpu.memref_squeeze %get3A_1456 : memref<1x1x1x256x128xf32, #tpu.memory_space<vmem>> -> memref<1x1x256x128xf32, #tpu.memory_space<vmem>>
            %get3A_1458 = arith.constant 0 : i32
            %get3A_1459 = arith.constant 0 : i32
            %get3A_1460 = tpu.memref_slice %get3A_1457[%scan3A, %scan3A_430, %get3A_1458, %get3A_1459] : memref<1x1x256x128xf32, #tpu.memory_space<vmem>> -> memref<1x1x256x128xf32, #tpu.memory_space<vmem>>
            %get3A_1461 = tpu.memref_squeeze %get3A_1460 : memref<1x1x256x128xf32, #tpu.memory_space<vmem>> -> memref<256x128xf32, #tpu.memory_space<vmem>>
            %get3A_1462 = arith.index_cast %add3A_1451 : i32 to index
            %get3A_1463 = arith.constant 32 : index
            %get3A_1464 = tpu.vector_load %get3A_1461[%get3A_1462, %get3A_1463] {strides = array<i32>} : memref<256x128xf32, #tpu.memory_space<vmem>>, vector<1x16xf32>,
            %get3A_1465 = vector.shape_cast %get3A_1464 : vector<1x16xf32> to vector<1x16xf32>
            %abs3A_1466 = math.absf %get3A_1465 : vector<1x16xf32>
            %gt3A_1467 = arith.constant 0.00999999977 : f32
            %gt3A_1468 = vector.broadcast %gt3A_1467 : f32 to vector<1x16xf32>
            %gt3A_1469 = arith.cmpf ogt, %abs3A_1466, %gt3A_1468 : vector<1x16xf32>
            %jit3A_1470 = arith.constant 0x7F800000 : f32
            %broadcast_in_dim3A_1471 = vector.broadcast %jit3A_1470 : f32 to vector<1x16xf32>
            %select_n3A_1472 = arith.select %gt3A_1469, %broadcast_in_dim3A_1471, %get3A_1465 : vector<1x16xi1>, vector<1x16xf32>
            %min3A_1473 = arith.minimumf %min3A_1437, %select_n3A_1472 : vector<1x16xf32>
            %jit3A_1474 = arith.constant 0xFF800000 : f32
            %broadcast_in_dim3A_1475 = vector.broadcast %jit3A_1474 : f32 to vector<1x16xf32>
            %select_n3A_1476 = arith.select %gt3A_1469, %broadcast_in_dim3A_1475, %get3A_1465 : vector<1x16xi1>, vector<1x16xf32>
            %max3A_1477 = arith.maximumf %max3A_1441, %select_n3A_1476 : vector<1x16xf32>
            %jit3A_1478 = arith.constant 0x7F800000 : f32
            %broadcast_in_dim3A_1479 = vector.broadcast %jit3A_1478 : f32 to vector<1x16xf32>
            %select_n3A_1480 = arith.select %gt3A_1469, %get3A_1465, %broadcast_in_dim3A_1479 : vector<1x16xi1>, vector<1x16xf32>
            %min3A_1481 = arith.minimumf %min3A_1445, %select_n3A_1480 : vector<1x16xf32>
            %jit3A_1482 = arith.constant 0xFF800000 : f32
            %broadcast_in_dim3A_1483 = vector.broadcast %jit3A_1482 : f32 to vector<1x16xf32>
            %select_n3A_1484 = arith.select %gt3A_1469, %get3A_1465, %broadcast_in_dim3A_1483 : vector<1x16xi1>, vector<1x16xf32>
            %max3A_1485 = arith.maximumf %max3A_1449, %select_n3A_1484 : vector<1x16xf32>
            %add3A_1486 = arith.constant 3 : i32
            %add3A_1487 = arith.addi %add3A_501, %add3A_1486 : i32
            %get3A_1488 = arith.constant 0 : i32
            %get3A_1489 = arith.constant 0 : i32
            %get3A_1490 = arith.constant 0 : i32
            %get3A_1491 = arith.constant 0 : i32
            %get3A_1492 = tpu.memref_slice %run_scoped3A[%rem3A_429, %get3A_1488, %get3A_1489, %get3A_1490, %get3A_1491] : memref<2x1x1x256x128xf32, #tpu.memory_space<vmem>> -> memref<1x1x1x256x128xf32, #tpu.memory_space<vmem>>
            %get3A_1493 = tpu.memref_squeeze %get3A_1492 : memref<1x1x1x256x128xf32, #tpu.memory_space<vmem>> -> memref<1x1x256x128xf32, #tpu.memory_space<vmem>>
            %get3A_1494 = arith.constant 0 : i32
            %get3A_1495 = arith.constant 0 : i32
            %get3A_1496 = tpu.memref_slice %get3A_1493[%scan3A, %scan3A_430, %get3A_1494, %get3A_1495] : memref<1x1x256x128xf32, #tpu.memory_space<vmem>> -> memref<1x1x256x128xf32, #tpu.memory_space<vmem>>
            %get3A_1497 = tpu.memref_squeeze %get3A_1496 : memref<1x1x256x128xf32, #tpu.memory_space<vmem>> -> memref<256x128xf32, #tpu.memory_space<vmem>>
            %get3A_1498 = arith.index_cast %add3A_1487 : i32 to index
            %get3A_1499 = arith.constant 48 : index
            %get3A_1500 = tpu.vector_load %get3A_1497[%get3A_1498, %get3A_1499] {strides = array<i32>} : memref<256x128xf32, #tpu.memory_space<vmem>>, vector<1x16xf32>,
            %get3A_1501 = vector.shape_cast %get3A_1500 : vector<1x16xf32> to vector<1x16xf32>
            %abs3A_1502 = math.absf %get3A_1501 : vector<1x16xf32>
            %gt3A_1503 = arith.constant 0.00999999977 : f32
            %gt3A_1504 = vector.broadcast %gt3A_1503 : f32 to vector<1x16xf32>
            %gt3A_1505 = arith.cmpf ogt, %abs3A_1502, %gt3A_1504 : vector<1x16xf32>
            %jit3A_1506 = arith.constant 0x7F800000 : f32
            %broadcast_in_dim3A_1507 = vector.broadcast %jit3A_1506 : f32 to vector<1x16xf32>
            %select_n3A_1508 = arith.select %gt3A_1505, %broadcast_in_dim3A_1507, %get3A_1501 : vector<1x16xi1>, vector<1x16xf32>
            %min3A_1509 = arith.minimumf %min3A_1473, %select_n3A_1508 : vector<1x16xf32>
            %jit3A_1510 = arith.constant 0xFF800000 : f32
            %broadcast_in_dim3A_1511 = vector.broadcast %jit3A_1510 : f32 to vector<1x16xf32>
            %select_n3A_1512 = arith.select %gt3A_1505, %broadcast_in_dim3A_1511, %get3A_1501 : vector<1x16xi1>, vector<1x16xf32>
            %max3A_1513 = arith.maximumf %max3A_1477, %select_n3A_1512 : vector<1x16xf32>
            %jit3A_1514 = arith.constant 0x7F800000 : f32
            %broadcast_in_dim3A_1515 = vector.broadcast %jit3A_1514 : f32 to vector<1x16xf32>
            %select_n3A_1516 = arith.select %gt3A_1505, %get3A_1501, %broadcast_in_dim3A_1515 : vector<1x16xi1>, vector<1x16xf32>
            %min3A_1517 = arith.minimumf %min3A_1481, %select_n3A_1516 : vector<1x16xf32>
            %jit3A_1518 = arith.constant 0xFF800000 : f32
            %broadcast_in_dim3A_1519 = vector.broadcast %jit3A_1518 : f32 to vector<1x16xf32>
            %select_n3A_1520 = arith.select %gt3A_1505, %get3A_1501, %broadcast_in_dim3A_1519 : vector<1x16xi1>, vector<1x16xf32>
            %max3A_1521 = arith.maximumf %max3A_1485, %select_n3A_1520 : vector<1x16xf32>
            %add3A_1522 = arith.constant 3 : i32
            %add3A_1523 = arith.addi %add3A_501, %add3A_1522 : i32
            %get3A_1524 = arith.constant 0 : i32
            %get3A_1525 = arith.constant 0 : i32
            %get3A_1526 = arith.constant 0 : i32
            %get3A_1527 = arith.constant 0 : i32
            %get3A_1528 = tpu.memref_slice %run_scoped3A[%rem3A_429, %get3A_1524, %get3A_1525, %get3A_1526, %get3A_1527] : memref<2x1x1x256x128xf32, #tpu.memory_space<vmem>> -> memref<1x1x1x256x128xf32, #tpu.memory_space<vmem>>
            %get3A_1529 = tpu.memref_squeeze %get3A_1528 : memref<1x1x1x256x128xf32, #tpu.memory_space<vmem>> -> memref<1x1x256x128xf32, #tpu.memory_space<vmem>>
            %get3A_1530 = arith.constant 0 : i32
            %get3A_1531 = arith.constant 0 : i32
            %get3A_1532 = tpu.memref_slice %get3A_1529[%scan3A, %scan3A_430, %get3A_1530, %get3A_1531] : memref<1x1x256x128xf32, #tpu.memory_space<vmem>> -> memref<1x1x256x128xf32, #tpu.memory_space<vmem>>
            %get3A_1533 = tpu.memref_squeeze %get3A_1532 : memref<1x1x256x128xf32, #tpu.memory_space<vmem>> -> memref<256x128xf32, #tpu.memory_space<vmem>>
            %get3A_1534 = arith.index_cast %add3A_1523 : i32 to index
            %get3A_1535 = arith.constant 64 : index
            %get3A_1536 = tpu.vector_load %get3A_1533[%get3A_1534, %get3A_1535] {strides = array<i32>} : memref<256x128xf32, #tpu.memory_space<vmem>>, vector<1x16xf32>,
            %get3A_1537 = vector.shape_cast %get3A_1536 : vector<1x16xf32> to vector<1x16xf32>
            %abs3A_1538 = math.absf %get3A_1537 : vector<1x16xf32>
            %gt3A_1539 = arith.constant 0.00999999977 : f32
            %gt3A_1540 = vector.broadcast %gt3A_1539 : f32 to vector<1x16xf32>
            %gt3A_1541 = arith.cmpf ogt, %abs3A_1538, %gt3A_1540 : vector<1x16xf32>
            %jit3A_1542 = arith.constant 0x7F800000 : f32
            %broadcast_in_dim3A_1543 = vector.broadcast %jit3A_1542 : f32 to vector<1x16xf32>
            %select_n3A_1544 = arith.select %gt3A_1541, %broadcast_in_dim3A_1543, %get3A_1537 : vector<1x16xi1>, vector<1x16xf32>
            %min3A_1545 = arith.minimumf %min3A_1509, %select_n3A_1544 : vector<1x16xf32>
            %jit3A_1546 = arith.constant 0xFF800000 : f32
            %broadcast_in_dim3A_1547 = vector.broadcast %jit3A_1546 : f32 to vector<1x16xf32>
            %select_n3A_1548 = arith.select %gt3A_1541, %broadcast_in_dim3A_1547, %get3A_1537 : vector<1x16xi1>, vector<1x16xf32>
            %max3A_1549 = arith.maximumf %max3A_1513, %select_n3A_1548 : vector<1x16xf32>
            %jit3A_1550 = arith.constant 0x7F800000 : f32
            %broadcast_in_dim3A_1551 = vector.broadcast %jit3A_1550 : f32 to vector<1x16xf32>
            %select_n3A_1552 = arith.select %gt3A_1541, %get3A_1537, %broadcast_in_dim3A_1551 : vector<1x16xi1>, vector<1x16xf32>
            %min3A_1553 = arith.minimumf %min3A_1517, %select_n3A_1552 : vector<1x16xf32>
            %jit3A_1554 = arith.constant 0xFF800000 : f32
            %broadcast_in_dim3A_1555 = vector.broadcast %jit3A_1554 : f32 to vector<1x16xf32>
            %select_n3A_1556 = arith.select %gt3A_1541, %get3A_1537, %broadcast_in_dim3A_1555 : vector<1x16xi1>, vector<1x16xf32>
            %max3A_1557 = arith.maximumf %max3A_1521, %select_n3A_1556 : vector<1x16xf32>
            %add3A_1558 = arith.constant 3 : i32
            %add3A_1559 = arith.addi %add3A_501, %add3A_1558 : i32
            %get3A_1560 = arith.constant 0 : i32
            %get3A_1561 = arith.constant 0 : i32
            %get3A_1562 = arith.constant 0 : i32
            %get3A_1563 = arith.constant 0 : i32
            %get3A_1564 = tpu.memref_slice %run_scoped3A[%rem3A_429, %get3A_1560, %get3A_1561, %get3A_1562, %get3A_1563] : memref<2x1x1x256x128xf32, #tpu.memory_space<vmem>> -> memref<1x1x1x256x128xf32, #tpu.memory_space<vmem>>
            %get3A_1565 = tpu.memref_squeeze %get3A_1564 : memref<1x1x1x256x128xf32, #tpu.memory_space<vmem>> -> memref<1x1x256x128xf32, #tpu.memory_space<vmem>>
            %get3A_1566 = arith.constant 0 : i32
            %get3A_1567 = arith.constant 0 : i32
            %get3A_1568 = tpu.memref_slice %get3A_1565[%scan3A, %scan3A_430, %get3A_1566, %get3A_1567] : memref<1x1x256x128xf32, #tpu.memory_space<vmem>> -> memref<1x1x256x128xf32, #tpu.memory_space<vmem>>
            %get3A_1569 = tpu.memref_squeeze %get3A_1568 : memref<1x1x256x128xf32, #tpu.memory_space<vmem>> -> memref<256x128xf32, #tpu.memory_space<vmem>>
            %get3A_1570 = arith.index_cast %add3A_1559 : i32 to index
            %get3A_1571 = arith.constant 80 : index
            %get3A_1572 = tpu.vector_load %get3A_1569[%get3A_1570, %get3A_1571] {strides = array<i32>} : memref<256x128xf32, #tpu.memory_space<vmem>>, vector<1x16xf32>,
            %get3A_1573 = vector.shape_cast %get3A_1572 : vector<1x16xf32> to vector<1x16xf32>
            %abs3A_1574 = math.absf %get3A_1573 : vector<1x16xf32>
            %gt3A_1575 = arith.constant 0.00999999977 : f32
            %gt3A_1576 = vector.broadcast %gt3A_1575 : f32 to vector<1x16xf32>
            %gt3A_1577 = arith.cmpf ogt, %abs3A_1574, %gt3A_1576 : vector<1x16xf32>
            %jit3A_1578 = arith.constant 0x7F800000 : f32
            %broadcast_in_dim3A_1579 = vector.broadcast %jit3A_1578 : f32 to vector<1x16xf32>
            %select_n3A_1580 = arith.select %gt3A_1577, %broadcast_in_dim3A_1579, %get3A_1573 : vector<1x16xi1>, vector<1x16xf32>
            %min3A_1581 = arith.minimumf %min3A_1545, %select_n3A_1580 : vector<1x16xf32>
            %jit3A_1582 = arith.constant 0xFF800000 : f32
            %broadcast_in_dim3A_1583 = vector.broadcast %jit3A_1582 : f32 to vector<1x16xf32>
            %select_n3A_1584 = arith.select %gt3A_1577, %broadcast_in_dim3A_1583, %get3A_1573 : vector<1x16xi1>, vector<1x16xf32>
            %max3A_1585 = arith.maximumf %max3A_1549, %select_n3A_1584 : vector<1x16xf32>
            %jit3A_1586 = arith.constant 0x7F800000 : f32
            %broadcast_in_dim3A_1587 = vector.broadcast %jit3A_1586 : f32 to vector<1x16xf32>
            %select_n3A_1588 = arith.select %gt3A_1577, %get3A_1573, %broadcast_in_dim3A_1587 : vector<1x16xi1>, vector<1x16xf32>
            %min3A_1589 = arith.minimumf %min3A_1553, %select_n3A_1588 : vector<1x16xf32>
            %jit3A_1590 = arith.constant 0xFF800000 : f32
            %broadcast_in_dim3A_1591 = vector.broadcast %jit3A_1590 : f32 to vector<1x16xf32>
            %select_n3A_1592 = arith.select %gt3A_1577, %get3A_1573, %broadcast_in_dim3A_1591 : vector<1x16xi1>, vector<1x16xf32>
            %max3A_1593 = arith.maximumf %max3A_1557, %select_n3A_1592 : vector<1x16xf32>
            %add3A_1594 = arith.constant 3 : i32
            %add3A_1595 = arith.addi %add3A_501, %add3A_1594 : i32
            %get3A_1596 = arith.constant 0 : i32
            %get3A_1597 = arith.constant 0 : i32
            %get3A_1598 = arith.constant 0 : i32
            %get3A_1599 = arith.constant 0 : i32
            %get3A_1600 = tpu.memref_slice %run_scoped3A[%rem3A_429, %get3A_1596, %get3A_1597, %get3A_1598, %get3A_1599] : memref<2x1x1x256x128xf32, #tpu.memory_space<vmem>> -> memref<1x1x1x256x128xf32, #tpu.memory_space<vmem>>
            %get3A_1601 = tpu.memref_squeeze %get3A_1600 : memref<1x1x1x256x128xf32, #tpu.memory_space<vmem>> -> memref<1x1x256x128xf32, #tpu.memory_space<vmem>>
            %get3A_1602 = arith.constant 0 : i32
            %get3A_1603 = arith.constant 0 : i32
            %get3A_1604 = tpu.memref_slice %get3A_1601[%scan3A, %scan3A_430, %get3A_1602, %get3A_1603] : memref<1x1x256x128xf32, #tpu.memory_space<vmem>> -> memref<1x1x256x128xf32, #tpu.memory_space<vmem>>
            %get3A_1605 = tpu.memref_squeeze %get3A_1604 : memref<1x1x256x128xf32, #tpu.memory_space<vmem>> -> memref<256x128xf32, #tpu.memory_space<vmem>>
            %get3A_1606 = arith.index_cast %add3A_1595 : i32 to index
            %get3A_1607 = arith.constant 96 : index
            %get3A_1608 = tpu.vector_load %get3A_1605[%get3A_1606, %get3A_1607] {strides = array<i32>} : memref<256x128xf32, #tpu.memory_space<vmem>>, vector<1x16xf32>,
            %get3A_1609 = vector.shape_cast %get3A_1608 : vector<1x16xf32> to vector<1x16xf32>
            %abs3A_1610 = math.absf %get3A_1609 : vector<1x16xf32>
            %gt3A_1611 = arith.constant 0.00999999977 : f32
            %gt3A_1612 = vector.broadcast %gt3A_1611 : f32 to vector<1x16xf32>
            %gt3A_1613 = arith.cmpf ogt, %abs3A_1610, %gt3A_1612 : vector<1x16xf32>
            %jit3A_1614 = arith.constant 0x7F800000 : f32
            %broadcast_in_dim3A_1615 = vector.broadcast %jit3A_1614 : f32 to vector<1x16xf32>
            %select_n3A_1616 = arith.select %gt3A_1613, %broadcast_in_dim3A_1615, %get3A_1609 : vector<1x16xi1>, vector<1x16xf32>
            %min3A_1617 = arith.minimumf %min3A_1581, %select_n3A_1616 : vector<1x16xf32>
            %jit3A_1618 = arith.constant 0xFF800000 : f32
            %broadcast_in_dim3A_1619 = vector.broadcast %jit3A_1618 : f32 to vector<1x16xf32>
            %select_n3A_1620 = arith.select %gt3A_1613, %broadcast_in_dim3A_1619, %get3A_1609 : vector<1x16xi1>, vector<1x16xf32>
            %max3A_1621 = arith.maximumf %max3A_1585, %select_n3A_1620 : vector<1x16xf32>
            %jit3A_1622 = arith.constant 0x7F800000 : f32
            %broadcast_in_dim3A_1623 = vector.broadcast %jit3A_1622 : f32 to vector<1x16xf32>
            %select_n3A_1624 = arith.select %gt3A_1613, %get3A_1609, %broadcast_in_dim3A_1623 : vector<1x16xi1>, vector<1x16xf32>
            %min3A_1625 = arith.minimumf %min3A_1589, %select_n3A_1624 : vector<1x16xf32>
            %jit3A_1626 = arith.constant 0xFF800000 : f32
            %broadcast_in_dim3A_1627 = vector.broadcast %jit3A_1626 : f32 to vector<1x16xf32>
            %select_n3A_1628 = arith.select %gt3A_1613, %get3A_1609, %broadcast_in_dim3A_1627 : vector<1x16xi1>, vector<1x16xf32>
            %max3A_1629 = arith.maximumf %max3A_1593, %select_n3A_1628 : vector<1x16xf32>
            %add3A_1630 = arith.constant 3 : i32
            %add3A_1631 = arith.addi %add3A_501, %add3A_1630 : i32
            %get3A_1632 = arith.constant 0 : i32
            %get3A_1633 = arith.constant 0 : i32
            %get3A_1634 = arith.constant 0 : i32
            %get3A_1635 = arith.constant 0 : i32
            %get3A_1636 = tpu.memref_slice %run_scoped3A[%rem3A_429, %get3A_1632, %get3A_1633, %get3A_1634, %get3A_1635] : memref<2x1x1x256x128xf32, #tpu.memory_space<vmem>> -> memref<1x1x1x256x128xf32, #tpu.memory_space<vmem>>
            %get3A_1637 = tpu.memref_squeeze %get3A_1636 : memref<1x1x1x256x128xf32, #tpu.memory_space<vmem>> -> memref<1x1x256x128xf32, #tpu.memory_space<vmem>>
            %get3A_1638 = arith.constant 0 : i32
            %get3A_1639 = arith.constant 0 : i32
            %get3A_1640 = tpu.memref_slice %get3A_1637[%scan3A, %scan3A_430, %get3A_1638, %get3A_1639] : memref<1x1x256x128xf32, #tpu.memory_space<vmem>> -> memref<1x1x256x128xf32, #tpu.memory_space<vmem>>
            %get3A_1641 = tpu.memref_squeeze %get3A_1640 : memref<1x1x256x128xf32, #tpu.memory_space<vmem>> -> memref<256x128xf32, #tpu.memory_space<vmem>>
            %get3A_1642 = arith.index_cast %add3A_1631 : i32 to index
            %get3A_1643 = arith.constant 112 : index
            %get3A_1644 = tpu.vector_load %get3A_1641[%get3A_1642, %get3A_1643] {strides = array<i32>} : memref<256x128xf32, #tpu.memory_space<vmem>>, vector<1x16xf32>,
            %get3A_1645 = vector.shape_cast %get3A_1644 : vector<1x16xf32> to vector<1x16xf32>
            %abs3A_1646 = math.absf %get3A_1645 : vector<1x16xf32>
            %gt3A_1647 = arith.constant 0.00999999977 : f32
            %gt3A_1648 = vector.broadcast %gt3A_1647 : f32 to vector<1x16xf32>
            %gt3A_1649 = arith.cmpf ogt, %abs3A_1646, %gt3A_1648 : vector<1x16xf32>
            %jit3A_1650 = arith.constant 0x7F800000 : f32
            %broadcast_in_dim3A_1651 = vector.broadcast %jit3A_1650 : f32 to vector<1x16xf32>
            %select_n3A_1652 = arith.select %gt3A_1649, %broadcast_in_dim3A_1651, %get3A_1645 : vector<1x16xi1>, vector<1x16xf32>
            %min3A_1653 = arith.minimumf %min3A_1617, %select_n3A_1652 : vector<1x16xf32>
            %jit3A_1654 = arith.constant 0xFF800000 : f32
            %broadcast_in_dim3A_1655 = vector.broadcast %jit3A_1654 : f32 to vector<1x16xf32>
            %select_n3A_1656 = arith.select %gt3A_1649, %broadcast_in_dim3A_1655, %get3A_1645 : vector<1x16xi1>, vector<1x16xf32>
            %max3A_1657 = arith.maximumf %max3A_1621, %select_n3A_1656 : vector<1x16xf32>
            %jit3A_1658 = arith.constant 0x7F800000 : f32
            %broadcast_in_dim3A_1659 = vector.broadcast %jit3A_1658 : f32 to vector<1x16xf32>
            %select_n3A_1660 = arith.select %gt3A_1649, %get3A_1645, %broadcast_in_dim3A_1659 : vector<1x16xi1>, vector<1x16xf32>
            %min3A_1661 = arith.minimumf %min3A_1625, %select_n3A_1660 : vector<1x16xf32>
            %jit3A_1662 = arith.constant 0xFF800000 : f32
            %broadcast_in_dim3A_1663 = vector.broadcast %jit3A_1662 : f32 to vector<1x16xf32>
            %select_n3A_1664 = arith.select %gt3A_1649, %get3A_1645, %broadcast_in_dim3A_1663 : vector<1x16xi1>, vector<1x16xf32>
            %max3A_1665 = arith.maximumf %max3A_1629, %select_n3A_1664 : vector<1x16xf32>
            %swap3A_1666 = arith.constant 0 : index
            %swap3A_1667 = arith.constant 0 : index
            %swap3A_1668 = tpu.vector_load %arg4[%swap3A_1666, %swap3A_1667] {strides = array<i32>} : memref<4x16xf32, #tpu.memory_space<vmem>>, vector<1x16xf32>,
            %swap3A_1669 = vector.shape_cast %swap3A_1668 : vector<1x16xf32> to vector<1x16xf32>
            %swap3A_1670 = vector.shape_cast %min3A_1653 : vector<1x16xf32> to vector<1x16xf32>
            tpu.vector_store %arg4[%swap3A_1666, %swap3A_1667], %swap3A_1670 {strides = array<i32>} : memref<4x16xf32, #tpu.memory_space<vmem>>, vector<1x16xf32>,
            %swap3A_1671 = arith.constant 1 : index
            %swap3A_1672 = arith.constant 0 : index
            %swap3A_1673 = tpu.vector_load %arg4[%swap3A_1671, %swap3A_1672] {strides = array<i32>} : memref<4x16xf32, #tpu.memory_space<vmem>>, vector<1x16xf32>,
            %swap3A_1674 = vector.shape_cast %swap3A_1673 : vector<1x16xf32> to vector<1x16xf32>
            %swap3A_1675 = vector.shape_cast %max3A_1657 : vector<1x16xf32> to vector<1x16xf32>
            tpu.vector_store %arg4[%swap3A_1671, %swap3A_1672], %swap3A_1675 {strides = array<i32>} : memref<4x16xf32, #tpu.memory_space<vmem>>, vector<1x16xf32>,
            %swap3A_1676 = arith.constant 2 : index
            %swap3A_1677 = arith.constant 0 : index
            %swap3A_1678 = tpu.vector_load %arg4[%swap3A_1676, %swap3A_1677] {strides = array<i32>} : memref<4x16xf32, #tpu.memory_space<vmem>>, vector<1x16xf32>,
            %swap3A_1679 = vector.shape_cast %swap3A_1678 : vector<1x16xf32> to vector<1x16xf32>
            %swap3A_1680 = vector.shape_cast %min3A_1661 : vector<1x16xf32> to vector<1x16xf32>
            tpu.vector_store %arg4[%swap3A_1676, %swap3A_1677], %swap3A_1680 {strides = array<i32>} : memref<4x16xf32, #tpu.memory_space<vmem>>, vector<1x16xf32>,
            %swap3A_1681 = arith.constant 3 : index
            %swap3A_1682 = arith.constant 0 : index
            %swap3A_1683 = tpu.vector_load %arg4[%swap3A_1681, %swap3A_1682] {strides = array<i32>} : memref<4x16xf32, #tpu.memory_space<vmem>>, vector<1x16xf32>,
            %swap3A_1684 = vector.shape_cast %swap3A_1683 : vector<1x16xf32> to vector<1x16xf32>
            %swap3A_1685 = vector.shape_cast %max3A_1665 : vector<1x16xf32> to vector<1x16xf32>
            tpu.vector_store %arg4[%swap3A_1681, %swap3A_1682], %swap3A_1685 {strides = array<i32>} : memref<4x16xf32, #tpu.memory_space<vmem>>, vector<1x16xf32>,
          }
          %scan3A_435 = arith.constant 64 : i32
          "tpu.trace_stop"() : () -> ()
          %ne3A_436 = arith.cmpi ne, %add3A_322, %add3A_372 : i32
          %ne3A_437 = arith.cmpi ne, %add3A_324, %add3A_374 : i32
          %or3A_438 = arith.constant false
          %or3A_439 = arith.ori %or3A_438, %ne3A_436 : i1
          %or3A_440 = arith.ori %or3A_439, %ne3A_437 : i1
          %or3A_441 = arith.constant false
          %or3A_442 = arith.ori %or3A_440, %or3A_441 : i1
          %or3A_443 = arith.ori %or3A_442, %eq3A_321 : i1
          %convert_element_type3A_444 = arith.extui %or3A_443 : i1 to i32
          %cond3A_445 = arith.constant 0 : i32
          %cond3A_446 = arith.cmpi ne, %convert_element_type3A_444, %cond3A_445 : i32
          scf.if %cond3A_446 {
          } else {
          }
          %and3A_447 = arith.constant false
          %and3A_448 = arith.andi %or3A_443, %and3A_447 : i1
          %ne3A_449 = arith.cmpi ne, %add3A_322, %add3A_348 : i32
          %ne3A_450 = arith.cmpi ne, %add3A_324, %add3A_350 : i32
          %or3A_451 = arith.constant false
          %or3A_452 = arith.ori %or3A_451, %ne3A_449 : i1
          %or3A_453 = arith.ori %or3A_452, %ne3A_450 : i1
          %or3A_454 = arith.constant false
          %or3A_455 = arith.ori %or3A_453, %or3A_454 : i1
          %not3A_456 = arith.constant true
          %not3A_457 = arith.xori %eq3A_318, %not3A_456 : i1
          %and3A_458 = arith.andi %or3A_455, %not3A_457 : i1
          %convert_element_type3A_459 = arith.extui %and3A_458 : i1 to i32
          %cond3A_460 = arith.constant 0 : i32
          %cond3A_461 = arith.cmpi ne, %convert_element_type3A_459, %cond3A_460 : i32
          scf.if %cond3A_461 {
          } else {
          }
          %and3A_462 = arith.constant false
          %and3A_463 = arith.andi %and3A_458, %and3A_462 : i1
          %ne3A_464 = arith.cmpi ne, %add3A_322, %add3A_372 : i32
          %ne3A_465 = arith.cmpi ne, %add3A_324, %add3A_374 : i32
          %or3A_466 = arith.constant false
          %or3A_467 = arith.ori %or3A_466, %ne3A_464 : i1
          %or3A_468 = arith.ori %or3A_467, %ne3A_465 : i1
          %or3A_469 = arith.constant false
          %or3A_470 = arith.ori %or3A_468, %or3A_469 : i1
          %or3A_471 = arith.ori %or3A_470, %eq3A_321 : i1
          %add3A_472 = arith.constant 1 : i32
          %add3A_473 = arith.addi %while3A_309, %add3A_472 : i32
          %select_n3A_474 = arith.select %or3A_471, %add3A_473, %while3A_309 : i32
          %add3A_475 = arith.constant 1 : i32
          %add3A_476 = arith.addi %while3A_312, %add3A_475 : i32
          %select_n3A_477 = arith.constant true
          %select_n3A_478 = arith.select %select_n3A_477, %add3A_476, %while3A_312 : i32
          %eq3A_479 = arith.constant 16 : i32
          %eq3A_480 = arith.cmpi eq, %select_n3A_478, %eq3A_479 : i32
          %select_n3A_481 = arith.constant 0 : i32
          %select_n3A_482 = arith.select %eq3A_480, %select_n3A_481, %select_n3A_478 : i32
          %add3A_483 = arith.constant 1 : i32
          %add3A_484 = arith.addi %while3A_311, %add3A_483 : i32
          %select_n3A_485 = arith.select %eq3A_480, %add3A_484, %while3A_311 : i32
          %eq3A_486 = arith.cmpi eq, %select_n3A_485, %select_n3A : i32
          %select_n3A_487 = arith.constant 0 : i32
          %select_n3A_488 = arith.select %eq3A_486, %select_n3A_487, %select_n3A_485 : i32
          %select_n3A_489 = arith.constant 0 : i32
          %select_n3A_490 = arith.constant 1 : i32
          %select_n3A_491 = arith.select %eq3A_486, %select_n3A_490, %select_n3A_489 : i32
          %eq3A_492 = arith.constant 1 : i32
          %eq3A_493 = arith.cmpi eq, %select_n3A_491, %eq3A_492 : i32
          %select_n3A_494 = arith.constant 0 : i32
          %select_n3A_495 = arith.select %eq3A_493, %select_n3A_494, %select_n3A_491 : i32
          %while3A_496 = arith.constant 0 : i32
          scf.yield %select_n3A_416, %select_n3A_474, %while3A_496, %select_n3A_488, %select_n3A_482 : i32, i32, i32, i32, i32
        }
        %sub3A_193 = arith.constant 1 : i32
        %sub3A_194 = arith.subi %while3A_192#4, %sub3A_193 : i32
        %select_n3A_195 = arith.constant true
        %select_n3A_196 = arith.select %select_n3A_195, %sub3A_194, %while3A_192#4 : i32
        %eq3A_197 = arith.constant -1 : i32
        %eq3A_198 = arith.cmpi eq, %select_n3A_196, %eq3A_197 : i32
        %select_n3A_199 = arith.constant 15 : i32
        %select_n3A_200 = arith.select %eq3A_198, %select_n3A_199, %select_n3A_196 : i32
        %sub3A_201 = arith.constant 1 : i32
        %sub3A_202 = arith.subi %while3A_192#3, %sub3A_201 : i32
        %select_n3A_203 = arith.select %eq3A_198, %sub3A_202, %while3A_192#3 : i32
        %eq3A_204 = arith.constant -1 : i32
        %eq3A_205 = arith.cmpi eq, %select_n3A_203, %eq3A_204 : i32
        %sub3A_206 = arith.constant 1 : i32
        %sub3A_207 = arith.subi %select_n3A, %sub3A_206 : i32
        %select_n3A_208 = arith.select %eq3A_205, %sub3A_207, %select_n3A_203 : i32
        %sub3A_209 = arith.constant 1 : i32
        %sub3A_210 = arith.subi %while3A_192#2, %sub3A_209 : i32
        %select_n3A_211 = arith.select %eq3A_205, %sub3A_210, %while3A_192#2 : i32
        %eq3A_212 = arith.constant -1 : i32
        %eq3A_213 = arith.cmpi eq, %select_n3A_211, %eq3A_212 : i32
        %select_n3A_214 = arith.constant 0 : i32
        %select_n3A_215 = arith.select %eq3A_213, %select_n3A_214, %select_n3A_211 : i32
        %sub3A_216 = arith.constant 1 : i32
        %sub3A_217 = arith.subi %mul3A_44, %sub3A_216 : i32
        %mul3A_218 = arith.constant 1 : i32
        %mul3A_219 = arith.muli %mul3A_218, %select_n3A : i32
        %mul3A_220 = arith.constant 16 : i32
        %mul3A_221 = arith.muli %mul3A_219, %mul3A_220 : i32
        %eq3A_222 = arith.constant 0 : i32
        %eq3A_223 = arith.cmpi eq, %sub3A_217, %eq3A_222 : i32
        %sub3A_224 = arith.constant 1 : i32
        %sub3A_225 = arith.subi %mul3A_221, %sub3A_224 : i32
        %eq3A_226 = arith.cmpi eq, %sub3A_217, %sub3A_225 : i32
        %add3A_227 = arith.addi %select_n3A_208, %select_n3A_40 : i32
        %add3A_228 = arith.constant 0 : i32
        %add3A_229 = arith.addi %select_n3A_200, %add3A_228 : i32
        %sub3A_230 = arith.constant 1 : i32
        %sub3A_231 = arith.subi %select_n3A_200, %sub3A_230 : i32
        %select_n3A_232 = arith.constant true
        %select_n3A_233 = arith.select %select_n3A_232, %sub3A_231, %select_n3A_200 : i32
        %eq3A_234 = arith.constant -1 : i32
        %eq3A_235 = arith.cmpi eq, %select_n3A_233, %eq3A_234 : i32
        %select_n3A_236 = arith.constant 15 : i32
        %select_n3A_237 = arith.select %eq3A_235, %select_n3A_236, %select_n3A_233 : i32
        %sub3A_238 = arith.constant 1 : i32
        %sub3A_239 = arith.subi %select_n3A_208, %sub3A_238 : i32
        %select_n3A_240 = arith.select %eq3A_235, %sub3A_239, %select_n3A_208 : i32
        %eq3A_241 = arith.constant -1 : i32
        %eq3A_242 = arith.cmpi eq, %select_n3A_240, %eq3A_241 : i32
        %sub3A_243 = arith.constant 1 : i32
        %sub3A_244 = arith.subi %select_n3A, %sub3A_243 : i32
        %select_n3A_245 = arith.select %eq3A_242, %sub3A_244, %select_n3A_240 : i32
        %select_n3A_246 = arith.constant 0 : i32
        %select_n3A_247 = arith.constant -1 : i32
        %select_n3A_248 = arith.select %eq3A_242, %select_n3A_247, %select_n3A_246 : i32
        %eq3A_249 = arith.constant -1 : i32
        %eq3A_250 = arith.cmpi eq, %select_n3A_248, %eq3A_249 : i32
        %select_n3A_251 = arith.constant 0 : i32
        %select_n3A_252 = arith.select %eq3A_250, %select_n3A_251, %select_n3A_248 : i32
        %add3A_253 = arith.addi %select_n3A_245, %select_n3A_40 : i32
        %add3A_254 = arith.constant 0 : i32
        %add3A_255 = arith.addi %select_n3A_237, %add3A_254 : i32
        %add3A_256 = arith.constant 1 : i32
        %add3A_257 = arith.addi %select_n3A_200, %add3A_256 : i32
        %select_n3A_258 = arith.constant true
        %select_n3A_259 = arith.select %select_n3A_258, %add3A_257, %select_n3A_200 : i32
        %eq3A_260 = arith.constant 16 : i32
        %eq3A_261 = arith.cmpi eq, %select_n3A_259, %eq3A_260 : i32
        %select_n3A_262 = arith.constant 0 : i32
        %select_n3A_263 = arith.select %eq3A_261, %select_n3A_262, %select_n3A_259 : i32
        %add3A_264 = arith.constant 1 : i32
        %add3A_265 = arith.addi %select_n3A_208, %add3A_264 : i32
        %select_n3A_266 = arith.select %eq3A_261, %add3A_265, %select_n3A_208 : i32
        %eq3A_267 = arith.cmpi eq, %select_n3A_266, %select_n3A : i32
        %select_n3A_268 = arith.constant 0 : i32
        %select_n3A_269 = arith.select %eq3A_267, %select_n3A_268, %select_n3A_266 : i32
        %select_n3A_270 = arith.constant 0 : i32
        %select_n3A_271 = arith.constant 1 : i32
        %select_n3A_272 = arith.select %eq3A_267, %select_n3A_271, %select_n3A_270 : i32
        %eq3A_273 = arith.constant 1 : i32
        %eq3A_274 = arith.cmpi eq, %select_n3A_272, %eq3A_273 : i32
        %select_n3A_275 = arith.constant 0 : i32
        %select_n3A_276 = arith.select %eq3A_274, %select_n3A_275, %select_n3A_272 : i32
        %add3A_277 = arith.addi %select_n3A_269, %select_n3A_40 : i32
        %add3A_278 = arith.constant 0 : i32
        %add3A_279 = arith.addi %select_n3A_263, %add3A_278 : i32
        %add3A_280 = arith.constant 1 : i32
        %add3A_281 = arith.addi %select_n3A_263, %add3A_280 : i32
        %select_n3A_282 = arith.constant true
        %select_n3A_283 = arith.select %select_n3A_282, %add3A_281, %select_n3A_263 : i32
        %eq3A_284 = arith.constant 16 : i32
        %eq3A_285 = arith.cmpi eq, %select_n3A_283, %eq3A_284 : i32
        %select_n3A_286 = arith.constant 0 : i32
        %select_n3A_287 = arith.select %eq3A_285, %select_n3A_286, %select_n3A_283 : i32
        %add3A_288 = arith.constant 1 : i32
        %add3A_289 = arith.addi %select_n3A_269, %add3A_288 : i32
        %select_n3A_290 = arith.select %eq3A_285, %add3A_289, %select_n3A_269 : i32
        %eq3A_291 = arith.cmpi eq, %select_n3A_290, %select_n3A : i32
        %select_n3A_292 = arith.constant 0 : i32
        %select_n3A_293 = arith.select %eq3A_291, %select_n3A_292, %select_n3A_290 : i32
        %select_n3A_294 = arith.constant 0 : i32
        %select_n3A_295 = arith.constant 1 : i32
        %select_n3A_296 = arith.select %eq3A_291, %select_n3A_295, %select_n3A_294 : i32
        %eq3A_297 = arith.constant 1 : i32
        %eq3A_298 = arith.cmpi eq, %select_n3A_296, %eq3A_297 : i32
        %select_n3A_299 = arith.constant 0 : i32
        %select_n3A_300 = arith.select %eq3A_298, %select_n3A_299, %select_n3A_296 : i32
        %add3A_301 = arith.addi %select_n3A_293, %select_n3A_40 : i32
        %add3A_302 = arith.constant 0 : i32
        %add3A_303 = arith.addi %select_n3A_287, %add3A_302 : i32
        %convert_element_type3A_304 = arith.extui %eq3A_226 : i1 to i32
        %cond3A_305 = arith.constant 0 : i32
        %cond3A_306 = arith.cmpi ne, %convert_element_type3A_304, %cond3A_305 : i32
        scf.if %cond3A_306 {
        } else {
        }
      } else {
      }
      tpu.yield
    }) : () -> ()
    %mul3A_45 = arith.constant 16 : i32
    %mul3A_46 = arith.muli %arg0, %mul3A_45 : i32
    %add3A_47 = arith.addi %mul3A_46, %arg1 : i32
    %dma_start3A = arith.constant 0 : i32
    %dma_start3A_48 = arith.constant 0 : i32
    %dma_start3A_49 = tpu.memref_slice %arg3[%add3A_47, %dma_start3A, %dma_start3A_48] : memref<32x4x16xf32, #tpu.memory_space<hbm>> -> memref<1x4x16xf32, #tpu.memory_space<hbm>>
    %dma_start3A_50 = tpu.memref_squeeze %dma_start3A_49 : memref<1x4x16xf32, #tpu.memory_space<hbm>> -> memref<4x16xf32, #tpu.memory_space<hbm>>
    %dma_start3A_51 = arith.constant 0 : i32
    %dma_start3A_52 = arith.constant 0 : i32
    %dma_start3A_53 = tpu.memref_slice %arg3[%add3A_47, %dma_start3A_51, %dma_start3A_52] : memref<32x4x16xf32, #tpu.memory_space<hbm>> -> memref<1x4x16xf32, #tpu.memory_space<hbm>>
    %dma_start3A_54 = tpu.memref_squeeze %dma_start3A_53 : memref<1x4x16xf32, #tpu.memory_space<hbm>> -> memref<4x16xf32, #tpu.memory_space<hbm>>
    tpu.enqueue_dma source(%arg4 : memref<4x16xf32, #tpu.memory_space<vmem>>) target(%dma_start3A_54 : memref<4x16xf32, #tpu.memory_space<hbm>>) target_semaphore(%arg5 : memref<!tpu.dma_semaphore, #tpu.memory_space<semaphore_mem>>)
    %dma_wait3A = arith.constant 0 : i32
    %dma_wait3A_55 = arith.constant 0 : i32
    %dma_wait3A_56 = tpu.memref_slice %arg3[%add3A_47, %dma_wait3A, %dma_wait3A_55] : memref<32x4x16xf32, #tpu.memory_space<hbm>> -> memref<1x4x16xf32, #tpu.memory_space<hbm>>
    %dma_wait3A_57 = tpu.memref_squeeze %dma_wait3A_56 : memref<1x4x16xf32, #tpu.memory_space<hbm>> -> memref<4x16xf32, #tpu.memory_space<hbm>>
    %dma_wait3A_58 = arith.constant 0 : i32
    %dma_wait3A_59 = arith.constant 0 : i32
    %dma_wait3A_60 = tpu.memref_slice %arg3[%add3A_47, %dma_wait3A_58, %dma_wait3A_59] : memref<32x4x16xf32, #tpu.memory_space<hbm>> -> memref<1x4x16xf32, #tpu.memory_space<hbm>>
    %dma_wait3A_61 = tpu.memref_squeeze %dma_wait3A_60 : memref<1x4x16xf32, #tpu.memory_space<hbm>> -> memref<4x16xf32, #tpu.memory_space<hbm>>
    tpu.wait_dma2 semaphore(%arg5 : memref<!tpu.dma_semaphore, #tpu.memory_space<semaphore_mem>>) src(%arg4 : memref<4x16xf32, #tpu.memory_space<vmem>>) dst(%dma_wait3A_61 : memref<4x16xf32, #tpu.memory_space<hbm>>)
    return
  }
}

module attributes {stable_mosaic.version = 14 : i64} {
  func.func @_quant_body_manual(%arg0: memref<4xf32, #tpu.memory_space<smem>>, %arg1: memref<8x16x4096x128xf32, #tpu.memory_space<any>>, %arg2: memref<8x16x4096x128xf32, #tpu.memory_space<any>>, %arg3: memref<8x4096x128xf32, #tpu.memory_space<vmem>>, %arg4: memref<8x4096x128xf32, #tpu.memory_space<vmem>>, %arg5: memref<8x!tpu.dma_semaphore, #tpu.memory_space<semaphore_mem>>, %arg6: memref<8x!tpu.dma_semaphore, #tpu.memory_space<semaphore_mem>>) attributes {dimension_semantics = [], scalar_prefetch = 0 : i64, scratch_operands = 4 : i64, tpu.core_type = #tpu.core_type<tc>} {
    %get3A = arith.constant 0 : index
    %get3A_0 = memref.load %arg0[%get3A] : memref<4xf32, #tpu.memory_space<smem>>
    %get3A_1 = arith.constant 1 : index
    %get3A_2 = memref.load %arg0[%get3A_1] : memref<4xf32, #tpu.memory_space<smem>>
    %get3A_3 = arith.constant 2 : index
    %get3A_4 = memref.load %arg0[%get3A_3] : memref<4xf32, #tpu.memory_space<smem>>
    %get3A_5 = arith.constant 3 : index
    %get3A_6 = memref.load %arg0[%get3A_5] : memref<4xf32, #tpu.memory_space<smem>>
    %sub3A = arith.subf %get3A_2, %get3A_0 : f32
    %sub3A_7 = arith.subf %get3A_6, %get3A_4 : f32
    %ne3A = arith.constant 0.000000e+00 : f32
    %ne3A_8 = arith.cmpf one, %sub3A, %ne3A : f32
    %div3A = arith.constant 1.500000e+01 : f32
    %div3A_9 = arith.divf %div3A, %sub3A : f32
    %jit3A = arith.constant 0.000000e+00 : f32
    %select_n3A = arith.select %ne3A_8, %div3A_9, %jit3A : f32
    %ne3A_10 = arith.constant 0.000000e+00 : f32
    %ne3A_11 = arith.cmpf one, %sub3A, %ne3A_10 : f32
    %div3A_12 = arith.constant 1.500000e+01 : f32
    %div3A_13 = arith.divf %sub3A, %div3A_12 : f32
    %jit3A_14 = arith.constant 0.000000e+00 : f32
    %select_n3A_15 = arith.select %ne3A_11, %div3A_13, %jit3A_14 : f32
    %ne3A_16 = arith.constant 0.000000e+00 : f32
    %ne3A_17 = arith.cmpf one, %sub3A_7, %ne3A_16 : f32
    %div3A_18 = arith.constant 2.550000e+02 : f32
    %div3A_19 = arith.divf %div3A_18, %sub3A_7 : f32
    %jit3A_20 = arith.constant 0.000000e+00 : f32
    %select_n3A_21 = arith.select %ne3A_17, %div3A_19, %jit3A_20 : f32
    %ne3A_22 = arith.constant 0.000000e+00 : f32
    %ne3A_23 = arith.cmpf one, %sub3A_7, %ne3A_22 : f32
    %div3A_24 = arith.constant 2.550000e+02 : f32
    %div3A_25 = arith.divf %sub3A_7, %div3A_24 : f32
    %jit3A_26 = arith.constant 0.000000e+00 : f32
    %select_n3A_27 = arith.select %ne3A_23, %div3A_25, %jit3A_26 : f32
    %rem3A = arith.constant 0 : i32
    %rem3A_28 = arith.constant 8 : i32
    %rem3A_29 = arith.remsi %rem3A, %rem3A_28 : i32
    %dma_start3A = arith.constant 0 : i32
    %dma_start3A_30 = arith.constant 0 : i32
    %dma_start3A_31 = tpu.memref_slice %arg5[%rem3A_29] : memref<8x!tpu.dma_semaphore, #tpu.memory_space<semaphore_mem>> -> memref<1x!tpu.dma_semaphore, #tpu.memory_space<semaphore_mem>>
    %dma_start3A_32 = tpu.memref_squeeze %dma_start3A_31 : memref<1x!tpu.dma_semaphore, #tpu.memory_space<semaphore_mem>> -> memref<!tpu.dma_semaphore, #tpu.memory_space<semaphore_mem>>
    %dma_start3A_33 = arith.constant 0 : i32
    %dma_start3A_34 = arith.constant 0 : i32
    %dma_start3A_35 = tpu.memref_slice %arg3[%rem3A_29, %dma_start3A_33, %dma_start3A_34] : memref<8x4096x128xf32, #tpu.memory_space<vmem>> -> memref<1x4096x128xf32, #tpu.memory_space<vmem>>
    %dma_start3A_36 = tpu.memref_squeeze %dma_start3A_35 : memref<1x4096x128xf32, #tpu.memory_space<vmem>> -> memref<4096x128xf32, #tpu.memory_space<vmem>>
    %dma_start3A_37 = arith.constant 0 : i32
    %dma_start3A_38 = arith.constant 0 : i32
    %dma_start3A_39 = tpu.memref_slice %arg1[%dma_start3A, %dma_start3A_30, %dma_start3A_37, %dma_start3A_38] : memref<8x16x4096x128xf32, #tpu.memory_space<any>> -> memref<1x1x4096x128xf32, #tpu.memory_space<any>>
    %dma_start3A_40 = tpu.memref_squeeze %dma_start3A_39 : memref<1x1x4096x128xf32, #tpu.memory_space<any>> -> memref<4096x128xf32, #tpu.memory_space<any>>
    tpu.enqueue_dma source(%dma_start3A_40 : memref<4096x128xf32, #tpu.memory_space<any>>) target(%dma_start3A_36 : memref<4096x128xf32, #tpu.memory_space<vmem>>) target_semaphore(%dma_start3A_32 : memref<!tpu.dma_semaphore, #tpu.memory_space<semaphore_mem>>)
    %rem3A_41 = arith.constant 1 : i32
    %rem3A_42 = arith.constant 8 : i32
    %rem3A_43 = arith.remsi %rem3A_41, %rem3A_42 : i32
    %dma_start3A_44 = arith.constant 0 : i32
    %dma_start3A_45 = arith.constant 1 : i32
    %dma_start3A_46 = tpu.memref_slice %arg5[%rem3A_43] : memref<8x!tpu.dma_semaphore, #tpu.memory_space<semaphore_mem>> -> memref<1x!tpu.dma_semaphore, #tpu.memory_space<semaphore_mem>>
    %dma_start3A_47 = tpu.memref_squeeze %dma_start3A_46 : memref<1x!tpu.dma_semaphore, #tpu.memory_space<semaphore_mem>> -> memref<!tpu.dma_semaphore, #tpu.memory_space<semaphore_mem>>
    %dma_start3A_48 = arith.constant 0 : i32
    %dma_start3A_49 = arith.constant 0 : i32
    %dma_start3A_50 = tpu.memref_slice %arg3[%rem3A_43, %dma_start3A_48, %dma_start3A_49] : memref<8x4096x128xf32, #tpu.memory_space<vmem>> -> memref<1x4096x128xf32, #tpu.memory_space<vmem>>
    %dma_start3A_51 = tpu.memref_squeeze %dma_start3A_50 : memref<1x4096x128xf32, #tpu.memory_space<vmem>> -> memref<4096x128xf32, #tpu.memory_space<vmem>>
    %dma_start3A_52 = arith.constant 0 : i32
    %dma_start3A_53 = arith.constant 0 : i32
    %dma_start3A_54 = tpu.memref_slice %arg1[%dma_start3A_44, %dma_start3A_45, %dma_start3A_52, %dma_start3A_53] : memref<8x16x4096x128xf32, #tpu.memory_space<any>> -> memref<1x1x4096x128xf32, #tpu.memory_space<any>>
    %dma_start3A_55 = tpu.memref_squeeze %dma_start3A_54 : memref<1x1x4096x128xf32, #tpu.memory_space<any>> -> memref<4096x128xf32, #tpu.memory_space<any>>
    tpu.enqueue_dma source(%dma_start3A_55 : memref<4096x128xf32, #tpu.memory_space<any>>) target(%dma_start3A_51 : memref<4096x128xf32, #tpu.memory_space<vmem>>) target_semaphore(%dma_start3A_47 : memref<!tpu.dma_semaphore, #tpu.memory_space<semaphore_mem>>)
    %rem3A_56 = arith.constant 2 : i32
    %rem3A_57 = arith.constant 8 : i32
    %rem3A_58 = arith.remsi %rem3A_56, %rem3A_57 : i32
    %dma_start3A_59 = arith.constant 0 : i32
    %dma_start3A_60 = arith.constant 2 : i32
    %dma_start3A_61 = tpu.memref_slice %arg5[%rem3A_58] : memref<8x!tpu.dma_semaphore, #tpu.memory_space<semaphore_mem>> -> memref<1x!tpu.dma_semaphore, #tpu.memory_space<semaphore_mem>>
    %dma_start3A_62 = tpu.memref_squeeze %dma_start3A_61 : memref<1x!tpu.dma_semaphore, #tpu.memory_space<semaphore_mem>> -> memref<!tpu.dma_semaphore, #tpu.memory_space<semaphore_mem>>
    %dma_start3A_63 = arith.constant 0 : i32
    %dma_start3A_64 = arith.constant 0 : i32
    %dma_start3A_65 = tpu.memref_slice %arg3[%rem3A_58, %dma_start3A_63, %dma_start3A_64] : memref<8x4096x128xf32, #tpu.memory_space<vmem>> -> memref<1x4096x128xf32, #tpu.memory_space<vmem>>
    %dma_start3A_66 = tpu.memref_squeeze %dma_start3A_65 : memref<1x4096x128xf32, #tpu.memory_space<vmem>> -> memref<4096x128xf32, #tpu.memory_space<vmem>>
    %dma_start3A_67 = arith.constant 0 : i32
    %dma_start3A_68 = arith.constant 0 : i32
    %dma_start3A_69 = tpu.memref_slice %arg1[%dma_start3A_59, %dma_start3A_60, %dma_start3A_67, %dma_start3A_68] : memref<8x16x4096x128xf32, #tpu.memory_space<any>> -> memref<1x1x4096x128xf32, #tpu.memory_space<any>>
    %dma_start3A_70 = tpu.memref_squeeze %dma_start3A_69 : memref<1x1x4096x128xf32, #tpu.memory_space<any>> -> memref<4096x128xf32, #tpu.memory_space<any>>
    tpu.enqueue_dma source(%dma_start3A_70 : memref<4096x128xf32, #tpu.memory_space<any>>) target(%dma_start3A_66 : memref<4096x128xf32, #tpu.memory_space<vmem>>) target_semaphore(%dma_start3A_62 : memref<!tpu.dma_semaphore, #tpu.memory_space<semaphore_mem>>)
    %rem3A_71 = arith.constant 3 : i32
    %rem3A_72 = arith.constant 8 : i32
    %rem3A_73 = arith.remsi %rem3A_71, %rem3A_72 : i32
    %dma_start3A_74 = arith.constant 0 : i32
    %dma_start3A_75 = arith.constant 3 : i32
    %dma_start3A_76 = tpu.memref_slice %arg5[%rem3A_73] : memref<8x!tpu.dma_semaphore, #tpu.memory_space<semaphore_mem>> -> memref<1x!tpu.dma_semaphore, #tpu.memory_space<semaphore_mem>>
    %dma_start3A_77 = tpu.memref_squeeze %dma_start3A_76 : memref<1x!tpu.dma_semaphore, #tpu.memory_space<semaphore_mem>> -> memref<!tpu.dma_semaphore, #tpu.memory_space<semaphore_mem>>
    %dma_start3A_78 = arith.constant 0 : i32
    %dma_start3A_79 = arith.constant 0 : i32
    %dma_start3A_80 = tpu.memref_slice %arg3[%rem3A_73, %dma_start3A_78, %dma_start3A_79] : memref<8x4096x128xf32, #tpu.memory_space<vmem>> -> memref<1x4096x128xf32, #tpu.memory_space<vmem>>
    %dma_start3A_81 = tpu.memref_squeeze %dma_start3A_80 : memref<1x4096x128xf32, #tpu.memory_space<vmem>> -> memref<4096x128xf32, #tpu.memory_space<vmem>>
    %dma_start3A_82 = arith.constant 0 : i32
    %dma_start3A_83 = arith.constant 0 : i32
    %dma_start3A_84 = tpu.memref_slice %arg1[%dma_start3A_74, %dma_start3A_75, %dma_start3A_82, %dma_start3A_83] : memref<8x16x4096x128xf32, #tpu.memory_space<any>> -> memref<1x1x4096x128xf32, #tpu.memory_space<any>>
    %dma_start3A_85 = tpu.memref_squeeze %dma_start3A_84 : memref<1x1x4096x128xf32, #tpu.memory_space<any>> -> memref<4096x128xf32, #tpu.memory_space<any>>
    tpu.enqueue_dma source(%dma_start3A_85 : memref<4096x128xf32, #tpu.memory_space<any>>) target(%dma_start3A_81 : memref<4096x128xf32, #tpu.memory_space<vmem>>) target_semaphore(%dma_start3A_77 : memref<!tpu.dma_semaphore, #tpu.memory_space<semaphore_mem>>)
    %rem3A_86 = arith.constant 4 : i32
    %rem3A_87 = arith.constant 8 : i32
    %rem3A_88 = arith.remsi %rem3A_86, %rem3A_87 : i32
    %dma_start3A_89 = arith.constant 0 : i32
    %dma_start3A_90 = arith.constant 4 : i32
    %dma_start3A_91 = tpu.memref_slice %arg5[%rem3A_88] : memref<8x!tpu.dma_semaphore, #tpu.memory_space<semaphore_mem>> -> memref<1x!tpu.dma_semaphore, #tpu.memory_space<semaphore_mem>>
    %dma_start3A_92 = tpu.memref_squeeze %dma_start3A_91 : memref<1x!tpu.dma_semaphore, #tpu.memory_space<semaphore_mem>> -> memref<!tpu.dma_semaphore, #tpu.memory_space<semaphore_mem>>
    %dma_start3A_93 = arith.constant 0 : i32
    %dma_start3A_94 = arith.constant 0 : i32
    %dma_start3A_95 = tpu.memref_slice %arg3[%rem3A_88, %dma_start3A_93, %dma_start3A_94] : memref<8x4096x128xf32, #tpu.memory_space<vmem>> -> memref<1x4096x128xf32, #tpu.memory_space<vmem>>
    %dma_start3A_96 = tpu.memref_squeeze %dma_start3A_95 : memref<1x4096x128xf32, #tpu.memory_space<vmem>> -> memref<4096x128xf32, #tpu.memory_space<vmem>>
    %dma_start3A_97 = arith.constant 0 : i32
    %dma_start3A_98 = arith.constant 0 : i32
    %dma_start3A_99 = tpu.memref_slice %arg1[%dma_start3A_89, %dma_start3A_90, %dma_start3A_97, %dma_start3A_98] : memref<8x16x4096x128xf32, #tpu.memory_space<any>> -> memref<1x1x4096x128xf32, #tpu.memory_space<any>>
    %dma_start3A_100 = tpu.memref_squeeze %dma_start3A_99 : memref<1x1x4096x128xf32, #tpu.memory_space<any>> -> memref<4096x128xf32, #tpu.memory_space<any>>
    tpu.enqueue_dma source(%dma_start3A_100 : memref<4096x128xf32, #tpu.memory_space<any>>) target(%dma_start3A_96 : memref<4096x128xf32, #tpu.memory_space<vmem>>) target_semaphore(%dma_start3A_92 : memref<!tpu.dma_semaphore, #tpu.memory_space<semaphore_mem>>)
    %rem3A_101 = arith.constant 5 : i32
    %rem3A_102 = arith.constant 8 : i32
    %rem3A_103 = arith.remsi %rem3A_101, %rem3A_102 : i32
    %dma_start3A_104 = arith.constant 0 : i32
    %dma_start3A_105 = arith.constant 5 : i32
    %dma_start3A_106 = tpu.memref_slice %arg5[%rem3A_103] : memref<8x!tpu.dma_semaphore, #tpu.memory_space<semaphore_mem>> -> memref<1x!tpu.dma_semaphore, #tpu.memory_space<semaphore_mem>>
    %dma_start3A_107 = tpu.memref_squeeze %dma_start3A_106 : memref<1x!tpu.dma_semaphore, #tpu.memory_space<semaphore_mem>> -> memref<!tpu.dma_semaphore, #tpu.memory_space<semaphore_mem>>
    %dma_start3A_108 = arith.constant 0 : i32
    %dma_start3A_109 = arith.constant 0 : i32
    %dma_start3A_110 = tpu.memref_slice %arg3[%rem3A_103, %dma_start3A_108, %dma_start3A_109] : memref<8x4096x128xf32, #tpu.memory_space<vmem>> -> memref<1x4096x128xf32, #tpu.memory_space<vmem>>
    %dma_start3A_111 = tpu.memref_squeeze %dma_start3A_110 : memref<1x4096x128xf32, #tpu.memory_space<vmem>> -> memref<4096x128xf32, #tpu.memory_space<vmem>>
    %dma_start3A_112 = arith.constant 0 : i32
    %dma_start3A_113 = arith.constant 0 : i32
    %dma_start3A_114 = tpu.memref_slice %arg1[%dma_start3A_104, %dma_start3A_105, %dma_start3A_112, %dma_start3A_113] : memref<8x16x4096x128xf32, #tpu.memory_space<any>> -> memref<1x1x4096x128xf32, #tpu.memory_space<any>>
    %dma_start3A_115 = tpu.memref_squeeze %dma_start3A_114 : memref<1x1x4096x128xf32, #tpu.memory_space<any>> -> memref<4096x128xf32, #tpu.memory_space<any>>
    tpu.enqueue_dma source(%dma_start3A_115 : memref<4096x128xf32, #tpu.memory_space<any>>) target(%dma_start3A_111 : memref<4096x128xf32, #tpu.memory_space<vmem>>) target_semaphore(%dma_start3A_107 : memref<!tpu.dma_semaphore, #tpu.memory_space<semaphore_mem>>)
    %rem3A_116 = arith.constant 6 : i32
    %rem3A_117 = arith.constant 8 : i32
    %rem3A_118 = arith.remsi %rem3A_116, %rem3A_117 : i32
    %dma_start3A_119 = arith.constant 0 : i32
    %dma_start3A_120 = arith.constant 6 : i32
    %dma_start3A_121 = tpu.memref_slice %arg5[%rem3A_118] : memref<8x!tpu.dma_semaphore, #tpu.memory_space<semaphore_mem>> -> memref<1x!tpu.dma_semaphore, #tpu.memory_space<semaphore_mem>>
    %dma_start3A_122 = tpu.memref_squeeze %dma_start3A_121 : memref<1x!tpu.dma_semaphore, #tpu.memory_space<semaphore_mem>> -> memref<!tpu.dma_semaphore, #tpu.memory_space<semaphore_mem>>
    %dma_start3A_123 = arith.constant 0 : i32
    %dma_start3A_124 = arith.constant 0 : i32
    %dma_start3A_125 = tpu.memref_slice %arg3[%rem3A_118, %dma_start3A_123, %dma_start3A_124] : memref<8x4096x128xf32, #tpu.memory_space<vmem>> -> memref<1x4096x128xf32, #tpu.memory_space<vmem>>
    %dma_start3A_126 = tpu.memref_squeeze %dma_start3A_125 : memref<1x4096x128xf32, #tpu.memory_space<vmem>> -> memref<4096x128xf32, #tpu.memory_space<vmem>>
    %dma_start3A_127 = arith.constant 0 : i32
    %dma_start3A_128 = arith.constant 0 : i32
    %dma_start3A_129 = tpu.memref_slice %arg1[%dma_start3A_119, %dma_start3A_120, %dma_start3A_127, %dma_start3A_128] : memref<8x16x4096x128xf32, #tpu.memory_space<any>> -> memref<1x1x4096x128xf32, #tpu.memory_space<any>>
    %dma_start3A_130 = tpu.memref_squeeze %dma_start3A_129 : memref<1x1x4096x128xf32, #tpu.memory_space<any>> -> memref<4096x128xf32, #tpu.memory_space<any>>
    tpu.enqueue_dma source(%dma_start3A_130 : memref<4096x128xf32, #tpu.memory_space<any>>) target(%dma_start3A_126 : memref<4096x128xf32, #tpu.memory_space<vmem>>) target_semaphore(%dma_start3A_122 : memref<!tpu.dma_semaphore, #tpu.memory_space<semaphore_mem>>)
    %rem3A_131 = arith.constant 7 : i32
    %rem3A_132 = arith.constant 8 : i32
    %rem3A_133 = arith.remsi %rem3A_131, %rem3A_132 : i32
    %dma_start3A_134 = arith.constant 0 : i32
    %dma_start3A_135 = arith.constant 7 : i32
    %dma_start3A_136 = tpu.memref_slice %arg5[%rem3A_133] : memref<8x!tpu.dma_semaphore, #tpu.memory_space<semaphore_mem>> -> memref<1x!tpu.dma_semaphore, #tpu.memory_space<semaphore_mem>>
    %dma_start3A_137 = tpu.memref_squeeze %dma_start3A_136 : memref<1x!tpu.dma_semaphore, #tpu.memory_space<semaphore_mem>> -> memref<!tpu.dma_semaphore, #tpu.memory_space<semaphore_mem>>
    %dma_start3A_138 = arith.constant 0 : i32
    %dma_start3A_139 = arith.constant 0 : i32
    %dma_start3A_140 = tpu.memref_slice %arg3[%rem3A_133, %dma_start3A_138, %dma_start3A_139] : memref<8x4096x128xf32, #tpu.memory_space<vmem>> -> memref<1x4096x128xf32, #tpu.memory_space<vmem>>
    %dma_start3A_141 = tpu.memref_squeeze %dma_start3A_140 : memref<1x4096x128xf32, #tpu.memory_space<vmem>> -> memref<4096x128xf32, #tpu.memory_space<vmem>>
    %dma_start3A_142 = arith.constant 0 : i32
    %dma_start3A_143 = arith.constant 0 : i32
    %dma_start3A_144 = tpu.memref_slice %arg1[%dma_start3A_134, %dma_start3A_135, %dma_start3A_142, %dma_start3A_143] : memref<8x16x4096x128xf32, #tpu.memory_space<any>> -> memref<1x1x4096x128xf32, #tpu.memory_space<any>>
    %dma_start3A_145 = tpu.memref_squeeze %dma_start3A_144 : memref<1x1x4096x128xf32, #tpu.memory_space<any>> -> memref<4096x128xf32, #tpu.memory_space<any>>
    tpu.enqueue_dma source(%dma_start3A_145 : memref<4096x128xf32, #tpu.memory_space<any>>) target(%dma_start3A_141 : memref<4096x128xf32, #tpu.memory_space<vmem>>) target_semaphore(%dma_start3A_137 : memref<!tpu.dma_semaphore, #tpu.memory_space<semaphore_mem>>)
    %scan3A = arith.constant 0 : i32
    %scan3A_146 = arith.constant 128 : i32
    %scan3A_147 = arith.addi %scan3A, %scan3A_146 : i32
    %scan3A_148 = arith.constant 1 : i32
    scf.for %scan3A_269 = %scan3A to %scan3A_147 step %scan3A_148  : i32 {
      %rem3A_270 = arith.constant 8 : i32
      %rem3A_271 = arith.remsi %scan3A_269, %rem3A_270 : i32
      %jit3A_272 = arith.constant 16 : i32
      %div3A_273 = arith.divsi %scan3A_269, %jit3A_272 : i32
      %sign3A = arith.constant 0 : i32
      %sign3A_274 = arith.cmpi sgt, %scan3A_269, %sign3A : i32
      %sign3A_275 = arith.extui %sign3A_274 : i1 to i32
      %sign3A_276 = arith.constant 0 : i32
      %sign3A_277 = arith.cmpi slt, %scan3A_269, %sign3A_276 : i32
      %sign3A_278 = arith.extui %sign3A_277 : i1 to i32
      %sign3A_279 = arith.subi %sign3A_275, %sign3A_278 : i32
      %sign3A_280 = arith.constant 0 : i32
      %sign3A_281 = arith.cmpi sgt, %jit3A_272, %sign3A_280 : i32
      %sign3A_282 = arith.extui %sign3A_281 : i1 to i32
      %sign3A_283 = arith.constant 0 : i32
      %sign3A_284 = arith.cmpi slt, %jit3A_272, %sign3A_283 : i32
      %sign3A_285 = arith.extui %sign3A_284 : i1 to i32
      %sign3A_286 = arith.subi %sign3A_282, %sign3A_285 : i32
      %ne3A_287 = arith.cmpi ne, %sign3A_279, %sign3A_286 : i32
      %rem3A_288 = arith.remsi %scan3A_269, %jit3A_272 : i32
      %ne3A_289 = arith.constant 0 : i32
      %ne3A_290 = arith.cmpi ne, %rem3A_288, %ne3A_289 : i32
      %and3A = arith.andi %ne3A_287, %ne3A_290 : i1
      %sub3A_291 = arith.constant 1 : i32
      %sub3A_292 = arith.subi %div3A_273, %sub3A_291 : i32
      %select_n3A_293 = arith.select %and3A, %sub3A_292, %div3A_273 : i32
      %jit3A_294 = arith.constant 16 : i32
      %eq3A = arith.constant 0 : i32
      %eq3A_295 = arith.cmpi eq, %jit3A_294, %eq3A : i32
      %jit3A_296 = arith.constant 1 : i32
      %select_n3A_297 = arith.select %eq3A_295, %jit3A_296, %jit3A_294 : i32
      %rem3A_298 = arith.remsi %scan3A_269, %select_n3A_297 : i32
      %ne3A_299 = arith.constant 0 : i32
      %ne3A_300 = arith.cmpi ne, %rem3A_298, %ne3A_299 : i32
      %lt3A = arith.constant 0 : i32
      %lt3A_301 = arith.cmpi slt, %rem3A_298, %lt3A : i32
      %lt3A_302 = arith.constant 0 : i32
      %lt3A_303 = arith.cmpi slt, %select_n3A_297, %lt3A_302 : i32
      %ne3A_304 = arith.xori %lt3A_301, %lt3A_303 : i1
      %and3A_305 = arith.andi %ne3A_304, %ne3A_300 : i1
      %add3A = arith.addi %rem3A_298, %select_n3A_297 : i32
      %select_n3A_306 = arith.select %and3A_305, %add3A, %rem3A_298 : i32
      %rem3A_307 = arith.constant 8 : i32
      %rem3A_308 = arith.remsi %scan3A_269, %rem3A_307 : i32
      %dma_wait3A_309 = tpu.memref_slice %arg5[%rem3A_308] : memref<8x!tpu.dma_semaphore, #tpu.memory_space<semaphore_mem>> -> memref<1x!tpu.dma_semaphore, #tpu.memory_space<semaphore_mem>>
      %dma_wait3A_310 = tpu.memref_squeeze %dma_wait3A_309 : memref<1x!tpu.dma_semaphore, #tpu.memory_space<semaphore_mem>> -> memref<!tpu.dma_semaphore, #tpu.memory_space<semaphore_mem>>
      %dma_wait3A_311 = arith.constant 0 : i32
      %dma_wait3A_312 = arith.constant 0 : i32
      %dma_wait3A_313 = tpu.memref_slice %arg3[%rem3A_308, %dma_wait3A_311, %dma_wait3A_312] : memref<8x4096x128xf32, #tpu.memory_space<vmem>> -> memref<1x4096x128xf32, #tpu.memory_space<vmem>>
      %dma_wait3A_314 = tpu.memref_squeeze %dma_wait3A_313 : memref<1x4096x128xf32, #tpu.memory_space<vmem>> -> memref<4096x128xf32, #tpu.memory_space<vmem>>
      %dma_wait3A_315 = arith.constant 0 : i32
      %dma_wait3A_316 = arith.constant 0 : i32
      %dma_wait3A_317 = tpu.memref_slice %arg1[%select_n3A_293, %select_n3A_306, %dma_wait3A_315, %dma_wait3A_316] : memref<8x16x4096x128xf32, #tpu.memory_space<any>> -> memref<1x1x4096x128xf32, #tpu.memory_space<any>>
      %dma_wait3A_318 = tpu.memref_squeeze %dma_wait3A_317 : memref<1x1x4096x128xf32, #tpu.memory_space<any>> -> memref<4096x128xf32, #tpu.memory_space<any>>
      tpu.wait_dma2 semaphore(%dma_wait3A_310 : memref<!tpu.dma_semaphore, #tpu.memory_space<semaphore_mem>>) src(%dma_wait3A_318 : memref<4096x128xf32, #tpu.memory_space<any>>) dst(%dma_wait3A_314 : memref<4096x128xf32, #tpu.memory_space<vmem>>)
      %ge3A = arith.constant 8 : i32
      %ge3A_319 = arith.cmpi sge, %scan3A_269, %ge3A : i32
      %convert_element_type3A = arith.extui %ge3A_319 : i1 to i32
      %cond3A = arith.constant 0 : i32
      %cond3A_320 = arith.cmpi ne, %convert_element_type3A, %cond3A : i32
      scf.if %cond3A_320 {
        %sub3A_385 = arith.constant 8 : i32
        %sub3A_386 = arith.subi %scan3A_269, %sub3A_385 : i32
        %jit3A_387 = arith.constant 16 : i32
        %div3A_388 = arith.divsi %sub3A_386, %jit3A_387 : i32
        %sign3A_389 = arith.constant 0 : i32
        %sign3A_390 = arith.cmpi sgt, %sub3A_386, %sign3A_389 : i32
        %sign3A_391 = arith.extui %sign3A_390 : i1 to i32
        %sign3A_392 = arith.constant 0 : i32
        %sign3A_393 = arith.cmpi slt, %sub3A_386, %sign3A_392 : i32
        %sign3A_394 = arith.extui %sign3A_393 : i1 to i32
        %sign3A_395 = arith.subi %sign3A_391, %sign3A_394 : i32
        %sign3A_396 = arith.constant 0 : i32
        %sign3A_397 = arith.cmpi sgt, %jit3A_387, %sign3A_396 : i32
        %sign3A_398 = arith.extui %sign3A_397 : i1 to i32
        %sign3A_399 = arith.constant 0 : i32
        %sign3A_400 = arith.cmpi slt, %jit3A_387, %sign3A_399 : i32
        %sign3A_401 = arith.extui %sign3A_400 : i1 to i32
        %sign3A_402 = arith.subi %sign3A_398, %sign3A_401 : i32
        %ne3A_403 = arith.cmpi ne, %sign3A_395, %sign3A_402 : i32
        %rem3A_404 = arith.remsi %sub3A_386, %jit3A_387 : i32
        %ne3A_405 = arith.constant 0 : i32
        %ne3A_406 = arith.cmpi ne, %rem3A_404, %ne3A_405 : i32
        %and3A_407 = arith.andi %ne3A_403, %ne3A_406 : i1
        %sub3A_408 = arith.constant 1 : i32
        %sub3A_409 = arith.subi %div3A_388, %sub3A_408 : i32
        %select_n3A_410 = arith.select %and3A_407, %sub3A_409, %div3A_388 : i32
        %jit3A_411 = arith.constant 16 : i32
        %eq3A_412 = arith.constant 0 : i32
        %eq3A_413 = arith.cmpi eq, %jit3A_411, %eq3A_412 : i32
        %jit3A_414 = arith.constant 1 : i32
        %select_n3A_415 = arith.select %eq3A_413, %jit3A_414, %jit3A_411 : i32
        %rem3A_416 = arith.remsi %sub3A_386, %select_n3A_415 : i32
        %ne3A_417 = arith.constant 0 : i32
        %ne3A_418 = arith.cmpi ne, %rem3A_416, %ne3A_417 : i32
        %lt3A_419 = arith.constant 0 : i32
        %lt3A_420 = arith.cmpi slt, %rem3A_416, %lt3A_419 : i32
        %lt3A_421 = arith.constant 0 : i32
        %lt3A_422 = arith.cmpi slt, %select_n3A_415, %lt3A_421 : i32
        %ne3A_423 = arith.xori %lt3A_420, %lt3A_422 : i1
        %and3A_424 = arith.andi %ne3A_423, %ne3A_418 : i1
        %add3A_425 = arith.addi %rem3A_416, %select_n3A_415 : i32
        %select_n3A_426 = arith.select %and3A_424, %add3A_425, %rem3A_416 : i32
        %rem3A_427 = arith.constant 8 : i32
        %rem3A_428 = arith.remsi %sub3A_386, %rem3A_427 : i32
        %dma_wait3A_429 = tpu.memref_slice %arg6[%rem3A_428] : memref<8x!tpu.dma_semaphore, #tpu.memory_space<semaphore_mem>> -> memref<1x!tpu.dma_semaphore, #tpu.memory_space<semaphore_mem>>
        %dma_wait3A_430 = tpu.memref_squeeze %dma_wait3A_429 : memref<1x!tpu.dma_semaphore, #tpu.memory_space<semaphore_mem>> -> memref<!tpu.dma_semaphore, #tpu.memory_space<semaphore_mem>>
        %dma_wait3A_431 = arith.constant 0 : i32
        %dma_wait3A_432 = arith.constant 0 : i32
        %dma_wait3A_433 = tpu.memref_slice %arg2[%select_n3A_410, %select_n3A_426, %dma_wait3A_431, %dma_wait3A_432] : memref<8x16x4096x128xf32, #tpu.memory_space<any>> -> memref<1x1x4096x128xf32, #tpu.memory_space<any>>
        %dma_wait3A_434 = tpu.memref_squeeze %dma_wait3A_433 : memref<1x1x4096x128xf32, #tpu.memory_space<any>> -> memref<4096x128xf32, #tpu.memory_space<any>>
        %dma_wait3A_435 = arith.constant 0 : i32
        %dma_wait3A_436 = arith.constant 0 : i32
        %dma_wait3A_437 = tpu.memref_slice %arg4[%rem3A_428, %dma_wait3A_435, %dma_wait3A_436] : memref<8x4096x128xf32, #tpu.memory_space<vmem>> -> memref<1x4096x128xf32, #tpu.memory_space<vmem>>
        %dma_wait3A_438 = tpu.memref_squeeze %dma_wait3A_437 : memref<1x4096x128xf32, #tpu.memory_space<vmem>> -> memref<4096x128xf32, #tpu.memory_space<vmem>>
        tpu.wait_dma2 semaphore(%dma_wait3A_430 : memref<!tpu.dma_semaphore, #tpu.memory_space<semaphore_mem>>) src(%dma_wait3A_438 : memref<4096x128xf32, #tpu.memory_space<vmem>>) dst(%dma_wait3A_434 : memref<4096x128xf32, #tpu.memory_space<any>>)
      } else {
      }
      %scan3A_321 = arith.constant 0 : i32
      %scan3A_322 = arith.constant 128 : i32
      %scan3A_323 = arith.addi %scan3A_321, %scan3A_322 : i32
      %scan3A_324 = arith.constant 8 : i32
      scf.for %scan3A_385 = %scan3A_321 to %scan3A_323 step %scan3A_324  : i32 {
        %mul3A = arith.constant 32 : i32
        %mul3A_386 = arith.muli %scan3A_385, %mul3A : i32
        %get3A_387 = arith.index_cast %rem3A_271 : i32 to index
        %get3A_388 = arith.index_cast %mul3A_386 : i32 to index
        %get3A_389 = arith.constant 0 : index
        %get3A_390 = vector.load %arg3[%get3A_387, %get3A_388, %get3A_389] : memref<8x4096x128xf32, #tpu.memory_space<vmem>>, vector<1x32x128xf32>
        %get3A_391 = vector.shape_cast %get3A_390 : vector<1x32x128xf32> to vector<32x128xf32>
        %abs3A = math.absf %get3A_391 : vector<32x128xf32>
        %gt3A = arith.constant 0.00999999977 : f32
        %gt3A_392 = vector.broadcast %gt3A : f32 to vector<32x128xf32>
        %gt3A_393 = arith.cmpf ogt, %abs3A, %gt3A_392 : vector<32x128xf32>
        %broadcast_in_dim3A = vector.broadcast %get3A_4 : f32 to vector<32x128xf32>
        %broadcast_in_dim3A_394 = vector.broadcast %get3A_0 : f32 to vector<32x128xf32>
        %select_n3A_395 = arith.select %gt3A_393, %broadcast_in_dim3A, %broadcast_in_dim3A_394 : vector<32x128xi1>, vector<32x128xf32>
        %broadcast_in_dim3A_396 = vector.broadcast %select_n3A_21 : f32 to vector<32x128xf32>
        %broadcast_in_dim3A_397 = vector.broadcast %select_n3A : f32 to vector<32x128xf32>
        %select_n3A_398 = arith.select %gt3A_393, %broadcast_in_dim3A_396, %broadcast_in_dim3A_397 : vector<32x128xi1>, vector<32x128xf32>
        %broadcast_in_dim3A_399 = vector.broadcast %select_n3A_27 : f32 to vector<32x128xf32>
        %broadcast_in_dim3A_400 = vector.broadcast %select_n3A_15 : f32 to vector<32x128xf32>
        %select_n3A_401 = arith.select %gt3A_393, %broadcast_in_dim3A_399, %broadcast_in_dim3A_400 : vector<32x128xi1>, vector<32x128xf32>
        %sub3A_402 = arith.subf %get3A_391, %select_n3A_395 : vector<32x128xf32>
        %mul3A_403 = arith.mulf %sub3A_402, %select_n3A_398 : vector<32x128xf32>
        %round3A = math.roundeven %mul3A_403 : vector<32x128xf32>
        %mul3A_404 = arith.mulf %round3A, %select_n3A_401 : vector<32x128xf32>
        %add3A_405 = arith.addf %mul3A_404, %select_n3A_395 : vector<32x128xf32>
        %mul3A_406 = arith.constant 32 : i32
        %mul3A_407 = arith.muli %scan3A_385, %mul3A_406 : i32
        %swap3A = arith.index_cast %rem3A_271 : i32 to index
        %swap3A_408 = arith.index_cast %mul3A_407 : i32 to index
        %swap3A_409 = arith.constant 0 : index
        %swap3A_410 = vector.load %arg4[%swap3A, %swap3A_408, %swap3A_409] : memref<8x4096x128xf32, #tpu.memory_space<vmem>>, vector<1x32x128xf32>
        %swap3A_411 = vector.shape_cast %swap3A_410 : vector<1x32x128xf32> to vector<32x128xf32>
        %swap3A_412 = vector.shape_cast %add3A_405 : vector<32x128xf32> to vector<1x32x128xf32>
        tpu.vector_store %arg4[%swap3A, %swap3A_408, %swap3A_409], %swap3A_412 {strides = array<i32>} : memref<8x4096x128xf32, #tpu.memory_space<vmem>>, vector<1x32x128xf32>,
        %scan3A_413 = arith.constant 1 : i32
        %scan3A_414 = arith.addi %scan3A_385, %scan3A_413 : i32
        %mul3A_415 = arith.constant 32 : i32
        %mul3A_416 = arith.muli %scan3A_414, %mul3A_415 : i32
        %get3A_417 = arith.index_cast %rem3A_271 : i32 to index
        %get3A_418 = arith.index_cast %mul3A_416 : i32 to index
        %get3A_419 = arith.constant 0 : index
        %get3A_420 = vector.load %arg3[%get3A_417, %get3A_418, %get3A_419] : memref<8x4096x128xf32, #tpu.memory_space<vmem>>, vector<1x32x128xf32>
        %get3A_421 = vector.shape_cast %get3A_420 : vector<1x32x128xf32> to vector<32x128xf32>
        %abs3A_422 = math.absf %get3A_421 : vector<32x128xf32>
        %gt3A_423 = arith.constant 0.00999999977 : f32
        %gt3A_424 = vector.broadcast %gt3A_423 : f32 to vector<32x128xf32>
        %gt3A_425 = arith.cmpf ogt, %abs3A_422, %gt3A_424 : vector<32x128xf32>
        %broadcast_in_dim3A_426 = vector.broadcast %get3A_4 : f32 to vector<32x128xf32>
        %broadcast_in_dim3A_427 = vector.broadcast %get3A_0 : f32 to vector<32x128xf32>
        %select_n3A_428 = arith.select %gt3A_425, %broadcast_in_dim3A_426, %broadcast_in_dim3A_427 : vector<32x128xi1>, vector<32x128xf32>
        %broadcast_in_dim3A_429 = vector.broadcast %select_n3A_21 : f32 to vector<32x128xf32>
        %broadcast_in_dim3A_430 = vector.broadcast %select_n3A : f32 to vector<32x128xf32>
        %select_n3A_431 = arith.select %gt3A_425, %broadcast_in_dim3A_429, %broadcast_in_dim3A_430 : vector<32x128xi1>, vector<32x128xf32>
        %broadcast_in_dim3A_432 = vector.broadcast %select_n3A_27 : f32 to vector<32x128xf32>
        %broadcast_in_dim3A_433 = vector.broadcast %select_n3A_15 : f32 to vector<32x128xf32>
        %select_n3A_434 = arith.select %gt3A_425, %broadcast_in_dim3A_432, %broadcast_in_dim3A_433 : vector<32x128xi1>, vector<32x128xf32>
        %sub3A_435 = arith.subf %get3A_421, %select_n3A_428 : vector<32x128xf32>
        %mul3A_436 = arith.mulf %sub3A_435, %select_n3A_431 : vector<32x128xf32>
        %round3A_437 = math.roundeven %mul3A_436 : vector<32x128xf32>
        %mul3A_438 = arith.mulf %round3A_437, %select_n3A_434 : vector<32x128xf32>
        %add3A_439 = arith.addf %mul3A_438, %select_n3A_428 : vector<32x128xf32>
        %mul3A_440 = arith.constant 32 : i32
        %mul3A_441 = arith.muli %scan3A_414, %mul3A_440 : i32
        %swap3A_442 = arith.index_cast %rem3A_271 : i32 to index
        %swap3A_443 = arith.index_cast %mul3A_441 : i32 to index
        %swap3A_444 = arith.constant 0 : index
        %swap3A_445 = vector.load %arg4[%swap3A_442, %swap3A_443, %swap3A_444] : memref<8x4096x128xf32, #tpu.memory_space<vmem>>, vector<1x32x128xf32>
        %swap3A_446 = vector.shape_cast %swap3A_445 : vector<1x32x128xf32> to vector<32x128xf32>
        %swap3A_447 = vector.shape_cast %add3A_439 : vector<32x128xf32> to vector<1x32x128xf32>
        tpu.vector_store %arg4[%swap3A_442, %swap3A_443, %swap3A_444], %swap3A_447 {strides = array<i32>} : memref<8x4096x128xf32, #tpu.memory_space<vmem>>, vector<1x32x128xf32>,
        %scan3A_448 = arith.constant 2 : i32
        %scan3A_449 = arith.addi %scan3A_385, %scan3A_448 : i32
        %mul3A_450 = arith.constant 32 : i32
        %mul3A_451 = arith.muli %scan3A_449, %mul3A_450 : i32
        %get3A_452 = arith.index_cast %rem3A_271 : i32 to index
        %get3A_453 = arith.index_cast %mul3A_451 : i32 to index
        %get3A_454 = arith.constant 0 : index
        %get3A_455 = vector.load %arg3[%get3A_452, %get3A_453, %get3A_454] : memref<8x4096x128xf32, #tpu.memory_space<vmem>>, vector<1x32x128xf32>
        %get3A_456 = vector.shape_cast %get3A_455 : vector<1x32x128xf32> to vector<32x128xf32>
        %abs3A_457 = math.absf %get3A_456 : vector<32x128xf32>
        %gt3A_458 = arith.constant 0.00999999977 : f32
        %gt3A_459 = vector.broadcast %gt3A_458 : f32 to vector<32x128xf32>
        %gt3A_460 = arith.cmpf ogt, %abs3A_457, %gt3A_459 : vector<32x128xf32>
        %broadcast_in_dim3A_461 = vector.broadcast %get3A_4 : f32 to vector<32x128xf32>
        %broadcast_in_dim3A_462 = vector.broadcast %get3A_0 : f32 to vector<32x128xf32>
        %select_n3A_463 = arith.select %gt3A_460, %broadcast_in_dim3A_461, %broadcast_in_dim3A_462 : vector<32x128xi1>, vector<32x128xf32>
        %broadcast_in_dim3A_464 = vector.broadcast %select_n3A_21 : f32 to vector<32x128xf32>
        %broadcast_in_dim3A_465 = vector.broadcast %select_n3A : f32 to vector<32x128xf32>
        %select_n3A_466 = arith.select %gt3A_460, %broadcast_in_dim3A_464, %broadcast_in_dim3A_465 : vector<32x128xi1>, vector<32x128xf32>
        %broadcast_in_dim3A_467 = vector.broadcast %select_n3A_27 : f32 to vector<32x128xf32>
        %broadcast_in_dim3A_468 = vector.broadcast %select_n3A_15 : f32 to vector<32x128xf32>
        %select_n3A_469 = arith.select %gt3A_460, %broadcast_in_dim3A_467, %broadcast_in_dim3A_468 : vector<32x128xi1>, vector<32x128xf32>
        %sub3A_470 = arith.subf %get3A_456, %select_n3A_463 : vector<32x128xf32>
        %mul3A_471 = arith.mulf %sub3A_470, %select_n3A_466 : vector<32x128xf32>
        %round3A_472 = math.roundeven %mul3A_471 : vector<32x128xf32>
        %mul3A_473 = arith.mulf %round3A_472, %select_n3A_469 : vector<32x128xf32>
        %add3A_474 = arith.addf %mul3A_473, %select_n3A_463 : vector<32x128xf32>
        %mul3A_475 = arith.constant 32 : i32
        %mul3A_476 = arith.muli %scan3A_449, %mul3A_475 : i32
        %swap3A_477 = arith.index_cast %rem3A_271 : i32 to index
        %swap3A_478 = arith.index_cast %mul3A_476 : i32 to index
        %swap3A_479 = arith.constant 0 : index
        %swap3A_480 = vector.load %arg4[%swap3A_477, %swap3A_478, %swap3A_479] : memref<8x4096x128xf32, #tpu.memory_space<vmem>>, vector<1x32x128xf32>
        %swap3A_481 = vector.shape_cast %swap3A_480 : vector<1x32x128xf32> to vector<32x128xf32>
        %swap3A_482 = vector.shape_cast %add3A_474 : vector<32x128xf32> to vector<1x32x128xf32>
        tpu.vector_store %arg4[%swap3A_477, %swap3A_478, %swap3A_479], %swap3A_482 {strides = array<i32>} : memref<8x4096x128xf32, #tpu.memory_space<vmem>>, vector<1x32x128xf32>,
        %scan3A_483 = arith.constant 3 : i32
        %scan3A_484 = arith.addi %scan3A_385, %scan3A_483 : i32
        %mul3A_485 = arith.constant 32 : i32
        %mul3A_486 = arith.muli %scan3A_484, %mul3A_485 : i32
        %get3A_487 = arith.index_cast %rem3A_271 : i32 to index
        %get3A_488 = arith.index_cast %mul3A_486 : i32 to index
        %get3A_489 = arith.constant 0 : index
        %get3A_490 = vector.load %arg3[%get3A_487, %get3A_488, %get3A_489] : memref<8x4096x128xf32, #tpu.memory_space<vmem>>, vector<1x32x128xf32>
        %get3A_491 = vector.shape_cast %get3A_490 : vector<1x32x128xf32> to vector<32x128xf32>
        %abs3A_492 = math.absf %get3A_491 : vector<32x128xf32>
        %gt3A_493 = arith.constant 0.00999999977 : f32
        %gt3A_494 = vector.broadcast %gt3A_493 : f32 to vector<32x128xf32>
        %gt3A_495 = arith.cmpf ogt, %abs3A_492, %gt3A_494 : vector<32x128xf32>
        %broadcast_in_dim3A_496 = vector.broadcast %get3A_4 : f32 to vector<32x128xf32>
        %broadcast_in_dim3A_497 = vector.broadcast %get3A_0 : f32 to vector<32x128xf32>
        %select_n3A_498 = arith.select %gt3A_495, %broadcast_in_dim3A_496, %broadcast_in_dim3A_497 : vector<32x128xi1>, vector<32x128xf32>
        %broadcast_in_dim3A_499 = vector.broadcast %select_n3A_21 : f32 to vector<32x128xf32>
        %broadcast_in_dim3A_500 = vector.broadcast %select_n3A : f32 to vector<32x128xf32>
        %select_n3A_501 = arith.select %gt3A_495, %broadcast_in_dim3A_499, %broadcast_in_dim3A_500 : vector<32x128xi1>, vector<32x128xf32>
        %broadcast_in_dim3A_502 = vector.broadcast %select_n3A_27 : f32 to vector<32x128xf32>
        %broadcast_in_dim3A_503 = vector.broadcast %select_n3A_15 : f32 to vector<32x128xf32>
        %select_n3A_504 = arith.select %gt3A_495, %broadcast_in_dim3A_502, %broadcast_in_dim3A_503 : vector<32x128xi1>, vector<32x128xf32>
        %sub3A_505 = arith.subf %get3A_491, %select_n3A_498 : vector<32x128xf32>
        %mul3A_506 = arith.mulf %sub3A_505, %select_n3A_501 : vector<32x128xf32>
        %round3A_507 = math.roundeven %mul3A_506 : vector<32x128xf32>
        %mul3A_508 = arith.mulf %round3A_507, %select_n3A_504 : vector<32x128xf32>
        %add3A_509 = arith.addf %mul3A_508, %select_n3A_498 : vector<32x128xf32>
        %mul3A_510 = arith.constant 32 : i32
        %mul3A_511 = arith.muli %scan3A_484, %mul3A_510 : i32
        %swap3A_512 = arith.index_cast %rem3A_271 : i32 to index
        %swap3A_513 = arith.index_cast %mul3A_511 : i32 to index
        %swap3A_514 = arith.constant 0 : index
        %swap3A_515 = vector.load %arg4[%swap3A_512, %swap3A_513, %swap3A_514] : memref<8x4096x128xf32, #tpu.memory_space<vmem>>, vector<1x32x128xf32>
        %swap3A_516 = vector.shape_cast %swap3A_515 : vector<1x32x128xf32> to vector<32x128xf32>
        %swap3A_517 = vector.shape_cast %add3A_509 : vector<32x128xf32> to vector<1x32x128xf32>
        tpu.vector_store %arg4[%swap3A_512, %swap3A_513, %swap3A_514], %swap3A_517 {strides = array<i32>} : memref<8x4096x128xf32, #tpu.memory_space<vmem>>, vector<1x32x128xf32>,
        %scan3A_518 = arith.constant 4 : i32
        %scan3A_519 = arith.addi %scan3A_385, %scan3A_518 : i32
        %mul3A_520 = arith.constant 32 : i32
        %mul3A_521 = arith.muli %scan3A_519, %mul3A_520 : i32
        %get3A_522 = arith.index_cast %rem3A_271 : i32 to index
        %get3A_523 = arith.index_cast %mul3A_521 : i32 to index
        %get3A_524 = arith.constant 0 : index
        %get3A_525 = vector.load %arg3[%get3A_522, %get3A_523, %get3A_524] : memref<8x4096x128xf32, #tpu.memory_space<vmem>>, vector<1x32x128xf32>
        %get3A_526 = vector.shape_cast %get3A_525 : vector<1x32x128xf32> to vector<32x128xf32>
        %abs3A_527 = math.absf %get3A_526 : vector<32x128xf32>
        %gt3A_528 = arith.constant 0.00999999977 : f32
        %gt3A_529 = vector.broadcast %gt3A_528 : f32 to vector<32x128xf32>
        %gt3A_530 = arith.cmpf ogt, %abs3A_527, %gt3A_529 : vector<32x128xf32>
        %broadcast_in_dim3A_531 = vector.broadcast %get3A_4 : f32 to vector<32x128xf32>
        %broadcast_in_dim3A_532 = vector.broadcast %get3A_0 : f32 to vector<32x128xf32>
        %select_n3A_533 = arith.select %gt3A_530, %broadcast_in_dim3A_531, %broadcast_in_dim3A_532 : vector<32x128xi1>, vector<32x128xf32>
        %broadcast_in_dim3A_534 = vector.broadcast %select_n3A_21 : f32 to vector<32x128xf32>
        %broadcast_in_dim3A_535 = vector.broadcast %select_n3A : f32 to vector<32x128xf32>
        %select_n3A_536 = arith.select %gt3A_530, %broadcast_in_dim3A_534, %broadcast_in_dim3A_535 : vector<32x128xi1>, vector<32x128xf32>
        %broadcast_in_dim3A_537 = vector.broadcast %select_n3A_27 : f32 to vector<32x128xf32>
        %broadcast_in_dim3A_538 = vector.broadcast %select_n3A_15 : f32 to vector<32x128xf32>
        %select_n3A_539 = arith.select %gt3A_530, %broadcast_in_dim3A_537, %broadcast_in_dim3A_538 : vector<32x128xi1>, vector<32x128xf32>
        %sub3A_540 = arith.subf %get3A_526, %select_n3A_533 : vector<32x128xf32>
        %mul3A_541 = arith.mulf %sub3A_540, %select_n3A_536 : vector<32x128xf32>
        %round3A_542 = math.roundeven %mul3A_541 : vector<32x128xf32>
        %mul3A_543 = arith.mulf %round3A_542, %select_n3A_539 : vector<32x128xf32>
        %add3A_544 = arith.addf %mul3A_543, %select_n3A_533 : vector<32x128xf32>
        %mul3A_545 = arith.constant 32 : i32
        %mul3A_546 = arith.muli %scan3A_519, %mul3A_545 : i32
        %swap3A_547 = arith.index_cast %rem3A_271 : i32 to index
        %swap3A_548 = arith.index_cast %mul3A_546 : i32 to index
        %swap3A_549 = arith.constant 0 : index
        %swap3A_550 = vector.load %arg4[%swap3A_547, %swap3A_548, %swap3A_549] : memref<8x4096x128xf32, #tpu.memory_space<vmem>>, vector<1x32x128xf32>
        %swap3A_551 = vector.shape_cast %swap3A_550 : vector<1x32x128xf32> to vector<32x128xf32>
        %swap3A_552 = vector.shape_cast %add3A_544 : vector<32x128xf32> to vector<1x32x128xf32>
        tpu.vector_store %arg4[%swap3A_547, %swap3A_548, %swap3A_549], %swap3A_552 {strides = array<i32>} : memref<8x4096x128xf32, #tpu.memory_space<vmem>>, vector<1x32x128xf32>,
        %scan3A_553 = arith.constant 5 : i32
        %scan3A_554 = arith.addi %scan3A_385, %scan3A_553 : i32
        %mul3A_555 = arith.constant 32 : i32
        %mul3A_556 = arith.muli %scan3A_554, %mul3A_555 : i32
        %get3A_557 = arith.index_cast %rem3A_271 : i32 to index
        %get3A_558 = arith.index_cast %mul3A_556 : i32 to index
        %get3A_559 = arith.constant 0 : index
        %get3A_560 = vector.load %arg3[%get3A_557, %get3A_558, %get3A_559] : memref<8x4096x128xf32, #tpu.memory_space<vmem>>, vector<1x32x128xf32>
        %get3A_561 = vector.shape_cast %get3A_560 : vector<1x32x128xf32> to vector<32x128xf32>
        %abs3A_562 = math.absf %get3A_561 : vector<32x128xf32>
        %gt3A_563 = arith.constant 0.00999999977 : f32
        %gt3A_564 = vector.broadcast %gt3A_563 : f32 to vector<32x128xf32>
        %gt3A_565 = arith.cmpf ogt, %abs3A_562, %gt3A_564 : vector<32x128xf32>
        %broadcast_in_dim3A_566 = vector.broadcast %get3A_4 : f32 to vector<32x128xf32>
        %broadcast_in_dim3A_567 = vector.broadcast %get3A_0 : f32 to vector<32x128xf32>
        %select_n3A_568 = arith.select %gt3A_565, %broadcast_in_dim3A_566, %broadcast_in_dim3A_567 : vector<32x128xi1>, vector<32x128xf32>
        %broadcast_in_dim3A_569 = vector.broadcast %select_n3A_21 : f32 to vector<32x128xf32>
        %broadcast_in_dim3A_570 = vector.broadcast %select_n3A : f32 to vector<32x128xf32>
        %select_n3A_571 = arith.select %gt3A_565, %broadcast_in_dim3A_569, %broadcast_in_dim3A_570 : vector<32x128xi1>, vector<32x128xf32>
        %broadcast_in_dim3A_572 = vector.broadcast %select_n3A_27 : f32 to vector<32x128xf32>
        %broadcast_in_dim3A_573 = vector.broadcast %select_n3A_15 : f32 to vector<32x128xf32>
        %select_n3A_574 = arith.select %gt3A_565, %broadcast_in_dim3A_572, %broadcast_in_dim3A_573 : vector<32x128xi1>, vector<32x128xf32>
        %sub3A_575 = arith.subf %get3A_561, %select_n3A_568 : vector<32x128xf32>
        %mul3A_576 = arith.mulf %sub3A_575, %select_n3A_571 : vector<32x128xf32>
        %round3A_577 = math.roundeven %mul3A_576 : vector<32x128xf32>
        %mul3A_578 = arith.mulf %round3A_577, %select_n3A_574 : vector<32x128xf32>
        %add3A_579 = arith.addf %mul3A_578, %select_n3A_568 : vector<32x128xf32>
        %mul3A_580 = arith.constant 32 : i32
        %mul3A_581 = arith.muli %scan3A_554, %mul3A_580 : i32
        %swap3A_582 = arith.index_cast %rem3A_271 : i32 to index
        %swap3A_583 = arith.index_cast %mul3A_581 : i32 to index
        %swap3A_584 = arith.constant 0 : index
        %swap3A_585 = vector.load %arg4[%swap3A_582, %swap3A_583, %swap3A_584] : memref<8x4096x128xf32, #tpu.memory_space<vmem>>, vector<1x32x128xf32>
        %swap3A_586 = vector.shape_cast %swap3A_585 : vector<1x32x128xf32> to vector<32x128xf32>
        %swap3A_587 = vector.shape_cast %add3A_579 : vector<32x128xf32> to vector<1x32x128xf32>
        tpu.vector_store %arg4[%swap3A_582, %swap3A_583, %swap3A_584], %swap3A_587 {strides = array<i32>} : memref<8x4096x128xf32, #tpu.memory_space<vmem>>, vector<1x32x128xf32>,
        %scan3A_588 = arith.constant 6 : i32
        %scan3A_589 = arith.addi %scan3A_385, %scan3A_588 : i32
        %mul3A_590 = arith.constant 32 : i32
        %mul3A_591 = arith.muli %scan3A_589, %mul3A_590 : i32
        %get3A_592 = arith.index_cast %rem3A_271 : i32 to index
        %get3A_593 = arith.index_cast %mul3A_591 : i32 to index
        %get3A_594 = arith.constant 0 : index
        %get3A_595 = vector.load %arg3[%get3A_592, %get3A_593, %get3A_594] : memref<8x4096x128xf32, #tpu.memory_space<vmem>>, vector<1x32x128xf32>
        %get3A_596 = vector.shape_cast %get3A_595 : vector<1x32x128xf32> to vector<32x128xf32>
        %abs3A_597 = math.absf %get3A_596 : vector<32x128xf32>
        %gt3A_598 = arith.constant 0.00999999977 : f32
        %gt3A_599 = vector.broadcast %gt3A_598 : f32 to vector<32x128xf32>
        %gt3A_600 = arith.cmpf ogt, %abs3A_597, %gt3A_599 : vector<32x128xf32>
        %broadcast_in_dim3A_601 = vector.broadcast %get3A_4 : f32 to vector<32x128xf32>
        %broadcast_in_dim3A_602 = vector.broadcast %get3A_0 : f32 to vector<32x128xf32>
        %select_n3A_603 = arith.select %gt3A_600, %broadcast_in_dim3A_601, %broadcast_in_dim3A_602 : vector<32x128xi1>, vector<32x128xf32>
        %broadcast_in_dim3A_604 = vector.broadcast %select_n3A_21 : f32 to vector<32x128xf32>
        %broadcast_in_dim3A_605 = vector.broadcast %select_n3A : f32 to vector<32x128xf32>
        %select_n3A_606 = arith.select %gt3A_600, %broadcast_in_dim3A_604, %broadcast_in_dim3A_605 : vector<32x128xi1>, vector<32x128xf32>
        %broadcast_in_dim3A_607 = vector.broadcast %select_n3A_27 : f32 to vector<32x128xf32>
        %broadcast_in_dim3A_608 = vector.broadcast %select_n3A_15 : f32 to vector<32x128xf32>
        %select_n3A_609 = arith.select %gt3A_600, %broadcast_in_dim3A_607, %broadcast_in_dim3A_608 : vector<32x128xi1>, vector<32x128xf32>
        %sub3A_610 = arith.subf %get3A_596, %select_n3A_603 : vector<32x128xf32>
        %mul3A_611 = arith.mulf %sub3A_610, %select_n3A_606 : vector<32x128xf32>
        %round3A_612 = math.roundeven %mul3A_611 : vector<32x128xf32>
        %mul3A_613 = arith.mulf %round3A_612, %select_n3A_609 : vector<32x128xf32>
        %add3A_614 = arith.addf %mul3A_613, %select_n3A_603 : vector<32x128xf32>
        %mul3A_615 = arith.constant 32 : i32
        %mul3A_616 = arith.muli %scan3A_589, %mul3A_615 : i32
        %swap3A_617 = arith.index_cast %rem3A_271 : i32 to index
        %swap3A_618 = arith.index_cast %mul3A_616 : i32 to index
        %swap3A_619 = arith.constant 0 : index
        %swap3A_620 = vector.load %arg4[%swap3A_617, %swap3A_618, %swap3A_619] : memref<8x4096x128xf32, #tpu.memory_space<vmem>>, vector<1x32x128xf32>
        %swap3A_621 = vector.shape_cast %swap3A_620 : vector<1x32x128xf32> to vector<32x128xf32>
        %swap3A_622 = vector.shape_cast %add3A_614 : vector<32x128xf32> to vector<1x32x128xf32>
        tpu.vector_store %arg4[%swap3A_617, %swap3A_618, %swap3A_619], %swap3A_622 {strides = array<i32>} : memref<8x4096x128xf32, #tpu.memory_space<vmem>>, vector<1x32x128xf32>,
        %scan3A_623 = arith.constant 7 : i32
        %scan3A_624 = arith.addi %scan3A_385, %scan3A_623 : i32
        %mul3A_625 = arith.constant 32 : i32
        %mul3A_626 = arith.muli %scan3A_624, %mul3A_625 : i32
        %get3A_627 = arith.index_cast %rem3A_271 : i32 to index
        %get3A_628 = arith.index_cast %mul3A_626 : i32 to index
        %get3A_629 = arith.constant 0 : index
        %get3A_630 = vector.load %arg3[%get3A_627, %get3A_628, %get3A_629] : memref<8x4096x128xf32, #tpu.memory_space<vmem>>, vector<1x32x128xf32>
        %get3A_631 = vector.shape_cast %get3A_630 : vector<1x32x128xf32> to vector<32x128xf32>
        %abs3A_632 = math.absf %get3A_631 : vector<32x128xf32>
        %gt3A_633 = arith.constant 0.00999999977 : f32
        %gt3A_634 = vector.broadcast %gt3A_633 : f32 to vector<32x128xf32>
        %gt3A_635 = arith.cmpf ogt, %abs3A_632, %gt3A_634 : vector<32x128xf32>
        %broadcast_in_dim3A_636 = vector.broadcast %get3A_4 : f32 to vector<32x128xf32>
        %broadcast_in_dim3A_637 = vector.broadcast %get3A_0 : f32 to vector<32x128xf32>
        %select_n3A_638 = arith.select %gt3A_635, %broadcast_in_dim3A_636, %broadcast_in_dim3A_637 : vector<32x128xi1>, vector<32x128xf32>
        %broadcast_in_dim3A_639 = vector.broadcast %select_n3A_21 : f32 to vector<32x128xf32>
        %broadcast_in_dim3A_640 = vector.broadcast %select_n3A : f32 to vector<32x128xf32>
        %select_n3A_641 = arith.select %gt3A_635, %broadcast_in_dim3A_639, %broadcast_in_dim3A_640 : vector<32x128xi1>, vector<32x128xf32>
        %broadcast_in_dim3A_642 = vector.broadcast %select_n3A_27 : f32 to vector<32x128xf32>
        %broadcast_in_dim3A_643 = vector.broadcast %select_n3A_15 : f32 to vector<32x128xf32>
        %select_n3A_644 = arith.select %gt3A_635, %broadcast_in_dim3A_642, %broadcast_in_dim3A_643 : vector<32x128xi1>, vector<32x128xf32>
        %sub3A_645 = arith.subf %get3A_631, %select_n3A_638 : vector<32x128xf32>
        %mul3A_646 = arith.mulf %sub3A_645, %select_n3A_641 : vector<32x128xf32>
        %round3A_647 = math.roundeven %mul3A_646 : vector<32x128xf32>
        %mul3A_648 = arith.mulf %round3A_647, %select_n3A_644 : vector<32x128xf32>
        %add3A_649 = arith.addf %mul3A_648, %select_n3A_638 : vector<32x128xf32>
        %mul3A_650 = arith.constant 32 : i32
        %mul3A_651 = arith.muli %scan3A_624, %mul3A_650 : i32
        %swap3A_652 = arith.index_cast %rem3A_271 : i32 to index
        %swap3A_653 = arith.index_cast %mul3A_651 : i32 to index
        %swap3A_654 = arith.constant 0 : index
        %swap3A_655 = vector.load %arg4[%swap3A_652, %swap3A_653, %swap3A_654] : memref<8x4096x128xf32, #tpu.memory_space<vmem>>, vector<1x32x128xf32>
        %swap3A_656 = vector.shape_cast %swap3A_655 : vector<1x32x128xf32> to vector<32x128xf32>
        %swap3A_657 = vector.shape_cast %add3A_649 : vector<32x128xf32> to vector<1x32x128xf32>
        tpu.vector_store %arg4[%swap3A_652, %swap3A_653, %swap3A_654], %swap3A_657 {strides = array<i32>} : memref<8x4096x128xf32, #tpu.memory_space<vmem>>, vector<1x32x128xf32>,
      }
      %scan3A_325 = arith.constant 128 : i32
      %jit3A_326 = arith.constant 16 : i32
      %div3A_327 = arith.divsi %scan3A_269, %jit3A_326 : i32
      %sign3A_328 = arith.constant 0 : i32
      %sign3A_329 = arith.cmpi sgt, %scan3A_269, %sign3A_328 : i32
      %sign3A_330 = arith.extui %sign3A_329 : i1 to i32
      %sign3A_331 = arith.constant 0 : i32
      %sign3A_332 = arith.cmpi slt, %scan3A_269, %sign3A_331 : i32
      %sign3A_333 = arith.extui %sign3A_332 : i1 to i32
      %sign3A_334 = arith.subi %sign3A_330, %sign3A_333 : i32
      %sign3A_335 = arith.constant 0 : i32
      %sign3A_336 = arith.cmpi sgt, %jit3A_326, %sign3A_335 : i32
      %sign3A_337 = arith.extui %sign3A_336 : i1 to i32
      %sign3A_338 = arith.constant 0 : i32
      %sign3A_339 = arith.cmpi slt, %jit3A_326, %sign3A_338 : i32
      %sign3A_340 = arith.extui %sign3A_339 : i1 to i32
      %sign3A_341 = arith.subi %sign3A_337, %sign3A_340 : i32
      %ne3A_342 = arith.cmpi ne, %sign3A_334, %sign3A_341 : i32
      %rem3A_343 = arith.remsi %scan3A_269, %jit3A_326 : i32
      %ne3A_344 = arith.constant 0 : i32
      %ne3A_345 = arith.cmpi ne, %rem3A_343, %ne3A_344 : i32
      %and3A_346 = arith.andi %ne3A_342, %ne3A_345 : i1
      %sub3A_347 = arith.constant 1 : i32
      %sub3A_348 = arith.subi %div3A_327, %sub3A_347 : i32
      %select_n3A_349 = arith.select %and3A_346, %sub3A_348, %div3A_327 : i32
      %jit3A_350 = arith.constant 16 : i32
      %eq3A_351 = arith.constant 0 : i32
      %eq3A_352 = arith.cmpi eq, %jit3A_350, %eq3A_351 : i32
      %jit3A_353 = arith.constant 1 : i32
      %select_n3A_354 = arith.select %eq3A_352, %jit3A_353, %jit3A_350 : i32
      %rem3A_355 = arith.remsi %scan3A_269, %select_n3A_354 : i32
      %ne3A_356 = arith.constant 0 : i32
      %ne3A_357 = arith.cmpi ne, %rem3A_355, %ne3A_356 : i32
      %lt3A_358 = arith.constant 0 : i32
      %lt3A_359 = arith.cmpi slt, %rem3A_355, %lt3A_358 : i32
      %lt3A_360 = arith.constant 0 : i32
      %lt3A_361 = arith.cmpi slt, %select_n3A_354, %lt3A_360 : i32
      %ne3A_362 = arith.xori %lt3A_359, %lt3A_361 : i1
      %and3A_363 = arith.andi %ne3A_362, %ne3A_357 : i1
      %add3A_364 = arith.addi %rem3A_355, %select_n3A_354 : i32
      %select_n3A_365 = arith.select %and3A_363, %add3A_364, %rem3A_355 : i32
      %rem3A_366 = arith.constant 8 : i32
      %rem3A_367 = arith.remsi %scan3A_269, %rem3A_366 : i32
      %dma_start3A_368 = tpu.memref_slice %arg6[%rem3A_367] : memref<8x!tpu.dma_semaphore, #tpu.memory_space<semaphore_mem>> -> memref<1x!tpu.dma_semaphore, #tpu.memory_space<semaphore_mem>>
      %dma_start3A_369 = tpu.memref_squeeze %dma_start3A_368 : memref<1x!tpu.dma_semaphore, #tpu.memory_space<semaphore_mem>> -> memref<!tpu.dma_semaphore, #tpu.memory_space<semaphore_mem>>
      %dma_start3A_370 = arith.constant 0 : i32
      %dma_start3A_371 = arith.constant 0 : i32
      %dma_start3A_372 = tpu.memref_slice %arg2[%select_n3A_349, %select_n3A_365, %dma_start3A_370, %dma_start3A_371] : memref<8x16x4096x128xf32, #tpu.memory_space<any>> -> memref<1x1x4096x128xf32, #tpu.memory_space<any>>
      %dma_start3A_373 = tpu.memref_squeeze %dma_start3A_372 : memref<1x1x4096x128xf32, #tpu.memory_space<any>> -> memref<4096x128xf32, #tpu.memory_space<any>>
      %dma_start3A_374 = arith.constant 0 : i32
      %dma_start3A_375 = arith.constant 0 : i32
      %dma_start3A_376 = tpu.memref_slice %arg4[%rem3A_367, %dma_start3A_374, %dma_start3A_375] : memref<8x4096x128xf32, #tpu.memory_space<vmem>> -> memref<1x4096x128xf32, #tpu.memory_space<vmem>>
      %dma_start3A_377 = tpu.memref_squeeze %dma_start3A_376 : memref<1x4096x128xf32, #tpu.memory_space<vmem>> -> memref<4096x128xf32, #tpu.memory_space<vmem>>
      tpu.enqueue_dma source(%dma_start3A_377 : memref<4096x128xf32, #tpu.memory_space<vmem>>) target(%dma_start3A_373 : memref<4096x128xf32, #tpu.memory_space<any>>) target_semaphore(%dma_start3A_369 : memref<!tpu.dma_semaphore, #tpu.memory_space<semaphore_mem>>)
      %add3A_378 = arith.constant 8 : i32
      %add3A_379 = arith.addi %scan3A_269, %add3A_378 : i32
      %lt3A_380 = arith.constant 128 : i32
      %lt3A_381 = arith.cmpi slt, %add3A_379, %lt3A_380 : i32
      %convert_element_type3A_382 = arith.extui %lt3A_381 : i1 to i32
      %cond3A_383 = arith.constant 0 : i32
      %cond3A_384 = arith.cmpi ne, %convert_element_type3A_382, %cond3A_383 : i32
      scf.if %cond3A_384 {
        %add3A_385 = arith.constant 8 : i32
        %add3A_386 = arith.addi %scan3A_269, %add3A_385 : i32
        %jit3A_387 = arith.constant 16 : i32
        %div3A_388 = arith.divsi %add3A_386, %jit3A_387 : i32
        %sign3A_389 = arith.constant 0 : i32
        %sign3A_390 = arith.cmpi sgt, %add3A_386, %sign3A_389 : i32
        %sign3A_391 = arith.extui %sign3A_390 : i1 to i32
        %sign3A_392 = arith.constant 0 : i32
        %sign3A_393 = arith.cmpi slt, %add3A_386, %sign3A_392 : i32
        %sign3A_394 = arith.extui %sign3A_393 : i1 to i32
        %sign3A_395 = arith.subi %sign3A_391, %sign3A_394 : i32
        %sign3A_396 = arith.constant 0 : i32
        %sign3A_397 = arith.cmpi sgt, %jit3A_387, %sign3A_396 : i32
        %sign3A_398 = arith.extui %sign3A_397 : i1 to i32
        %sign3A_399 = arith.constant 0 : i32
        %sign3A_400 = arith.cmpi slt, %jit3A_387, %sign3A_399 : i32
        %sign3A_401 = arith.extui %sign3A_400 : i1 to i32
        %sign3A_402 = arith.subi %sign3A_398, %sign3A_401 : i32
        %ne3A_403 = arith.cmpi ne, %sign3A_395, %sign3A_402 : i32
        %rem3A_404 = arith.remsi %add3A_386, %jit3A_387 : i32
        %ne3A_405 = arith.constant 0 : i32
        %ne3A_406 = arith.cmpi ne, %rem3A_404, %ne3A_405 : i32
        %and3A_407 = arith.andi %ne3A_403, %ne3A_406 : i1
        %sub3A_408 = arith.constant 1 : i32
        %sub3A_409 = arith.subi %div3A_388, %sub3A_408 : i32
        %select_n3A_410 = arith.select %and3A_407, %sub3A_409, %div3A_388 : i32
        %jit3A_411 = arith.constant 16 : i32
        %eq3A_412 = arith.constant 0 : i32
        %eq3A_413 = arith.cmpi eq, %jit3A_411, %eq3A_412 : i32
        %jit3A_414 = arith.constant 1 : i32
        %select_n3A_415 = arith.select %eq3A_413, %jit3A_414, %jit3A_411 : i32
        %rem3A_416 = arith.remsi %add3A_386, %select_n3A_415 : i32
        %ne3A_417 = arith.constant 0 : i32
        %ne3A_418 = arith.cmpi ne, %rem3A_416, %ne3A_417 : i32
        %lt3A_419 = arith.constant 0 : i32
        %lt3A_420 = arith.cmpi slt, %rem3A_416, %lt3A_419 : i32
        %lt3A_421 = arith.constant 0 : i32
        %lt3A_422 = arith.cmpi slt, %select_n3A_415, %lt3A_421 : i32
        %ne3A_423 = arith.xori %lt3A_420, %lt3A_422 : i1
        %and3A_424 = arith.andi %ne3A_423, %ne3A_418 : i1
        %add3A_425 = arith.addi %rem3A_416, %select_n3A_415 : i32
        %select_n3A_426 = arith.select %and3A_424, %add3A_425, %rem3A_416 : i32
        %rem3A_427 = arith.constant 8 : i32
        %rem3A_428 = arith.remsi %add3A_386, %rem3A_427 : i32
        %dma_start3A_429 = tpu.memref_slice %arg5[%rem3A_428] : memref<8x!tpu.dma_semaphore, #tpu.memory_space<semaphore_mem>> -> memref<1x!tpu.dma_semaphore, #tpu.memory_space<semaphore_mem>>
        %dma_start3A_430 = tpu.memref_squeeze %dma_start3A_429 : memref<1x!tpu.dma_semaphore, #tpu.memory_space<semaphore_mem>> -> memref<!tpu.dma_semaphore, #tpu.memory_space<semaphore_mem>>
        %dma_start3A_431 = arith.constant 0 : i32
        %dma_start3A_432 = arith.constant 0 : i32
        %dma_start3A_433 = tpu.memref_slice %arg3[%rem3A_428, %dma_start3A_431, %dma_start3A_432] : memref<8x4096x128xf32, #tpu.memory_space<vmem>> -> memref<1x4096x128xf32, #tpu.memory_space<vmem>>
        %dma_start3A_434 = tpu.memref_squeeze %dma_start3A_433 : memref<1x4096x128xf32, #tpu.memory_space<vmem>> -> memref<4096x128xf32, #tpu.memory_space<vmem>>
        %dma_start3A_435 = arith.constant 0 : i32
        %dma_start3A_436 = arith.constant 0 : i32
        %dma_start3A_437 = tpu.memref_slice %arg1[%select_n3A_410, %select_n3A_426, %dma_start3A_435, %dma_start3A_436] : memref<8x16x4096x128xf32, #tpu.memory_space<any>> -> memref<1x1x4096x128xf32, #tpu.memory_space<any>>
        %dma_start3A_438 = tpu.memref_squeeze %dma_start3A_437 : memref<1x1x4096x128xf32, #tpu.memory_space<any>> -> memref<4096x128xf32, #tpu.memory_space<any>>
        tpu.enqueue_dma source(%dma_start3A_438 : memref<4096x128xf32, #tpu.memory_space<any>>) target(%dma_start3A_434 : memref<4096x128xf32, #tpu.memory_space<vmem>>) target_semaphore(%dma_start3A_430 : memref<!tpu.dma_semaphore, #tpu.memory_space<semaphore_mem>>)
      } else {
      }
    }
    %scan3A_149 = arith.constant 128 : i32
    %rem3A_150 = arith.constant 120 : i32
    %rem3A_151 = arith.constant 8 : i32
    %rem3A_152 = arith.remsi %rem3A_150, %rem3A_151 : i32
    %dma_wait3A = arith.constant 7 : i32
    %dma_wait3A_153 = arith.constant 8 : i32
    %dma_wait3A_154 = tpu.memref_slice %arg6[%rem3A_152] : memref<8x!tpu.dma_semaphore, #tpu.memory_space<semaphore_mem>> -> memref<1x!tpu.dma_semaphore, #tpu.memory_space<semaphore_mem>>
    %dma_wait3A_155 = tpu.memref_squeeze %dma_wait3A_154 : memref<1x!tpu.dma_semaphore, #tpu.memory_space<semaphore_mem>> -> memref<!tpu.dma_semaphore, #tpu.memory_space<semaphore_mem>>
    %dma_wait3A_156 = arith.constant 0 : i32
    %dma_wait3A_157 = arith.constant 0 : i32
    %dma_wait3A_158 = tpu.memref_slice %arg2[%dma_wait3A, %dma_wait3A_153, %dma_wait3A_156, %dma_wait3A_157] : memref<8x16x4096x128xf32, #tpu.memory_space<any>> -> memref<1x1x4096x128xf32, #tpu.memory_space<any>>
    %dma_wait3A_159 = tpu.memref_squeeze %dma_wait3A_158 : memref<1x1x4096x128xf32, #tpu.memory_space<any>> -> memref<4096x128xf32, #tpu.memory_space<any>>
    %dma_wait3A_160 = arith.constant 0 : i32
    %dma_wait3A_161 = arith.constant 0 : i32
    %dma_wait3A_162 = tpu.memref_slice %arg4[%rem3A_152, %dma_wait3A_160, %dma_wait3A_161] : memref<8x4096x128xf32, #tpu.memory_space<vmem>> -> memref<1x4096x128xf32, #tpu.memory_space<vmem>>
    %dma_wait3A_163 = tpu.memref_squeeze %dma_wait3A_162 : memref<1x4096x128xf32, #tpu.memory_space<vmem>> -> memref<4096x128xf32, #tpu.memory_space<vmem>>
    tpu.wait_dma2 semaphore(%dma_wait3A_155 : memref<!tpu.dma_semaphore, #tpu.memory_space<semaphore_mem>>) src(%dma_wait3A_163 : memref<4096x128xf32, #tpu.memory_space<vmem>>) dst(%dma_wait3A_159 : memref<4096x128xf32, #tpu.memory_space<any>>)
    %rem3A_164 = arith.constant 121 : i32
    %rem3A_165 = arith.constant 8 : i32
    %rem3A_166 = arith.remsi %rem3A_164, %rem3A_165 : i32
    %dma_wait3A_167 = arith.constant 7 : i32
    %dma_wait3A_168 = arith.constant 9 : i32
    %dma_wait3A_169 = tpu.memref_slice %arg6[%rem3A_166] : memref<8x!tpu.dma_semaphore, #tpu.memory_space<semaphore_mem>> -> memref<1x!tpu.dma_semaphore, #tpu.memory_space<semaphore_mem>>
    %dma_wait3A_170 = tpu.memref_squeeze %dma_wait3A_169 : memref<1x!tpu.dma_semaphore, #tpu.memory_space<semaphore_mem>> -> memref<!tpu.dma_semaphore, #tpu.memory_space<semaphore_mem>>
    %dma_wait3A_171 = arith.constant 0 : i32
    %dma_wait3A_172 = arith.constant 0 : i32
    %dma_wait3A_173 = tpu.memref_slice %arg2[%dma_wait3A_167, %dma_wait3A_168, %dma_wait3A_171, %dma_wait3A_172] : memref<8x16x4096x128xf32, #tpu.memory_space<any>> -> memref<1x1x4096x128xf32, #tpu.memory_space<any>>
    %dma_wait3A_174 = tpu.memref_squeeze %dma_wait3A_173 : memref<1x1x4096x128xf32, #tpu.memory_space<any>> -> memref<4096x128xf32, #tpu.memory_space<any>>
    %dma_wait3A_175 = arith.constant 0 : i32
    %dma_wait3A_176 = arith.constant 0 : i32
    %dma_wait3A_177 = tpu.memref_slice %arg4[%rem3A_166, %dma_wait3A_175, %dma_wait3A_176] : memref<8x4096x128xf32, #tpu.memory_space<vmem>> -> memref<1x4096x128xf32, #tpu.memory_space<vmem>>
    %dma_wait3A_178 = tpu.memref_squeeze %dma_wait3A_177 : memref<1x4096x128xf32, #tpu.memory_space<vmem>> -> memref<4096x128xf32, #tpu.memory_space<vmem>>
    tpu.wait_dma2 semaphore(%dma_wait3A_170 : memref<!tpu.dma_semaphore, #tpu.memory_space<semaphore_mem>>) src(%dma_wait3A_178 : memref<4096x128xf32, #tpu.memory_space<vmem>>) dst(%dma_wait3A_174 : memref<4096x128xf32, #tpu.memory_space<any>>)
    %rem3A_179 = arith.constant 122 : i32
    %rem3A_180 = arith.constant 8 : i32
    %rem3A_181 = arith.remsi %rem3A_179, %rem3A_180 : i32
    %dma_wait3A_182 = arith.constant 7 : i32
    %dma_wait3A_183 = arith.constant 10 : i32
    %dma_wait3A_184 = tpu.memref_slice %arg6[%rem3A_181] : memref<8x!tpu.dma_semaphore, #tpu.memory_space<semaphore_mem>> -> memref<1x!tpu.dma_semaphore, #tpu.memory_space<semaphore_mem>>
    %dma_wait3A_185 = tpu.memref_squeeze %dma_wait3A_184 : memref<1x!tpu.dma_semaphore, #tpu.memory_space<semaphore_mem>> -> memref<!tpu.dma_semaphore, #tpu.memory_space<semaphore_mem>>
    %dma_wait3A_186 = arith.constant 0 : i32
    %dma_wait3A_187 = arith.constant 0 : i32
    %dma_wait3A_188 = tpu.memref_slice %arg2[%dma_wait3A_182, %dma_wait3A_183, %dma_wait3A_186, %dma_wait3A_187] : memref<8x16x4096x128xf32, #tpu.memory_space<any>> -> memref<1x1x4096x128xf32, #tpu.memory_space<any>>
    %dma_wait3A_189 = tpu.memref_squeeze %dma_wait3A_188 : memref<1x1x4096x128xf32, #tpu.memory_space<any>> -> memref<4096x128xf32, #tpu.memory_space<any>>
    %dma_wait3A_190 = arith.constant 0 : i32
    %dma_wait3A_191 = arith.constant 0 : i32
    %dma_wait3A_192 = tpu.memref_slice %arg4[%rem3A_181, %dma_wait3A_190, %dma_wait3A_191] : memref<8x4096x128xf32, #tpu.memory_space<vmem>> -> memref<1x4096x128xf32, #tpu.memory_space<vmem>>
    %dma_wait3A_193 = tpu.memref_squeeze %dma_wait3A_192 : memref<1x4096x128xf32, #tpu.memory_space<vmem>> -> memref<4096x128xf32, #tpu.memory_space<vmem>>
    tpu.wait_dma2 semaphore(%dma_wait3A_185 : memref<!tpu.dma_semaphore, #tpu.memory_space<semaphore_mem>>) src(%dma_wait3A_193 : memref<4096x128xf32, #tpu.memory_space<vmem>>) dst(%dma_wait3A_189 : memref<4096x128xf32, #tpu.memory_space<any>>)
    %rem3A_194 = arith.constant 123 : i32
    %rem3A_195 = arith.constant 8 : i32
    %rem3A_196 = arith.remsi %rem3A_194, %rem3A_195 : i32
    %dma_wait3A_197 = arith.constant 7 : i32
    %dma_wait3A_198 = arith.constant 11 : i32
    %dma_wait3A_199 = tpu.memref_slice %arg6[%rem3A_196] : memref<8x!tpu.dma_semaphore, #tpu.memory_space<semaphore_mem>> -> memref<1x!tpu.dma_semaphore, #tpu.memory_space<semaphore_mem>>
    %dma_wait3A_200 = tpu.memref_squeeze %dma_wait3A_199 : memref<1x!tpu.dma_semaphore, #tpu.memory_space<semaphore_mem>> -> memref<!tpu.dma_semaphore, #tpu.memory_space<semaphore_mem>>
    %dma_wait3A_201 = arith.constant 0 : i32
    %dma_wait3A_202 = arith.constant 0 : i32
    %dma_wait3A_203 = tpu.memref_slice %arg2[%dma_wait3A_197, %dma_wait3A_198, %dma_wait3A_201, %dma_wait3A_202] : memref<8x16x4096x128xf32, #tpu.memory_space<any>> -> memref<1x1x4096x128xf32, #tpu.memory_space<any>>
    %dma_wait3A_204 = tpu.memref_squeeze %dma_wait3A_203 : memref<1x1x4096x128xf32, #tpu.memory_space<any>> -> memref<4096x128xf32, #tpu.memory_space<any>>
    %dma_wait3A_205 = arith.constant 0 : i32
    %dma_wait3A_206 = arith.constant 0 : i32
    %dma_wait3A_207 = tpu.memref_slice %arg4[%rem3A_196, %dma_wait3A_205, %dma_wait3A_206] : memref<8x4096x128xf32, #tpu.memory_space<vmem>> -> memref<1x4096x128xf32, #tpu.memory_space<vmem>>
    %dma_wait3A_208 = tpu.memref_squeeze %dma_wait3A_207 : memref<1x4096x128xf32, #tpu.memory_space<vmem>> -> memref<4096x128xf32, #tpu.memory_space<vmem>>
    tpu.wait_dma2 semaphore(%dma_wait3A_200 : memref<!tpu.dma_semaphore, #tpu.memory_space<semaphore_mem>>) src(%dma_wait3A_208 : memref<4096x128xf32, #tpu.memory_space<vmem>>) dst(%dma_wait3A_204 : memref<4096x128xf32, #tpu.memory_space<any>>)
    %rem3A_209 = arith.constant 124 : i32
    %rem3A_210 = arith.constant 8 : i32
    %rem3A_211 = arith.remsi %rem3A_209, %rem3A_210 : i32
    %dma_wait3A_212 = arith.constant 7 : i32
    %dma_wait3A_213 = arith.constant 12 : i32
    %dma_wait3A_214 = tpu.memref_slice %arg6[%rem3A_211] : memref<8x!tpu.dma_semaphore, #tpu.memory_space<semaphore_mem>> -> memref<1x!tpu.dma_semaphore, #tpu.memory_space<semaphore_mem>>
    %dma_wait3A_215 = tpu.memref_squeeze %dma_wait3A_214 : memref<1x!tpu.dma_semaphore, #tpu.memory_space<semaphore_mem>> -> memref<!tpu.dma_semaphore, #tpu.memory_space<semaphore_mem>>
    %dma_wait3A_216 = arith.constant 0 : i32
    %dma_wait3A_217 = arith.constant 0 : i32
    %dma_wait3A_218 = tpu.memref_slice %arg2[%dma_wait3A_212, %dma_wait3A_213, %dma_wait3A_216, %dma_wait3A_217] : memref<8x16x4096x128xf32, #tpu.memory_space<any>> -> memref<1x1x4096x128xf32, #tpu.memory_space<any>>
    %dma_wait3A_219 = tpu.memref_squeeze %dma_wait3A_218 : memref<1x1x4096x128xf32, #tpu.memory_space<any>> -> memref<4096x128xf32, #tpu.memory_space<any>>
    %dma_wait3A_220 = arith.constant 0 : i32
    %dma_wait3A_221 = arith.constant 0 : i32
    %dma_wait3A_222 = tpu.memref_slice %arg4[%rem3A_211, %dma_wait3A_220, %dma_wait3A_221] : memref<8x4096x128xf32, #tpu.memory_space<vmem>> -> memref<1x4096x128xf32, #tpu.memory_space<vmem>>
    %dma_wait3A_223 = tpu.memref_squeeze %dma_wait3A_222 : memref<1x4096x128xf32, #tpu.memory_space<vmem>> -> memref<4096x128xf32, #tpu.memory_space<vmem>>
    tpu.wait_dma2 semaphore(%dma_wait3A_215 : memref<!tpu.dma_semaphore, #tpu.memory_space<semaphore_mem>>) src(%dma_wait3A_223 : memref<4096x128xf32, #tpu.memory_space<vmem>>) dst(%dma_wait3A_219 : memref<4096x128xf32, #tpu.memory_space<any>>)
    %rem3A_224 = arith.constant 125 : i32
    %rem3A_225 = arith.constant 8 : i32
    %rem3A_226 = arith.remsi %rem3A_224, %rem3A_225 : i32
    %dma_wait3A_227 = arith.constant 7 : i32
    %dma_wait3A_228 = arith.constant 13 : i32
    %dma_wait3A_229 = tpu.memref_slice %arg6[%rem3A_226] : memref<8x!tpu.dma_semaphore, #tpu.memory_space<semaphore_mem>> -> memref<1x!tpu.dma_semaphore, #tpu.memory_space<semaphore_mem>>
    %dma_wait3A_230 = tpu.memref_squeeze %dma_wait3A_229 : memref<1x!tpu.dma_semaphore, #tpu.memory_space<semaphore_mem>> -> memref<!tpu.dma_semaphore, #tpu.memory_space<semaphore_mem>>
    %dma_wait3A_231 = arith.constant 0 : i32
    %dma_wait3A_232 = arith.constant 0 : i32
    %dma_wait3A_233 = tpu.memref_slice %arg2[%dma_wait3A_227, %dma_wait3A_228, %dma_wait3A_231, %dma_wait3A_232] : memref<8x16x4096x128xf32, #tpu.memory_space<any>> -> memref<1x1x4096x128xf32, #tpu.memory_space<any>>
    %dma_wait3A_234 = tpu.memref_squeeze %dma_wait3A_233 : memref<1x1x4096x128xf32, #tpu.memory_space<any>> -> memref<4096x128xf32, #tpu.memory_space<any>>
    %dma_wait3A_235 = arith.constant 0 : i32
    %dma_wait3A_236 = arith.constant 0 : i32
    %dma_wait3A_237 = tpu.memref_slice %arg4[%rem3A_226, %dma_wait3A_235, %dma_wait3A_236] : memref<8x4096x128xf32, #tpu.memory_space<vmem>> -> memref<1x4096x128xf32, #tpu.memory_space<vmem>>
    %dma_wait3A_238 = tpu.memref_squeeze %dma_wait3A_237 : memref<1x4096x128xf32, #tpu.memory_space<vmem>> -> memref<4096x128xf32, #tpu.memory_space<vmem>>
    tpu.wait_dma2 semaphore(%dma_wait3A_230 : memref<!tpu.dma_semaphore, #tpu.memory_space<semaphore_mem>>) src(%dma_wait3A_238 : memref<4096x128xf32, #tpu.memory_space<vmem>>) dst(%dma_wait3A_234 : memref<4096x128xf32, #tpu.memory_space<any>>)
    %rem3A_239 = arith.constant 126 : i32
    %rem3A_240 = arith.constant 8 : i32
    %rem3A_241 = arith.remsi %rem3A_239, %rem3A_240 : i32
    %dma_wait3A_242 = arith.constant 7 : i32
    %dma_wait3A_243 = arith.constant 14 : i32
    %dma_wait3A_244 = tpu.memref_slice %arg6[%rem3A_241] : memref<8x!tpu.dma_semaphore, #tpu.memory_space<semaphore_mem>> -> memref<1x!tpu.dma_semaphore, #tpu.memory_space<semaphore_mem>>
    %dma_wait3A_245 = tpu.memref_squeeze %dma_wait3A_244 : memref<1x!tpu.dma_semaphore, #tpu.memory_space<semaphore_mem>> -> memref<!tpu.dma_semaphore, #tpu.memory_space<semaphore_mem>>
    %dma_wait3A_246 = arith.constant 0 : i32
    %dma_wait3A_247 = arith.constant 0 : i32
    %dma_wait3A_248 = tpu.memref_slice %arg2[%dma_wait3A_242, %dma_wait3A_243, %dma_wait3A_246, %dma_wait3A_247] : memref<8x16x4096x128xf32, #tpu.memory_space<any>> -> memref<1x1x4096x128xf32, #tpu.memory_space<any>>
    %dma_wait3A_249 = tpu.memref_squeeze %dma_wait3A_248 : memref<1x1x4096x128xf32, #tpu.memory_space<any>> -> memref<4096x128xf32, #tpu.memory_space<any>>
    %dma_wait3A_250 = arith.constant 0 : i32
    %dma_wait3A_251 = arith.constant 0 : i32
    %dma_wait3A_252 = tpu.memref_slice %arg4[%rem3A_241, %dma_wait3A_250, %dma_wait3A_251] : memref<8x4096x128xf32, #tpu.memory_space<vmem>> -> memref<1x4096x128xf32, #tpu.memory_space<vmem>>
    %dma_wait3A_253 = tpu.memref_squeeze %dma_wait3A_252 : memref<1x4096x128xf32, #tpu.memory_space<vmem>> -> memref<4096x128xf32, #tpu.memory_space<vmem>>
    tpu.wait_dma2 semaphore(%dma_wait3A_245 : memref<!tpu.dma_semaphore, #tpu.memory_space<semaphore_mem>>) src(%dma_wait3A_253 : memref<4096x128xf32, #tpu.memory_space<vmem>>) dst(%dma_wait3A_249 : memref<4096x128xf32, #tpu.memory_space<any>>)
    %rem3A_254 = arith.constant 127 : i32
    %rem3A_255 = arith.constant 8 : i32
    %rem3A_256 = arith.remsi %rem3A_254, %rem3A_255 : i32
    %dma_wait3A_257 = arith.constant 7 : i32
    %dma_wait3A_258 = arith.constant 15 : i32
    %dma_wait3A_259 = tpu.memref_slice %arg6[%rem3A_256] : memref<8x!tpu.dma_semaphore, #tpu.memory_space<semaphore_mem>> -> memref<1x!tpu.dma_semaphore, #tpu.memory_space<semaphore_mem>>
    %dma_wait3A_260 = tpu.memref_squeeze %dma_wait3A_259 : memref<1x!tpu.dma_semaphore, #tpu.memory_space<semaphore_mem>> -> memref<!tpu.dma_semaphore, #tpu.memory_space<semaphore_mem>>
    %dma_wait3A_261 = arith.constant 0 : i32
    %dma_wait3A_262 = arith.constant 0 : i32
    %dma_wait3A_263 = tpu.memref_slice %arg2[%dma_wait3A_257, %dma_wait3A_258, %dma_wait3A_261, %dma_wait3A_262] : memref<8x16x4096x128xf32, #tpu.memory_space<any>> -> memref<1x1x4096x128xf32, #tpu.memory_space<any>>
    %dma_wait3A_264 = tpu.memref_squeeze %dma_wait3A_263 : memref<1x1x4096x128xf32, #tpu.memory_space<any>> -> memref<4096x128xf32, #tpu.memory_space<any>>
    %dma_wait3A_265 = arith.constant 0 : i32
    %dma_wait3A_266 = arith.constant 0 : i32
    %dma_wait3A_267 = tpu.memref_slice %arg4[%rem3A_256, %dma_wait3A_265, %dma_wait3A_266] : memref<8x4096x128xf32, #tpu.memory_space<vmem>> -> memref<1x4096x128xf32, #tpu.memory_space<vmem>>
    %dma_wait3A_268 = tpu.memref_squeeze %dma_wait3A_267 : memref<1x4096x128xf32, #tpu.memory_space<vmem>> -> memref<4096x128xf32, #tpu.memory_space<vmem>>
    tpu.wait_dma2 semaphore(%dma_wait3A_260 : memref<!tpu.dma_semaphore, #tpu.memory_space<semaphore_mem>>) src(%dma_wait3A_268 : memref<4096x128xf32, #tpu.memory_space<vmem>>) dst(%dma_wait3A_264 : memref<4096x128xf32, #tpu.memory_space<any>>)
    return
  }
}

module attributes {stable_mosaic.version = 14 : i64} {
  func.func @_reduce_body(%arg0: i32, %arg1: i32, %arg2: memref<1x4x4096x128xf32, #tpu.memory_space<vmem>>, %arg3: memref<4xf32, #tpu.memory_space<smem>>) attributes {dimension_semantics = [#tpu.dimension_semantics<arbitrary>, #tpu.dimension_semantics<arbitrary>], iteration_bounds = array<i64: 7, 4>, scalar_prefetch = 0 : i64, scratch_operands = 0 : i64, tpu.core_type = #tpu.core_type<tc>, window_params = [{transform_indices = @transform_0, window_bounds = array<i64: 1, 4, 4096, 128>}, {transform_indices = @transform_1, window_bounds = array<i64: 4>}]} {
    %mul3A = arith.constant 7 : i32
    %mul3A_0 = arith.muli %arg1, %mul3A : i32
    %add3A = arith.addi %arg0, %mul3A_0 : i32
    %broadcast_in_dim3A = arith.constant 0x7F800000 : f32
    %broadcast_in_dim3A_1 = vector.broadcast %broadcast_in_dim3A : f32 to vector<32x128xf32>
    %broadcast_in_dim3A_2 = arith.constant 0xFF800000 : f32
    %broadcast_in_dim3A_3 = vector.broadcast %broadcast_in_dim3A_2 : f32 to vector<32x128xf32>
    %broadcast_in_dim3A_4 = arith.constant 0x7F800000 : f32
    %broadcast_in_dim3A_5 = vector.broadcast %broadcast_in_dim3A_4 : f32 to vector<32x128xf32>
    %broadcast_in_dim3A_6 = arith.constant 0xFF800000 : f32
    %broadcast_in_dim3A_7 = vector.broadcast %broadcast_in_dim3A_6 : f32 to vector<32x128xf32>
    %scan3A = arith.constant 0 : i32
    %scan3A_8 = arith.constant 512 : i32
    %scan3A_9 = arith.addi %scan3A, %scan3A_8 : i32
    %scan3A_10 = arith.constant 16 : i32
    %scan3A_11:4 = scf.for %scan3A_37 = %scan3A to %scan3A_9 step %scan3A_10 iter_args(%scan3A_38 = %broadcast_in_dim3A_1, %scan3A_39 = %broadcast_in_dim3A_3, %scan3A_40 = %broadcast_in_dim3A_5, %scan3A_41 = %broadcast_in_dim3A_7) -> (vector<32x128xf32>, vector<32x128xf32>, vector<32x128xf32>, vector<32x128xf32>)  : i32 {
      %jit3A = arith.constant 128 : i32
      %div3A = arith.divsi %scan3A_37, %jit3A : i32
      %sign3A = arith.constant 0 : i32
      %sign3A_42 = arith.cmpi sgt, %scan3A_37, %sign3A : i32
      %sign3A_43 = arith.extui %sign3A_42 : i1 to i32
      %sign3A_44 = arith.constant 0 : i32
      %sign3A_45 = arith.cmpi slt, %scan3A_37, %sign3A_44 : i32
      %sign3A_46 = arith.extui %sign3A_45 : i1 to i32
      %sign3A_47 = arith.subi %sign3A_43, %sign3A_46 : i32
      %sign3A_48 = arith.constant 0 : i32
      %sign3A_49 = arith.cmpi sgt, %jit3A, %sign3A_48 : i32
      %sign3A_50 = arith.extui %sign3A_49 : i1 to i32
      %sign3A_51 = arith.constant 0 : i32
      %sign3A_52 = arith.cmpi slt, %jit3A, %sign3A_51 : i32
      %sign3A_53 = arith.extui %sign3A_52 : i1 to i32
      %sign3A_54 = arith.subi %sign3A_50, %sign3A_53 : i32
      %ne3A = arith.cmpi ne, %sign3A_47, %sign3A_54 : i32
      %rem3A = arith.remsi %scan3A_37, %jit3A : i32
      %ne3A_55 = arith.constant 0 : i32
      %ne3A_56 = arith.cmpi ne, %rem3A, %ne3A_55 : i32
      %and3A = arith.andi %ne3A, %ne3A_56 : i1
      %sub3A = arith.constant 1 : i32
      %sub3A_57 = arith.subi %div3A, %sub3A : i32
      %select_n3A = arith.select %and3A, %sub3A_57, %div3A : i32
      %jit3A_58 = arith.constant 128 : i32
      %eq3A_59 = arith.constant 0 : i32
      %eq3A_60 = arith.cmpi eq, %jit3A_58, %eq3A_59 : i32
      %jit3A_61 = arith.constant 1 : i32
      %select_n3A_62 = arith.select %eq3A_60, %jit3A_61, %jit3A_58 : i32
      %rem3A_63 = arith.remsi %scan3A_37, %select_n3A_62 : i32
      %ne3A_64 = arith.constant 0 : i32
      %ne3A_65 = arith.cmpi ne, %rem3A_63, %ne3A_64 : i32
      %lt3A = arith.constant 0 : i32
      %lt3A_66 = arith.cmpi slt, %rem3A_63, %lt3A : i32
      %lt3A_67 = arith.constant 0 : i32
      %lt3A_68 = arith.cmpi slt, %select_n3A_62, %lt3A_67 : i32
      %ne3A_69 = arith.xori %lt3A_66, %lt3A_68 : i1
      %and3A_70 = arith.andi %ne3A_69, %ne3A_65 : i1
      %add3A_71 = arith.addi %rem3A_63, %select_n3A_62 : i32
      %select_n3A_72 = arith.select %and3A_70, %add3A_71, %rem3A_63 : i32
      %mul3A_73 = arith.constant 32 : i32
      %mul3A_74 = arith.muli %select_n3A_72, %mul3A_73 : i32
      %get3A = arith.constant 0 : index
      %get3A_75 = arith.index_cast %select_n3A : i32 to index
      %get3A_76 = arith.index_cast %mul3A_74 : i32 to index
      %get3A_77 = arith.constant 0 : index
      %get3A_78 = vector.load %arg2[%get3A, %get3A_75, %get3A_76, %get3A_77] : memref<1x4x4096x128xf32, #tpu.memory_space<vmem>>, vector<1x1x32x128xf32>
      %get3A_79 = vector.shape_cast %get3A_78 : vector<1x1x32x128xf32> to vector<32x128xf32>
      %abs3A = math.absf %get3A_79 : vector<32x128xf32>
      %gt3A_80 = arith.constant 0.00999999977 : f32
      %gt3A_81 = vector.broadcast %gt3A_80 : f32 to vector<32x128xf32>
      %gt3A_82 = arith.cmpf ogt, %abs3A, %gt3A_81 : vector<32x128xf32>
      %jit3A_83 = arith.constant 0x7F800000 : f32
      %broadcast_in_dim3A_84 = vector.broadcast %jit3A_83 : f32 to vector<32x128xf32>
      %select_n3A_85 = arith.select %gt3A_82, %broadcast_in_dim3A_84, %get3A_79 : vector<32x128xi1>, vector<32x128xf32>
      %min3A = arith.minimumf %scan3A_38, %select_n3A_85 : vector<32x128xf32>
      %jit3A_86 = arith.constant 0xFF800000 : f32
      %broadcast_in_dim3A_87 = vector.broadcast %jit3A_86 : f32 to vector<32x128xf32>
      %select_n3A_88 = arith.select %gt3A_82, %broadcast_in_dim3A_87, %get3A_79 : vector<32x128xi1>, vector<32x128xf32>
      %max3A = arith.maximumf %scan3A_39, %select_n3A_88 : vector<32x128xf32>
      %jit3A_89 = arith.constant 0x7F800000 : f32
      %broadcast_in_dim3A_90 = vector.broadcast %jit3A_89 : f32 to vector<32x128xf32>
      %select_n3A_91 = arith.select %gt3A_82, %get3A_79, %broadcast_in_dim3A_90 : vector<32x128xi1>, vector<32x128xf32>
      %min3A_92 = arith.minimumf %scan3A_40, %select_n3A_91 : vector<32x128xf32>
      %jit3A_93 = arith.constant 0xFF800000 : f32
      %broadcast_in_dim3A_94 = vector.broadcast %jit3A_93 : f32 to vector<32x128xf32>
      %select_n3A_95 = arith.select %gt3A_82, %get3A_79, %broadcast_in_dim3A_94 : vector<32x128xi1>, vector<32x128xf32>
      %max3A_96 = arith.maximumf %scan3A_41, %select_n3A_95 : vector<32x128xf32>
      %scan3A_97 = arith.constant 1 : i32
      %scan3A_98 = arith.addi %scan3A_37, %scan3A_97 : i32
      %jit3A_99 = arith.constant 128 : i32
      %div3A_100 = arith.divsi %scan3A_98, %jit3A_99 : i32
      %sign3A_101 = arith.constant 0 : i32
      %sign3A_102 = arith.cmpi sgt, %scan3A_98, %sign3A_101 : i32
      %sign3A_103 = arith.extui %sign3A_102 : i1 to i32
      %sign3A_104 = arith.constant 0 : i32
      %sign3A_105 = arith.cmpi slt, %scan3A_98, %sign3A_104 : i32
      %sign3A_106 = arith.extui %sign3A_105 : i1 to i32
      %sign3A_107 = arith.subi %sign3A_103, %sign3A_106 : i32
      %sign3A_108 = arith.constant 0 : i32
      %sign3A_109 = arith.cmpi sgt, %jit3A_99, %sign3A_108 : i32
      %sign3A_110 = arith.extui %sign3A_109 : i1 to i32
      %sign3A_111 = arith.constant 0 : i32
      %sign3A_112 = arith.cmpi slt, %jit3A_99, %sign3A_111 : i32
      %sign3A_113 = arith.extui %sign3A_112 : i1 to i32
      %sign3A_114 = arith.subi %sign3A_110, %sign3A_113 : i32
      %ne3A_115 = arith.cmpi ne, %sign3A_107, %sign3A_114 : i32
      %rem3A_116 = arith.remsi %scan3A_98, %jit3A_99 : i32
      %ne3A_117 = arith.constant 0 : i32
      %ne3A_118 = arith.cmpi ne, %rem3A_116, %ne3A_117 : i32
      %and3A_119 = arith.andi %ne3A_115, %ne3A_118 : i1
      %sub3A_120 = arith.constant 1 : i32
      %sub3A_121 = arith.subi %div3A_100, %sub3A_120 : i32
      %select_n3A_122 = arith.select %and3A_119, %sub3A_121, %div3A_100 : i32
      %jit3A_123 = arith.constant 128 : i32
      %eq3A_124 = arith.constant 0 : i32
      %eq3A_125 = arith.cmpi eq, %jit3A_123, %eq3A_124 : i32
      %jit3A_126 = arith.constant 1 : i32
      %select_n3A_127 = arith.select %eq3A_125, %jit3A_126, %jit3A_123 : i32
      %rem3A_128 = arith.remsi %scan3A_98, %select_n3A_127 : i32
      %ne3A_129 = arith.constant 0 : i32
      %ne3A_130 = arith.cmpi ne, %rem3A_128, %ne3A_129 : i32
      %lt3A_131 = arith.constant 0 : i32
      %lt3A_132 = arith.cmpi slt, %rem3A_128, %lt3A_131 : i32
      %lt3A_133 = arith.constant 0 : i32
      %lt3A_134 = arith.cmpi slt, %select_n3A_127, %lt3A_133 : i32
      %ne3A_135 = arith.xori %lt3A_132, %lt3A_134 : i1
      %and3A_136 = arith.andi %ne3A_135, %ne3A_130 : i1
      %add3A_137 = arith.addi %rem3A_128, %select_n3A_127 : i32
      %select_n3A_138 = arith.select %and3A_136, %add3A_137, %rem3A_128 : i32
      %mul3A_139 = arith.constant 32 : i32
      %mul3A_140 = arith.muli %select_n3A_138, %mul3A_139 : i32
      %get3A_141 = arith.constant 0 : index
      %get3A_142 = arith.index_cast %select_n3A_122 : i32 to index
      %get3A_143 = arith.index_cast %mul3A_140 : i32 to index
      %get3A_144 = arith.constant 0 : index
      %get3A_145 = vector.load %arg2[%get3A_141, %get3A_142, %get3A_143, %get3A_144] : memref<1x4x4096x128xf32, #tpu.memory_space<vmem>>, vector<1x1x32x128xf32>
      %get3A_146 = vector.shape_cast %get3A_145 : vector<1x1x32x128xf32> to vector<32x128xf32>
      %abs3A_147 = math.absf %get3A_146 : vector<32x128xf32>
      %gt3A_148 = arith.constant 0.00999999977 : f32
      %gt3A_149 = vector.broadcast %gt3A_148 : f32 to vector<32x128xf32>
      %gt3A_150 = arith.cmpf ogt, %abs3A_147, %gt3A_149 : vector<32x128xf32>
      %jit3A_151 = arith.constant 0x7F800000 : f32
      %broadcast_in_dim3A_152 = vector.broadcast %jit3A_151 : f32 to vector<32x128xf32>
      %select_n3A_153 = arith.select %gt3A_150, %broadcast_in_dim3A_152, %get3A_146 : vector<32x128xi1>, vector<32x128xf32>
      %min3A_154 = arith.minimumf %min3A, %select_n3A_153 : vector<32x128xf32>
      %jit3A_155 = arith.constant 0xFF800000 : f32
      %broadcast_in_dim3A_156 = vector.broadcast %jit3A_155 : f32 to vector<32x128xf32>
      %select_n3A_157 = arith.select %gt3A_150, %broadcast_in_dim3A_156, %get3A_146 : vector<32x128xi1>, vector<32x128xf32>
      %max3A_158 = arith.maximumf %max3A, %select_n3A_157 : vector<32x128xf32>
      %jit3A_159 = arith.constant 0x7F800000 : f32
      %broadcast_in_dim3A_160 = vector.broadcast %jit3A_159 : f32 to vector<32x128xf32>
      %select_n3A_161 = arith.select %gt3A_150, %get3A_146, %broadcast_in_dim3A_160 : vector<32x128xi1>, vector<32x128xf32>
      %min3A_162 = arith.minimumf %min3A_92, %select_n3A_161 : vector<32x128xf32>
      %jit3A_163 = arith.constant 0xFF800000 : f32
      %broadcast_in_dim3A_164 = vector.broadcast %jit3A_163 : f32 to vector<32x128xf32>
      %select_n3A_165 = arith.select %gt3A_150, %get3A_146, %broadcast_in_dim3A_164 : vector<32x128xi1>, vector<32x128xf32>
      %max3A_166 = arith.maximumf %max3A_96, %select_n3A_165 : vector<32x128xf32>
      %scan3A_167 = arith.constant 2 : i32
      %scan3A_168 = arith.addi %scan3A_37, %scan3A_167 : i32
      %jit3A_169 = arith.constant 128 : i32
      %div3A_170 = arith.divsi %scan3A_168, %jit3A_169 : i32
      %sign3A_171 = arith.constant 0 : i32
      %sign3A_172 = arith.cmpi sgt, %scan3A_168, %sign3A_171 : i32
      %sign3A_173 = arith.extui %sign3A_172 : i1 to i32
      %sign3A_174 = arith.constant 0 : i32
      %sign3A_175 = arith.cmpi slt, %scan3A_168, %sign3A_174 : i32
      %sign3A_176 = arith.extui %sign3A_175 : i1 to i32
      %sign3A_177 = arith.subi %sign3A_173, %sign3A_176 : i32
      %sign3A_178 = arith.constant 0 : i32
      %sign3A_179 = arith.cmpi sgt, %jit3A_169, %sign3A_178 : i32
      %sign3A_180 = arith.extui %sign3A_179 : i1 to i32
      %sign3A_181 = arith.constant 0 : i32
      %sign3A_182 = arith.cmpi slt, %jit3A_169, %sign3A_181 : i32
      %sign3A_183 = arith.extui %sign3A_182 : i1 to i32
      %sign3A_184 = arith.subi %sign3A_180, %sign3A_183 : i32
      %ne3A_185 = arith.cmpi ne, %sign3A_177, %sign3A_184 : i32
      %rem3A_186 = arith.remsi %scan3A_168, %jit3A_169 : i32
      %ne3A_187 = arith.constant 0 : i32
      %ne3A_188 = arith.cmpi ne, %rem3A_186, %ne3A_187 : i32
      %and3A_189 = arith.andi %ne3A_185, %ne3A_188 : i1
      %sub3A_190 = arith.constant 1 : i32
      %sub3A_191 = arith.subi %div3A_170, %sub3A_190 : i32
      %select_n3A_192 = arith.select %and3A_189, %sub3A_191, %div3A_170 : i32
      %jit3A_193 = arith.constant 128 : i32
      %eq3A_194 = arith.constant 0 : i32
      %eq3A_195 = arith.cmpi eq, %jit3A_193, %eq3A_194 : i32
      %jit3A_196 = arith.constant 1 : i32
      %select_n3A_197 = arith.select %eq3A_195, %jit3A_196, %jit3A_193 : i32
      %rem3A_198 = arith.remsi %scan3A_168, %select_n3A_197 : i32
      %ne3A_199 = arith.constant 0 : i32
      %ne3A_200 = arith.cmpi ne, %rem3A_198, %ne3A_199 : i32
      %lt3A_201 = arith.constant 0 : i32
      %lt3A_202 = arith.cmpi slt, %rem3A_198, %lt3A_201 : i32
      %lt3A_203 = arith.constant 0 : i32
      %lt3A_204 = arith.cmpi slt, %select_n3A_197, %lt3A_203 : i32
      %ne3A_205 = arith.xori %lt3A_202, %lt3A_204 : i1
      %and3A_206 = arith.andi %ne3A_205, %ne3A_200 : i1
      %add3A_207 = arith.addi %rem3A_198, %select_n3A_197 : i32
      %select_n3A_208 = arith.select %and3A_206, %add3A_207, %rem3A_198 : i32
      %mul3A_209 = arith.constant 32 : i32
      %mul3A_210 = arith.muli %select_n3A_208, %mul3A_209 : i32
      %get3A_211 = arith.constant 0 : index
      %get3A_212 = arith.index_cast %select_n3A_192 : i32 to index
      %get3A_213 = arith.index_cast %mul3A_210 : i32 to index
      %get3A_214 = arith.constant 0 : index
      %get3A_215 = vector.load %arg2[%get3A_211, %get3A_212, %get3A_213, %get3A_214] : memref<1x4x4096x128xf32, #tpu.memory_space<vmem>>, vector<1x1x32x128xf32>
      %get3A_216 = vector.shape_cast %get3A_215 : vector<1x1x32x128xf32> to vector<32x128xf32>
      %abs3A_217 = math.absf %get3A_216 : vector<32x128xf32>
      %gt3A_218 = arith.constant 0.00999999977 : f32
      %gt3A_219 = vector.broadcast %gt3A_218 : f32 to vector<32x128xf32>
      %gt3A_220 = arith.cmpf ogt, %abs3A_217, %gt3A_219 : vector<32x128xf32>
      %jit3A_221 = arith.constant 0x7F800000 : f32
      %broadcast_in_dim3A_222 = vector.broadcast %jit3A_221 : f32 to vector<32x128xf32>
      %select_n3A_223 = arith.select %gt3A_220, %broadcast_in_dim3A_222, %get3A_216 : vector<32x128xi1>, vector<32x128xf32>
      %min3A_224 = arith.minimumf %min3A_154, %select_n3A_223 : vector<32x128xf32>
      %jit3A_225 = arith.constant 0xFF800000 : f32
      %broadcast_in_dim3A_226 = vector.broadcast %jit3A_225 : f32 to vector<32x128xf32>
      %select_n3A_227 = arith.select %gt3A_220, %broadcast_in_dim3A_226, %get3A_216 : vector<32x128xi1>, vector<32x128xf32>
      %max3A_228 = arith.maximumf %max3A_158, %select_n3A_227 : vector<32x128xf32>
      %jit3A_229 = arith.constant 0x7F800000 : f32
      %broadcast_in_dim3A_230 = vector.broadcast %jit3A_229 : f32 to vector<32x128xf32>
      %select_n3A_231 = arith.select %gt3A_220, %get3A_216, %broadcast_in_dim3A_230 : vector<32x128xi1>, vector<32x128xf32>
      %min3A_232 = arith.minimumf %min3A_162, %select_n3A_231 : vector<32x128xf32>
      %jit3A_233 = arith.constant 0xFF800000 : f32
      %broadcast_in_dim3A_234 = vector.broadcast %jit3A_233 : f32 to vector<32x128xf32>
      %select_n3A_235 = arith.select %gt3A_220, %get3A_216, %broadcast_in_dim3A_234 : vector<32x128xi1>, vector<32x128xf32>
      %max3A_236 = arith.maximumf %max3A_166, %select_n3A_235 : vector<32x128xf32>
      %scan3A_237 = arith.constant 3 : i32
      %scan3A_238 = arith.addi %scan3A_37, %scan3A_237 : i32
      %jit3A_239 = arith.constant 128 : i32
      %div3A_240 = arith.divsi %scan3A_238, %jit3A_239 : i32
      %sign3A_241 = arith.constant 0 : i32
      %sign3A_242 = arith.cmpi sgt, %scan3A_238, %sign3A_241 : i32
      %sign3A_243 = arith.extui %sign3A_242 : i1 to i32
      %sign3A_244 = arith.constant 0 : i32
      %sign3A_245 = arith.cmpi slt, %scan3A_238, %sign3A_244 : i32
      %sign3A_246 = arith.extui %sign3A_245 : i1 to i32
      %sign3A_247 = arith.subi %sign3A_243, %sign3A_246 : i32
      %sign3A_248 = arith.constant 0 : i32
      %sign3A_249 = arith.cmpi sgt, %jit3A_239, %sign3A_248 : i32
      %sign3A_250 = arith.extui %sign3A_249 : i1 to i32
      %sign3A_251 = arith.constant 0 : i32
      %sign3A_252 = arith.cmpi slt, %jit3A_239, %sign3A_251 : i32
      %sign3A_253 = arith.extui %sign3A_252 : i1 to i32
      %sign3A_254 = arith.subi %sign3A_250, %sign3A_253 : i32
      %ne3A_255 = arith.cmpi ne, %sign3A_247, %sign3A_254 : i32
      %rem3A_256 = arith.remsi %scan3A_238, %jit3A_239 : i32
      %ne3A_257 = arith.constant 0 : i32
      %ne3A_258 = arith.cmpi ne, %rem3A_256, %ne3A_257 : i32
      %and3A_259 = arith.andi %ne3A_255, %ne3A_258 : i1
      %sub3A_260 = arith.constant 1 : i32
      %sub3A_261 = arith.subi %div3A_240, %sub3A_260 : i32
      %select_n3A_262 = arith.select %and3A_259, %sub3A_261, %div3A_240 : i32
      %jit3A_263 = arith.constant 128 : i32
      %eq3A_264 = arith.constant 0 : i32
      %eq3A_265 = arith.cmpi eq, %jit3A_263, %eq3A_264 : i32
      %jit3A_266 = arith.constant 1 : i32
      %select_n3A_267 = arith.select %eq3A_265, %jit3A_266, %jit3A_263 : i32
      %rem3A_268 = arith.remsi %scan3A_238, %select_n3A_267 : i32
      %ne3A_269 = arith.constant 0 : i32
      %ne3A_270 = arith.cmpi ne, %rem3A_268, %ne3A_269 : i32
      %lt3A_271 = arith.constant 0 : i32
      %lt3A_272 = arith.cmpi slt, %rem3A_268, %lt3A_271 : i32
      %lt3A_273 = arith.constant 0 : i32
      %lt3A_274 = arith.cmpi slt, %select_n3A_267, %lt3A_273 : i32
      %ne3A_275 = arith.xori %lt3A_272, %lt3A_274 : i1
      %and3A_276 = arith.andi %ne3A_275, %ne3A_270 : i1
      %add3A_277 = arith.addi %rem3A_268, %select_n3A_267 : i32
      %select_n3A_278 = arith.select %and3A_276, %add3A_277, %rem3A_268 : i32
      %mul3A_279 = arith.constant 32 : i32
      %mul3A_280 = arith.muli %select_n3A_278, %mul3A_279 : i32
      %get3A_281 = arith.constant 0 : index
      %get3A_282 = arith.index_cast %select_n3A_262 : i32 to index
      %get3A_283 = arith.index_cast %mul3A_280 : i32 to index
      %get3A_284 = arith.constant 0 : index
      %get3A_285 = vector.load %arg2[%get3A_281, %get3A_282, %get3A_283, %get3A_284] : memref<1x4x4096x128xf32, #tpu.memory_space<vmem>>, vector<1x1x32x128xf32>
      %get3A_286 = vector.shape_cast %get3A_285 : vector<1x1x32x128xf32> to vector<32x128xf32>
      %abs3A_287 = math.absf %get3A_286 : vector<32x128xf32>
      %gt3A_288 = arith.constant 0.00999999977 : f32
      %gt3A_289 = vector.broadcast %gt3A_288 : f32 to vector<32x128xf32>
      %gt3A_290 = arith.cmpf ogt, %abs3A_287, %gt3A_289 : vector<32x128xf32>
      %jit3A_291 = arith.constant 0x7F800000 : f32
      %broadcast_in_dim3A_292 = vector.broadcast %jit3A_291 : f32 to vector<32x128xf32>
      %select_n3A_293 = arith.select %gt3A_290, %broadcast_in_dim3A_292, %get3A_286 : vector<32x128xi1>, vector<32x128xf32>
      %min3A_294 = arith.minimumf %min3A_224, %select_n3A_293 : vector<32x128xf32>
      %jit3A_295 = arith.constant 0xFF800000 : f32
      %broadcast_in_dim3A_296 = vector.broadcast %jit3A_295 : f32 to vector<32x128xf32>
      %select_n3A_297 = arith.select %gt3A_290, %broadcast_in_dim3A_296, %get3A_286 : vector<32x128xi1>, vector<32x128xf32>
      %max3A_298 = arith.maximumf %max3A_228, %select_n3A_297 : vector<32x128xf32>
      %jit3A_299 = arith.constant 0x7F800000 : f32
      %broadcast_in_dim3A_300 = vector.broadcast %jit3A_299 : f32 to vector<32x128xf32>
      %select_n3A_301 = arith.select %gt3A_290, %get3A_286, %broadcast_in_dim3A_300 : vector<32x128xi1>, vector<32x128xf32>
      %min3A_302 = arith.minimumf %min3A_232, %select_n3A_301 : vector<32x128xf32>
      %jit3A_303 = arith.constant 0xFF800000 : f32
      %broadcast_in_dim3A_304 = vector.broadcast %jit3A_303 : f32 to vector<32x128xf32>
      %select_n3A_305 = arith.select %gt3A_290, %get3A_286, %broadcast_in_dim3A_304 : vector<32x128xi1>, vector<32x128xf32>
      %max3A_306 = arith.maximumf %max3A_236, %select_n3A_305 : vector<32x128xf32>
      %scan3A_307 = arith.constant 4 : i32
      %scan3A_308 = arith.addi %scan3A_37, %scan3A_307 : i32
      %jit3A_309 = arith.constant 128 : i32
      %div3A_310 = arith.divsi %scan3A_308, %jit3A_309 : i32
      %sign3A_311 = arith.constant 0 : i32
      %sign3A_312 = arith.cmpi sgt, %scan3A_308, %sign3A_311 : i32
      %sign3A_313 = arith.extui %sign3A_312 : i1 to i32
      %sign3A_314 = arith.constant 0 : i32
      %sign3A_315 = arith.cmpi slt, %scan3A_308, %sign3A_314 : i32
      %sign3A_316 = arith.extui %sign3A_315 : i1 to i32
      %sign3A_317 = arith.subi %sign3A_313, %sign3A_316 : i32
      %sign3A_318 = arith.constant 0 : i32
      %sign3A_319 = arith.cmpi sgt, %jit3A_309, %sign3A_318 : i32
      %sign3A_320 = arith.extui %sign3A_319 : i1 to i32
      %sign3A_321 = arith.constant 0 : i32
      %sign3A_322 = arith.cmpi slt, %jit3A_309, %sign3A_321 : i32
      %sign3A_323 = arith.extui %sign3A_322 : i1 to i32
      %sign3A_324 = arith.subi %sign3A_320, %sign3A_323 : i32
      %ne3A_325 = arith.cmpi ne, %sign3A_317, %sign3A_324 : i32
      %rem3A_326 = arith.remsi %scan3A_308, %jit3A_309 : i32
      %ne3A_327 = arith.constant 0 : i32
      %ne3A_328 = arith.cmpi ne, %rem3A_326, %ne3A_327 : i32
      %and3A_329 = arith.andi %ne3A_325, %ne3A_328 : i1
      %sub3A_330 = arith.constant 1 : i32
      %sub3A_331 = arith.subi %div3A_310, %sub3A_330 : i32
      %select_n3A_332 = arith.select %and3A_329, %sub3A_331, %div3A_310 : i32
      %jit3A_333 = arith.constant 128 : i32
      %eq3A_334 = arith.constant 0 : i32
      %eq3A_335 = arith.cmpi eq, %jit3A_333, %eq3A_334 : i32
      %jit3A_336 = arith.constant 1 : i32
      %select_n3A_337 = arith.select %eq3A_335, %jit3A_336, %jit3A_333 : i32
      %rem3A_338 = arith.remsi %scan3A_308, %select_n3A_337 : i32
      %ne3A_339 = arith.constant 0 : i32
      %ne3A_340 = arith.cmpi ne, %rem3A_338, %ne3A_339 : i32
      %lt3A_341 = arith.constant 0 : i32
      %lt3A_342 = arith.cmpi slt, %rem3A_338, %lt3A_341 : i32
      %lt3A_343 = arith.constant 0 : i32
      %lt3A_344 = arith.cmpi slt, %select_n3A_337, %lt3A_343 : i32
      %ne3A_345 = arith.xori %lt3A_342, %lt3A_344 : i1
      %and3A_346 = arith.andi %ne3A_345, %ne3A_340 : i1
      %add3A_347 = arith.addi %rem3A_338, %select_n3A_337 : i32
      %select_n3A_348 = arith.select %and3A_346, %add3A_347, %rem3A_338 : i32
      %mul3A_349 = arith.constant 32 : i32
      %mul3A_350 = arith.muli %select_n3A_348, %mul3A_349 : i32
      %get3A_351 = arith.constant 0 : index
      %get3A_352 = arith.index_cast %select_n3A_332 : i32 to index
      %get3A_353 = arith.index_cast %mul3A_350 : i32 to index
      %get3A_354 = arith.constant 0 : index
      %get3A_355 = vector.load %arg2[%get3A_351, %get3A_352, %get3A_353, %get3A_354] : memref<1x4x4096x128xf32, #tpu.memory_space<vmem>>, vector<1x1x32x128xf32>
      %get3A_356 = vector.shape_cast %get3A_355 : vector<1x1x32x128xf32> to vector<32x128xf32>
      %abs3A_357 = math.absf %get3A_356 : vector<32x128xf32>
      %gt3A_358 = arith.constant 0.00999999977 : f32
      %gt3A_359 = vector.broadcast %gt3A_358 : f32 to vector<32x128xf32>
      %gt3A_360 = arith.cmpf ogt, %abs3A_357, %gt3A_359 : vector<32x128xf32>
      %jit3A_361 = arith.constant 0x7F800000 : f32
      %broadcast_in_dim3A_362 = vector.broadcast %jit3A_361 : f32 to vector<32x128xf32>
      %select_n3A_363 = arith.select %gt3A_360, %broadcast_in_dim3A_362, %get3A_356 : vector<32x128xi1>, vector<32x128xf32>
      %min3A_364 = arith.minimumf %min3A_294, %select_n3A_363 : vector<32x128xf32>
      %jit3A_365 = arith.constant 0xFF800000 : f32
      %broadcast_in_dim3A_366 = vector.broadcast %jit3A_365 : f32 to vector<32x128xf32>
      %select_n3A_367 = arith.select %gt3A_360, %broadcast_in_dim3A_366, %get3A_356 : vector<32x128xi1>, vector<32x128xf32>
      %max3A_368 = arith.maximumf %max3A_298, %select_n3A_367 : vector<32x128xf32>
      %jit3A_369 = arith.constant 0x7F800000 : f32
      %broadcast_in_dim3A_370 = vector.broadcast %jit3A_369 : f32 to vector<32x128xf32>
      %select_n3A_371 = arith.select %gt3A_360, %get3A_356, %broadcast_in_dim3A_370 : vector<32x128xi1>, vector<32x128xf32>
      %min3A_372 = arith.minimumf %min3A_302, %select_n3A_371 : vector<32x128xf32>
      %jit3A_373 = arith.constant 0xFF800000 : f32
      %broadcast_in_dim3A_374 = vector.broadcast %jit3A_373 : f32 to vector<32x128xf32>
      %select_n3A_375 = arith.select %gt3A_360, %get3A_356, %broadcast_in_dim3A_374 : vector<32x128xi1>, vector<32x128xf32>
      %max3A_376 = arith.maximumf %max3A_306, %select_n3A_375 : vector<32x128xf32>
      %scan3A_377 = arith.constant 5 : i32
      %scan3A_378 = arith.addi %scan3A_37, %scan3A_377 : i32
      %jit3A_379 = arith.constant 128 : i32
      %div3A_380 = arith.divsi %scan3A_378, %jit3A_379 : i32
      %sign3A_381 = arith.constant 0 : i32
      %sign3A_382 = arith.cmpi sgt, %scan3A_378, %sign3A_381 : i32
      %sign3A_383 = arith.extui %sign3A_382 : i1 to i32
      %sign3A_384 = arith.constant 0 : i32
      %sign3A_385 = arith.cmpi slt, %scan3A_378, %sign3A_384 : i32
      %sign3A_386 = arith.extui %sign3A_385 : i1 to i32
      %sign3A_387 = arith.subi %sign3A_383, %sign3A_386 : i32
      %sign3A_388 = arith.constant 0 : i32
      %sign3A_389 = arith.cmpi sgt, %jit3A_379, %sign3A_388 : i32
      %sign3A_390 = arith.extui %sign3A_389 : i1 to i32
      %sign3A_391 = arith.constant 0 : i32
      %sign3A_392 = arith.cmpi slt, %jit3A_379, %sign3A_391 : i32
      %sign3A_393 = arith.extui %sign3A_392 : i1 to i32
      %sign3A_394 = arith.subi %sign3A_390, %sign3A_393 : i32
      %ne3A_395 = arith.cmpi ne, %sign3A_387, %sign3A_394 : i32
      %rem3A_396 = arith.remsi %scan3A_378, %jit3A_379 : i32
      %ne3A_397 = arith.constant 0 : i32
      %ne3A_398 = arith.cmpi ne, %rem3A_396, %ne3A_397 : i32
      %and3A_399 = arith.andi %ne3A_395, %ne3A_398 : i1
      %sub3A_400 = arith.constant 1 : i32
      %sub3A_401 = arith.subi %div3A_380, %sub3A_400 : i32
      %select_n3A_402 = arith.select %and3A_399, %sub3A_401, %div3A_380 : i32
      %jit3A_403 = arith.constant 128 : i32
      %eq3A_404 = arith.constant 0 : i32
      %eq3A_405 = arith.cmpi eq, %jit3A_403, %eq3A_404 : i32
      %jit3A_406 = arith.constant 1 : i32
      %select_n3A_407 = arith.select %eq3A_405, %jit3A_406, %jit3A_403 : i32
      %rem3A_408 = arith.remsi %scan3A_378, %select_n3A_407 : i32
      %ne3A_409 = arith.constant 0 : i32
      %ne3A_410 = arith.cmpi ne, %rem3A_408, %ne3A_409 : i32
      %lt3A_411 = arith.constant 0 : i32
      %lt3A_412 = arith.cmpi slt, %rem3A_408, %lt3A_411 : i32
      %lt3A_413 = arith.constant 0 : i32
      %lt3A_414 = arith.cmpi slt, %select_n3A_407, %lt3A_413 : i32
      %ne3A_415 = arith.xori %lt3A_412, %lt3A_414 : i1
      %and3A_416 = arith.andi %ne3A_415, %ne3A_410 : i1
      %add3A_417 = arith.addi %rem3A_408, %select_n3A_407 : i32
      %select_n3A_418 = arith.select %and3A_416, %add3A_417, %rem3A_408 : i32
      %mul3A_419 = arith.constant 32 : i32
      %mul3A_420 = arith.muli %select_n3A_418, %mul3A_419 : i32
      %get3A_421 = arith.constant 0 : index
      %get3A_422 = arith.index_cast %select_n3A_402 : i32 to index
      %get3A_423 = arith.index_cast %mul3A_420 : i32 to index
      %get3A_424 = arith.constant 0 : index
      %get3A_425 = vector.load %arg2[%get3A_421, %get3A_422, %get3A_423, %get3A_424] : memref<1x4x4096x128xf32, #tpu.memory_space<vmem>>, vector<1x1x32x128xf32>
      %get3A_426 = vector.shape_cast %get3A_425 : vector<1x1x32x128xf32> to vector<32x128xf32>
      %abs3A_427 = math.absf %get3A_426 : vector<32x128xf32>
      %gt3A_428 = arith.constant 0.00999999977 : f32
      %gt3A_429 = vector.broadcast %gt3A_428 : f32 to vector<32x128xf32>
      %gt3A_430 = arith.cmpf ogt, %abs3A_427, %gt3A_429 : vector<32x128xf32>
      %jit3A_431 = arith.constant 0x7F800000 : f32
      %broadcast_in_dim3A_432 = vector.broadcast %jit3A_431 : f32 to vector<32x128xf32>
      %select_n3A_433 = arith.select %gt3A_430, %broadcast_in_dim3A_432, %get3A_426 : vector<32x128xi1>, vector<32x128xf32>
      %min3A_434 = arith.minimumf %min3A_364, %select_n3A_433 : vector<32x128xf32>
      %jit3A_435 = arith.constant 0xFF800000 : f32
      %broadcast_in_dim3A_436 = vector.broadcast %jit3A_435 : f32 to vector<32x128xf32>
      %select_n3A_437 = arith.select %gt3A_430, %broadcast_in_dim3A_436, %get3A_426 : vector<32x128xi1>, vector<32x128xf32>
      %max3A_438 = arith.maximumf %max3A_368, %select_n3A_437 : vector<32x128xf32>
      %jit3A_439 = arith.constant 0x7F800000 : f32
      %broadcast_in_dim3A_440 = vector.broadcast %jit3A_439 : f32 to vector<32x128xf32>
      %select_n3A_441 = arith.select %gt3A_430, %get3A_426, %broadcast_in_dim3A_440 : vector<32x128xi1>, vector<32x128xf32>
      %min3A_442 = arith.minimumf %min3A_372, %select_n3A_441 : vector<32x128xf32>
      %jit3A_443 = arith.constant 0xFF800000 : f32
      %broadcast_in_dim3A_444 = vector.broadcast %jit3A_443 : f32 to vector<32x128xf32>
      %select_n3A_445 = arith.select %gt3A_430, %get3A_426, %broadcast_in_dim3A_444 : vector<32x128xi1>, vector<32x128xf32>
      %max3A_446 = arith.maximumf %max3A_376, %select_n3A_445 : vector<32x128xf32>
      %scan3A_447 = arith.constant 6 : i32
      %scan3A_448 = arith.addi %scan3A_37, %scan3A_447 : i32
      %jit3A_449 = arith.constant 128 : i32
      %div3A_450 = arith.divsi %scan3A_448, %jit3A_449 : i32
      %sign3A_451 = arith.constant 0 : i32
      %sign3A_452 = arith.cmpi sgt, %scan3A_448, %sign3A_451 : i32
      %sign3A_453 = arith.extui %sign3A_452 : i1 to i32
      %sign3A_454 = arith.constant 0 : i32
      %sign3A_455 = arith.cmpi slt, %scan3A_448, %sign3A_454 : i32
      %sign3A_456 = arith.extui %sign3A_455 : i1 to i32
      %sign3A_457 = arith.subi %sign3A_453, %sign3A_456 : i32
      %sign3A_458 = arith.constant 0 : i32
      %sign3A_459 = arith.cmpi sgt, %jit3A_449, %sign3A_458 : i32
      %sign3A_460 = arith.extui %sign3A_459 : i1 to i32
      %sign3A_461 = arith.constant 0 : i32
      %sign3A_462 = arith.cmpi slt, %jit3A_449, %sign3A_461 : i32
      %sign3A_463 = arith.extui %sign3A_462 : i1 to i32
      %sign3A_464 = arith.subi %sign3A_460, %sign3A_463 : i32
      %ne3A_465 = arith.cmpi ne, %sign3A_457, %sign3A_464 : i32
      %rem3A_466 = arith.remsi %scan3A_448, %jit3A_449 : i32
      %ne3A_467 = arith.constant 0 : i32
      %ne3A_468 = arith.cmpi ne, %rem3A_466, %ne3A_467 : i32
      %and3A_469 = arith.andi %ne3A_465, %ne3A_468 : i1
      %sub3A_470 = arith.constant 1 : i32
      %sub3A_471 = arith.subi %div3A_450, %sub3A_470 : i32
      %select_n3A_472 = arith.select %and3A_469, %sub3A_471, %div3A_450 : i32
      %jit3A_473 = arith.constant 128 : i32
      %eq3A_474 = arith.constant 0 : i32
      %eq3A_475 = arith.cmpi eq, %jit3A_473, %eq3A_474 : i32
      %jit3A_476 = arith.constant 1 : i32
      %select_n3A_477 = arith.select %eq3A_475, %jit3A_476, %jit3A_473 : i32
      %rem3A_478 = arith.remsi %scan3A_448, %select_n3A_477 : i32
      %ne3A_479 = arith.constant 0 : i32
      %ne3A_480 = arith.cmpi ne, %rem3A_478, %ne3A_479 : i32
      %lt3A_481 = arith.constant 0 : i32
      %lt3A_482 = arith.cmpi slt, %rem3A_478, %lt3A_481 : i32
      %lt3A_483 = arith.constant 0 : i32
      %lt3A_484 = arith.cmpi slt, %select_n3A_477, %lt3A_483 : i32
      %ne3A_485 = arith.xori %lt3A_482, %lt3A_484 : i1
      %and3A_486 = arith.andi %ne3A_485, %ne3A_480 : i1
      %add3A_487 = arith.addi %rem3A_478, %select_n3A_477 : i32
      %select_n3A_488 = arith.select %and3A_486, %add3A_487, %rem3A_478 : i32
      %mul3A_489 = arith.constant 32 : i32
      %mul3A_490 = arith.muli %select_n3A_488, %mul3A_489 : i32
      %get3A_491 = arith.constant 0 : index
      %get3A_492 = arith.index_cast %select_n3A_472 : i32 to index
      %get3A_493 = arith.index_cast %mul3A_490 : i32 to index
      %get3A_494 = arith.constant 0 : index
      %get3A_495 = vector.load %arg2[%get3A_491, %get3A_492, %get3A_493, %get3A_494] : memref<1x4x4096x128xf32, #tpu.memory_space<vmem>>, vector<1x1x32x128xf32>
      %get3A_496 = vector.shape_cast %get3A_495 : vector<1x1x32x128xf32> to vector<32x128xf32>
      %abs3A_497 = math.absf %get3A_496 : vector<32x128xf32>
      %gt3A_498 = arith.constant 0.00999999977 : f32
      %gt3A_499 = vector.broadcast %gt3A_498 : f32 to vector<32x128xf32>
      %gt3A_500 = arith.cmpf ogt, %abs3A_497, %gt3A_499 : vector<32x128xf32>
      %jit3A_501 = arith.constant 0x7F800000 : f32
      %broadcast_in_dim3A_502 = vector.broadcast %jit3A_501 : f32 to vector<32x128xf32>
      %select_n3A_503 = arith.select %gt3A_500, %broadcast_in_dim3A_502, %get3A_496 : vector<32x128xi1>, vector<32x128xf32>
      %min3A_504 = arith.minimumf %min3A_434, %select_n3A_503 : vector<32x128xf32>
      %jit3A_505 = arith.constant 0xFF800000 : f32
      %broadcast_in_dim3A_506 = vector.broadcast %jit3A_505 : f32 to vector<32x128xf32>
      %select_n3A_507 = arith.select %gt3A_500, %broadcast_in_dim3A_506, %get3A_496 : vector<32x128xi1>, vector<32x128xf32>
      %max3A_508 = arith.maximumf %max3A_438, %select_n3A_507 : vector<32x128xf32>
      %jit3A_509 = arith.constant 0x7F800000 : f32
      %broadcast_in_dim3A_510 = vector.broadcast %jit3A_509 : f32 to vector<32x128xf32>
      %select_n3A_511 = arith.select %gt3A_500, %get3A_496, %broadcast_in_dim3A_510 : vector<32x128xi1>, vector<32x128xf32>
      %min3A_512 = arith.minimumf %min3A_442, %select_n3A_511 : vector<32x128xf32>
      %jit3A_513 = arith.constant 0xFF800000 : f32
      %broadcast_in_dim3A_514 = vector.broadcast %jit3A_513 : f32 to vector<32x128xf32>
      %select_n3A_515 = arith.select %gt3A_500, %get3A_496, %broadcast_in_dim3A_514 : vector<32x128xi1>, vector<32x128xf32>
      %max3A_516 = arith.maximumf %max3A_446, %select_n3A_515 : vector<32x128xf32>
      %scan3A_517 = arith.constant 7 : i32
      %scan3A_518 = arith.addi %scan3A_37, %scan3A_517 : i32
      %jit3A_519 = arith.constant 128 : i32
      %div3A_520 = arith.divsi %scan3A_518, %jit3A_519 : i32
      %sign3A_521 = arith.constant 0 : i32
      %sign3A_522 = arith.cmpi sgt, %scan3A_518, %sign3A_521 : i32
      %sign3A_523 = arith.extui %sign3A_522 : i1 to i32
      %sign3A_524 = arith.constant 0 : i32
      %sign3A_525 = arith.cmpi slt, %scan3A_518, %sign3A_524 : i32
      %sign3A_526 = arith.extui %sign3A_525 : i1 to i32
      %sign3A_527 = arith.subi %sign3A_523, %sign3A_526 : i32
      %sign3A_528 = arith.constant 0 : i32
      %sign3A_529 = arith.cmpi sgt, %jit3A_519, %sign3A_528 : i32
      %sign3A_530 = arith.extui %sign3A_529 : i1 to i32
      %sign3A_531 = arith.constant 0 : i32
      %sign3A_532 = arith.cmpi slt, %jit3A_519, %sign3A_531 : i32
      %sign3A_533 = arith.extui %sign3A_532 : i1 to i32
      %sign3A_534 = arith.subi %sign3A_530, %sign3A_533 : i32
      %ne3A_535 = arith.cmpi ne, %sign3A_527, %sign3A_534 : i32
      %rem3A_536 = arith.remsi %scan3A_518, %jit3A_519 : i32
      %ne3A_537 = arith.constant 0 : i32
      %ne3A_538 = arith.cmpi ne, %rem3A_536, %ne3A_537 : i32
      %and3A_539 = arith.andi %ne3A_535, %ne3A_538 : i1
      %sub3A_540 = arith.constant 1 : i32
      %sub3A_541 = arith.subi %div3A_520, %sub3A_540 : i32
      %select_n3A_542 = arith.select %and3A_539, %sub3A_541, %div3A_520 : i32
      %jit3A_543 = arith.constant 128 : i32
      %eq3A_544 = arith.constant 0 : i32
      %eq3A_545 = arith.cmpi eq, %jit3A_543, %eq3A_544 : i32
      %jit3A_546 = arith.constant 1 : i32
      %select_n3A_547 = arith.select %eq3A_545, %jit3A_546, %jit3A_543 : i32
      %rem3A_548 = arith.remsi %scan3A_518, %select_n3A_547 : i32
      %ne3A_549 = arith.constant 0 : i32
      %ne3A_550 = arith.cmpi ne, %rem3A_548, %ne3A_549 : i32
      %lt3A_551 = arith.constant 0 : i32
      %lt3A_552 = arith.cmpi slt, %rem3A_548, %lt3A_551 : i32
      %lt3A_553 = arith.constant 0 : i32
      %lt3A_554 = arith.cmpi slt, %select_n3A_547, %lt3A_553 : i32
      %ne3A_555 = arith.xori %lt3A_552, %lt3A_554 : i1
      %and3A_556 = arith.andi %ne3A_555, %ne3A_550 : i1
      %add3A_557 = arith.addi %rem3A_548, %select_n3A_547 : i32
      %select_n3A_558 = arith.select %and3A_556, %add3A_557, %rem3A_548 : i32
      %mul3A_559 = arith.constant 32 : i32
      %mul3A_560 = arith.muli %select_n3A_558, %mul3A_559 : i32
      %get3A_561 = arith.constant 0 : index
      %get3A_562 = arith.index_cast %select_n3A_542 : i32 to index
      %get3A_563 = arith.index_cast %mul3A_560 : i32 to index
      %get3A_564 = arith.constant 0 : index
      %get3A_565 = vector.load %arg2[%get3A_561, %get3A_562, %get3A_563, %get3A_564] : memref<1x4x4096x128xf32, #tpu.memory_space<vmem>>, vector<1x1x32x128xf32>
      %get3A_566 = vector.shape_cast %get3A_565 : vector<1x1x32x128xf32> to vector<32x128xf32>
      %abs3A_567 = math.absf %get3A_566 : vector<32x128xf32>
      %gt3A_568 = arith.constant 0.00999999977 : f32
      %gt3A_569 = vector.broadcast %gt3A_568 : f32 to vector<32x128xf32>
      %gt3A_570 = arith.cmpf ogt, %abs3A_567, %gt3A_569 : vector<32x128xf32>
      %jit3A_571 = arith.constant 0x7F800000 : f32
      %broadcast_in_dim3A_572 = vector.broadcast %jit3A_571 : f32 to vector<32x128xf32>
      %select_n3A_573 = arith.select %gt3A_570, %broadcast_in_dim3A_572, %get3A_566 : vector<32x128xi1>, vector<32x128xf32>
      %min3A_574 = arith.minimumf %min3A_504, %select_n3A_573 : vector<32x128xf32>
      %jit3A_575 = arith.constant 0xFF800000 : f32
      %broadcast_in_dim3A_576 = vector.broadcast %jit3A_575 : f32 to vector<32x128xf32>
      %select_n3A_577 = arith.select %gt3A_570, %broadcast_in_dim3A_576, %get3A_566 : vector<32x128xi1>, vector<32x128xf32>
      %max3A_578 = arith.maximumf %max3A_508, %select_n3A_577 : vector<32x128xf32>
      %jit3A_579 = arith.constant 0x7F800000 : f32
      %broadcast_in_dim3A_580 = vector.broadcast %jit3A_579 : f32 to vector<32x128xf32>
      %select_n3A_581 = arith.select %gt3A_570, %get3A_566, %broadcast_in_dim3A_580 : vector<32x128xi1>, vector<32x128xf32>
      %min3A_582 = arith.minimumf %min3A_512, %select_n3A_581 : vector<32x128xf32>
      %jit3A_583 = arith.constant 0xFF800000 : f32
      %broadcast_in_dim3A_584 = vector.broadcast %jit3A_583 : f32 to vector<32x128xf32>
      %select_n3A_585 = arith.select %gt3A_570, %get3A_566, %broadcast_in_dim3A_584 : vector<32x128xi1>, vector<32x128xf32>
      %max3A_586 = arith.maximumf %max3A_516, %select_n3A_585 : vector<32x128xf32>
      %scan3A_587 = arith.constant 8 : i32
      %scan3A_588 = arith.addi %scan3A_37, %scan3A_587 : i32
      %jit3A_589 = arith.constant 128 : i32
      %div3A_590 = arith.divsi %scan3A_588, %jit3A_589 : i32
      %sign3A_591 = arith.constant 0 : i32
      %sign3A_592 = arith.cmpi sgt, %scan3A_588, %sign3A_591 : i32
      %sign3A_593 = arith.extui %sign3A_592 : i1 to i32
      %sign3A_594 = arith.constant 0 : i32
      %sign3A_595 = arith.cmpi slt, %scan3A_588, %sign3A_594 : i32
      %sign3A_596 = arith.extui %sign3A_595 : i1 to i32
      %sign3A_597 = arith.subi %sign3A_593, %sign3A_596 : i32
      %sign3A_598 = arith.constant 0 : i32
      %sign3A_599 = arith.cmpi sgt, %jit3A_589, %sign3A_598 : i32
      %sign3A_600 = arith.extui %sign3A_599 : i1 to i32
      %sign3A_601 = arith.constant 0 : i32
      %sign3A_602 = arith.cmpi slt, %jit3A_589, %sign3A_601 : i32
      %sign3A_603 = arith.extui %sign3A_602 : i1 to i32
      %sign3A_604 = arith.subi %sign3A_600, %sign3A_603 : i32
      %ne3A_605 = arith.cmpi ne, %sign3A_597, %sign3A_604 : i32
      %rem3A_606 = arith.remsi %scan3A_588, %jit3A_589 : i32
      %ne3A_607 = arith.constant 0 : i32
      %ne3A_608 = arith.cmpi ne, %rem3A_606, %ne3A_607 : i32
      %and3A_609 = arith.andi %ne3A_605, %ne3A_608 : i1
      %sub3A_610 = arith.constant 1 : i32
      %sub3A_611 = arith.subi %div3A_590, %sub3A_610 : i32
      %select_n3A_612 = arith.select %and3A_609, %sub3A_611, %div3A_590 : i32
      %jit3A_613 = arith.constant 128 : i32
      %eq3A_614 = arith.constant 0 : i32
      %eq3A_615 = arith.cmpi eq, %jit3A_613, %eq3A_614 : i32
      %jit3A_616 = arith.constant 1 : i32
      %select_n3A_617 = arith.select %eq3A_615, %jit3A_616, %jit3A_613 : i32
      %rem3A_618 = arith.remsi %scan3A_588, %select_n3A_617 : i32
      %ne3A_619 = arith.constant 0 : i32
      %ne3A_620 = arith.cmpi ne, %rem3A_618, %ne3A_619 : i32
      %lt3A_621 = arith.constant 0 : i32
      %lt3A_622 = arith.cmpi slt, %rem3A_618, %lt3A_621 : i32
      %lt3A_623 = arith.constant 0 : i32
      %lt3A_624 = arith.cmpi slt, %select_n3A_617, %lt3A_623 : i32
      %ne3A_625 = arith.xori %lt3A_622, %lt3A_624 : i1
      %and3A_626 = arith.andi %ne3A_625, %ne3A_620 : i1
      %add3A_627 = arith.addi %rem3A_618, %select_n3A_617 : i32
      %select_n3A_628 = arith.select %and3A_626, %add3A_627, %rem3A_618 : i32
      %mul3A_629 = arith.constant 32 : i32
      %mul3A_630 = arith.muli %select_n3A_628, %mul3A_629 : i32
      %get3A_631 = arith.constant 0 : index
      %get3A_632 = arith.index_cast %select_n3A_612 : i32 to index
      %get3A_633 = arith.index_cast %mul3A_630 : i32 to index
      %get3A_634 = arith.constant 0 : index
      %get3A_635 = vector.load %arg2[%get3A_631, %get3A_632, %get3A_633, %get3A_634] : memref<1x4x4096x128xf32, #tpu.memory_space<vmem>>, vector<1x1x32x128xf32>
      %get3A_636 = vector.shape_cast %get3A_635 : vector<1x1x32x128xf32> to vector<32x128xf32>
      %abs3A_637 = math.absf %get3A_636 : vector<32x128xf32>
      %gt3A_638 = arith.constant 0.00999999977 : f32
      %gt3A_639 = vector.broadcast %gt3A_638 : f32 to vector<32x128xf32>
      %gt3A_640 = arith.cmpf ogt, %abs3A_637, %gt3A_639 : vector<32x128xf32>
      %jit3A_641 = arith.constant 0x7F800000 : f32
      %broadcast_in_dim3A_642 = vector.broadcast %jit3A_641 : f32 to vector<32x128xf32>
      %select_n3A_643 = arith.select %gt3A_640, %broadcast_in_dim3A_642, %get3A_636 : vector<32x128xi1>, vector<32x128xf32>
      %min3A_644 = arith.minimumf %min3A_574, %select_n3A_643 : vector<32x128xf32>
      %jit3A_645 = arith.constant 0xFF800000 : f32
      %broadcast_in_dim3A_646 = vector.broadcast %jit3A_645 : f32 to vector<32x128xf32>
      %select_n3A_647 = arith.select %gt3A_640, %broadcast_in_dim3A_646, %get3A_636 : vector<32x128xi1>, vector<32x128xf32>
      %max3A_648 = arith.maximumf %max3A_578, %select_n3A_647 : vector<32x128xf32>
      %jit3A_649 = arith.constant 0x7F800000 : f32
      %broadcast_in_dim3A_650 = vector.broadcast %jit3A_649 : f32 to vector<32x128xf32>
      %select_n3A_651 = arith.select %gt3A_640, %get3A_636, %broadcast_in_dim3A_650 : vector<32x128xi1>, vector<32x128xf32>
      %min3A_652 = arith.minimumf %min3A_582, %select_n3A_651 : vector<32x128xf32>
      %jit3A_653 = arith.constant 0xFF800000 : f32
      %broadcast_in_dim3A_654 = vector.broadcast %jit3A_653 : f32 to vector<32x128xf32>
      %select_n3A_655 = arith.select %gt3A_640, %get3A_636, %broadcast_in_dim3A_654 : vector<32x128xi1>, vector<32x128xf32>
      %max3A_656 = arith.maximumf %max3A_586, %select_n3A_655 : vector<32x128xf32>
      %scan3A_657 = arith.constant 9 : i32
      %scan3A_658 = arith.addi %scan3A_37, %scan3A_657 : i32
      %jit3A_659 = arith.constant 128 : i32
      %div3A_660 = arith.divsi %scan3A_658, %jit3A_659 : i32
      %sign3A_661 = arith.constant 0 : i32
      %sign3A_662 = arith.cmpi sgt, %scan3A_658, %sign3A_661 : i32
      %sign3A_663 = arith.extui %sign3A_662 : i1 to i32
      %sign3A_664 = arith.constant 0 : i32
      %sign3A_665 = arith.cmpi slt, %scan3A_658, %sign3A_664 : i32
      %sign3A_666 = arith.extui %sign3A_665 : i1 to i32
      %sign3A_667 = arith.subi %sign3A_663, %sign3A_666 : i32
      %sign3A_668 = arith.constant 0 : i32
      %sign3A_669 = arith.cmpi sgt, %jit3A_659, %sign3A_668 : i32
      %sign3A_670 = arith.extui %sign3A_669 : i1 to i32
      %sign3A_671 = arith.constant 0 : i32
      %sign3A_672 = arith.cmpi slt, %jit3A_659, %sign3A_671 : i32
      %sign3A_673 = arith.extui %sign3A_672 : i1 to i32
      %sign3A_674 = arith.subi %sign3A_670, %sign3A_673 : i32
      %ne3A_675 = arith.cmpi ne, %sign3A_667, %sign3A_674 : i32
      %rem3A_676 = arith.remsi %scan3A_658, %jit3A_659 : i32
      %ne3A_677 = arith.constant 0 : i32
      %ne3A_678 = arith.cmpi ne, %rem3A_676, %ne3A_677 : i32
      %and3A_679 = arith.andi %ne3A_675, %ne3A_678 : i1
      %sub3A_680 = arith.constant 1 : i32
      %sub3A_681 = arith.subi %div3A_660, %sub3A_680 : i32
      %select_n3A_682 = arith.select %and3A_679, %sub3A_681, %div3A_660 : i32
      %jit3A_683 = arith.constant 128 : i32
      %eq3A_684 = arith.constant 0 : i32
      %eq3A_685 = arith.cmpi eq, %jit3A_683, %eq3A_684 : i32
      %jit3A_686 = arith.constant 1 : i32
      %select_n3A_687 = arith.select %eq3A_685, %jit3A_686, %jit3A_683 : i32
      %rem3A_688 = arith.remsi %scan3A_658, %select_n3A_687 : i32
      %ne3A_689 = arith.constant 0 : i32
      %ne3A_690 = arith.cmpi ne, %rem3A_688, %ne3A_689 : i32
      %lt3A_691 = arith.constant 0 : i32
      %lt3A_692 = arith.cmpi slt, %rem3A_688, %lt3A_691 : i32
      %lt3A_693 = arith.constant 0 : i32
      %lt3A_694 = arith.cmpi slt, %select_n3A_687, %lt3A_693 : i32
      %ne3A_695 = arith.xori %lt3A_692, %lt3A_694 : i1
      %and3A_696 = arith.andi %ne3A_695, %ne3A_690 : i1
      %add3A_697 = arith.addi %rem3A_688, %select_n3A_687 : i32
      %select_n3A_698 = arith.select %and3A_696, %add3A_697, %rem3A_688 : i32
      %mul3A_699 = arith.constant 32 : i32
      %mul3A_700 = arith.muli %select_n3A_698, %mul3A_699 : i32
      %get3A_701 = arith.constant 0 : index
      %get3A_702 = arith.index_cast %select_n3A_682 : i32 to index
      %get3A_703 = arith.index_cast %mul3A_700 : i32 to index
      %get3A_704 = arith.constant 0 : index
      %get3A_705 = vector.load %arg2[%get3A_701, %get3A_702, %get3A_703, %get3A_704] : memref<1x4x4096x128xf32, #tpu.memory_space<vmem>>, vector<1x1x32x128xf32>
      %get3A_706 = vector.shape_cast %get3A_705 : vector<1x1x32x128xf32> to vector<32x128xf32>
      %abs3A_707 = math.absf %get3A_706 : vector<32x128xf32>
      %gt3A_708 = arith.constant 0.00999999977 : f32
      %gt3A_709 = vector.broadcast %gt3A_708 : f32 to vector<32x128xf32>
      %gt3A_710 = arith.cmpf ogt, %abs3A_707, %gt3A_709 : vector<32x128xf32>
      %jit3A_711 = arith.constant 0x7F800000 : f32
      %broadcast_in_dim3A_712 = vector.broadcast %jit3A_711 : f32 to vector<32x128xf32>
      %select_n3A_713 = arith.select %gt3A_710, %broadcast_in_dim3A_712, %get3A_706 : vector<32x128xi1>, vector<32x128xf32>
      %min3A_714 = arith.minimumf %min3A_644, %select_n3A_713 : vector<32x128xf32>
      %jit3A_715 = arith.constant 0xFF800000 : f32
      %broadcast_in_dim3A_716 = vector.broadcast %jit3A_715 : f32 to vector<32x128xf32>
      %select_n3A_717 = arith.select %gt3A_710, %broadcast_in_dim3A_716, %get3A_706 : vector<32x128xi1>, vector<32x128xf32>
      %max3A_718 = arith.maximumf %max3A_648, %select_n3A_717 : vector<32x128xf32>
      %jit3A_719 = arith.constant 0x7F800000 : f32
      %broadcast_in_dim3A_720 = vector.broadcast %jit3A_719 : f32 to vector<32x128xf32>
      %select_n3A_721 = arith.select %gt3A_710, %get3A_706, %broadcast_in_dim3A_720 : vector<32x128xi1>, vector<32x128xf32>
      %min3A_722 = arith.minimumf %min3A_652, %select_n3A_721 : vector<32x128xf32>
      %jit3A_723 = arith.constant 0xFF800000 : f32
      %broadcast_in_dim3A_724 = vector.broadcast %jit3A_723 : f32 to vector<32x128xf32>
      %select_n3A_725 = arith.select %gt3A_710, %get3A_706, %broadcast_in_dim3A_724 : vector<32x128xi1>, vector<32x128xf32>
      %max3A_726 = arith.maximumf %max3A_656, %select_n3A_725 : vector<32x128xf32>
      %scan3A_727 = arith.constant 10 : i32
      %scan3A_728 = arith.addi %scan3A_37, %scan3A_727 : i32
      %jit3A_729 = arith.constant 128 : i32
      %div3A_730 = arith.divsi %scan3A_728, %jit3A_729 : i32
      %sign3A_731 = arith.constant 0 : i32
      %sign3A_732 = arith.cmpi sgt, %scan3A_728, %sign3A_731 : i32
      %sign3A_733 = arith.extui %sign3A_732 : i1 to i32
      %sign3A_734 = arith.constant 0 : i32
      %sign3A_735 = arith.cmpi slt, %scan3A_728, %sign3A_734 : i32
      %sign3A_736 = arith.extui %sign3A_735 : i1 to i32
      %sign3A_737 = arith.subi %sign3A_733, %sign3A_736 : i32
      %sign3A_738 = arith.constant 0 : i32
      %sign3A_739 = arith.cmpi sgt, %jit3A_729, %sign3A_738 : i32
      %sign3A_740 = arith.extui %sign3A_739 : i1 to i32
      %sign3A_741 = arith.constant 0 : i32
      %sign3A_742 = arith.cmpi slt, %jit3A_729, %sign3A_741 : i32
      %sign3A_743 = arith.extui %sign3A_742 : i1 to i32
      %sign3A_744 = arith.subi %sign3A_740, %sign3A_743 : i32
      %ne3A_745 = arith.cmpi ne, %sign3A_737, %sign3A_744 : i32
      %rem3A_746 = arith.remsi %scan3A_728, %jit3A_729 : i32
      %ne3A_747 = arith.constant 0 : i32
      %ne3A_748 = arith.cmpi ne, %rem3A_746, %ne3A_747 : i32
      %and3A_749 = arith.andi %ne3A_745, %ne3A_748 : i1
      %sub3A_750 = arith.constant 1 : i32
      %sub3A_751 = arith.subi %div3A_730, %sub3A_750 : i32
      %select_n3A_752 = arith.select %and3A_749, %sub3A_751, %div3A_730 : i32
      %jit3A_753 = arith.constant 128 : i32
      %eq3A_754 = arith.constant 0 : i32
      %eq3A_755 = arith.cmpi eq, %jit3A_753, %eq3A_754 : i32
      %jit3A_756 = arith.constant 1 : i32
      %select_n3A_757 = arith.select %eq3A_755, %jit3A_756, %jit3A_753 : i32
      %rem3A_758 = arith.remsi %scan3A_728, %select_n3A_757 : i32
      %ne3A_759 = arith.constant 0 : i32
      %ne3A_760 = arith.cmpi ne, %rem3A_758, %ne3A_759 : i32
      %lt3A_761 = arith.constant 0 : i32
      %lt3A_762 = arith.cmpi slt, %rem3A_758, %lt3A_761 : i32
      %lt3A_763 = arith.constant 0 : i32
      %lt3A_764 = arith.cmpi slt, %select_n3A_757, %lt3A_763 : i32
      %ne3A_765 = arith.xori %lt3A_762, %lt3A_764 : i1
      %and3A_766 = arith.andi %ne3A_765, %ne3A_760 : i1
      %add3A_767 = arith.addi %rem3A_758, %select_n3A_757 : i32
      %select_n3A_768 = arith.select %and3A_766, %add3A_767, %rem3A_758 : i32
      %mul3A_769 = arith.constant 32 : i32
      %mul3A_770 = arith.muli %select_n3A_768, %mul3A_769 : i32
      %get3A_771 = arith.constant 0 : index
      %get3A_772 = arith.index_cast %select_n3A_752 : i32 to index
      %get3A_773 = arith.index_cast %mul3A_770 : i32 to index
      %get3A_774 = arith.constant 0 : index
      %get3A_775 = vector.load %arg2[%get3A_771, %get3A_772, %get3A_773, %get3A_774] : memref<1x4x4096x128xf32, #tpu.memory_space<vmem>>, vector<1x1x32x128xf32>
      %get3A_776 = vector.shape_cast %get3A_775 : vector<1x1x32x128xf32> to vector<32x128xf32>
      %abs3A_777 = math.absf %get3A_776 : vector<32x128xf32>
      %gt3A_778 = arith.constant 0.00999999977 : f32
      %gt3A_779 = vector.broadcast %gt3A_778 : f32 to vector<32x128xf32>
      %gt3A_780 = arith.cmpf ogt, %abs3A_777, %gt3A_779 : vector<32x128xf32>
      %jit3A_781 = arith.constant 0x7F800000 : f32
      %broadcast_in_dim3A_782 = vector.broadcast %jit3A_781 : f32 to vector<32x128xf32>
      %select_n3A_783 = arith.select %gt3A_780, %broadcast_in_dim3A_782, %get3A_776 : vector<32x128xi1>, vector<32x128xf32>
      %min3A_784 = arith.minimumf %min3A_714, %select_n3A_783 : vector<32x128xf32>
      %jit3A_785 = arith.constant 0xFF800000 : f32
      %broadcast_in_dim3A_786 = vector.broadcast %jit3A_785 : f32 to vector<32x128xf32>
      %select_n3A_787 = arith.select %gt3A_780, %broadcast_in_dim3A_786, %get3A_776 : vector<32x128xi1>, vector<32x128xf32>
      %max3A_788 = arith.maximumf %max3A_718, %select_n3A_787 : vector<32x128xf32>
      %jit3A_789 = arith.constant 0x7F800000 : f32
      %broadcast_in_dim3A_790 = vector.broadcast %jit3A_789 : f32 to vector<32x128xf32>
      %select_n3A_791 = arith.select %gt3A_780, %get3A_776, %broadcast_in_dim3A_790 : vector<32x128xi1>, vector<32x128xf32>
      %min3A_792 = arith.minimumf %min3A_722, %select_n3A_791 : vector<32x128xf32>
      %jit3A_793 = arith.constant 0xFF800000 : f32
      %broadcast_in_dim3A_794 = vector.broadcast %jit3A_793 : f32 to vector<32x128xf32>
      %select_n3A_795 = arith.select %gt3A_780, %get3A_776, %broadcast_in_dim3A_794 : vector<32x128xi1>, vector<32x128xf32>
      %max3A_796 = arith.maximumf %max3A_726, %select_n3A_795 : vector<32x128xf32>
      %scan3A_797 = arith.constant 11 : i32
      %scan3A_798 = arith.addi %scan3A_37, %scan3A_797 : i32
      %jit3A_799 = arith.constant 128 : i32
      %div3A_800 = arith.divsi %scan3A_798, %jit3A_799 : i32
      %sign3A_801 = arith.constant 0 : i32
      %sign3A_802 = arith.cmpi sgt, %scan3A_798, %sign3A_801 : i32
      %sign3A_803 = arith.extui %sign3A_802 : i1 to i32
      %sign3A_804 = arith.constant 0 : i32
      %sign3A_805 = arith.cmpi slt, %scan3A_798, %sign3A_804 : i32
      %sign3A_806 = arith.extui %sign3A_805 : i1 to i32
      %sign3A_807 = arith.subi %sign3A_803, %sign3A_806 : i32
      %sign3A_808 = arith.constant 0 : i32
      %sign3A_809 = arith.cmpi sgt, %jit3A_799, %sign3A_808 : i32
      %sign3A_810 = arith.extui %sign3A_809 : i1 to i32
      %sign3A_811 = arith.constant 0 : i32
      %sign3A_812 = arith.cmpi slt, %jit3A_799, %sign3A_811 : i32
      %sign3A_813 = arith.extui %sign3A_812 : i1 to i32
      %sign3A_814 = arith.subi %sign3A_810, %sign3A_813 : i32
      %ne3A_815 = arith.cmpi ne, %sign3A_807, %sign3A_814 : i32
      %rem3A_816 = arith.remsi %scan3A_798, %jit3A_799 : i32
      %ne3A_817 = arith.constant 0 : i32
      %ne3A_818 = arith.cmpi ne, %rem3A_816, %ne3A_817 : i32
      %and3A_819 = arith.andi %ne3A_815, %ne3A_818 : i1
      %sub3A_820 = arith.constant 1 : i32
      %sub3A_821 = arith.subi %div3A_800, %sub3A_820 : i32
      %select_n3A_822 = arith.select %and3A_819, %sub3A_821, %div3A_800 : i32
      %jit3A_823 = arith.constant 128 : i32
      %eq3A_824 = arith.constant 0 : i32
      %eq3A_825 = arith.cmpi eq, %jit3A_823, %eq3A_824 : i32
      %jit3A_826 = arith.constant 1 : i32
      %select_n3A_827 = arith.select %eq3A_825, %jit3A_826, %jit3A_823 : i32
      %rem3A_828 = arith.remsi %scan3A_798, %select_n3A_827 : i32
      %ne3A_829 = arith.constant 0 : i32
      %ne3A_830 = arith.cmpi ne, %rem3A_828, %ne3A_829 : i32
      %lt3A_831 = arith.constant 0 : i32
      %lt3A_832 = arith.cmpi slt, %rem3A_828, %lt3A_831 : i32
      %lt3A_833 = arith.constant 0 : i32
      %lt3A_834 = arith.cmpi slt, %select_n3A_827, %lt3A_833 : i32
      %ne3A_835 = arith.xori %lt3A_832, %lt3A_834 : i1
      %and3A_836 = arith.andi %ne3A_835, %ne3A_830 : i1
      %add3A_837 = arith.addi %rem3A_828, %select_n3A_827 : i32
      %select_n3A_838 = arith.select %and3A_836, %add3A_837, %rem3A_828 : i32
      %mul3A_839 = arith.constant 32 : i32
      %mul3A_840 = arith.muli %select_n3A_838, %mul3A_839 : i32
      %get3A_841 = arith.constant 0 : index
      %get3A_842 = arith.index_cast %select_n3A_822 : i32 to index
      %get3A_843 = arith.index_cast %mul3A_840 : i32 to index
      %get3A_844 = arith.constant 0 : index
      %get3A_845 = vector.load %arg2[%get3A_841, %get3A_842, %get3A_843, %get3A_844] : memref<1x4x4096x128xf32, #tpu.memory_space<vmem>>, vector<1x1x32x128xf32>
      %get3A_846 = vector.shape_cast %get3A_845 : vector<1x1x32x128xf32> to vector<32x128xf32>
      %abs3A_847 = math.absf %get3A_846 : vector<32x128xf32>
      %gt3A_848 = arith.constant 0.00999999977 : f32
      %gt3A_849 = vector.broadcast %gt3A_848 : f32 to vector<32x128xf32>
      %gt3A_850 = arith.cmpf ogt, %abs3A_847, %gt3A_849 : vector<32x128xf32>
      %jit3A_851 = arith.constant 0x7F800000 : f32
      %broadcast_in_dim3A_852 = vector.broadcast %jit3A_851 : f32 to vector<32x128xf32>
      %select_n3A_853 = arith.select %gt3A_850, %broadcast_in_dim3A_852, %get3A_846 : vector<32x128xi1>, vector<32x128xf32>
      %min3A_854 = arith.minimumf %min3A_784, %select_n3A_853 : vector<32x128xf32>
      %jit3A_855 = arith.constant 0xFF800000 : f32
      %broadcast_in_dim3A_856 = vector.broadcast %jit3A_855 : f32 to vector<32x128xf32>
      %select_n3A_857 = arith.select %gt3A_850, %broadcast_in_dim3A_856, %get3A_846 : vector<32x128xi1>, vector<32x128xf32>
      %max3A_858 = arith.maximumf %max3A_788, %select_n3A_857 : vector<32x128xf32>
      %jit3A_859 = arith.constant 0x7F800000 : f32
      %broadcast_in_dim3A_860 = vector.broadcast %jit3A_859 : f32 to vector<32x128xf32>
      %select_n3A_861 = arith.select %gt3A_850, %get3A_846, %broadcast_in_dim3A_860 : vector<32x128xi1>, vector<32x128xf32>
      %min3A_862 = arith.minimumf %min3A_792, %select_n3A_861 : vector<32x128xf32>
      %jit3A_863 = arith.constant 0xFF800000 : f32
      %broadcast_in_dim3A_864 = vector.broadcast %jit3A_863 : f32 to vector<32x128xf32>
      %select_n3A_865 = arith.select %gt3A_850, %get3A_846, %broadcast_in_dim3A_864 : vector<32x128xi1>, vector<32x128xf32>
      %max3A_866 = arith.maximumf %max3A_796, %select_n3A_865 : vector<32x128xf32>
      %scan3A_867 = arith.constant 12 : i32
      %scan3A_868 = arith.addi %scan3A_37, %scan3A_867 : i32
      %jit3A_869 = arith.constant 128 : i32
      %div3A_870 = arith.divsi %scan3A_868, %jit3A_869 : i32
      %sign3A_871 = arith.constant 0 : i32
      %sign3A_872 = arith.cmpi sgt, %scan3A_868, %sign3A_871 : i32
      %sign3A_873 = arith.extui %sign3A_872 : i1 to i32
      %sign3A_874 = arith.constant 0 : i32
      %sign3A_875 = arith.cmpi slt, %scan3A_868, %sign3A_874 : i32
      %sign3A_876 = arith.extui %sign3A_875 : i1 to i32
      %sign3A_877 = arith.subi %sign3A_873, %sign3A_876 : i32
      %sign3A_878 = arith.constant 0 : i32
      %sign3A_879 = arith.cmpi sgt, %jit3A_869, %sign3A_878 : i32
      %sign3A_880 = arith.extui %sign3A_879 : i1 to i32
      %sign3A_881 = arith.constant 0 : i32
      %sign3A_882 = arith.cmpi slt, %jit3A_869, %sign3A_881 : i32
      %sign3A_883 = arith.extui %sign3A_882 : i1 to i32
      %sign3A_884 = arith.subi %sign3A_880, %sign3A_883 : i32
      %ne3A_885 = arith.cmpi ne, %sign3A_877, %sign3A_884 : i32
      %rem3A_886 = arith.remsi %scan3A_868, %jit3A_869 : i32
      %ne3A_887 = arith.constant 0 : i32
      %ne3A_888 = arith.cmpi ne, %rem3A_886, %ne3A_887 : i32
      %and3A_889 = arith.andi %ne3A_885, %ne3A_888 : i1
      %sub3A_890 = arith.constant 1 : i32
      %sub3A_891 = arith.subi %div3A_870, %sub3A_890 : i32
      %select_n3A_892 = arith.select %and3A_889, %sub3A_891, %div3A_870 : i32
      %jit3A_893 = arith.constant 128 : i32
      %eq3A_894 = arith.constant 0 : i32
      %eq3A_895 = arith.cmpi eq, %jit3A_893, %eq3A_894 : i32
      %jit3A_896 = arith.constant 1 : i32
      %select_n3A_897 = arith.select %eq3A_895, %jit3A_896, %jit3A_893 : i32
      %rem3A_898 = arith.remsi %scan3A_868, %select_n3A_897 : i32
      %ne3A_899 = arith.constant 0 : i32
      %ne3A_900 = arith.cmpi ne, %rem3A_898, %ne3A_899 : i32
      %lt3A_901 = arith.constant 0 : i32
      %lt3A_902 = arith.cmpi slt, %rem3A_898, %lt3A_901 : i32
      %lt3A_903 = arith.constant 0 : i32
      %lt3A_904 = arith.cmpi slt, %select_n3A_897, %lt3A_903 : i32
      %ne3A_905 = arith.xori %lt3A_902, %lt3A_904 : i1
      %and3A_906 = arith.andi %ne3A_905, %ne3A_900 : i1
      %add3A_907 = arith.addi %rem3A_898, %select_n3A_897 : i32
      %select_n3A_908 = arith.select %and3A_906, %add3A_907, %rem3A_898 : i32
      %mul3A_909 = arith.constant 32 : i32
      %mul3A_910 = arith.muli %select_n3A_908, %mul3A_909 : i32
      %get3A_911 = arith.constant 0 : index
      %get3A_912 = arith.index_cast %select_n3A_892 : i32 to index
      %get3A_913 = arith.index_cast %mul3A_910 : i32 to index
      %get3A_914 = arith.constant 0 : index
      %get3A_915 = vector.load %arg2[%get3A_911, %get3A_912, %get3A_913, %get3A_914] : memref<1x4x4096x128xf32, #tpu.memory_space<vmem>>, vector<1x1x32x128xf32>
      %get3A_916 = vector.shape_cast %get3A_915 : vector<1x1x32x128xf32> to vector<32x128xf32>
      %abs3A_917 = math.absf %get3A_916 : vector<32x128xf32>
      %gt3A_918 = arith.constant 0.00999999977 : f32
      %gt3A_919 = vector.broadcast %gt3A_918 : f32 to vector<32x128xf32>
      %gt3A_920 = arith.cmpf ogt, %abs3A_917, %gt3A_919 : vector<32x128xf32>
      %jit3A_921 = arith.constant 0x7F800000 : f32
      %broadcast_in_dim3A_922 = vector.broadcast %jit3A_921 : f32 to vector<32x128xf32>
      %select_n3A_923 = arith.select %gt3A_920, %broadcast_in_dim3A_922, %get3A_916 : vector<32x128xi1>, vector<32x128xf32>
      %min3A_924 = arith.minimumf %min3A_854, %select_n3A_923 : vector<32x128xf32>
      %jit3A_925 = arith.constant 0xFF800000 : f32
      %broadcast_in_dim3A_926 = vector.broadcast %jit3A_925 : f32 to vector<32x128xf32>
      %select_n3A_927 = arith.select %gt3A_920, %broadcast_in_dim3A_926, %get3A_916 : vector<32x128xi1>, vector<32x128xf32>
      %max3A_928 = arith.maximumf %max3A_858, %select_n3A_927 : vector<32x128xf32>
      %jit3A_929 = arith.constant 0x7F800000 : f32
      %broadcast_in_dim3A_930 = vector.broadcast %jit3A_929 : f32 to vector<32x128xf32>
      %select_n3A_931 = arith.select %gt3A_920, %get3A_916, %broadcast_in_dim3A_930 : vector<32x128xi1>, vector<32x128xf32>
      %min3A_932 = arith.minimumf %min3A_862, %select_n3A_931 : vector<32x128xf32>
      %jit3A_933 = arith.constant 0xFF800000 : f32
      %broadcast_in_dim3A_934 = vector.broadcast %jit3A_933 : f32 to vector<32x128xf32>
      %select_n3A_935 = arith.select %gt3A_920, %get3A_916, %broadcast_in_dim3A_934 : vector<32x128xi1>, vector<32x128xf32>
      %max3A_936 = arith.maximumf %max3A_866, %select_n3A_935 : vector<32x128xf32>
      %scan3A_937 = arith.constant 13 : i32
      %scan3A_938 = arith.addi %scan3A_37, %scan3A_937 : i32
      %jit3A_939 = arith.constant 128 : i32
      %div3A_940 = arith.divsi %scan3A_938, %jit3A_939 : i32
      %sign3A_941 = arith.constant 0 : i32
      %sign3A_942 = arith.cmpi sgt, %scan3A_938, %sign3A_941 : i32
      %sign3A_943 = arith.extui %sign3A_942 : i1 to i32
      %sign3A_944 = arith.constant 0 : i32
      %sign3A_945 = arith.cmpi slt, %scan3A_938, %sign3A_944 : i32
      %sign3A_946 = arith.extui %sign3A_945 : i1 to i32
      %sign3A_947 = arith.subi %sign3A_943, %sign3A_946 : i32
      %sign3A_948 = arith.constant 0 : i32
      %sign3A_949 = arith.cmpi sgt, %jit3A_939, %sign3A_948 : i32
      %sign3A_950 = arith.extui %sign3A_949 : i1 to i32
      %sign3A_951 = arith.constant 0 : i32
      %sign3A_952 = arith.cmpi slt, %jit3A_939, %sign3A_951 : i32
      %sign3A_953 = arith.extui %sign3A_952 : i1 to i32
      %sign3A_954 = arith.subi %sign3A_950, %sign3A_953 : i32
      %ne3A_955 = arith.cmpi ne, %sign3A_947, %sign3A_954 : i32
      %rem3A_956 = arith.remsi %scan3A_938, %jit3A_939 : i32
      %ne3A_957 = arith.constant 0 : i32
      %ne3A_958 = arith.cmpi ne, %rem3A_956, %ne3A_957 : i32
      %and3A_959 = arith.andi %ne3A_955, %ne3A_958 : i1
      %sub3A_960 = arith.constant 1 : i32
      %sub3A_961 = arith.subi %div3A_940, %sub3A_960 : i32
      %select_n3A_962 = arith.select %and3A_959, %sub3A_961, %div3A_940 : i32
      %jit3A_963 = arith.constant 128 : i32
      %eq3A_964 = arith.constant 0 : i32
      %eq3A_965 = arith.cmpi eq, %jit3A_963, %eq3A_964 : i32
      %jit3A_966 = arith.constant 1 : i32
      %select_n3A_967 = arith.select %eq3A_965, %jit3A_966, %jit3A_963 : i32
      %rem3A_968 = arith.remsi %scan3A_938, %select_n3A_967 : i32
      %ne3A_969 = arith.constant 0 : i32
      %ne3A_970 = arith.cmpi ne, %rem3A_968, %ne3A_969 : i32
      %lt3A_971 = arith.constant 0 : i32
      %lt3A_972 = arith.cmpi slt, %rem3A_968, %lt3A_971 : i32
      %lt3A_973 = arith.constant 0 : i32
      %lt3A_974 = arith.cmpi slt, %select_n3A_967, %lt3A_973 : i32
      %ne3A_975 = arith.xori %lt3A_972, %lt3A_974 : i1
      %and3A_976 = arith.andi %ne3A_975, %ne3A_970 : i1
      %add3A_977 = arith.addi %rem3A_968, %select_n3A_967 : i32
      %select_n3A_978 = arith.select %and3A_976, %add3A_977, %rem3A_968 : i32
      %mul3A_979 = arith.constant 32 : i32
      %mul3A_980 = arith.muli %select_n3A_978, %mul3A_979 : i32
      %get3A_981 = arith.constant 0 : index
      %get3A_982 = arith.index_cast %select_n3A_962 : i32 to index
      %get3A_983 = arith.index_cast %mul3A_980 : i32 to index
      %get3A_984 = arith.constant 0 : index
      %get3A_985 = vector.load %arg2[%get3A_981, %get3A_982, %get3A_983, %get3A_984] : memref<1x4x4096x128xf32, #tpu.memory_space<vmem>>, vector<1x1x32x128xf32>
      %get3A_986 = vector.shape_cast %get3A_985 : vector<1x1x32x128xf32> to vector<32x128xf32>
      %abs3A_987 = math.absf %get3A_986 : vector<32x128xf32>
      %gt3A_988 = arith.constant 0.00999999977 : f32
      %gt3A_989 = vector.broadcast %gt3A_988 : f32 to vector<32x128xf32>
      %gt3A_990 = arith.cmpf ogt, %abs3A_987, %gt3A_989 : vector<32x128xf32>
      %jit3A_991 = arith.constant 0x7F800000 : f32
      %broadcast_in_dim3A_992 = vector.broadcast %jit3A_991 : f32 to vector<32x128xf32>
      %select_n3A_993 = arith.select %gt3A_990, %broadcast_in_dim3A_992, %get3A_986 : vector<32x128xi1>, vector<32x128xf32>
      %min3A_994 = arith.minimumf %min3A_924, %select_n3A_993 : vector<32x128xf32>
      %jit3A_995 = arith.constant 0xFF800000 : f32
      %broadcast_in_dim3A_996 = vector.broadcast %jit3A_995 : f32 to vector<32x128xf32>
      %select_n3A_997 = arith.select %gt3A_990, %broadcast_in_dim3A_996, %get3A_986 : vector<32x128xi1>, vector<32x128xf32>
      %max3A_998 = arith.maximumf %max3A_928, %select_n3A_997 : vector<32x128xf32>
      %jit3A_999 = arith.constant 0x7F800000 : f32
      %broadcast_in_dim3A_1000 = vector.broadcast %jit3A_999 : f32 to vector<32x128xf32>
      %select_n3A_1001 = arith.select %gt3A_990, %get3A_986, %broadcast_in_dim3A_1000 : vector<32x128xi1>, vector<32x128xf32>
      %min3A_1002 = arith.minimumf %min3A_932, %select_n3A_1001 : vector<32x128xf32>
      %jit3A_1003 = arith.constant 0xFF800000 : f32
      %broadcast_in_dim3A_1004 = vector.broadcast %jit3A_1003 : f32 to vector<32x128xf32>
      %select_n3A_1005 = arith.select %gt3A_990, %get3A_986, %broadcast_in_dim3A_1004 : vector<32x128xi1>, vector<32x128xf32>
      %max3A_1006 = arith.maximumf %max3A_936, %select_n3A_1005 : vector<32x128xf32>
      %scan3A_1007 = arith.constant 14 : i32
      %scan3A_1008 = arith.addi %scan3A_37, %scan3A_1007 : i32
      %jit3A_1009 = arith.constant 128 : i32
      %div3A_1010 = arith.divsi %scan3A_1008, %jit3A_1009 : i32
      %sign3A_1011 = arith.constant 0 : i32
      %sign3A_1012 = arith.cmpi sgt, %scan3A_1008, %sign3A_1011 : i32
      %sign3A_1013 = arith.extui %sign3A_1012 : i1 to i32
      %sign3A_1014 = arith.constant 0 : i32
      %sign3A_1015 = arith.cmpi slt, %scan3A_1008, %sign3A_1014 : i32
      %sign3A_1016 = arith.extui %sign3A_1015 : i1 to i32
      %sign3A_1017 = arith.subi %sign3A_1013, %sign3A_1016 : i32
      %sign3A_1018 = arith.constant 0 : i32
      %sign3A_1019 = arith.cmpi sgt, %jit3A_1009, %sign3A_1018 : i32
      %sign3A_1020 = arith.extui %sign3A_1019 : i1 to i32
      %sign3A_1021 = arith.constant 0 : i32
      %sign3A_1022 = arith.cmpi slt, %jit3A_1009, %sign3A_1021 : i32
      %sign3A_1023 = arith.extui %sign3A_1022 : i1 to i32
      %sign3A_1024 = arith.subi %sign3A_1020, %sign3A_1023 : i32
      %ne3A_1025 = arith.cmpi ne, %sign3A_1017, %sign3A_1024 : i32
      %rem3A_1026 = arith.remsi %scan3A_1008, %jit3A_1009 : i32
      %ne3A_1027 = arith.constant 0 : i32
      %ne3A_1028 = arith.cmpi ne, %rem3A_1026, %ne3A_1027 : i32
      %and3A_1029 = arith.andi %ne3A_1025, %ne3A_1028 : i1
      %sub3A_1030 = arith.constant 1 : i32
      %sub3A_1031 = arith.subi %div3A_1010, %sub3A_1030 : i32
      %select_n3A_1032 = arith.select %and3A_1029, %sub3A_1031, %div3A_1010 : i32
      %jit3A_1033 = arith.constant 128 : i32
      %eq3A_1034 = arith.constant 0 : i32
      %eq3A_1035 = arith.cmpi eq, %jit3A_1033, %eq3A_1034 : i32
      %jit3A_1036 = arith.constant 1 : i32
      %select_n3A_1037 = arith.select %eq3A_1035, %jit3A_1036, %jit3A_1033 : i32
      %rem3A_1038 = arith.remsi %scan3A_1008, %select_n3A_1037 : i32
      %ne3A_1039 = arith.constant 0 : i32
      %ne3A_1040 = arith.cmpi ne, %rem3A_1038, %ne3A_1039 : i32
      %lt3A_1041 = arith.constant 0 : i32
      %lt3A_1042 = arith.cmpi slt, %rem3A_1038, %lt3A_1041 : i32
      %lt3A_1043 = arith.constant 0 : i32
      %lt3A_1044 = arith.cmpi slt, %select_n3A_1037, %lt3A_1043 : i32
      %ne3A_1045 = arith.xori %lt3A_1042, %lt3A_1044 : i1
      %and3A_1046 = arith.andi %ne3A_1045, %ne3A_1040 : i1
      %add3A_1047 = arith.addi %rem3A_1038, %select_n3A_1037 : i32
      %select_n3A_1048 = arith.select %and3A_1046, %add3A_1047, %rem3A_1038 : i32
      %mul3A_1049 = arith.constant 32 : i32
      %mul3A_1050 = arith.muli %select_n3A_1048, %mul3A_1049 : i32
      %get3A_1051 = arith.constant 0 : index
      %get3A_1052 = arith.index_cast %select_n3A_1032 : i32 to index
      %get3A_1053 = arith.index_cast %mul3A_1050 : i32 to index
      %get3A_1054 = arith.constant 0 : index
      %get3A_1055 = vector.load %arg2[%get3A_1051, %get3A_1052, %get3A_1053, %get3A_1054] : memref<1x4x4096x128xf32, #tpu.memory_space<vmem>>, vector<1x1x32x128xf32>
      %get3A_1056 = vector.shape_cast %get3A_1055 : vector<1x1x32x128xf32> to vector<32x128xf32>
      %abs3A_1057 = math.absf %get3A_1056 : vector<32x128xf32>
      %gt3A_1058 = arith.constant 0.00999999977 : f32
      %gt3A_1059 = vector.broadcast %gt3A_1058 : f32 to vector<32x128xf32>
      %gt3A_1060 = arith.cmpf ogt, %abs3A_1057, %gt3A_1059 : vector<32x128xf32>
      %jit3A_1061 = arith.constant 0x7F800000 : f32
      %broadcast_in_dim3A_1062 = vector.broadcast %jit3A_1061 : f32 to vector<32x128xf32>
      %select_n3A_1063 = arith.select %gt3A_1060, %broadcast_in_dim3A_1062, %get3A_1056 : vector<32x128xi1>, vector<32x128xf32>
      %min3A_1064 = arith.minimumf %min3A_994, %select_n3A_1063 : vector<32x128xf32>
      %jit3A_1065 = arith.constant 0xFF800000 : f32
      %broadcast_in_dim3A_1066 = vector.broadcast %jit3A_1065 : f32 to vector<32x128xf32>
      %select_n3A_1067 = arith.select %gt3A_1060, %broadcast_in_dim3A_1066, %get3A_1056 : vector<32x128xi1>, vector<32x128xf32>
      %max3A_1068 = arith.maximumf %max3A_998, %select_n3A_1067 : vector<32x128xf32>
      %jit3A_1069 = arith.constant 0x7F800000 : f32
      %broadcast_in_dim3A_1070 = vector.broadcast %jit3A_1069 : f32 to vector<32x128xf32>
      %select_n3A_1071 = arith.select %gt3A_1060, %get3A_1056, %broadcast_in_dim3A_1070 : vector<32x128xi1>, vector<32x128xf32>
      %min3A_1072 = arith.minimumf %min3A_1002, %select_n3A_1071 : vector<32x128xf32>
      %jit3A_1073 = arith.constant 0xFF800000 : f32
      %broadcast_in_dim3A_1074 = vector.broadcast %jit3A_1073 : f32 to vector<32x128xf32>
      %select_n3A_1075 = arith.select %gt3A_1060, %get3A_1056, %broadcast_in_dim3A_1074 : vector<32x128xi1>, vector<32x128xf32>
      %max3A_1076 = arith.maximumf %max3A_1006, %select_n3A_1075 : vector<32x128xf32>
      %scan3A_1077 = arith.constant 15 : i32
      %scan3A_1078 = arith.addi %scan3A_37, %scan3A_1077 : i32
      %jit3A_1079 = arith.constant 128 : i32
      %div3A_1080 = arith.divsi %scan3A_1078, %jit3A_1079 : i32
      %sign3A_1081 = arith.constant 0 : i32
      %sign3A_1082 = arith.cmpi sgt, %scan3A_1078, %sign3A_1081 : i32
      %sign3A_1083 = arith.extui %sign3A_1082 : i1 to i32
      %sign3A_1084 = arith.constant 0 : i32
      %sign3A_1085 = arith.cmpi slt, %scan3A_1078, %sign3A_1084 : i32
      %sign3A_1086 = arith.extui %sign3A_1085 : i1 to i32
      %sign3A_1087 = arith.subi %sign3A_1083, %sign3A_1086 : i32
      %sign3A_1088 = arith.constant 0 : i32
      %sign3A_1089 = arith.cmpi sgt, %jit3A_1079, %sign3A_1088 : i32
      %sign3A_1090 = arith.extui %sign3A_1089 : i1 to i32
      %sign3A_1091 = arith.constant 0 : i32
      %sign3A_1092 = arith.cmpi slt, %jit3A_1079, %sign3A_1091 : i32
      %sign3A_1093 = arith.extui %sign3A_1092 : i1 to i32
      %sign3A_1094 = arith.subi %sign3A_1090, %sign3A_1093 : i32
      %ne3A_1095 = arith.cmpi ne, %sign3A_1087, %sign3A_1094 : i32
      %rem3A_1096 = arith.remsi %scan3A_1078, %jit3A_1079 : i32
      %ne3A_1097 = arith.constant 0 : i32
      %ne3A_1098 = arith.cmpi ne, %rem3A_1096, %ne3A_1097 : i32
      %and3A_1099 = arith.andi %ne3A_1095, %ne3A_1098 : i1
      %sub3A_1100 = arith.constant 1 : i32
      %sub3A_1101 = arith.subi %div3A_1080, %sub3A_1100 : i32
      %select_n3A_1102 = arith.select %and3A_1099, %sub3A_1101, %div3A_1080 : i32
      %jit3A_1103 = arith.constant 128 : i32
      %eq3A_1104 = arith.constant 0 : i32
      %eq3A_1105 = arith.cmpi eq, %jit3A_1103, %eq3A_1104 : i32
      %jit3A_1106 = arith.constant 1 : i32
      %select_n3A_1107 = arith.select %eq3A_1105, %jit3A_1106, %jit3A_1103 : i32
      %rem3A_1108 = arith.remsi %scan3A_1078, %select_n3A_1107 : i32
      %ne3A_1109 = arith.constant 0 : i32
      %ne3A_1110 = arith.cmpi ne, %rem3A_1108, %ne3A_1109 : i32
      %lt3A_1111 = arith.constant 0 : i32
      %lt3A_1112 = arith.cmpi slt, %rem3A_1108, %lt3A_1111 : i32
      %lt3A_1113 = arith.constant 0 : i32
      %lt3A_1114 = arith.cmpi slt, %select_n3A_1107, %lt3A_1113 : i32
      %ne3A_1115 = arith.xori %lt3A_1112, %lt3A_1114 : i1
      %and3A_1116 = arith.andi %ne3A_1115, %ne3A_1110 : i1
      %add3A_1117 = arith.addi %rem3A_1108, %select_n3A_1107 : i32
      %select_n3A_1118 = arith.select %and3A_1116, %add3A_1117, %rem3A_1108 : i32
      %mul3A_1119 = arith.constant 32 : i32
      %mul3A_1120 = arith.muli %select_n3A_1118, %mul3A_1119 : i32
      %get3A_1121 = arith.constant 0 : index
      %get3A_1122 = arith.index_cast %select_n3A_1102 : i32 to index
      %get3A_1123 = arith.index_cast %mul3A_1120 : i32 to index
      %get3A_1124 = arith.constant 0 : index
      %get3A_1125 = vector.load %arg2[%get3A_1121, %get3A_1122, %get3A_1123, %get3A_1124] : memref<1x4x4096x128xf32, #tpu.memory_space<vmem>>, vector<1x1x32x128xf32>
      %get3A_1126 = vector.shape_cast %get3A_1125 : vector<1x1x32x128xf32> to vector<32x128xf32>
      %abs3A_1127 = math.absf %get3A_1126 : vector<32x128xf32>
      %gt3A_1128 = arith.constant 0.00999999977 : f32
      %gt3A_1129 = vector.broadcast %gt3A_1128 : f32 to vector<32x128xf32>
      %gt3A_1130 = arith.cmpf ogt, %abs3A_1127, %gt3A_1129 : vector<32x128xf32>
      %jit3A_1131 = arith.constant 0x7F800000 : f32
      %broadcast_in_dim3A_1132 = vector.broadcast %jit3A_1131 : f32 to vector<32x128xf32>
      %select_n3A_1133 = arith.select %gt3A_1130, %broadcast_in_dim3A_1132, %get3A_1126 : vector<32x128xi1>, vector<32x128xf32>
      %min3A_1134 = arith.minimumf %min3A_1064, %select_n3A_1133 : vector<32x128xf32>
      %jit3A_1135 = arith.constant 0xFF800000 : f32
      %broadcast_in_dim3A_1136 = vector.broadcast %jit3A_1135 : f32 to vector<32x128xf32>
      %select_n3A_1137 = arith.select %gt3A_1130, %broadcast_in_dim3A_1136, %get3A_1126 : vector<32x128xi1>, vector<32x128xf32>
      %max3A_1138 = arith.maximumf %max3A_1068, %select_n3A_1137 : vector<32x128xf32>
      %jit3A_1139 = arith.constant 0x7F800000 : f32
      %broadcast_in_dim3A_1140 = vector.broadcast %jit3A_1139 : f32 to vector<32x128xf32>
      %select_n3A_1141 = arith.select %gt3A_1130, %get3A_1126, %broadcast_in_dim3A_1140 : vector<32x128xi1>, vector<32x128xf32>
      %min3A_1142 = arith.minimumf %min3A_1072, %select_n3A_1141 : vector<32x128xf32>
      %jit3A_1143 = arith.constant 0xFF800000 : f32
      %broadcast_in_dim3A_1144 = vector.broadcast %jit3A_1143 : f32 to vector<32x128xf32>
      %select_n3A_1145 = arith.select %gt3A_1130, %get3A_1126, %broadcast_in_dim3A_1144 : vector<32x128xi1>, vector<32x128xf32>
      %max3A_1146 = arith.maximumf %max3A_1076, %select_n3A_1145 : vector<32x128xf32>
      scf.yield %min3A_1134, %max3A_1138, %min3A_1142, %max3A_1146 : vector<32x128xf32>, vector<32x128xf32>, vector<32x128xf32>, vector<32x128xf32>
    }
    %scan3A_12 = arith.constant 512 : i32
    %reduce_min3A = vector.shape_cast %scan3A_11#0 : vector<32x128xf32> to vector<1x32x128xf32>
    %reduce_min3A_13 = arith.constant dense<0x7F800000> : vector<1xf32>
    %reduce_min3A_14 = vector.multi_reduction <minimumf>, %reduce_min3A, %reduce_min3A_13 [1, 2] : vector<1x32x128xf32> to vector<1xf32>
    %reduce_min3A_15 = vector.shape_cast %reduce_min3A_14 : vector<1xf32> to vector<1x1x1xf32>
    %reduce_min3A_16 = vector.extract %reduce_min3A_15[0, 0, 0] : f32 from vector<1x1x1xf32>
    %reduce_max3A = vector.shape_cast %scan3A_11#1 : vector<32x128xf32> to vector<1x32x128xf32>
    %reduce_max3A_17 = arith.constant dense<0xFF800000> : vector<1xf32>
    %reduce_max3A_18 = vector.multi_reduction <maximumf>, %reduce_max3A, %reduce_max3A_17 [1, 2] : vector<1x32x128xf32> to vector<1xf32>
    %reduce_max3A_19 = vector.shape_cast %reduce_max3A_18 : vector<1xf32> to vector<1x1x1xf32>
    %reduce_max3A_20 = vector.extract %reduce_max3A_19[0, 0, 0] : f32 from vector<1x1x1xf32>
    %reduce_min3A_21 = vector.shape_cast %scan3A_11#2 : vector<32x128xf32> to vector<1x32x128xf32>
    %reduce_min3A_22 = arith.constant dense<0x7F800000> : vector<1xf32>
    %reduce_min3A_23 = vector.multi_reduction <minimumf>, %reduce_min3A_21, %reduce_min3A_22 [1, 2] : vector<1x32x128xf32> to vector<1xf32>
    %reduce_min3A_24 = vector.shape_cast %reduce_min3A_23 : vector<1xf32> to vector<1x1x1xf32>
    %reduce_min3A_25 = vector.extract %reduce_min3A_24[0, 0, 0] : f32 from vector<1x1x1xf32>
    %reduce_max3A_26 = vector.shape_cast %scan3A_11#3 : vector<32x128xf32> to vector<1x32x128xf32>
    %reduce_max3A_27 = arith.constant dense<0xFF800000> : vector<1xf32>
    %reduce_max3A_28 = vector.multi_reduction <maximumf>, %reduce_max3A_26, %reduce_max3A_27 [1, 2] : vector<1x32x128xf32> to vector<1xf32>
    %reduce_max3A_29 = vector.shape_cast %reduce_max3A_28 : vector<1xf32> to vector<1x1x1xf32>
    %reduce_max3A_30 = vector.extract %reduce_max3A_29[0, 0, 0] : f32 from vector<1x1x1xf32>
    %eq3A = arith.constant 0 : i32
    %eq3A_31 = arith.cmpi eq, %add3A, %eq3A : i32
    %convert_element_type3A = arith.extui %eq3A_31 : i1 to i32
    %cond3A = arith.constant 0 : i32
    %cond3A_32 = arith.cmpi ne, %convert_element_type3A, %cond3A : i32
    scf.if %cond3A_32 {
      %swap3A = arith.constant 0 : index
      %swap3A_37 = memref.load %arg3[%swap3A] : memref<4xf32, #tpu.memory_space<smem>>
      memref.store %reduce_min3A_16, %arg3[%swap3A] : memref<4xf32, #tpu.memory_space<smem>>
      %swap3A_38 = arith.constant 1 : index
      %swap3A_39 = memref.load %arg3[%swap3A_38] : memref<4xf32, #tpu.memory_space<smem>>
      memref.store %reduce_max3A_20, %arg3[%swap3A_38] : memref<4xf32, #tpu.memory_space<smem>>
      %swap3A_40 = arith.constant 2 : index
      %swap3A_41 = memref.load %arg3[%swap3A_40] : memref<4xf32, #tpu.memory_space<smem>>
      memref.store %reduce_min3A_25, %arg3[%swap3A_40] : memref<4xf32, #tpu.memory_space<smem>>
      %swap3A_42 = arith.constant 3 : index
      %swap3A_43 = memref.load %arg3[%swap3A_42] : memref<4xf32, #tpu.memory_space<smem>>
      memref.store %reduce_max3A_30, %arg3[%swap3A_42] : memref<4xf32, #tpu.memory_space<smem>>
    } else {
    }
    %gt3A = arith.constant 0 : i32
    %gt3A_33 = arith.cmpi sgt, %add3A, %gt3A : i32
    %convert_element_type3A_34 = arith.extui %gt3A_33 : i1 to i32
    %cond3A_35 = arith.constant 0 : i32
    %cond3A_36 = arith.cmpi ne, %convert_element_type3A_34, %cond3A_35 : i32
    scf.if %cond3A_36 {
      %get3A = arith.constant 0 : index
      %get3A_37 = memref.load %arg3[%get3A] : memref<4xf32, #tpu.memory_space<smem>>
      %min3A = arith.minimumf %get3A_37, %reduce_min3A_16 : f32
      %swap3A = arith.constant 0 : index
      %swap3A_38 = memref.load %arg3[%swap3A] : memref<4xf32, #tpu.memory_space<smem>>
      memref.store %min3A, %arg3[%swap3A] : memref<4xf32, #tpu.memory_space<smem>>
      %get3A_39 = arith.constant 1 : index
      %get3A_40 = memref.load %arg3[%get3A_39] : memref<4xf32, #tpu.memory_space<smem>>
      %max3A = arith.maximumf %get3A_40, %reduce_max3A_20 : f32
      %swap3A_41 = arith.constant 1 : index
      %swap3A_42 = memref.load %arg3[%swap3A_41] : memref<4xf32, #tpu.memory_space<smem>>
      memref.store %max3A, %arg3[%swap3A_41] : memref<4xf32, #tpu.memory_space<smem>>
      %get3A_43 = arith.constant 2 : index
      %get3A_44 = memref.load %arg3[%get3A_43] : memref<4xf32, #tpu.memory_space<smem>>
      %min3A_45 = arith.minimumf %get3A_44, %reduce_min3A_25 : f32
      %swap3A_46 = arith.constant 2 : index
      %swap3A_47 = memref.load %arg3[%swap3A_46] : memref<4xf32, #tpu.memory_space<smem>>
      memref.store %min3A_45, %arg3[%swap3A_46] : memref<4xf32, #tpu.memory_space<smem>>
      %get3A_48 = arith.constant 3 : index
      %get3A_49 = memref.load %arg3[%get3A_48] : memref<4xf32, #tpu.memory_space<smem>>
      %max3A_50 = arith.maximumf %get3A_49, %reduce_max3A_30 : f32
      %swap3A_51 = arith.constant 3 : index
      %swap3A_52 = memref.load %arg3[%swap3A_51] : memref<4xf32, #tpu.memory_space<smem>>
      memref.store %max3A_50, %arg3[%swap3A_51] : memref<4xf32, #tpu.memory_space<smem>>
    } else {
    }
    return
  }
  func.func @transform_0(%arg0: i32, %arg1: i32) -> (i32, i32, i32, i32) {
    %c0_i32 = arith.constant 0 : i32
    %c0_i32_0 = arith.constant 0 : i32
    %c0_i32_1 = arith.constant 0 : i32
    return %arg0, %arg1, %c0_i32, %c0_i32_0 : i32, i32, i32, i32
  }
  func.func @transform_1(%arg0: i32, %arg1: i32) -> i32 {
    %c0_i32 = arith.constant 0 : i32
    %c0_i32_0 = arith.constant 0 : i32
    return %c0_i32 : i32
  }
}

</mosaic_0001>

<sc_bundles>
// kernel: kernel.5.cloned.1.call-start
scs
__scs_entry_jumppad:
0x0: {  	(pc) =	sbr.rel $0x88, $3  }
0x1: {  	(tag) =	ssettag $0x0;
	lr =	simm.s32 $0x1  }
0x2: {  	[smem:$0x3FA0] =	sst lr;
	_ =	strace $0xD0000000  }
0x3: {  	_ = 	snop  }
0x4: {  	_ = 	snop  }
0x5: {  	_ = 	snop  }
0x6: {  	_ = 	snop  }
0x7: {  	_ = 	snop  }
__scs_overlays_trampoline_lowered:
0x8: {  	[smem:$0x3FAF] =	sst s0  }
0x9: {  	[smem:$0x3FB0] =	sst s1  }
0xa: {  	[smem:$0x3FB1] =	sst s2  }
0xb: {  	[smem:$0x3FB2] =	sst s3  }
0xc: {  	[smem:$0x3FB3] =	sst s4  }
0xd: {  	[smem:$0x3FB4] =	sst s5  }
0xe: {  	[smem:$0x3FB5] =	sst s6  }
0xf: {  	[smem:$0x3FB6] =	sst s7  }
0x10: {  	[smem:$0x3FB7] =	sst s8  }
0x11: {  	[smem:$0x3FB8] =	sst s9;
	s0 =	simm.s32 @!p0 $0x0  }
0x12: {  	s1 =	sld [smem:$0x3F9E];
	s0 =	simm.s32 @p0 $0x1  }
0x13: {  	[smem:$0x3FB9] =	sst s0;
	s0 =	simm.s32 @!p1 $0x0  }
0x14: {  	s2 =	sld [smem:$0x3F9D];
	s0 =	simm.s32 @p1 $0x1  }
0x15: {  	[smem:$0x3FBA] =	sst s0;
	s0 =	simm.s32 @!p2 $0x0  }
0x16: {  	s3 =	sld [smem:$0x3FDB];
	s0 =	simm.s32 @p2 $0x1  }
0x17: {  	s4 =	simm.s32 $0x1BF5;
	[smem:$0x3FBC] =	sst s0  }
0x18: {  	s0 =	sld [smem:$0x3F9F];
	_ =	swait.ge [sflag:s4], $0x0  }
0x19: {  	s7 =	sld [smem:$0x3FA0]  }
0x1a: {  	s8 =	sadd.s32 $0xFFFFE003, lr  }
0x1b: {  	s9 =	sadd.s32 $0xFFFFFEF7, lr;
	s5 =	simm.s32 $0xFFFFFFFF;
	p2 =	slt.u32 s8, $0xFFFFF086  }
0x1c: {  	p1 =	slt.u32 s9, $0xF7A;
	s5 =	simm.s32 @!p2 $0x0  }
0x1d: {  	s5 =	simm.s32 @p1 $0x1;
	p0 =	seq.s32 s7, s2  }
0x1e: {  	s7 =	smul.u32 @!p0 $0xF7A, s2;
	p2 =	seq.s32 @!p0 s5, $0x0  }
0x1f: {  	s9 =	smul.u32 $0xF7A, s1;
	s8 =	simm.s32 @!p0 $0x1BF5;
	p2 =	por !p2, p0  }
0x20: {  	[sflag:s8] =	ssyncset.s32 @!p0 $0xFFFFF086;
	s6 =	sadd.s32 @!p0 s3, s7;
	s7 =	simm.s32 @!p0 $0x108  }
0x21: {  	s3 =	sadd.s32 s3, s9;
	s6 =	sadd.s32 @!p0 $0x88, s6;
	s7 =	simm.s32 @p2 $0x1082  }
0x22: {  	[simem:s7], [sflag:s8] =	dma.local @!p0 [hbm:s6], $0xF7A  }
0x23: {  	s9 =	sor.u32 $0xD0000000, s2;
	s6 =	simm.s32 $0x108;
	_ =	swait.ge @!p0 [sflag:s8], $0x0  }
0x24: {  	s3 =	sadd.s32 $0x88, s3;
	s6 =	simm.s32 @!p1 $0x1082;
	[sflag:s4] =	ssyncset.s32 $0xFFFFF086  }
0x25: {  	[simem:s6], [sflag:s4] =	dma.local [hbm:s3], $0xF7A  }
0x26: {  	[smem:$0x3FA0] =	sst s1;
	(tag) =	ssettag s2;
	_ =	strace s9  }
0x27: {  	s1 =	sld [smem:$0x3FB0]  }
0x28: {  	s2 =	sld [smem:$0x3FB1]  }
0x29: {  	s4 =	sld [smem:$0x3FB3]  }
0x2a: {  	p0 =	seq.s32 s5, $0x0;
	s5 =	sld [smem:$0x3FB4]  }
0x2b: {  	s6 =	sld [smem:$0x3FB5]  }
0x2c: {  	s7 =	sld [smem:$0x3FB6]  }
0x2d: {  	s3 =	simm.s32 $0x108;
	s8 =	sld [smem:$0x3FB7]  }
0x2e: {  	s3 =	simm.s32 @!p0 $0x1082;
	s9 =	sld [smem:$0x3FB8]  }
0x2f: {  	lr =	sadd.s32 s0, s3;
	s0 =	sld [smem:$0x3FAF]  }
0x30: {  	s3 =	sld [smem:$0x3FB2]  }
0x31: {  	[smem:$0x3FBB] =	sst s10  }
0x32: {  	s10 =	sld [smem:$0x3FB9];
	_ =	sdelay $0x3  }
0x33: {  	p0 =	seq.s32 s10, $0x1;
	s10 =	sld [smem:$0x3FBB];
	_ =	sdelay $0x3  }
0x34: {  	[smem:$0x3FBB] =	sst s10  }
0x35: {  	s10 =	sld [smem:$0x3FBA];
	_ =	sdelay $0x3  }
0x36: {  	p1 =	seq.s32 s10, $0x1;
	s10 =	sld [smem:$0x3FBB];
	_ =	sdelay $0x3  }
0x37: {  	[smem:$0x3FBB] =	sst s10  }
0x38: {  	s10 =	sld [smem:$0x3FBC]  }
0x39: {  	_ = 	snop;
	(pc) =	sbr.ind lr, $3  }
0x3a: {  	_ = 	snop  }
0x3b: {  	_ = 	snop  }
0x3c: {  	p2 =	seq.s32 s10, $0x1;
	s10 =	sld [smem:$0x3FBB]  }
0x3d: {  	_ =	shalt  }
0x3e: {  	_ =	shalt  }
0x3f: {  	_ =	shalt  }
0x40: {  	_ =	shalt  }
0x41: {  	_ =	shalt  }
0x42: {  	_ =	shalt  }
0x43: {  	_ =	shalt  }
0x44: {  	_ =	shalt  }
0x45: {  	_ =	shalt  }
0x46: {  	_ =	shalt  }
0x47: {  	_ =	shalt  }
0x48: {  	_ =	shalt  }
0x49: {  	_ =	shalt  }
0x4a: {  	_ =	shalt  }
0x4b: {  	_ =	shalt  }
0x4c: {  	_ =	shalt  }
0x4d: {  	_ =	shalt  }
0x4e: {  	_ =	shalt  }
0x4f: {  	_ =	shalt  }
0x50: {  	_ =	shalt  }
0x51: {  	_ =	shalt  }
0x52: {  	_ =	shalt  }
0x53: {  	_ =	shalt  }
0x54: {  	_ =	shalt  }
0x55: {  	_ =	shalt  }
0x56: {  	_ =	shalt  }
0x57: {  	_ =	shalt  }
0x58: {  	_ =	shalt  }
0x59: {  	_ =	shalt  }
0x5a: {  	_ =	shalt  }
0x5b: {  	_ =	shalt  }
0x5c: {  	_ =	shalt  }
0x5d: {  	_ =	shalt  }
0x5e: {  	_ =	shalt  }
0x5f: {  	_ =	shalt  }
0x60: {  	_ =	shalt  }
0x61: {  	_ =	shalt  }
0x62: {  	_ =	shalt  }
0x63: {  	_ =	shalt  }
0x64: {  	_ =	shalt  }
0x65: {  	_ =	shalt  }
0x66: {  	_ =	shalt  }
0x67: {  	_ =	shalt  }
0x68: {  	_ =	shalt  }
0x69: {  	_ =	shalt  }
0x6a: {  	_ =	shalt  }
0x6b: {  	_ =	shalt  }
0x6c: {  	_ =	shalt  }
0x6d: {  	_ =	shalt  }
0x6e: {  	_ =	shalt  }
0x6f: {  	_ =	shalt  }
0x70: {  	_ =	shalt  }
0x71: {  	_ =	shalt  }
0x72: {  	_ =	shalt  }
0x73: {  	_ =	shalt  }
0x74: {  	_ =	shalt  }
0x75: {  	_ =	shalt  }
0x76: {  	_ =	shalt  }
0x77: {  	_ =	shalt  }
0x78: {  	_ =	shalt  }
0x79: {  	_ =	shalt  }
0x7a: {  	_ =	shalt  }
0x7b: {  	_ =	shalt  }
0x7c: {  	_ =	shalt  }
0x7d: {  	_ =	shalt  }
0x7e: {  	_ =	shalt  }
0x7f: {  	_ =	shalt  }
0x80: {  	_ =	shalt  }
0x81: {  	_ =	shalt  }
0x82: {  	_ =	shalt  }
0x83: {  	_ =	shalt  }
0x84: {  	_ =	shalt  }
0x85: {  	_ =	shalt  }
0x86: {  	_ =	shalt  }
0x87: {  	_ =	shalt  }
.Lfunc_end0:
.L_simem_size_0:
called_computation_lowered:
.L_overlay_start_0:
0x88: {  	s2 =	sld [smem:$0x3FD9]  }
0x89: {  	s3 =	sld [smem:$0x3FFE];
	_ =	sdelay $0x1  }
0x8a: {  	s1 =	srdreg.scid  }
0x8b: {  	s0 =	sand.u32 $0x1, s1  }
0x8c: {  	s18 =	sshll.u32 s0, $0xA;
	s2 =	sadd.s32 s3, s2  }
0x8d: {  	s2 =	sadd.s32 s2, s18  }
0x8e: {  	[smem:$0x3FC7] =	sst s2  }
0x8f: {  	_ = 	snop  }
0x90: {  	s2 =	sld [smem:$0x3FC9]  }
0x91: {  	s19 =	sld [smem:$0x3FD0];
	(tm) =	ssettm $0x1  }
0x92: {  	s4 =	sld [smem:$0x3FFB];
	_ =	sdelay $0x3  }
0x93: {  	_ =	strace s4  }
0x94: {  	s4 =	sld [smem:$0x3FFC];
	_ =	sdelay $0x3  }
0x95: {  	_ =	strace s4  }
0x96: {  	s4 =	sld [smem:$0x3FFD];
	_ =	sdelay $0x3  }
0x97: {  	_ =	strace s4  }
0x98: {  	_ =	strace $0x8FFFFFFF  }
0x99: {  	s20 =	sld [smem:$0x3FDB];
	_ =	sdelay $0x1  }
0x9a: {  	s5 =	simm.s32 $_scs_section_size  }
0x9b: {  	s6 =	simm.s32 $_size__tile_overlayer_lowered;
	s7 =	simm.s32 $_tile_overlayer_lowered  }
0x9c: {  	s23 =	simm.s32 $0x1BFF;
	s22 =	sshll.u32 s7, $0x1;
	s4 =	sadd.s32 s5, s20  }
0x9d: {  	s8 =	simm.s32 $0x0;
	s21 =	sshll.u32 s6, $0x1;
	s6 =	sadd.s32 s22, s4  }
0x9e: {  	[timem:s8], [sflag:s23] =	dma.local [hbm:s6], s21  }
0x9f: {  	_ =	swait.ge [sflag:s23], s21  }
0xa0: {  	s5 =	ssub.s32 $0x0, s21;
	[sflag:s23] =	ssyncset.done $0x0  }
0xa1: {  	[sflag:s23] =	ssyncadd.s32 s5;
	_ =	sdelay $0x1  }
0xa2: {  	s24 =	simm.s32 $0x1B8B  }
0xa3: {  	_ =	swait.ge [sflag:s24], $0x1  }
0xa4: {  	[sflag:s24] =	ssyncset.done $0x0  }
0xa5: {  	s25 =	simm.s32 $0x1B8E;
	[sflag:s24] =	ssyncadd.s32 $0xFFFFFFFF  }
0xa6: {  	s26 =	simm.s32 $execute0_lowered;
	[smem:$0x3FD2] =	sst s25  }
0xa7: {  	s5 =	sshll.u32 s26, $0x1;
	_ =	strace $0x80000046;
	[dreg:$0x1] =	wrdreg $0xFFFFFFFF  }
0xa8: {  	s28 =	simm.s32 $_size_execute0_lowered;
	s4 =	sadd.s32 s4, s5;
	[dreg:$0x0] =	wrdreg $0x0  }
0xa9: {  	s5 =	sshll.u32 s28, $0x1;
	[dreg:$0x2] =	wrdreg s4  }
0xaa: {  	[dreg:$0x3] =	wrdreg s5  }
0xab: {  	[dreg:$0x4] =	wrdreg $0xC0  }
0xac: {  	_ =	task [dreg:s8], $0x5FFFF  }
0xad: {  	[dreg:$0x1] =	wrdreg $0xFFFFFFFF  }
0xae: {  	[dreg:$0x0] =	wrdreg $0x60  }
0xaf: {  	[dreg:$0x2] =	wrdreg s2  }
0xb0: {  	[dreg:$0x3] =	wrdreg s19  }
0xb1: {  	[dreg:$0x4] =	wrdreg $0x9  }
0xb2: {  	_ =	task.clear_ibuf [dreg:s8], $0x5FFFF;
	_ =	strace $0x90000046  }
0xb3: {  	s29 =	simm.s32 $0x9;
	_ =	strace $0x8000004C  }
0xb4: {  	_ =	swait.ge [sflag:s29], $0x1  }
0xb5: {  	[sflag:s29] =	ssyncadd.s32 $0xFFFFFFFF  }
0xb6: {  	_ =	strace $0x9000004C  }
0xb7: {  	_ =	sfence  }
0xb8: {  	s30 =	sld [smem:$0x0];
	_ =	sdelay $0x2  }
0xb9: {  	s31 =	sshll.u32 s1, $0xD;
	s1 =	sshrl.u32 s1, $0x2  }
0xba: {  	s3 =	sand.u32 $0x4000, s31;
	s1 =	sadd.s32 s1, s30  }
0xbb: {  	s0 =	sor.u32 s3, s0;
	s1 =	sshll.u32 s1, $0x11  }
0xbc: {  	s0 =	sor.u32 s1, s0  }
0xbd: {  	s0 =	sadd.s32 $0x8F2B, s0  }
0xbe: {  	[sflag:s0] =	ssyncadd.remote.s32 $0x1  }
0xbf: {  	_ =	sfence.sel $0xFFFF  }
0xc0: {  	[dreg:$0x0] =	wrdreg $0xFFFFFFFF;
	(pc) =	sbr.abs _section_cstart, $3  }
0xc1: {  	[dreg:$0x1] =	wrdreg $0xFFFFFFFF  }
0xc2: {  	_ =	task.clear_ibuf [dreg:s8], $0x2FFFF;
	_ =	strace $0x9FFFFFFF  }
0xc3: {  	(tm) =	ssettm $0x7FFFFFFF  }
tec
execute0_lowered:
.L_overlay_start_1:
0x0: {  	(tag) =	ssettag $0x1  }
0x1: {  	s1 =	rddreg [dreg:$0x0]  }
0x2: {  	s7 =	rddreg [dreg:$0x1]  }
0x3: {  	s2 =	srdreg.scid;
	s0 =	rddreg [dreg:$0x2]  }
0x4: {  	s3 =	simm.s32 $0x0;
	s8 =	simm.s32 $0x10;
	s12 =	simm.s32 $0x0  }
0x5: {  	s10 =	sand.u32 $0x1, s2;
	s2 =	stileid.u32;
	[smem:$0x7FF] =	sst s3  }
0x6: {  	s4 =	ssub.s32 $0x2, s10;
	s5 =	sshll.u32 s10, $0x4;
	_ =	strace $0x80000047  }
0x7: {  	p0 =	seq.s32 s10, $0x0;
	s6 =	sshrl.u32 s4, $0x1;
	s5 =	sor.u32 s2, s5  }
.Ltmp0:
0x8: {  	s8 =	simm.s32 @!p0 $0x0;
	p0 =	sne.s32 s10, $0x0;
	(pc) =	sbr.rel .LBB2_1-.Ltmp0, $4  }
0x9: {  	s9 =	ssub.s32 s4, s6;
	s4 =	smin.u32 s5, $0x10;
	s11 =	sshll.u32 s5, $0x6  }
0xa: {  	s10 =	simm.s32 $0x200;
	s31 =	sshll.u32 s4, $0x10;
	s7 =	sadd.s32 s7, s11  }
0xb: {  	s9 =	smax.u32 s9, $0x1;
	s11 =	simm.s32 $0x1;
	s6 =	sadd.s32 s31, s1  }
0xc: {  	v0 =	vimm.f32 $+Inf;
	v1 =	vimm.f32 $-Inf;
	s5 =	sadd.s32 $0x700000, s6;
	s6 =	sadd.s32 $0xFFFFFFFF, s8;
	s8 =	smax.u32 s8, $0x1  }
.LBB2_6:
0xd: {  	s12 =	sadd.s32 $0x1, s12  }
0xe: {  	p1 =	sne.s32 s12, s9  }
.Ltmp1:
0xf: {  	_ = 	snop;
	(pc) =	sbr.rel @!p1 .LBB2_7-.Ltmp1, $4  }
0x10: {  	[hbm4b:s7+s3] =	stream.linear.scatter [tilespmem:s3], [sflag:$0x1], $0x200, $0x38;
	[tilespmem:$0x10200] =	vst v63  }
0x11: {  	_ =	swait.ge [sflag:s11], $0x200  }
0x12: {  	[sflag:s11] =	ssyncset.done $0x0  }
0x13: {  	[sflag:s11] =	ssyncadd.s32 $0xFFFFFE00  }
.LBB2_1:
.Ltmp2:
0x14: {  	(pc) =	sbr.rel @p0 .LBB2_6-.Ltmp2, $4  }
0x15: {  	[tilespmem:$0x0] =	vst v0  }
0x16: {  	[tilespmem:$0x80] =	vst v1  }
0x17: {  	[tilespmem:$0x100] =	vst v0  }
0x18: {  	[tilespmem:$0x180] =	vst v1  }
0x19: {  	_ =	strace $0x80000048  }
0x1a: {  	s13 =	simm.s32 $0x0;
	s14 =	simm.s32 $0x1;
	s16 =	simm.s32 $0x0  }
0x1b: {  	[tilespmem:s10], [sflag:$0x2] =	stream.linear.gather [hbm4b:s5+s13], $0x8000, $0x200038;
	[tilespmem:$0x10200] =	vst v63  }
0x1c: {  	s15 =	simm.s32 $0x0;
	s17 =	simm.s32 $0x0;
	_ =	strace $0x90000048  }
.LBB2_3:
0x1d: {  	s18 =	smov.u32 s13;
	s13 =	sadd.s32 $0x1, s13  }
0x1e: {  	s19 =	simm.s32 $0x1;
	p1 =	seq.s32 s13, $0x10  }
0x1f: {  	s19 =	simm.s32 @!p1 $0x0  }
0x20: {  	s20 =	smov.u32 s16;
	s16 =	sadd.s32 s19, s16  }
0x21: {  	p2 =	seq.s32 s16, $0x1  }
0x22: {  	s13 =	simm.s32 @p1 $0x0;
	s16 =	simm.s32 @p2 $0x0  }
0x23: {  	p5 =	sne.s32 s18, s13;
	p4 =	sne.s32 s20, s16  }
0x24: {  	p6 =	slt.s32 s17, s6;
	p1 =	por p5, p4  }
0x25: {  	p2 =	por !p6, !p1  }
0x26: {  	p2 =	por !p2, !p2  }
0x27: {  	s18 =	sadd.s32 @p2 s4, s16  }
0x28: {  	s19 =	sshll.u32 @p2 s13, $0xF;
	s18 =	sshll.u32 @p2 s18, $0x13  }
0x29: {  	s18 =	sadd.s32 @p2 s18, s19  }
0x2a: {  	_ =	strace @p2 $0x80000049;
	s19 =	sand.u32 @p2 $0x1, s14;
	s18 =	sadd.s32 @p2 $0x3800000, s18  }
0x2b: {  	s21 =	simm.s32 @p2 $0x0;
	s20 =	sshll.u32 @p2 s19, $0xF;
	s18 =	sshrl.u32 @p2 s18, $0x3  }
0x2c: {  	s19 =	sor.u32 @p2 $0x2, s19;
	s20 =	sor.u32 @p2 $0x200, s20;
	s18 =	sadd.s32 @p2 s1, s18  }
0x2d: {  	[tilespmem:s20], [sflag:s19] =	stream.linear.gather @p2 [hbm4b:s18+s21], $0x8000, $0x200038;
	[tilespmem:$0x10200] =	vst v63  }
0x2e: {  	s30 =	sand.u32 $0x1, s15;
	_ =	strace @p2 $0x90000049  }
0x2f: {  	s31 =	sor.u32 $0x2, s30;
	_ =	strace $0x8000004A  }
0x30: {  	_ =	swait.ge [sflag:s31], $0x8000  }
0x31: {  	[sflag:s31] =	ssyncset.done $0x0  }
0x32: {  	[sflag:s31] =	ssyncadd.s32 $0xFFFF8000  }
0x33: {  	s18 =	sshll.u32 s30, $0xF;
	_ =	strace $0x9000004A  }
0x34: {  	s18 =	sor.u32 $0x300, s18;
	_ =	strace $0x8000004B  }
0x35: {  	v2 =	vmov s18;
	v3 =	vld [tilespmem:$0x0]  }
0x36: {  	v4 =	vld [tilespmem:$0x80]  }
0x37: {  	v5 =	vld [tilespmem:$0x100]  }
0x38: {  	s18 =	simm.s32 $0x0;
	v6 =	vld [tilespmem:$0x180]  }
.LBB2_4:
0x39: {  	s19 =	sshra.s32 s18, $0x2  }
0x3a: {  	v7 =	vld.idx.msk [tilespmem:v2+s19+$0xFFFFFF00 ss:$0x1], $0xffff;
	_ =	sdelay $0x1  }
0x3b: {  	v8 =	vld.idx.msk [tilespmem:v2+s19+$0xFFFFFF10 ss:$0x1], $0xffff;
	_ =	sdelay $0x2  }
0x3c: {  	v9 =	vand.u32 $0x7FFFFFFF, v7;
	v57 =	vmin.f32 v3, v7;
	v58 =	vmax.f32 v4, v7  }
0x3d: {  	v10 =	vld.idx.msk [tilespmem:v2+s19+$0xFFFFFF20 ss:$0x1], $0xffff;
	v59 =	vmin.f32 v5, v7;
	v7 =	vmax.f32 v6, v7;
	vm0 =	vgt.f32 v9, $9.999999770e-03  }
0x3e: {  	v3 =	vsel vm0, v3, v57;
	v6 =	vsel vm0, v7, v6;
	v7 =	vand.u32 $0x7FFFFFFF, v8  }
0x3f: {  	v5 =	vsel vm0, v59, v5;
	vm10 =	vgt.f32 v7, $9.999999770e-03;
	v7 =	vmin.f32 v3, v8  }
0x40: {  	v11 =	vld.idx.msk [tilespmem:v2+s19+$0xFFFFFF30 ss:$0x1], $0xffff;
	v4 =	vsel vm0, v4, v58;
	v3 =	vsel vm10, v3, v7;
	v7 =	vmin.f32 v5, v8  }
0x41: {  	v60 =	vmax.f32 v4, v8;
	v5 =	vsel vm10, v7, v5;
	v7 =	vmax.f32 v6, v8  }
0x42: {  	v4 =	vsel vm10, v4, v60;
	v8 =	vand.u32 $0x7FFFFFFF, v10;
	v6 =	vsel vm10, v7, v6  }
0x43: {  	vm11 =	vgt.f32 v8, $9.999999770e-03;
	v7 =	vmin.f32 v3, v10;
	v8 =	vmin.f32 v5, v10  }
0x44: {  	v61 =	vld.idx.msk [tilespmem:v2+s19+$0xFFFFFF40 ss:$0x1], $0xffff;
	v3 =	vsel vm11, v3, v7;
	v7 =	vmax.f32 v4, v10;
	v5 =	vsel vm11, v8, v5  }
0x45: {  	v8 =	vmax.f32 v6, v10;
	v4 =	vsel vm11, v4, v7;
	v7 =	vand.u32 $0x7FFFFFFF, v11  }
0x46: {  	v6 =	vsel vm11, v8, v6;
	v8 =	vld.idx.msk [tilespmem:v2+s19+$0xFFFFFF50 ss:$0x1], $0xffff;
	vm1 =	vgt.f32 v7, $9.999999770e-03;
	v7 =	vmin.f32 v3, v11  }
0x47: {  	v3 =	vsel vm1, v3, v7;
	v7 =	vmax.f32 v4, v11  }
0x48: {  	v62 =	vmax.f32 v6, v11;
	v4 =	vsel vm1, v4, v7;
	v7 =	vmin.f32 v5, v11  }
0x49: {  	v6 =	vsel vm1, v62, v6;
	v5 =	vsel vm1, v7, v5;
	v7 =	vand.u32 $0x7FFFFFFF, v61  }
0x4a: {  	v12 =	vld.idx.msk [tilespmem:v2+s19+$0xFFFFFF60 ss:$0x1], $0xffff;
	v63 =	vmax.f32 v4, v61;
	vm12 =	vgt.f32 v7, $9.999999770e-03;
	v7 =	vmin.f32 v3, v61  }
0x4b: {  	v13 =	vand.u32 $0x7FFFFFFF, v8;
	v3 =	vsel vm12, v3, v7;
	v7 =	vmin.f32 v5, v61  }
0x4c: {  	v4 =	vsel vm12, v4, v63;
	v5 =	vsel vm12, v7, v5;
	v7 =	vmax.f32 v6, v61  }
0x4d: {  	vm13 =	vgt.f32 v13, $9.999999770e-03;
	v6 =	vsel vm12, v7, v6;
	v7 =	vmin.f32 v3, v8  }
0x4e: {  	v15 =	vld.idx.msk [tilespmem:v2+s19+$0xFFFFFF70 ss:$0x1], $0xffff;
	v14 =	vmin.f32 v5, v8;
	v3 =	vsel vm13, v3, v7;
	v7 =	vmax.f32 v4, v8  }
0x4f: {  	v8 =	vmax.f32 v6, v8;
	v4 =	vsel vm13, v4, v7;
	v7 =	vand.u32 $0x7FFFFFFF, v12  }
0x50: {  	v6 =	vsel vm13, v8, v6;
	v8 =	vld.idx.msk [tilespmem:v2+s19+$0xFFFFFF80 ss:$0x1], $0xffff;
	vm14 =	vgt.f32 v7, $9.999999770e-03;
	v7 =	vmin.f32 v3, v12  }
0x51: {  	v5 =	vsel vm13, v14, v5;
	v3 =	vsel vm14, v3, v7;
	v7 =	vmax.f32 v4, v12  }
0x52: {  	v16 =	vmax.f32 v6, v12;
	v4 =	vsel vm14, v4, v7;
	v7 =	vmin.f32 v5, v12  }
0x53: {  	v6 =	vsel vm14, v16, v6;
	v5 =	vsel vm14, v7, v5;
	v7 =	vand.u32 $0x7FFFFFFF, v15  }
0x54: {  	v18 =	vld.idx.msk [tilespmem:v2+s19+$0xFFFFFF90 ss:$0x1], $0xffff;
	v17 =	vmax.f32 v4, v15;
	vm15 =	vgt.f32 v7, $9.999999770e-03;
	v7 =	vmin.f32 v3, v15  }
0x55: {  	v19 =	vand.u32 $0x7FFFFFFF, v8;
	v3 =	vsel vm15, v3, v7;
	v7 =	vmin.f32 v5, v15  }
0x56: {  	v4 =	vsel vm15, v4, v17;
	v5 =	vsel vm15, v7, v5;
	v7 =	vmax.f32 v6, v15  }
0x57: {  	vm4 =	vgt.f32 v19, $9.999999770e-03;
	v6 =	vsel vm15, v7, v6;
	v7 =	vmin.f32 v3, v8  }
0x58: {  	v21 =	vld.idx.msk [tilespmem:v2+s19+$0xFFFFFFA0 ss:$0x1], $0xffff;
	v20 =	vmin.f32 v5, v8;
	v3 =	vsel vm4, v3, v7;
	v7 =	vmax.f32 v4, v8  }
0x59: {  	v8 =	vmax.f32 v6, v8;
	v4 =	vsel vm4, v4, v7;
	v7 =	vand.u32 $0x7FFFFFFF, v18  }
0x5a: {  	v6 =	vsel vm4, v8, v6;
	v8 =	vld.idx.msk [tilespmem:v2+s19+$0xFFFFFFB0 ss:$0x1], $0xffff;
	vm5 =	vgt.f32 v7, $9.999999770e-03;
	v7 =	vmin.f32 v3, v18  }
0x5b: {  	v5 =	vsel vm4, v20, v5;
	v3 =	vsel vm5, v3, v7;
	v7 =	vmax.f32 v4, v18  }
0x5c: {  	v22 =	vmax.f32 v6, v18;
	v4 =	vsel vm5, v4, v7;
	v7 =	vmin.f32 v5, v18  }
0x5d: {  	v6 =	vsel vm5, v22, v6;
	v5 =	vsel vm5, v7, v5;
	v7 =	vand.u32 $0x7FFFFFFF, v21  }
0x5e: {  	v24 =	vld.idx.msk [tilespmem:v2+s19+$0xFFFFFFC0 ss:$0x1], $0xffff;
	v23 =	vmax.f32 v4, v21;
	vm6 =	vgt.f32 v7, $9.999999770e-03;
	v7 =	vmin.f32 v3, v21  }
0x5f: {  	v25 =	vand.u32 $0x7FFFFFFF, v8;
	v3 =	vsel vm6, v3, v7;
	v7 =	vmin.f32 v5, v21  }
0x60: {  	v4 =	vsel vm6, v4, v23;
	v5 =	vsel vm6, v7, v5;
	v7 =	vmax.f32 v6, v21  }
0x61: {  	vm7 =	vgt.f32 v25, $9.999999770e-03;
	v6 =	vsel vm6, v7, v6;
	v7 =	vmin.f32 v3, v8  }
0x62: {  	v27 =	vld.idx.msk [tilespmem:v2+s19+$0xFFFFFFD0 ss:$0x1], $0xffff;
	v26 =	vmin.f32 v5, v8;
	v3 =	vsel vm7, v3, v7;
	v7 =	vmax.f32 v4, v8  }
0x63: {  	v8 =	vmax.f32 v6, v8;
	v4 =	vsel vm7, v4, v7;
	v7 =	vand.u32 $0x7FFFFFFF, v24  }
0x64: {  	v6 =	vsel vm7, v8, v6;
	v8 =	vld.idx.msk [tilespmem:v2+s19+$0xFFFFFFE0 ss:$0x1], $0xffff;
	vm8 =	vgt.f32 v7, $9.999999770e-03;
	v7 =	vmin.f32 v3, v24  }
0x65: {  	v5 =	vsel vm7, v26, v5;
	v3 =	vsel vm8, v3, v7;
	v7 =	vmax.f32 v4, v24  }
0x66: {  	v28 =	vmax.f32 v6, v24;
	v4 =	vsel vm8, v4, v7;
	v7 =	vmin.f32 v5, v24  }
0x67: {  	v6 =	vsel vm8, v28, v6;
	v5 =	vsel vm8, v7, v5;
	v7 =	vand.u32 $0x7FFFFFFF, v27  }
0x68: {  	v30 =	vld.idx.msk [tilespmem:v2+s19+$0xFFFFFFF0 ss:$0x1], $0xffff;
	v29 =	vmax.f32 v4, v27;
	vm9 =	vgt.f32 v7, $9.999999770e-03;
	v7 =	vmin.f32 v3, v27  }
0x69: {  	v31 =	vand.u32 $0x7FFFFFFF, v8;
	v3 =	vsel vm9, v3, v7;
	v7 =	vmin.f32 v5, v27  }
0x6a: {  	v4 =	vsel vm9, v4, v29;
	v5 =	vsel vm9, v7, v5;
	v7 =	vmax.f32 v6, v27  }
0x6b: {  	vm10 =	vgt.f32 v31, $9.999999770e-03;
	v6 =	vsel vm9, v7, v6;
	v7 =	vmin.f32 v3, v8  }
0x6c: {  	v33 =	vld.idx.msk [tilespmem:v2+s19+$0x0 ss:$0x1], $0xffff;
	v32 =	vmin.f32 v5, v8;
	v3 =	vsel vm10, v3, v7;
	v7 =	vmax.f32 v4, v8  }
0x6d: {  	v8 =	vmax.f32 v6, v8;
	v4 =	vsel vm10, v4, v7;
	v7 =	vand.u32 $0x7FFFFFFF, v30  }
0x6e: {  	v6 =	vsel vm10, v8, v6;
	v8 =	vld.idx.msk [tilespmem:v2+s19+$0x10 ss:$0x1], $0xffff;
	vm11 =	vgt.f32 v7, $9.999999770e-03;
	v7 =	vmin.f32 v3, v30  }
0x6f: {  	v5 =	vsel vm10, v32, v5;
	v3 =	vsel vm11, v3, v7;
	v7 =	vmax.f32 v4, v30  }
0x70: {  	v34 =	vmax.f32 v6, v30;
	v4 =	vsel vm11, v4, v7;
	v7 =	vmin.f32 v5, v30  }
0x71: {  	v6 =	vsel vm11, v34, v6;
	v5 =	vsel vm11, v7, v5;
	v7 =	vand.u32 $0x7FFFFFFF, v33  }
0x72: {  	v36 =	vld.idx.msk [tilespmem:v2+s19+$0x20 ss:$0x1], $0xffff;
	v35 =	vmax.f32 v4, v33;
	vm12 =	vgt.f32 v7, $9.999999770e-03;
	v7 =	vmin.f32 v3, v33  }
0x73: {  	v37 =	vand.u32 $0x7FFFFFFF, v8;
	v3 =	vsel vm12, v3, v7;
	v7 =	vmin.f32 v5, v33  }
0x74: {  	v4 =	vsel vm12, v4, v35;
	v5 =	vsel vm12, v7, v5;
	v7 =	vmax.f32 v6, v33  }
0x75: {  	vm13 =	vgt.f32 v37, $9.999999770e-03;
	v6 =	vsel vm12, v7, v6;
	v7 =	vmin.f32 v3, v8  }
0x76: {  	v39 =	vld.idx.msk [tilespmem:v2+s19+$0x30 ss:$0x1], $0xffff;
	v38 =	vmin.f32 v5, v8;
	v3 =	vsel vm13, v3, v7;
	v7 =	vmax.f32 v4, v8  }
0x77: {  	v8 =	vmax.f32 v6, v8;
	v4 =	vsel vm13, v4, v7;
	v7 =	vand.u32 $0x7FFFFFFF, v36  }
0x78: {  	v6 =	vsel vm13, v8, v6;
	v8 =	vld.idx.msk [tilespmem:v2+s19+$0x40 ss:$0x1], $0xffff;
	vm14 =	vgt.f32 v7, $9.999999770e-03;
	v7 =	vmin.f32 v3, v36  }
0x79: {  	v5 =	vsel vm13, v38, v5;
	v3 =	vsel vm14, v3, v7;
	v7 =	vmax.f32 v4, v36  }
0x7a: {  	v40 =	vmax.f32 v6, v36;
	v4 =	vsel vm14, v4, v7;
	v7 =	vmin.f32 v5, v36  }
0x7b: {  	v6 =	vsel vm14, v40, v6;
	v5 =	vsel vm14, v7, v5;
	v7 =	vand.u32 $0x7FFFFFFF, v39  }
0x7c: {  	v42 =	vld.idx.msk [tilespmem:v2+s19+$0x50 ss:$0x1], $0xffff;
	v41 =	vmax.f32 v4, v39;
	vm15 =	vgt.f32 v7, $9.999999770e-03;
	v7 =	vmin.f32 v3, v39  }
0x7d: {  	v43 =	vand.u32 $0x7FFFFFFF, v8;
	v3 =	vsel vm15, v3, v7;
	v7 =	vmin.f32 v5, v39  }
0x7e: {  	v4 =	vsel vm15, v4, v41;
	v5 =	vsel vm15, v7, v5;
	v7 =	vmax.f32 v6, v39  }
0x7f: {  	vm4 =	vgt.f32 v43, $9.999999770e-03;
	v6 =	vsel vm15, v7, v6;
	v7 =	vmin.f32 v3, v8  }
0x80: {  	v45 =	vld.idx.msk [tilespmem:v2+s19+$0x60 ss:$0x1], $0xffff;
	v44 =	vmin.f32 v5, v8;
	v3 =	vsel vm4, v3, v7;
	v7 =	vmax.f32 v4, v8  }
0x81: {  	v8 =	vmax.f32 v6, v8;
	v4 =	vsel vm4, v4, v7;
	v7 =	vand.u32 $0x7FFFFFFF, v42  }
0x82: {  	v6 =	vsel vm4, v8, v6;
	v8 =	vld.idx.msk [tilespmem:v2+s19+$0x70 ss:$0x1], $0xffff;
	vm5 =	vgt.f32 v7, $9.999999770e-03;
	v7 =	vmin.f32 v3, v42  }
0x83: {  	v5 =	vsel vm4, v44, v5;
	v3 =	vsel vm5, v3, v7;
	v7 =	vmax.f32 v4, v42  }
0x84: {  	v46 =	vmax.f32 v6, v42;
	v4 =	vsel vm5, v4, v7;
	v7 =	vmin.f32 v5, v42  }
0x85: {  	v6 =	vsel vm5, v46, v6;
	v5 =	vsel vm5, v7, v5;
	v7 =	vand.u32 $0x7FFFFFFF, v45  }
0x86: {  	v48 =	vld.idx.msk [tilespmem:v2+s19+$0x80 ss:$0x1], $0xffff;
	v47 =	vmax.f32 v4, v45;
	vm6 =	vgt.f32 v7, $9.999999770e-03;
	v7 =	vmin.f32 v3, v45  }
0x87: {  	v49 =	vand.u32 $0x7FFFFFFF, v8;
	v3 =	vsel vm6, v3, v7;
	v7 =	vmin.f32 v5, v45  }
0x88: {  	v4 =	vsel vm6, v4, v47;
	v5 =	vsel vm6, v7, v5;
	v7 =	vmax.f32 v6, v45  }
0x89: {  	vm7 =	vgt.f32 v49, $9.999999770e-03;
	v6 =	vsel vm6, v7, v6;
	v7 =	vmin.f32 v3, v8  }
0x8a: {  	v51 =	vld.idx.msk [tilespmem:v2+s19+$0x90 ss:$0x1], $0xffff;
	v50 =	vmin.f32 v5, v8;
	v3 =	vsel vm7, v3, v7;
	v7 =	vmax.f32 v4, v8  }
0x8b: {  	v8 =	vmax.f32 v6, v8;
	v4 =	vsel vm7, v4, v7;
	v7 =	vand.u32 $0x7FFFFFFF, v48  }
0x8c: {  	v6 =	vsel vm7, v8, v6;
	v8 =	vld.idx.msk [tilespmem:v2+s19+$0xA0 ss:$0x1], $0xffff;
	vm8 =	vgt.f32 v7, $9.999999770e-03;
	v7 =	vmin.f32 v3, v48  }
0x8d: {  	v5 =	vsel vm7, v50, v5;
	v3 =	vsel vm8, v3, v7;
	v7 =	vmax.f32 v4, v48  }
0x8e: {  	v52 =	vmax.f32 v6, v48;
	v4 =	vsel vm8, v4, v7;
	v7 =	vmin.f32 v5, v48  }
0x8f: {  	v6 =	vsel vm8, v52, v6;
	v5 =	vsel vm8, v7, v5;
	v7 =	vand.u32 $0x7FFFFFFF, v51  }
0x90: {  	v54 =	vld.idx.msk [tilespmem:v2+s19+$0xB0 ss:$0x1], $0xffff;
	v53 =	vmax.f32 v4, v51;
	vm9 =	vgt.f32 v7, $9.999999770e-03;
	v7 =	vmin.f32 v3, v51  }
0x91: {  	v55 =	vand.u32 $0x7FFFFFFF, v8;
	v3 =	vsel vm9, v3, v7;
	v7 =	vmin.f32 v5, v51  }
0x92: {  	v4 =	vsel vm9, v4, v53;
	v5 =	vsel vm9, v7, v5;
	v7 =	vmax.f32 v6, v51  }
0x93: {  	vm10 =	vgt.f32 v55, $9.999999770e-03;
	v6 =	vsel vm9, v7, v6;
	v7 =	vmin.f32 v3, v8  }
0x94: {  	v57 =	vld.idx.msk [tilespmem:v2+s19+$0xC0 ss:$0x1], $0xffff;
	v56 =	vmin.f32 v5, v8;
	v3 =	vsel vm10, v3, v7;
	v7 =	vmax.f32 v4, v8  }
0x95: {  	v8 =	vmax.f32 v6, v8;
	v4 =	vsel vm10, v4, v7;
	v7 =	vand.u32 $0x7FFFFFFF, v54  }
0x96: {  	v6 =	vsel vm10, v8, v6;
	v8 =	vld.idx.msk [tilespmem:v2+s19+$0xD0 ss:$0x1], $0xffff;
	vm11 =	vgt.f32 v7, $9.999999770e-03;
	v7 =	vmin.f32 v3, v54  }
0x97: {  	v5 =	vsel vm10, v56, v5;
	v3 =	vsel vm11, v3, v7;
	v7 =	vmax.f32 v4, v54  }
0x98: {  	v58 =	vmax.f32 v6, v54;
	v4 =	vsel vm11, v4, v7;
	v7 =	vmin.f32 v5, v54  }
0x99: {  	v6 =	vsel vm11, v58, v6;
	v5 =	vsel vm11, v7, v5;
	v7 =	vand.u32 $0x7FFFFFFF, v57  }
0x9a: {  	v60 =	vld.idx.msk [tilespmem:v2+s19+$0xE0 ss:$0x1], $0xffff;
	v59 =	vmax.f32 v4, v57;
	vm12 =	vgt.f32 v7, $9.999999770e-03;
	v7 =	vmin.f32 v3, v57  }
0x9b: {  	v61 =	vand.u32 $0x7FFFFFFF, v8;
	v3 =	vsel vm12, v3, v7;
	v7 =	vmin.f32 v5, v57  }
0x9c: {  	v4 =	vsel vm12, v4, v59;
	v5 =	vsel vm12, v7, v5;
	v7 =	vmax.f32 v6, v57  }
0x9d: {  	v62 =	vld.idx.msk [tilespmem:v2+s19+$0xF0 ss:$0x1], $0xffff;
	vm13 =	vgt.f32 v61, $9.999999770e-03;
	v6 =	vsel vm12, v7, v6;
	v7 =	vmin.f32 v3, v8  }
0x9e: {  	v63 =	vmin.f32 v5, v8;
	v3 =	vsel vm13, v3, v7;
	v7 =	vmax.f32 v4, v8  }
0x9f: {  	v5 =	vsel vm13, v63, v5;
	v4 =	vsel vm13, v4, v7;
	v7 =	vand.u32 $0x7FFFFFFF, v60  }
0xa0: {  	v8 =	vmax.f32 v6, v8;
	vm14 =	vgt.f32 v7, $9.999999770e-03;
	v7 =	vmin.f32 v3, v60  }
0xa1: {  	v6 =	vsel vm13, v8, v6;
	v3 =	vsel vm14, v3, v7;
	v7 =	vmax.f32 v4, v60  }
0xa2: {  	v8 =	vand.u32 $0x7FFFFFFF, v62;
	v4 =	vsel vm14, v4, v7;
	v7 =	vmin.f32 v5, v60  }
0xa3: {  	p3 =	sne.s32 s18, $0x1F800;
	vm15 =	vgt.f32 v8, $9.999999770e-03;
	v5 =	vsel vm14, v7, v5;
	v7 =	vmin.f32 v3, v62  }
.Ltmp3:
0xa4: {  	v8 =	vmax.f32 v6, v60;
	v3 =	vsel vm15, v3, v7;
	v7 =	vmax.f32 v4, v62;
	(pc) =	sbr.rel @p3 .LBB2_4-.Ltmp3, $4  }
0xa5: {  	v6 =	vsel vm14, v8, v6;
	v4 =	vsel vm15, v4, v7;
	v7 =	vmin.f32 v5, v62;
	[tilespmem:$0x0] =	vst v3  }
0xa6: {  	v5 =	vsel vm15, v7, v5;
	v7 =	vmax.f32 v6, v62;
	[tilespmem:$0x80] =	vst v4  }
0xa7: {  	v6 =	vsel vm15, v7, v6;
	[tilespmem:$0x100] =	vst v5  }
0xa8: {  	s18 =	sadd.s32 $0x800, s18;
	[tilespmem:$0x180] =	vst v6  }
0xa9: {  	p3 =	seq.s32 s17, s6  }
0xaa: {  	s19 =	simm.s32 $0x1;
	s17 =	sadd.s32 $0x1, s17;
	p1 =	por p3, p1  }
0xab: {  	s19 =	simm.s32 @!p1 $0x0;
	p1 =	sne.s32 s17, s8  }
.Ltmp4:
0xac: {  	_ = 	snop;
	(pc) =	sbr.rel @p1 .LBB2_3-.Ltmp4, $4  }
.Ltmp5:
0xad: {  	_ = 	snop;
	(pc) =	sbr.rel @!p1 .LBB2_6-.Ltmp5, $4  }
0xae: {  	s18 =	simm.s32 $0x1  }
0xaf: {  	s18 =	simm.s32 @!p2 $0x0  }
0xb0: {  	_ =	strace $0x9000004B;
	s14 =	sadd.s32 s18, s14;
	s15 =	sadd.s32 s19, s15  }
0xb1: {  	_ = 	snop  }
.LBB2_7:
0xb2: {  	_ =	sfence.sel $0x180000  }
0xb3: {  	[bflag:$0x0] =	sbarrier.arrive $0xFFFF  }
0xb4: {  	p0 =	sne.s32 s2, $0x0;
	_ =	strace $0x90000047  }
0xb5: {  	s0 =	sadd.s32 @!p0 $0x100000, s0;
	[bflag:$0x2] =	sbarrier.arrive $0xFFFF  }
0xb6: {  	[sflag:s0] =	ssyncadd.tile.s32 @!p0 $0x1;
	_ =	shalt  }
.Lfunc_end2:
_tile_overlayer_lowered:
.L_overlay_start_2:
0xb7: {  	(tag) =	ssettag $0x2  }
0xb8: {  	s0 =	rddreg [dreg:$0x0];
	s2 =	stileid.u32  }
0xb9: {  	s1 =	rddreg [dreg:$0x1];
	p0 =	sne.s32 s2, $0x0  }
0xba: {  	s3 =	rddreg [dreg:$0x2];
	[bflag:$0x3] =	sbarrier.arrive $0xFFFF;
	s2 =	simm.s32 @!p0 $0x1C02  }
0xbb: {  	[timem:s3], [sflag:s2] =	dma.local @!p0 [hbm:s0], s1  }
0xbc: {  	s0 =	simm.s32 @!p0 $0x2  }
0xbd: {  	_ =	swait.ge @!p0 [sflag:s0], s1  }
0xbe: {  	s1 =	ssub.s32 @!p0 $0x0, s1;
	[sflag:s0] =	ssyncset.done @!p0 $0x0  }
0xbf: {  	[sflag:s0] =	ssyncadd.s32 @!p0 s1  }
0xc0: {  	[bflag:$0x3] =	sbarrier.arrive $0xFFFF  }
0xc1: {  	_ =	shalt  }

</sc_bundles>
